<compile_context>
chip_gen: v7x
topology: tpu7x:2x2x1
jax: 0.10.2.dev20260603
libtpu: 0.0.44.dev20260713+nightly
codegen_flags: <defaults>
</compile_context>

<pallas_src>
import jax
import jax.numpy as jnp
from jax import lax
from jax.experimental import pallas as pl
from jax.experimental.pallas import tpu as pltpu
from jax.experimental.pallas import tpu_sc as plsc

N = 16384
D = 1024
K = 4096
NW = 32
CHUNK = N // NW
GROWS = K // NW
BLK = 1024
IDXPAD = K + N



def _score_body(emb_ref, hs_ref, out_ref, tn_ref):
    @pl.when(pl.program_id(0) == 0)
    def _():
        text = jnp.mean(emb_ref[...], axis=0, keepdims=True)
        tnorm = jnp.sqrt(jnp.sum(text * text)) + 1e-6
        tn_ref[...] = text / tnorm

    hs = hs_ref[...]
    nrm = jnp.sqrt(jnp.sum(hs * hs, axis=1, keepdims=True))
    hn = (hs / (nrm + 1e-6)).astype(jnp.bfloat16).astype(jnp.float32)
    tn = tn_ref[...].astype(jnp.bfloat16).astype(jnp.float32)
    out_ref[...] = lax.dot_general(hn, tn, (((1,), (1,)), ((), ())),
                                   preferred_element_type=jnp.float32)


def _scores(hs, emb):
    t = emb.shape[0]
    return pl.pallas_call(
        _score_body,
        grid=(N // BLK,),
        in_specs=[
            pl.BlockSpec((t, D), lambda i: (0, 0)),
            pl.BlockSpec((BLK, D), lambda i: (i, 0)),
        ],
        out_specs=pl.BlockSpec((BLK, 1), lambda i: (i, 0)),
        out_shape=jax.ShapeDtypeStruct((N, 1), jnp.float32),
        scratch_shapes=[pltpu.VMEM((1, D), jnp.float32)],
    )(emb, hs)



def _thresh_body(sc_ref, pos_ref, val_ref):
    s = sc_ref[...]
    u = lax.bitcast_convert_type(s, jnp.uint32)
    big = jnp.uint32(0x80000000)
    ukey = jnp.where(u >= big, jnp.bitwise_not(u), u | big)
    kk = jnp.int32(K)

    def step(t, ans):
        sh = lax.convert_element_type(31 - t, jnp.uint32)
        cand = ans | lax.shift_left(jnp.uint32(1), sh)
        cnt = jnp.sum((ukey >= cand).astype(jnp.int32))
        return jnp.where(cnt >= kk, cand, ans)

    ans = lax.fori_loop(0, 32, step, jnp.uint32(0))
    thr_u = jnp.where(ans >= big, ans ^ big, jnp.bitwise_not(ans))
    thr = lax.bitcast_convert_type(thr_u, jnp.float32)

    gt = (s > thr).astype(jnp.float32)
    eq = (s == thr).astype(jnp.float32)
    ii = lax.broadcasted_iota(jnp.int32, (128, 128), 0)
    jj = lax.broadcasted_iota(jnp.int32, (128, 128), 1)
    ut = (ii < jj).astype(jnp.float32)
    lt = (jj < ii).astype(jnp.float32)
    mm = (((1,), (0,)), ((), ()))

    def excl_prefix(a):
        within = lax.dot_general(a, ut, mm, preferred_element_type=jnp.float32)
        row_tot = jnp.sum(a, axis=1, keepdims=True)
        row_excl = lax.dot_general(lt, row_tot, mm,
                                   preferred_element_type=jnp.float32)
        return within + row_excl

    gt_before = excl_prefix(gt)
    eq_before = excl_prefix(eq)
    total_gt = jnp.sum(gt)
    extra = kk.astype(jnp.float32) - total_gt
    sel = (gt > 0.5) | ((eq > 0.5) & (eq_before < extra))
    rank = gt_before + jnp.minimum(eq_before, extra)
    flat = ii * 128 + jj
    pos_ref[...] = jnp.where(sel, rank.astype(jnp.int32), flat + jnp.int32(K))
    val_ref[...] = lax.broadcasted_iota(jnp.int32, (N, 128), 0)


def _thresh(scores_sq):
    return pl.pallas_call(
        _thresh_body,
        out_shape=(
            jax.ShapeDtypeStruct((128, 128), jnp.int32),
            jax.ShapeDtypeStruct((N, 128), jnp.int32),
        ),
    )(scores_sq)



def _select_body(pos_hbm, val_hbm, idx_hbm, posb, valb, sem):
    cid = lax.axis_index("c")
    sid = lax.axis_index("s")
    w = cid * 16 + sid
    r0 = pl.multiple_of(w * 4, 4)
    pltpu.sync_copy(pos_hbm.at[pl.ds(r0, 4)], posb)
    pltpu.sync_copy(val_hbm.at[pl.ds(pl.multiple_of(w * CHUNK, CHUNK), CHUNK)],
                    valb)
    cps = [pltpu.async_copy(valb.at[pl.ds(r * 128, 128)],
                            idx_hbm.at[posb.at[r]], sem)
           for r in range(4)]
    for cp in cps:
        cp.wait()


def _select(pos, val):
    mesh = plsc.VectorSubcoreMesh(core_axis_name="c", subcore_axis_name="s")
    f = pl.kernel(
        _select_body,
        out_type=jax.ShapeDtypeStruct((IDXPAD, 128), jnp.int32),
        mesh=mesh,
        scratch_types=[
            pltpu.VMEM((4, 128), jnp.int32),
            pltpu.VMEM((CHUNK, 128), jnp.int32),
            pltpu.SemaphoreType.DMA,
        ],
    )
    return f(pos, val)



def _gather_body(idx_hbm, hs_hbm, ds_hbm, mh_hbm, md_hbm,
                 idxw, idxv, idxl, buf0, buf1, sem0, sem1, sem2, sem3):
    cid = lax.axis_index("c")
    sid = lax.axis_index("s")
    w = cid * 16 + sid
    base = pl.multiple_of(w * GROWS, GROWS)
    pltpu.sync_copy(idx_hbm.at[pl.ds(base, GROWS)], idxw)
    lane = lax.iota(jnp.int32, 16)
    for g in range(GROWS // 16):
        acc = jnp.zeros((16,), jnp.int32)
        for r in range(16):
            oh = jnp.where(lane == r, jnp.int32(1), jnp.int32(0))
            acc = acc + idxw[g * 16 + r, pl.ds(0, 16)] * oh
        idxv[pl.ds(g * 16, 16)] = acc
    for l in range(3):
        for j in range(GROWS // 16):
            idxl[l, pl.ds(j * 16, 16)] = idxv[pl.ds(j * 16, 16)] + jnp.int32(l * N)

    plan = []
    for t in range(4):
        for c in range(4):
            if t == 0:
                plan.append((hs_hbm, (0, c), mh_hbm, c * 32))
            else:
                plan.append((ds_hbm, (t, c), md_hbm, (t - 1) * K + c * 32))

    def iref(tag):
        t, c = tag
        if t == 0:
            return idxv.at[pl.ds(c * 32, 32)]
        return idxl.at[t - 1, pl.ds(c * 32, 32)]

    bufs = (buf0, buf1)
    gsems = (sem0, sem1)
    osems = (sem2, sem3)
    cps = [None, None]
    outs = [None, None]
    for i, (tbl, tag, out, doff) in enumerate(plan):
        b = i % 2
        if outs[b] is not None:
            outs[b].wait()
        cps[b] = pltpu.async_copy(tbl.at[iref(tag)], bufs[b], gsems[b])
        if i > 0:
            _, _, pout, pdoff = plan[i - 1]
            pb = (i - 1) % 2
            cps[pb].wait()
            outs[pb] = pltpu.async_copy(
                bufs[pb], pout.at[pl.ds(base + pdoff, 32)], osems[pb])
    _, _, pout, pdoff = plan[-1]
    cps[1].wait()
    pltpu.sync_copy(bufs[1], pout.at[pl.ds(base + pdoff, 32)])
    outs[0].wait()


def _gather(idx, hs, ds_flat):
    mesh = plsc.VectorSubcoreMesh(core_axis_name="c", subcore_axis_name="s")
    f = pl.kernel(
        _gather_body,
        out_type=(
            jax.ShapeDtypeStruct((K, D), jnp.float32),
            jax.ShapeDtypeStruct((3 * K, D), jnp.float32),
        ),
        mesh=mesh,
        scratch_types=[
            pltpu.VMEM((GROWS, 128), jnp.int32),
            pltpu.VMEM((GROWS,), jnp.int32),
            pltpu.VMEM((3, GROWS), jnp.int32),
            pltpu.VMEM((32, D), jnp.float32),
            pltpu.VMEM((32, D), jnp.float32),
            pltpu.SemaphoreType.DMA,
            pltpu.SemaphoreType.DMA,
            pltpu.SemaphoreType.DMA,
            pltpu.SemaphoreType.DMA,
        ],
    )
    return f(idx, hs, ds_flat)



def kernel(image_hidden_states, deepstack_feature_lists, input_embeds,
           grid_thw, spatial_merge_size):
    hs = image_hidden_states
    scores_col = _scores(hs, input_embeds)
    pos, val = _thresh(scores_col.reshape(128, 128))
    idx = _select(pos, val)[:K]
    ds_flat = deepstack_feature_lists.reshape(3 * N, D)
    mh, md = _gather(idx, hs, ds_flat)
    merged_ds = md.reshape(3, K, D)
    new_grid = jnp.concatenate(
        [grid_thw[:1], jnp.array([[1, 1, K]], dtype=grid_thw.dtype)], axis=0)
    return mh, merged_ds, new_grid

# --- scband reference (transcript-rebuilt; emitter-appended) ---
"""Pipeline reference for scband-vpatch-53068615909519 (READ-ONLY COPY).

The authoritative reference and input builder live on the scoring server;
editing this copy changes nothing except your own understanding.
"""

import jax, jax.numpy as jnp
import numpy as np

K = 4096

def setup_inputs(seed: int = 0) -> dict:
    key = jax.random.key(seed)
    k1, k2, k3 = jax.random.split(key, 3)
    N, D, T, L = 16384, 1024, 2048, 3
    image_hidden_states = jax.random.normal(k1, (N, D), dtype=jnp.float32)
    deepstack_feature_lists = jax.random.normal(k2, (L, N, D), dtype=jnp.float32)
    input_embeds = jax.random.normal(k3, (T, D), dtype=jnp.float32)
    grid_thw = jnp.ones((2, 3), dtype=jnp.int32)
    spatial_merge_size = 2
    return {"image_hidden_states": image_hidden_states, "deepstack_feature_lists": deepstack_feature_lists, "input_embeds": input_embeds, "grid_thw": grid_thw, "spatial_merge_size": spatial_merge_size}

def _ivtp_similarity(hidden_states, input_embeds):
    text = jnp.mean(input_embeds, axis=0)
    hn = hidden_states / (jnp.linalg.norm(hidden_states, axis=-1, keepdims=True) + 1e-6)
    tn = text / (jnp.linalg.norm(text) + 1e-6)
    return hn @ tn

def reference(image_hidden_states, deepstack_feature_lists, input_embeds, grid_thw, spatial_merge_size):
    merged_lengths = grid_thw[:, 0] * (grid_thw[:, 1] // spatial_merge_size) * (grid_thw[:, 2] // spatial_merge_size)
    first_img_len_static = 0
    first_start = merged_lengths[0]
    hs_first = image_hidden_states[:first_img_len_static]
    hs_rem = jax.lax.dynamic_slice_in_dim(image_hidden_states, first_start, image_hidden_states.shape[0] - first_img_len_static, axis=0)
    ds_first = deepstack_feature_lists[:, :first_img_len_static]
    ds_rem = jax.lax.dynamic_slice_in_dim(deepstack_feature_lists, first_start, deepstack_feature_lists.shape[1] - first_img_len_static, axis=1)
    score = _ivtp_similarity(hs_rem, input_embeds)
    topk_vals, topk_idx = jax.lax.top_k(score, K)
    topk_idx = jnp.sort(topk_idx)
    filt_hs = jnp.take(hs_rem, topk_idx, axis=0)
    filt_ds = jnp.take(ds_rem, topk_idx, axis=1)
    filtered_grid = jnp.array([[1, 1, K]], dtype=grid_thw.dtype)
    new_grid = jnp.concatenate([grid_thw[:1], filtered_grid], axis=0)
    merged_hidden = jnp.concatenate([hs_first, filt_hs], axis=0)
    merged_ds = jnp.concatenate([ds_first, filt_ds], axis=1)
    return (merged_hidden, merged_ds, new_grid)

if __name__ == "__main__":
    import jax
    _d = setup_inputs()
    print(jax.jit(kernel)(*tuple(_d.values())))

</pallas_src>

<mosaic_0001>
#map = affine_map<(d0, d1) -> (0, 0)>
module attributes {stable_mosaic.version = 14 : i64} {
  func.func @_select_body(%arg0: i32, %arg1: i32, %arg2: memref<128x128xi32, #tpu.memory_space<hbm>>, %arg3: memref<16384x128xi32, #tpu.memory_space<hbm>>, %arg4: memref<20480x128xi32, #tpu.memory_space<hbm>>, %arg5: memref<4x128xi32, #tpu.memory_space<vmem>>, %arg6: memref<512x128xi32, #tpu.memory_space<vmem>>, %arg7: memref<!tpu.dma_semaphore, #tpu.memory_space<semaphore_mem>>) attributes {dimension_semantics = [#tpu.dimension_semantics<core_parallel>, #tpu.dimension_semantics<subcore_parallel>], iteration_bounds = array<i64: 2, 16>, scalar_prefetch = 0 : i64, scratch_operands = 3 : i64, tpu.core_type = #tpu.core_type<sc_vector_subcore>, window_params = [{transform_indices = #map}, {transform_indices = #map}, {transform_indices = #map}]} {
    %mul3A = arith.constant 16 : i32
    %mul3A_0 = arith.muli %arg0, %mul3A : i32
    %add3A = arith.addi %mul3A_0, %arg1 : i32
    %mul3A_1 = arith.constant 4 : i32
    %mul3A_2 = arith.muli %add3A, %mul3A_1 : i32
    %multiple_of3A = tpu.assume_multiple %mul3A_2, 4 : i32
    "tpu.region"() ({
      %run_scoped3A = tpu.sem_alloc : memref<!tpu.dma_semaphore, #tpu.memory_space<semaphore_mem>>
      %dma_start3A_84 = arith.constant 0 : i32
      %dma_start3A_85 = tpu.memref_slice %arg2[%multiple_of3A, %dma_start3A_84] : memref<128x128xi32, #tpu.memory_space<hbm>> -> memref<4x128xi32, #tpu.memory_space<hbm>>
      %dma_start3A_86 = arith.constant 0 : i32
      %dma_start3A_87 = tpu.memref_slice %arg2[%multiple_of3A, %dma_start3A_86] : memref<128x128xi32, #tpu.memory_space<hbm>> -> memref<4x128xi32, #tpu.memory_space<hbm>>
      tpu.enqueue_dma source(%dma_start3A_87 : memref<4x128xi32, #tpu.memory_space<hbm>>) target(%arg5 : memref<4x128xi32, #tpu.memory_space<vmem>>) target_semaphore(%run_scoped3A : memref<!tpu.dma_semaphore, #tpu.memory_space<semaphore_mem>>)
      %dma_wait3A_88 = arith.constant 0 : i32
      %dma_wait3A_89 = tpu.memref_slice %arg2[%multiple_of3A, %dma_wait3A_88] : memref<128x128xi32, #tpu.memory_space<hbm>> -> memref<4x128xi32, #tpu.memory_space<hbm>>
      %dma_wait3A_90 = arith.constant 0 : i32
      %dma_wait3A_91 = tpu.memref_slice %arg2[%multiple_of3A, %dma_wait3A_90] : memref<128x128xi32, #tpu.memory_space<hbm>> -> memref<4x128xi32, #tpu.memory_space<hbm>>
      tpu.wait_dma2 semaphore(%run_scoped3A : memref<!tpu.dma_semaphore, #tpu.memory_space<semaphore_mem>>) src(%dma_wait3A_91 : memref<4x128xi32, #tpu.memory_space<hbm>>) dst(%arg5 : memref<4x128xi32, #tpu.memory_space<vmem>>)
      tpu.yield
    }) : () -> ()
    %mul3A_3 = arith.constant 512 : i32
    %mul3A_4 = arith.muli %add3A, %mul3A_3 : i32
    %multiple_of3A_5 = tpu.assume_multiple %mul3A_4, 512 : i32
    "tpu.region"() ({
      %run_scoped3A = tpu.sem_alloc : memref<!tpu.dma_semaphore, #tpu.memory_space<semaphore_mem>>
      %dma_start3A_84 = arith.constant 0 : i32
      %dma_start3A_85 = tpu.memref_slice %arg3[%multiple_of3A_5, %dma_start3A_84] : memref<16384x128xi32, #tpu.memory_space<hbm>> -> memref<512x128xi32, #tpu.memory_space<hbm>>
      %dma_start3A_86 = arith.constant 0 : i32
      %dma_start3A_87 = tpu.memref_slice %arg3[%multiple_of3A_5, %dma_start3A_86] : memref<16384x128xi32, #tpu.memory_space<hbm>> -> memref<512x128xi32, #tpu.memory_space<hbm>>
      tpu.enqueue_dma source(%dma_start3A_87 : memref<512x128xi32, #tpu.memory_space<hbm>>) target(%arg6 : memref<512x128xi32, #tpu.memory_space<vmem>>) target_semaphore(%run_scoped3A : memref<!tpu.dma_semaphore, #tpu.memory_space<semaphore_mem>>)
      %dma_wait3A_88 = arith.constant 0 : i32
      %dma_wait3A_89 = tpu.memref_slice %arg3[%multiple_of3A_5, %dma_wait3A_88] : memref<16384x128xi32, #tpu.memory_space<hbm>> -> memref<512x128xi32, #tpu.memory_space<hbm>>
      %dma_wait3A_90 = arith.constant 0 : i32
      %dma_wait3A_91 = tpu.memref_slice %arg3[%multiple_of3A_5, %dma_wait3A_90] : memref<16384x128xi32, #tpu.memory_space<hbm>> -> memref<512x128xi32, #tpu.memory_space<hbm>>
      tpu.wait_dma2 semaphore(%run_scoped3A : memref<!tpu.dma_semaphore, #tpu.memory_space<semaphore_mem>>) src(%dma_wait3A_91 : memref<512x128xi32, #tpu.memory_space<hbm>>) dst(%arg6 : memref<512x128xi32, #tpu.memory_space<vmem>>)
      tpu.yield
    }) : () -> ()
    %dma_start3A = arith.constant 0 : i32
    %dma_start3A_6 = arith.constant 0 : i32
    %dma_start3A_7 = arith.constant 0 : i32
    %dma_start3A_8 = tpu.memref_slice %arg6[%dma_start3A_6, %dma_start3A_7] : memref<512x128xi32, #tpu.memory_space<vmem>> -> memref<128x128xi32, #tpu.memory_space<vmem>>
    %dma_start3A_9 = arith.constant 0 : i32
    %dma_start3A_10 = tpu.memref_slice %arg5[%dma_start3A, %dma_start3A_9] : memref<4x128xi32, #tpu.memory_space<vmem>> -> memref<1x128xi32, #tpu.memory_space<vmem>>
    %dma_start3A_11 = tpu.memref_squeeze %dma_start3A_10 : memref<1x128xi32, #tpu.memory_space<vmem>> -> memref<128xi32, #tpu.memory_space<vmem>>
    %dma_start3A_12 = arith.constant 0 : i32
    %dma_start3A_13 = arith.constant 0 : i32
    %dma_start3A_14 = tpu.memref_slice %arg4[%dma_start3A_12, %dma_start3A_13] : memref<20480x128xi32, #tpu.memory_space<hbm>> -> memref<20480x128xi32, #tpu.memory_space<hbm>>
    tpu.enqueue_indirect_dma source(%dma_start3A_8 : memref<128x128xi32, #tpu.memory_space<vmem>>) target(%dma_start3A_14 : memref<20480x128xi32, #tpu.memory_space<hbm>>) offsets(%dma_start3A_11 : memref<128xi32, #tpu.memory_space<vmem>>) semaphore(%arg7 : memref<!tpu.dma_semaphore, #tpu.memory_space<semaphore_mem>>)
    %dma_start3A_15 = arith.constant 1 : i32
    %dma_start3A_16 = arith.constant 128 : i32
    %dma_start3A_17 = arith.constant 0 : i32
    %dma_start3A_18 = tpu.memref_slice %arg6[%dma_start3A_16, %dma_start3A_17] : memref<512x128xi32, #tpu.memory_space<vmem>> -> memref<128x128xi32, #tpu.memory_space<vmem>>
    %dma_start3A_19 = arith.constant 0 : i32
    %dma_start3A_20 = tpu.memref_slice %arg5[%dma_start3A_15, %dma_start3A_19] : memref<4x128xi32, #tpu.memory_space<vmem>> -> memref<1x128xi32, #tpu.memory_space<vmem>>
    %dma_start3A_21 = tpu.memref_squeeze %dma_start3A_20 : memref<1x128xi32, #tpu.memory_space<vmem>> -> memref<128xi32, #tpu.memory_space<vmem>>
    %dma_start3A_22 = arith.constant 0 : i32
    %dma_start3A_23 = arith.constant 0 : i32
    %dma_start3A_24 = tpu.memref_slice %arg4[%dma_start3A_22, %dma_start3A_23] : memref<20480x128xi32, #tpu.memory_space<hbm>> -> memref<20480x128xi32, #tpu.memory_space<hbm>>
    tpu.enqueue_indirect_dma source(%dma_start3A_18 : memref<128x128xi32, #tpu.memory_space<vmem>>) target(%dma_start3A_24 : memref<20480x128xi32, #tpu.memory_space<hbm>>) offsets(%dma_start3A_21 : memref<128xi32, #tpu.memory_space<vmem>>) semaphore(%arg7 : memref<!tpu.dma_semaphore, #tpu.memory_space<semaphore_mem>>)
    %dma_start3A_25 = arith.constant 2 : i32
    %dma_start3A_26 = arith.constant 256 : i32
    %dma_start3A_27 = arith.constant 0 : i32
    %dma_start3A_28 = tpu.memref_slice %arg6[%dma_start3A_26, %dma_start3A_27] : memref<512x128xi32, #tpu.memory_space<vmem>> -> memref<128x128xi32, #tpu.memory_space<vmem>>
    %dma_start3A_29 = arith.constant 0 : i32
    %dma_start3A_30 = tpu.memref_slice %arg5[%dma_start3A_25, %dma_start3A_29] : memref<4x128xi32, #tpu.memory_space<vmem>> -> memref<1x128xi32, #tpu.memory_space<vmem>>
    %dma_start3A_31 = tpu.memref_squeeze %dma_start3A_30 : memref<1x128xi32, #tpu.memory_space<vmem>> -> memref<128xi32, #tpu.memory_space<vmem>>
    %dma_start3A_32 = arith.constant 0 : i32
    %dma_start3A_33 = arith.constant 0 : i32
    %dma_start3A_34 = tpu.memref_slice %arg4[%dma_start3A_32, %dma_start3A_33] : memref<20480x128xi32, #tpu.memory_space<hbm>> -> memref<20480x128xi32, #tpu.memory_space<hbm>>
    tpu.enqueue_indirect_dma source(%dma_start3A_28 : memref<128x128xi32, #tpu.memory_space<vmem>>) target(%dma_start3A_34 : memref<20480x128xi32, #tpu.memory_space<hbm>>) offsets(%dma_start3A_31 : memref<128xi32, #tpu.memory_space<vmem>>) semaphore(%arg7 : memref<!tpu.dma_semaphore, #tpu.memory_space<semaphore_mem>>)
    %dma_start3A_35 = arith.constant 3 : i32
    %dma_start3A_36 = arith.constant 384 : i32
    %dma_start3A_37 = arith.constant 0 : i32
    %dma_start3A_38 = tpu.memref_slice %arg6[%dma_start3A_36, %dma_start3A_37] : memref<512x128xi32, #tpu.memory_space<vmem>> -> memref<128x128xi32, #tpu.memory_space<vmem>>
    %dma_start3A_39 = arith.constant 0 : i32
    %dma_start3A_40 = tpu.memref_slice %arg5[%dma_start3A_35, %dma_start3A_39] : memref<4x128xi32, #tpu.memory_space<vmem>> -> memref<1x128xi32, #tpu.memory_space<vmem>>
    %dma_start3A_41 = tpu.memref_squeeze %dma_start3A_40 : memref<1x128xi32, #tpu.memory_space<vmem>> -> memref<128xi32, #tpu.memory_space<vmem>>
    %dma_start3A_42 = arith.constant 0 : i32
    %dma_start3A_43 = arith.constant 0 : i32
    %dma_start3A_44 = tpu.memref_slice %arg4[%dma_start3A_42, %dma_start3A_43] : memref<20480x128xi32, #tpu.memory_space<hbm>> -> memref<20480x128xi32, #tpu.memory_space<hbm>>
    tpu.enqueue_indirect_dma source(%dma_start3A_38 : memref<128x128xi32, #tpu.memory_space<vmem>>) target(%dma_start3A_44 : memref<20480x128xi32, #tpu.memory_space<hbm>>) offsets(%dma_start3A_41 : memref<128xi32, #tpu.memory_space<vmem>>) semaphore(%arg7 : memref<!tpu.dma_semaphore, #tpu.memory_space<semaphore_mem>>)
    %dma_wait3A = arith.constant 0 : i32
    %dma_wait3A_45 = arith.constant 0 : i32
    %dma_wait3A_46 = arith.constant 0 : i32
    %dma_wait3A_47 = tpu.memref_slice %arg6[%dma_wait3A_45, %dma_wait3A_46] : memref<512x128xi32, #tpu.memory_space<vmem>> -> memref<128x128xi32, #tpu.memory_space<vmem>>
    %dma_wait3A_48 = arith.constant 0 : i32
    %dma_wait3A_49 = tpu.memref_slice %arg5[%dma_wait3A, %dma_wait3A_48] : memref<4x128xi32, #tpu.memory_space<vmem>> -> memref<1x128xi32, #tpu.memory_space<vmem>>
    %dma_wait3A_50 = tpu.memref_squeeze %dma_wait3A_49 : memref<1x128xi32, #tpu.memory_space<vmem>> -> memref<128xi32, #tpu.memory_space<vmem>>
    %dma_wait3A_51 = arith.constant 0 : i32
    %dma_wait3A_52 = arith.constant 0 : i32
    %dma_wait3A_53 = tpu.memref_slice %arg4[%dma_wait3A_51, %dma_wait3A_52] : memref<20480x128xi32, #tpu.memory_space<hbm>> -> memref<20480x128xi32, #tpu.memory_space<hbm>>
    tpu.wait_indirect_dma semaphore(%arg7 : memref<!tpu.dma_semaphore, #tpu.memory_space<semaphore_mem>>) src(%dma_wait3A_47 : memref<128x128xi32, #tpu.memory_space<vmem>>) dst(%dma_wait3A_53 : memref<20480x128xi32, #tpu.memory_space<hbm>>)
    %dma_wait3A_54 = arith.constant 1 : i32
    %dma_wait3A_55 = arith.constant 128 : i32
    %dma_wait3A_56 = arith.constant 0 : i32
    %dma_wait3A_57 = tpu.memref_slice %arg6[%dma_wait3A_55, %dma_wait3A_56] : memref<512x128xi32, #tpu.memory_space<vmem>> -> memref<128x128xi32, #tpu.memory_space<vmem>>
    %dma_wait3A_58 = arith.constant 0 : i32
    %dma_wait3A_59 = tpu.memref_slice %arg5[%dma_wait3A_54, %dma_wait3A_58] : memref<4x128xi32, #tpu.memory_space<vmem>> -> memref<1x128xi32, #tpu.memory_space<vmem>>
    %dma_wait3A_60 = tpu.memref_squeeze %dma_wait3A_59 : memref<1x128xi32, #tpu.memory_space<vmem>> -> memref<128xi32, #tpu.memory_space<vmem>>
    %dma_wait3A_61 = arith.constant 0 : i32
    %dma_wait3A_62 = arith.constant 0 : i32
    %dma_wait3A_63 = tpu.memref_slice %arg4[%dma_wait3A_61, %dma_wait3A_62] : memref<20480x128xi32, #tpu.memory_space<hbm>> -> memref<20480x128xi32, #tpu.memory_space<hbm>>
    tpu.wait_indirect_dma semaphore(%arg7 : memref<!tpu.dma_semaphore, #tpu.memory_space<semaphore_mem>>) src(%dma_wait3A_57 : memref<128x128xi32, #tpu.memory_space<vmem>>) dst(%dma_wait3A_63 : memref<20480x128xi32, #tpu.memory_space<hbm>>)
    %dma_wait3A_64 = arith.constant 2 : i32
    %dma_wait3A_65 = arith.constant 256 : i32
    %dma_wait3A_66 = arith.constant 0 : i32
    %dma_wait3A_67 = tpu.memref_slice %arg6[%dma_wait3A_65, %dma_wait3A_66] : memref<512x128xi32, #tpu.memory_space<vmem>> -> memref<128x128xi32, #tpu.memory_space<vmem>>
    %dma_wait3A_68 = arith.constant 0 : i32
    %dma_wait3A_69 = tpu.memref_slice %arg5[%dma_wait3A_64, %dma_wait3A_68] : memref<4x128xi32, #tpu.memory_space<vmem>> -> memref<1x128xi32, #tpu.memory_space<vmem>>
    %dma_wait3A_70 = tpu.memref_squeeze %dma_wait3A_69 : memref<1x128xi32, #tpu.memory_space<vmem>> -> memref<128xi32, #tpu.memory_space<vmem>>
    %dma_wait3A_71 = arith.constant 0 : i32
    %dma_wait3A_72 = arith.constant 0 : i32
    %dma_wait3A_73 = tpu.memref_slice %arg4[%dma_wait3A_71, %dma_wait3A_72] : memref<20480x128xi32, #tpu.memory_space<hbm>> -> memref<20480x128xi32, #tpu.memory_space<hbm>>
    tpu.wait_indirect_dma semaphore(%arg7 : memref<!tpu.dma_semaphore, #tpu.memory_space<semaphore_mem>>) src(%dma_wait3A_67 : memref<128x128xi32, #tpu.memory_space<vmem>>) dst(%dma_wait3A_73 : memref<20480x128xi32, #tpu.memory_space<hbm>>)
    %dma_wait3A_74 = arith.constant 3 : i32
    %dma_wait3A_75 = arith.constant 384 : i32
    %dma_wait3A_76 = arith.constant 0 : i32
    %dma_wait3A_77 = tpu.memref_slice %arg6[%dma_wait3A_75, %dma_wait3A_76] : memref<512x128xi32, #tpu.memory_space<vmem>> -> memref<128x128xi32, #tpu.memory_space<vmem>>
    %dma_wait3A_78 = arith.constant 0 : i32
    %dma_wait3A_79 = tpu.memref_slice %arg5[%dma_wait3A_74, %dma_wait3A_78] : memref<4x128xi32, #tpu.memory_space<vmem>> -> memref<1x128xi32, #tpu.memory_space<vmem>>
    %dma_wait3A_80 = tpu.memref_squeeze %dma_wait3A_79 : memref<1x128xi32, #tpu.memory_space<vmem>> -> memref<128xi32, #tpu.memory_space<vmem>>
    %dma_wait3A_81 = arith.constant 0 : i32
    %dma_wait3A_82 = arith.constant 0 : i32
    %dma_wait3A_83 = tpu.memref_slice %arg4[%dma_wait3A_81, %dma_wait3A_82] : memref<20480x128xi32, #tpu.memory_space<hbm>> -> memref<20480x128xi32, #tpu.memory_space<hbm>>
    tpu.wait_indirect_dma semaphore(%arg7 : memref<!tpu.dma_semaphore, #tpu.memory_space<semaphore_mem>>) src(%dma_wait3A_77 : memref<128x128xi32, #tpu.memory_space<vmem>>) dst(%dma_wait3A_83 : memref<20480x128xi32, #tpu.memory_space<hbm>>)
    return
  }
}

#map = affine_map<(d0, d1) -> (0, 0)>
module attributes {stable_mosaic.version = 14 : i64} {
  func.func @_gather_body(%arg0: i32, %arg1: i32, %arg2: memref<4096x128xi32, #tpu.memory_space<hbm>>, %arg3: memref<16384x1024xf32, #tpu.memory_space<hbm>>, %arg4: memref<49152x1024xf32, #tpu.memory_space<hbm>>, %arg5: memref<4096x1024xf32, #tpu.memory_space<hbm>>, %arg6: memref<12288x1024xf32, #tpu.memory_space<hbm>>, %arg7: memref<128x128xi32, #tpu.memory_space<vmem>>, %arg8: memref<128xi32, #tpu.memory_space<vmem>>, %arg9: memref<3x128xi32, #tpu.memory_space<vmem>>, %arg10: memref<32x1024xf32, #tpu.memory_space<vmem>>, %arg11: memref<32x1024xf32, #tpu.memory_space<vmem>>, %arg12: memref<!tpu.dma_semaphore, #tpu.memory_space<semaphore_mem>>, %arg13: memref<!tpu.dma_semaphore, #tpu.memory_space<semaphore_mem>>, %arg14: memref<!tpu.dma_semaphore, #tpu.memory_space<semaphore_mem>>, %arg15: memref<!tpu.dma_semaphore, #tpu.memory_space<semaphore_mem>>) attributes {dimension_semantics = [#tpu.dimension_semantics<core_parallel>, #tpu.dimension_semantics<subcore_parallel>], iteration_bounds = array<i64: 2, 16>, scalar_prefetch = 0 : i64, scratch_operands = 9 : i64, tpu.core_type = #tpu.core_type<sc_vector_subcore>, window_params = [{transform_indices = #map}, {transform_indices = #map}, {transform_indices = #map}, {transform_indices = #map}, {transform_indices = #map}]} {
    %mul3A = arith.constant 16 : i32
    %mul3A_0 = arith.muli %arg0, %mul3A : i32
    %add3A = arith.addi %mul3A_0, %arg1 : i32
    %mul3A_1 = arith.constant 128 : i32
    %mul3A_2 = arith.muli %add3A, %mul3A_1 : i32
    %multiple_of3A = tpu.assume_multiple %mul3A_2, 128 : i32
    "tpu.region"() ({
      %run_scoped3A = tpu.sem_alloc : memref<!tpu.dma_semaphore, #tpu.memory_space<semaphore_mem>>
      %dma_start3A_2611 = arith.constant 0 : i32
      %dma_start3A_2612 = tpu.memref_slice %arg2[%multiple_of3A, %dma_start3A_2611] : memref<4096x128xi32, #tpu.memory_space<hbm>> -> memref<128x128xi32, #tpu.memory_space<hbm>>
      %dma_start3A_2613 = arith.constant 0 : i32
      %dma_start3A_2614 = tpu.memref_slice %arg2[%multiple_of3A, %dma_start3A_2613] : memref<4096x128xi32, #tpu.memory_space<hbm>> -> memref<128x128xi32, #tpu.memory_space<hbm>>
      tpu.enqueue_dma source(%dma_start3A_2614 : memref<128x128xi32, #tpu.memory_space<hbm>>) target(%arg7 : memref<128x128xi32, #tpu.memory_space<vmem>>) target_semaphore(%run_scoped3A : memref<!tpu.dma_semaphore, #tpu.memory_space<semaphore_mem>>)
      %dma_wait3A_2615 = arith.constant 0 : i32
      %dma_wait3A_2616 = tpu.memref_slice %arg2[%multiple_of3A, %dma_wait3A_2615] : memref<4096x128xi32, #tpu.memory_space<hbm>> -> memref<128x128xi32, #tpu.memory_space<hbm>>
      %dma_wait3A_2617 = arith.constant 0 : i32
      %dma_wait3A_2618 = tpu.memref_slice %arg2[%multiple_of3A, %dma_wait3A_2617] : memref<4096x128xi32, #tpu.memory_space<hbm>> -> memref<128x128xi32, #tpu.memory_space<hbm>>
      tpu.wait_dma2 semaphore(%run_scoped3A : memref<!tpu.dma_semaphore, #tpu.memory_space<semaphore_mem>>) src(%dma_wait3A_2618 : memref<128x128xi32, #tpu.memory_space<hbm>>) dst(%arg7 : memref<128x128xi32, #tpu.memory_space<vmem>>)
      tpu.yield
    }) : () -> ()
    %iota3A = tpu.iota {dimensions = array<i32: 0>} : vector<16xi32>
    %broadcast_in_dim3A = arith.constant 0 : i32
    %broadcast_in_dim3A_3 = vector.broadcast %broadcast_in_dim3A : i32 to vector<16xi32>
    %eq3A = arith.constant 0 : i32
    %eq3A_4 = vector.broadcast %eq3A : i32 to vector<16xi32>
    %eq3A_5 = arith.cmpi eq, %iota3A, %eq3A_4 : vector<16xi32>
    %jit3A = arith.constant 1 : i32
    %jit3A_6 = arith.constant 0 : i32
    %broadcast_in_dim3A_7 = vector.broadcast %jit3A : i32 to vector<16xi32>
    %broadcast_in_dim3A_8 = vector.broadcast %jit3A_6 : i32 to vector<16xi32>
    %select_n3A = arith.select %eq3A_5, %broadcast_in_dim3A_7, %broadcast_in_dim3A_8 : vector<16xi1>, vector<16xi32>
    %get3A = arith.constant 0 : i32
    %get3A_9 = arith.index_cast %get3A : i32 to index
    %get3A_10 = arith.constant 0 : index
    %get3A_11 = tpu.vector_load %arg7[%get3A_9, %get3A_10] {strides = array<i32>} : memref<128x128xi32, #tpu.memory_space<vmem>>, vector<1x16xi32>,
    %get3A_12 = vector.shape_cast %get3A_11 : vector<1x16xi32> to vector<16xi32>
    %mul3A_13 = arith.muli %get3A_12, %select_n3A : vector<16xi32>
    %add3A_14 = arith.addi %broadcast_in_dim3A_3, %mul3A_13 : vector<16xi32>
    %eq3A_15 = arith.constant 1 : i32
    %eq3A_16 = vector.broadcast %eq3A_15 : i32 to vector<16xi32>
    %eq3A_17 = arith.cmpi eq, %iota3A, %eq3A_16 : vector<16xi32>
    %jit3A_18 = arith.constant 1 : i32
    %jit3A_19 = arith.constant 0 : i32
    %broadcast_in_dim3A_20 = vector.broadcast %jit3A_18 : i32 to vector<16xi32>
    %broadcast_in_dim3A_21 = vector.broadcast %jit3A_19 : i32 to vector<16xi32>
    %select_n3A_22 = arith.select %eq3A_17, %broadcast_in_dim3A_20, %broadcast_in_dim3A_21 : vector<16xi1>, vector<16xi32>
    %get3A_23 = arith.constant 1 : i32
    %get3A_24 = arith.index_cast %get3A_23 : i32 to index
    %get3A_25 = arith.constant 0 : index
    %get3A_26 = tpu.vector_load %arg7[%get3A_24, %get3A_25] {strides = array<i32>} : memref<128x128xi32, #tpu.memory_space<vmem>>, vector<1x16xi32>,
    %get3A_27 = vector.shape_cast %get3A_26 : vector<1x16xi32> to vector<16xi32>
    %mul3A_28 = arith.muli %get3A_27, %select_n3A_22 : vector<16xi32>
    %add3A_29 = arith.addi %add3A_14, %mul3A_28 : vector<16xi32>
    %eq3A_30 = arith.constant 2 : i32
    %eq3A_31 = vector.broadcast %eq3A_30 : i32 to vector<16xi32>
    %eq3A_32 = arith.cmpi eq, %iota3A, %eq3A_31 : vector<16xi32>
    %jit3A_33 = arith.constant 1 : i32
    %jit3A_34 = arith.constant 0 : i32
    %broadcast_in_dim3A_35 = vector.broadcast %jit3A_33 : i32 to vector<16xi32>
    %broadcast_in_dim3A_36 = vector.broadcast %jit3A_34 : i32 to vector<16xi32>
    %select_n3A_37 = arith.select %eq3A_32, %broadcast_in_dim3A_35, %broadcast_in_dim3A_36 : vector<16xi1>, vector<16xi32>
    %get3A_38 = arith.constant 2 : i32
    %get3A_39 = arith.index_cast %get3A_38 : i32 to index
    %get3A_40 = arith.constant 0 : index
    %get3A_41 = tpu.vector_load %arg7[%get3A_39, %get3A_40] {strides = array<i32>} : memref<128x128xi32, #tpu.memory_space<vmem>>, vector<1x16xi32>,
    %get3A_42 = vector.shape_cast %get3A_41 : vector<1x16xi32> to vector<16xi32>
    %mul3A_43 = arith.muli %get3A_42, %select_n3A_37 : vector<16xi32>
    %add3A_44 = arith.addi %add3A_29, %mul3A_43 : vector<16xi32>
    %eq3A_45 = arith.constant 3 : i32
    %eq3A_46 = vector.broadcast %eq3A_45 : i32 to vector<16xi32>
    %eq3A_47 = arith.cmpi eq, %iota3A, %eq3A_46 : vector<16xi32>
    %jit3A_48 = arith.constant 1 : i32
    %jit3A_49 = arith.constant 0 : i32
    %broadcast_in_dim3A_50 = vector.broadcast %jit3A_48 : i32 to vector<16xi32>
    %broadcast_in_dim3A_51 = vector.broadcast %jit3A_49 : i32 to vector<16xi32>
    %select_n3A_52 = arith.select %eq3A_47, %broadcast_in_dim3A_50, %broadcast_in_dim3A_51 : vector<16xi1>, vector<16xi32>
    %get3A_53 = arith.constant 3 : i32
    %get3A_54 = arith.index_cast %get3A_53 : i32 to index
    %get3A_55 = arith.constant 0 : index
    %get3A_56 = tpu.vector_load %arg7[%get3A_54, %get3A_55] {strides = array<i32>} : memref<128x128xi32, #tpu.memory_space<vmem>>, vector<1x16xi32>,
    %get3A_57 = vector.shape_cast %get3A_56 : vector<1x16xi32> to vector<16xi32>
    %mul3A_58 = arith.muli %get3A_57, %select_n3A_52 : vector<16xi32>
    %add3A_59 = arith.addi %add3A_44, %mul3A_58 : vector<16xi32>
    %eq3A_60 = arith.constant 4 : i32
    %eq3A_61 = vector.broadcast %eq3A_60 : i32 to vector<16xi32>
    %eq3A_62 = arith.cmpi eq, %iota3A, %eq3A_61 : vector<16xi32>
    %jit3A_63 = arith.constant 1 : i32
    %jit3A_64 = arith.constant 0 : i32
    %broadcast_in_dim3A_65 = vector.broadcast %jit3A_63 : i32 to vector<16xi32>
    %broadcast_in_dim3A_66 = vector.broadcast %jit3A_64 : i32 to vector<16xi32>
    %select_n3A_67 = arith.select %eq3A_62, %broadcast_in_dim3A_65, %broadcast_in_dim3A_66 : vector<16xi1>, vector<16xi32>
    %get3A_68 = arith.constant 4 : i32
    %get3A_69 = arith.index_cast %get3A_68 : i32 to index
    %get3A_70 = arith.constant 0 : index
    %get3A_71 = tpu.vector_load %arg7[%get3A_69, %get3A_70] {strides = array<i32>} : memref<128x128xi32, #tpu.memory_space<vmem>>, vector<1x16xi32>,
    %get3A_72 = vector.shape_cast %get3A_71 : vector<1x16xi32> to vector<16xi32>
    %mul3A_73 = arith.muli %get3A_72, %select_n3A_67 : vector<16xi32>
    %add3A_74 = arith.addi %add3A_59, %mul3A_73 : vector<16xi32>
    %eq3A_75 = arith.constant 5 : i32
    %eq3A_76 = vector.broadcast %eq3A_75 : i32 to vector<16xi32>
    %eq3A_77 = arith.cmpi eq, %iota3A, %eq3A_76 : vector<16xi32>
    %jit3A_78 = arith.constant 1 : i32
    %jit3A_79 = arith.constant 0 : i32
    %broadcast_in_dim3A_80 = vector.broadcast %jit3A_78 : i32 to vector<16xi32>
    %broadcast_in_dim3A_81 = vector.broadcast %jit3A_79 : i32 to vector<16xi32>
    %select_n3A_82 = arith.select %eq3A_77, %broadcast_in_dim3A_80, %broadcast_in_dim3A_81 : vector<16xi1>, vector<16xi32>
    %get3A_83 = arith.constant 5 : i32
    %get3A_84 = arith.index_cast %get3A_83 : i32 to index
    %get3A_85 = arith.constant 0 : index
    %get3A_86 = tpu.vector_load %arg7[%get3A_84, %get3A_85] {strides = array<i32>} : memref<128x128xi32, #tpu.memory_space<vmem>>, vector<1x16xi32>,
    %get3A_87 = vector.shape_cast %get3A_86 : vector<1x16xi32> to vector<16xi32>
    %mul3A_88 = arith.muli %get3A_87, %select_n3A_82 : vector<16xi32>
    %add3A_89 = arith.addi %add3A_74, %mul3A_88 : vector<16xi32>
    %eq3A_90 = arith.constant 6 : i32
    %eq3A_91 = vector.broadcast %eq3A_90 : i32 to vector<16xi32>
    %eq3A_92 = arith.cmpi eq, %iota3A, %eq3A_91 : vector<16xi32>
    %jit3A_93 = arith.constant 1 : i32
    %jit3A_94 = arith.constant 0 : i32
    %broadcast_in_dim3A_95 = vector.broadcast %jit3A_93 : i32 to vector<16xi32>
    %broadcast_in_dim3A_96 = vector.broadcast %jit3A_94 : i32 to vector<16xi32>
    %select_n3A_97 = arith.select %eq3A_92, %broadcast_in_dim3A_95, %broadcast_in_dim3A_96 : vector<16xi1>, vector<16xi32>
    %get3A_98 = arith.constant 6 : i32
    %get3A_99 = arith.index_cast %get3A_98 : i32 to index
    %get3A_100 = arith.constant 0 : index
    %get3A_101 = tpu.vector_load %arg7[%get3A_99, %get3A_100] {strides = array<i32>} : memref<128x128xi32, #tpu.memory_space<vmem>>, vector<1x16xi32>,
    %get3A_102 = vector.shape_cast %get3A_101 : vector<1x16xi32> to vector<16xi32>
    %mul3A_103 = arith.muli %get3A_102, %select_n3A_97 : vector<16xi32>
    %add3A_104 = arith.addi %add3A_89, %mul3A_103 : vector<16xi32>
    %eq3A_105 = arith.constant 7 : i32
    %eq3A_106 = vector.broadcast %eq3A_105 : i32 to vector<16xi32>
    %eq3A_107 = arith.cmpi eq, %iota3A, %eq3A_106 : vector<16xi32>
    %jit3A_108 = arith.constant 1 : i32
    %jit3A_109 = arith.constant 0 : i32
    %broadcast_in_dim3A_110 = vector.broadcast %jit3A_108 : i32 to vector<16xi32>
    %broadcast_in_dim3A_111 = vector.broadcast %jit3A_109 : i32 to vector<16xi32>
    %select_n3A_112 = arith.select %eq3A_107, %broadcast_in_dim3A_110, %broadcast_in_dim3A_111 : vector<16xi1>, vector<16xi32>
    %get3A_113 = arith.constant 7 : i32
    %get3A_114 = arith.index_cast %get3A_113 : i32 to index
    %get3A_115 = arith.constant 0 : index
    %get3A_116 = tpu.vector_load %arg7[%get3A_114, %get3A_115] {strides = array<i32>} : memref<128x128xi32, #tpu.memory_space<vmem>>, vector<1x16xi32>,
    %get3A_117 = vector.shape_cast %get3A_116 : vector<1x16xi32> to vector<16xi32>
    %mul3A_118 = arith.muli %get3A_117, %select_n3A_112 : vector<16xi32>
    %add3A_119 = arith.addi %add3A_104, %mul3A_118 : vector<16xi32>
    %eq3A_120 = arith.constant 8 : i32
    %eq3A_121 = vector.broadcast %eq3A_120 : i32 to vector<16xi32>
    %eq3A_122 = arith.cmpi eq, %iota3A, %eq3A_121 : vector<16xi32>
    %jit3A_123 = arith.constant 1 : i32
    %jit3A_124 = arith.constant 0 : i32
    %broadcast_in_dim3A_125 = vector.broadcast %jit3A_123 : i32 to vector<16xi32>
    %broadcast_in_dim3A_126 = vector.broadcast %jit3A_124 : i32 to vector<16xi32>
    %select_n3A_127 = arith.select %eq3A_122, %broadcast_in_dim3A_125, %broadcast_in_dim3A_126 : vector<16xi1>, vector<16xi32>
    %get3A_128 = arith.constant 8 : i32
    %get3A_129 = arith.index_cast %get3A_128 : i32 to index
    %get3A_130 = arith.constant 0 : index
    %get3A_131 = tpu.vector_load %arg7[%get3A_129, %get3A_130] {strides = array<i32>} : memref<128x128xi32, #tpu.memory_space<vmem>>, vector<1x16xi32>,
    %get3A_132 = vector.shape_cast %get3A_131 : vector<1x16xi32> to vector<16xi32>
    %mul3A_133 = arith.muli %get3A_132, %select_n3A_127 : vector<16xi32>
    %add3A_134 = arith.addi %add3A_119, %mul3A_133 : vector<16xi32>
    %eq3A_135 = arith.constant 9 : i32
    %eq3A_136 = vector.broadcast %eq3A_135 : i32 to vector<16xi32>
    %eq3A_137 = arith.cmpi eq, %iota3A, %eq3A_136 : vector<16xi32>
    %jit3A_138 = arith.constant 1 : i32
    %jit3A_139 = arith.constant 0 : i32
    %broadcast_in_dim3A_140 = vector.broadcast %jit3A_138 : i32 to vector<16xi32>
    %broadcast_in_dim3A_141 = vector.broadcast %jit3A_139 : i32 to vector<16xi32>
    %select_n3A_142 = arith.select %eq3A_137, %broadcast_in_dim3A_140, %broadcast_in_dim3A_141 : vector<16xi1>, vector<16xi32>
    %get3A_143 = arith.constant 9 : i32
    %get3A_144 = arith.index_cast %get3A_143 : i32 to index
    %get3A_145 = arith.constant 0 : index
    %get3A_146 = tpu.vector_load %arg7[%get3A_144, %get3A_145] {strides = array<i32>} : memref<128x128xi32, #tpu.memory_space<vmem>>, vector<1x16xi32>,
    %get3A_147 = vector.shape_cast %get3A_146 : vector<1x16xi32> to vector<16xi32>
    %mul3A_148 = arith.muli %get3A_147, %select_n3A_142 : vector<16xi32>
    %add3A_149 = arith.addi %add3A_134, %mul3A_148 : vector<16xi32>
    %eq3A_150 = arith.constant 10 : i32
    %eq3A_151 = vector.broadcast %eq3A_150 : i32 to vector<16xi32>
    %eq3A_152 = arith.cmpi eq, %iota3A, %eq3A_151 : vector<16xi32>
    %jit3A_153 = arith.constant 1 : i32
    %jit3A_154 = arith.constant 0 : i32
    %broadcast_in_dim3A_155 = vector.broadcast %jit3A_153 : i32 to vector<16xi32>
    %broadcast_in_dim3A_156 = vector.broadcast %jit3A_154 : i32 to vector<16xi32>
    %select_n3A_157 = arith.select %eq3A_152, %broadcast_in_dim3A_155, %broadcast_in_dim3A_156 : vector<16xi1>, vector<16xi32>
    %get3A_158 = arith.constant 10 : i32
    %get3A_159 = arith.index_cast %get3A_158 : i32 to index
    %get3A_160 = arith.constant 0 : index
    %get3A_161 = tpu.vector_load %arg7[%get3A_159, %get3A_160] {strides = array<i32>} : memref<128x128xi32, #tpu.memory_space<vmem>>, vector<1x16xi32>,
    %get3A_162 = vector.shape_cast %get3A_161 : vector<1x16xi32> to vector<16xi32>
    %mul3A_163 = arith.muli %get3A_162, %select_n3A_157 : vector<16xi32>
    %add3A_164 = arith.addi %add3A_149, %mul3A_163 : vector<16xi32>
    %eq3A_165 = arith.constant 11 : i32
    %eq3A_166 = vector.broadcast %eq3A_165 : i32 to vector<16xi32>
    %eq3A_167 = arith.cmpi eq, %iota3A, %eq3A_166 : vector<16xi32>
    %jit3A_168 = arith.constant 1 : i32
    %jit3A_169 = arith.constant 0 : i32
    %broadcast_in_dim3A_170 = vector.broadcast %jit3A_168 : i32 to vector<16xi32>
    %broadcast_in_dim3A_171 = vector.broadcast %jit3A_169 : i32 to vector<16xi32>
    %select_n3A_172 = arith.select %eq3A_167, %broadcast_in_dim3A_170, %broadcast_in_dim3A_171 : vector<16xi1>, vector<16xi32>
    %get3A_173 = arith.constant 11 : i32
    %get3A_174 = arith.index_cast %get3A_173 : i32 to index
    %get3A_175 = arith.constant 0 : index
    %get3A_176 = tpu.vector_load %arg7[%get3A_174, %get3A_175] {strides = array<i32>} : memref<128x128xi32, #tpu.memory_space<vmem>>, vector<1x16xi32>,
    %get3A_177 = vector.shape_cast %get3A_176 : vector<1x16xi32> to vector<16xi32>
    %mul3A_178 = arith.muli %get3A_177, %select_n3A_172 : vector<16xi32>
    %add3A_179 = arith.addi %add3A_164, %mul3A_178 : vector<16xi32>
    %eq3A_180 = arith.constant 12 : i32
    %eq3A_181 = vector.broadcast %eq3A_180 : i32 to vector<16xi32>
    %eq3A_182 = arith.cmpi eq, %iota3A, %eq3A_181 : vector<16xi32>
    %jit3A_183 = arith.constant 1 : i32
    %jit3A_184 = arith.constant 0 : i32
    %broadcast_in_dim3A_185 = vector.broadcast %jit3A_183 : i32 to vector<16xi32>
    %broadcast_in_dim3A_186 = vector.broadcast %jit3A_184 : i32 to vector<16xi32>
    %select_n3A_187 = arith.select %eq3A_182, %broadcast_in_dim3A_185, %broadcast_in_dim3A_186 : vector<16xi1>, vector<16xi32>
    %get3A_188 = arith.constant 12 : i32
    %get3A_189 = arith.index_cast %get3A_188 : i32 to index
    %get3A_190 = arith.constant 0 : index
    %get3A_191 = tpu.vector_load %arg7[%get3A_189, %get3A_190] {strides = array<i32>} : memref<128x128xi32, #tpu.memory_space<vmem>>, vector<1x16xi32>,
    %get3A_192 = vector.shape_cast %get3A_191 : vector<1x16xi32> to vector<16xi32>
    %mul3A_193 = arith.muli %get3A_192, %select_n3A_187 : vector<16xi32>
    %add3A_194 = arith.addi %add3A_179, %mul3A_193 : vector<16xi32>
    %eq3A_195 = arith.constant 13 : i32
    %eq3A_196 = vector.broadcast %eq3A_195 : i32 to vector<16xi32>
    %eq3A_197 = arith.cmpi eq, %iota3A, %eq3A_196 : vector<16xi32>
    %jit3A_198 = arith.constant 1 : i32
    %jit3A_199 = arith.constant 0 : i32
    %broadcast_in_dim3A_200 = vector.broadcast %jit3A_198 : i32 to vector<16xi32>
    %broadcast_in_dim3A_201 = vector.broadcast %jit3A_199 : i32 to vector<16xi32>
    %select_n3A_202 = arith.select %eq3A_197, %broadcast_in_dim3A_200, %broadcast_in_dim3A_201 : vector<16xi1>, vector<16xi32>
    %get3A_203 = arith.constant 13 : i32
    %get3A_204 = arith.index_cast %get3A_203 : i32 to index
    %get3A_205 = arith.constant 0 : index
    %get3A_206 = tpu.vector_load %arg7[%get3A_204, %get3A_205] {strides = array<i32>} : memref<128x128xi32, #tpu.memory_space<vmem>>, vector<1x16xi32>,
    %get3A_207 = vector.shape_cast %get3A_206 : vector<1x16xi32> to vector<16xi32>
    %mul3A_208 = arith.muli %get3A_207, %select_n3A_202 : vector<16xi32>
    %add3A_209 = arith.addi %add3A_194, %mul3A_208 : vector<16xi32>
    %eq3A_210 = arith.constant 14 : i32
    %eq3A_211 = vector.broadcast %eq3A_210 : i32 to vector<16xi32>
    %eq3A_212 = arith.cmpi eq, %iota3A, %eq3A_211 : vector<16xi32>
    %jit3A_213 = arith.constant 1 : i32
    %jit3A_214 = arith.constant 0 : i32
    %broadcast_in_dim3A_215 = vector.broadcast %jit3A_213 : i32 to vector<16xi32>
    %broadcast_in_dim3A_216 = vector.broadcast %jit3A_214 : i32 to vector<16xi32>
    %select_n3A_217 = arith.select %eq3A_212, %broadcast_in_dim3A_215, %broadcast_in_dim3A_216 : vector<16xi1>, vector<16xi32>
    %get3A_218 = arith.constant 14 : i32
    %get3A_219 = arith.index_cast %get3A_218 : i32 to index
    %get3A_220 = arith.constant 0 : index
    %get3A_221 = tpu.vector_load %arg7[%get3A_219, %get3A_220] {strides = array<i32>} : memref<128x128xi32, #tpu.memory_space<vmem>>, vector<1x16xi32>,
    %get3A_222 = vector.shape_cast %get3A_221 : vector<1x16xi32> to vector<16xi32>
    %mul3A_223 = arith.muli %get3A_222, %select_n3A_217 : vector<16xi32>
    %add3A_224 = arith.addi %add3A_209, %mul3A_223 : vector<16xi32>
    %eq3A_225 = arith.constant 15 : i32
    %eq3A_226 = vector.broadcast %eq3A_225 : i32 to vector<16xi32>
    %eq3A_227 = arith.cmpi eq, %iota3A, %eq3A_226 : vector<16xi32>
    %jit3A_228 = arith.constant 1 : i32
    %jit3A_229 = arith.constant 0 : i32
    %broadcast_in_dim3A_230 = vector.broadcast %jit3A_228 : i32 to vector<16xi32>
    %broadcast_in_dim3A_231 = vector.broadcast %jit3A_229 : i32 to vector<16xi32>
    %select_n3A_232 = arith.select %eq3A_227, %broadcast_in_dim3A_230, %broadcast_in_dim3A_231 : vector<16xi1>, vector<16xi32>
    %get3A_233 = arith.constant 15 : i32
    %get3A_234 = arith.index_cast %get3A_233 : i32 to index
    %get3A_235 = arith.constant 0 : index
    %get3A_236 = tpu.vector_load %arg7[%get3A_234, %get3A_235] {strides = array<i32>} : memref<128x128xi32, #tpu.memory_space<vmem>>, vector<1x16xi32>,
    %get3A_237 = vector.shape_cast %get3A_236 : vector<1x16xi32> to vector<16xi32>
    %mul3A_238 = arith.muli %get3A_237, %select_n3A_232 : vector<16xi32>
    %add3A_239 = arith.addi %add3A_224, %mul3A_238 : vector<16xi32>
    %swap3A = arith.constant 0 : index
    %swap3A_240 = tpu.vector_load %arg8[%swap3A] {strides = array<i32>} : memref<128xi32, #tpu.memory_space<vmem>>, vector<16xi32>,
    %swap3A_241 = vector.shape_cast %swap3A_240 : vector<16xi32> to vector<16xi32>
    %swap3A_242 = vector.shape_cast %add3A_239 : vector<16xi32> to vector<16xi32>
    tpu.vector_store %arg8[%swap3A], %swap3A_242 {strides = array<i32>} : memref<128xi32, #tpu.memory_space<vmem>>, vector<16xi32>,
    %broadcast_in_dim3A_243 = arith.constant 0 : i32
    %broadcast_in_dim3A_244 = vector.broadcast %broadcast_in_dim3A_243 : i32 to vector<16xi32>
    %eq3A_245 = arith.constant 0 : i32
    %eq3A_246 = vector.broadcast %eq3A_245 : i32 to vector<16xi32>
    %eq3A_247 = arith.cmpi eq, %iota3A, %eq3A_246 : vector<16xi32>
    %jit3A_248 = arith.constant 1 : i32
    %jit3A_249 = arith.constant 0 : i32
    %broadcast_in_dim3A_250 = vector.broadcast %jit3A_248 : i32 to vector<16xi32>
    %broadcast_in_dim3A_251 = vector.broadcast %jit3A_249 : i32 to vector<16xi32>
    %select_n3A_252 = arith.select %eq3A_247, %broadcast_in_dim3A_250, %broadcast_in_dim3A_251 : vector<16xi1>, vector<16xi32>
    %get3A_253 = arith.constant 16 : i32
    %get3A_254 = arith.index_cast %get3A_253 : i32 to index
    %get3A_255 = arith.constant 0 : index
    %get3A_256 = tpu.vector_load %arg7[%get3A_254, %get3A_255] {strides = array<i32>} : memref<128x128xi32, #tpu.memory_space<vmem>>, vector<1x16xi32>,
    %get3A_257 = vector.shape_cast %get3A_256 : vector<1x16xi32> to vector<16xi32>
    %mul3A_258 = arith.muli %get3A_257, %select_n3A_252 : vector<16xi32>
    %add3A_259 = arith.addi %broadcast_in_dim3A_244, %mul3A_258 : vector<16xi32>
    %eq3A_260 = arith.constant 1 : i32
    %eq3A_261 = vector.broadcast %eq3A_260 : i32 to vector<16xi32>
    %eq3A_262 = arith.cmpi eq, %iota3A, %eq3A_261 : vector<16xi32>
    %jit3A_263 = arith.constant 1 : i32
    %jit3A_264 = arith.constant 0 : i32
    %broadcast_in_dim3A_265 = vector.broadcast %jit3A_263 : i32 to vector<16xi32>
    %broadcast_in_dim3A_266 = vector.broadcast %jit3A_264 : i32 to vector<16xi32>
    %select_n3A_267 = arith.select %eq3A_262, %broadcast_in_dim3A_265, %broadcast_in_dim3A_266 : vector<16xi1>, vector<16xi32>
    %get3A_268 = arith.constant 17 : i32
    %get3A_269 = arith.index_cast %get3A_268 : i32 to index
    %get3A_270 = arith.constant 0 : index
    %get3A_271 = tpu.vector_load %arg7[%get3A_269, %get3A_270] {strides = array<i32>} : memref<128x128xi32, #tpu.memory_space<vmem>>, vector<1x16xi32>,
    %get3A_272 = vector.shape_cast %get3A_271 : vector<1x16xi32> to vector<16xi32>
    %mul3A_273 = arith.muli %get3A_272, %select_n3A_267 : vector<16xi32>
    %add3A_274 = arith.addi %add3A_259, %mul3A_273 : vector<16xi32>
    %eq3A_275 = arith.constant 2 : i32
    %eq3A_276 = vector.broadcast %eq3A_275 : i32 to vector<16xi32>
    %eq3A_277 = arith.cmpi eq, %iota3A, %eq3A_276 : vector<16xi32>
    %jit3A_278 = arith.constant 1 : i32
    %jit3A_279 = arith.constant 0 : i32
    %broadcast_in_dim3A_280 = vector.broadcast %jit3A_278 : i32 to vector<16xi32>
    %broadcast_in_dim3A_281 = vector.broadcast %jit3A_279 : i32 to vector<16xi32>
    %select_n3A_282 = arith.select %eq3A_277, %broadcast_in_dim3A_280, %broadcast_in_dim3A_281 : vector<16xi1>, vector<16xi32>
    %get3A_283 = arith.constant 18 : i32
    %get3A_284 = arith.index_cast %get3A_283 : i32 to index
    %get3A_285 = arith.constant 0 : index
    %get3A_286 = tpu.vector_load %arg7[%get3A_284, %get3A_285] {strides = array<i32>} : memref<128x128xi32, #tpu.memory_space<vmem>>, vector<1x16xi32>,
    %get3A_287 = vector.shape_cast %get3A_286 : vector<1x16xi32> to vector<16xi32>
    %mul3A_288 = arith.muli %get3A_287, %select_n3A_282 : vector<16xi32>
    %add3A_289 = arith.addi %add3A_274, %mul3A_288 : vector<16xi32>
    %eq3A_290 = arith.constant 3 : i32
    %eq3A_291 = vector.broadcast %eq3A_290 : i32 to vector<16xi32>
    %eq3A_292 = arith.cmpi eq, %iota3A, %eq3A_291 : vector<16xi32>
    %jit3A_293 = arith.constant 1 : i32
    %jit3A_294 = arith.constant 0 : i32
    %broadcast_in_dim3A_295 = vector.broadcast %jit3A_293 : i32 to vector<16xi32>
    %broadcast_in_dim3A_296 = vector.broadcast %jit3A_294 : i32 to vector<16xi32>
    %select_n3A_297 = arith.select %eq3A_292, %broadcast_in_dim3A_295, %broadcast_in_dim3A_296 : vector<16xi1>, vector<16xi32>
    %get3A_298 = arith.constant 19 : i32
    %get3A_299 = arith.index_cast %get3A_298 : i32 to index
    %get3A_300 = arith.constant 0 : index
    %get3A_301 = tpu.vector_load %arg7[%get3A_299, %get3A_300] {strides = array<i32>} : memref<128x128xi32, #tpu.memory_space<vmem>>, vector<1x16xi32>,
    %get3A_302 = vector.shape_cast %get3A_301 : vector<1x16xi32> to vector<16xi32>
    %mul3A_303 = arith.muli %get3A_302, %select_n3A_297 : vector<16xi32>
    %add3A_304 = arith.addi %add3A_289, %mul3A_303 : vector<16xi32>
    %eq3A_305 = arith.constant 4 : i32
    %eq3A_306 = vector.broadcast %eq3A_305 : i32 to vector<16xi32>
    %eq3A_307 = arith.cmpi eq, %iota3A, %eq3A_306 : vector<16xi32>
    %jit3A_308 = arith.constant 1 : i32
    %jit3A_309 = arith.constant 0 : i32
    %broadcast_in_dim3A_310 = vector.broadcast %jit3A_308 : i32 to vector<16xi32>
    %broadcast_in_dim3A_311 = vector.broadcast %jit3A_309 : i32 to vector<16xi32>
    %select_n3A_312 = arith.select %eq3A_307, %broadcast_in_dim3A_310, %broadcast_in_dim3A_311 : vector<16xi1>, vector<16xi32>
    %get3A_313 = arith.constant 20 : i32
    %get3A_314 = arith.index_cast %get3A_313 : i32 to index
    %get3A_315 = arith.constant 0 : index
    %get3A_316 = tpu.vector_load %arg7[%get3A_314, %get3A_315] {strides = array<i32>} : memref<128x128xi32, #tpu.memory_space<vmem>>, vector<1x16xi32>,
    %get3A_317 = vector.shape_cast %get3A_316 : vector<1x16xi32> to vector<16xi32>
    %mul3A_318 = arith.muli %get3A_317, %select_n3A_312 : vector<16xi32>
    %add3A_319 = arith.addi %add3A_304, %mul3A_318 : vector<16xi32>
    %eq3A_320 = arith.constant 5 : i32
    %eq3A_321 = vector.broadcast %eq3A_320 : i32 to vector<16xi32>
    %eq3A_322 = arith.cmpi eq, %iota3A, %eq3A_321 : vector<16xi32>
    %jit3A_323 = arith.constant 1 : i32
    %jit3A_324 = arith.constant 0 : i32
    %broadcast_in_dim3A_325 = vector.broadcast %jit3A_323 : i32 to vector<16xi32>
    %broadcast_in_dim3A_326 = vector.broadcast %jit3A_324 : i32 to vector<16xi32>
    %select_n3A_327 = arith.select %eq3A_322, %broadcast_in_dim3A_325, %broadcast_in_dim3A_326 : vector<16xi1>, vector<16xi32>
    %get3A_328 = arith.constant 21 : i32
    %get3A_329 = arith.index_cast %get3A_328 : i32 to index
    %get3A_330 = arith.constant 0 : index
    %get3A_331 = tpu.vector_load %arg7[%get3A_329, %get3A_330] {strides = array<i32>} : memref<128x128xi32, #tpu.memory_space<vmem>>, vector<1x16xi32>,
    %get3A_332 = vector.shape_cast %get3A_331 : vector<1x16xi32> to vector<16xi32>
    %mul3A_333 = arith.muli %get3A_332, %select_n3A_327 : vector<16xi32>
    %add3A_334 = arith.addi %add3A_319, %mul3A_333 : vector<16xi32>
    %eq3A_335 = arith.constant 6 : i32
    %eq3A_336 = vector.broadcast %eq3A_335 : i32 to vector<16xi32>
    %eq3A_337 = arith.cmpi eq, %iota3A, %eq3A_336 : vector<16xi32>
    %jit3A_338 = arith.constant 1 : i32
    %jit3A_339 = arith.constant 0 : i32
    %broadcast_in_dim3A_340 = vector.broadcast %jit3A_338 : i32 to vector<16xi32>
    %broadcast_in_dim3A_341 = vector.broadcast %jit3A_339 : i32 to vector<16xi32>
    %select_n3A_342 = arith.select %eq3A_337, %broadcast_in_dim3A_340, %broadcast_in_dim3A_341 : vector<16xi1>, vector<16xi32>
    %get3A_343 = arith.constant 22 : i32
    %get3A_344 = arith.index_cast %get3A_343 : i32 to index
    %get3A_345 = arith.constant 0 : index
    %get3A_346 = tpu.vector_load %arg7[%get3A_344, %get3A_345] {strides = array<i32>} : memref<128x128xi32, #tpu.memory_space<vmem>>, vector<1x16xi32>,
    %get3A_347 = vector.shape_cast %get3A_346 : vector<1x16xi32> to vector<16xi32>
    %mul3A_348 = arith.muli %get3A_347, %select_n3A_342 : vector<16xi32>
    %add3A_349 = arith.addi %add3A_334, %mul3A_348 : vector<16xi32>
    %eq3A_350 = arith.constant 7 : i32
    %eq3A_351 = vector.broadcast %eq3A_350 : i32 to vector<16xi32>
    %eq3A_352 = arith.cmpi eq, %iota3A, %eq3A_351 : vector<16xi32>
    %jit3A_353 = arith.constant 1 : i32
    %jit3A_354 = arith.constant 0 : i32
    %broadcast_in_dim3A_355 = vector.broadcast %jit3A_353 : i32 to vector<16xi32>
    %broadcast_in_dim3A_356 = vector.broadcast %jit3A_354 : i32 to vector<16xi32>
    %select_n3A_357 = arith.select %eq3A_352, %broadcast_in_dim3A_355, %broadcast_in_dim3A_356 : vector<16xi1>, vector<16xi32>
    %get3A_358 = arith.constant 23 : i32
    %get3A_359 = arith.index_cast %get3A_358 : i32 to index
    %get3A_360 = arith.constant 0 : index
    %get3A_361 = tpu.vector_load %arg7[%get3A_359, %get3A_360] {strides = array<i32>} : memref<128x128xi32, #tpu.memory_space<vmem>>, vector<1x16xi32>,
    %get3A_362 = vector.shape_cast %get3A_361 : vector<1x16xi32> to vector<16xi32>
    %mul3A_363 = arith.muli %get3A_362, %select_n3A_357 : vector<16xi32>
    %add3A_364 = arith.addi %add3A_349, %mul3A_363 : vector<16xi32>
    %eq3A_365 = arith.constant 8 : i32
    %eq3A_366 = vector.broadcast %eq3A_365 : i32 to vector<16xi32>
    %eq3A_367 = arith.cmpi eq, %iota3A, %eq3A_366 : vector<16xi32>
    %jit3A_368 = arith.constant 1 : i32
    %jit3A_369 = arith.constant 0 : i32
    %broadcast_in_dim3A_370 = vector.broadcast %jit3A_368 : i32 to vector<16xi32>
    %broadcast_in_dim3A_371 = vector.broadcast %jit3A_369 : i32 to vector<16xi32>
    %select_n3A_372 = arith.select %eq3A_367, %broadcast_in_dim3A_370, %broadcast_in_dim3A_371 : vector<16xi1>, vector<16xi32>
    %get3A_373 = arith.constant 24 : i32
    %get3A_374 = arith.index_cast %get3A_373 : i32 to index
    %get3A_375 = arith.constant 0 : index
    %get3A_376 = tpu.vector_load %arg7[%get3A_374, %get3A_375] {strides = array<i32>} : memref<128x128xi32, #tpu.memory_space<vmem>>, vector<1x16xi32>,
    %get3A_377 = vector.shape_cast %get3A_376 : vector<1x16xi32> to vector<16xi32>
    %mul3A_378 = arith.muli %get3A_377, %select_n3A_372 : vector<16xi32>
    %add3A_379 = arith.addi %add3A_364, %mul3A_378 : vector<16xi32>
    %eq3A_380 = arith.constant 9 : i32
    %eq3A_381 = vector.broadcast %eq3A_380 : i32 to vector<16xi32>
    %eq3A_382 = arith.cmpi eq, %iota3A, %eq3A_381 : vector<16xi32>
    %jit3A_383 = arith.constant 1 : i32
    %jit3A_384 = arith.constant 0 : i32
    %broadcast_in_dim3A_385 = vector.broadcast %jit3A_383 : i32 to vector<16xi32>
    %broadcast_in_dim3A_386 = vector.broadcast %jit3A_384 : i32 to vector<16xi32>
    %select_n3A_387 = arith.select %eq3A_382, %broadcast_in_dim3A_385, %broadcast_in_dim3A_386 : vector<16xi1>, vector<16xi32>
    %get3A_388 = arith.constant 25 : i32
    %get3A_389 = arith.index_cast %get3A_388 : i32 to index
    %get3A_390 = arith.constant 0 : index
    %get3A_391 = tpu.vector_load %arg7[%get3A_389, %get3A_390] {strides = array<i32>} : memref<128x128xi32, #tpu.memory_space<vmem>>, vector<1x16xi32>,
    %get3A_392 = vector.shape_cast %get3A_391 : vector<1x16xi32> to vector<16xi32>
    %mul3A_393 = arith.muli %get3A_392, %select_n3A_387 : vector<16xi32>
    %add3A_394 = arith.addi %add3A_379, %mul3A_393 : vector<16xi32>
    %eq3A_395 = arith.constant 10 : i32
    %eq3A_396 = vector.broadcast %eq3A_395 : i32 to vector<16xi32>
    %eq3A_397 = arith.cmpi eq, %iota3A, %eq3A_396 : vector<16xi32>
    %jit3A_398 = arith.constant 1 : i32
    %jit3A_399 = arith.constant 0 : i32
    %broadcast_in_dim3A_400 = vector.broadcast %jit3A_398 : i32 to vector<16xi32>
    %broadcast_in_dim3A_401 = vector.broadcast %jit3A_399 : i32 to vector<16xi32>
    %select_n3A_402 = arith.select %eq3A_397, %broadcast_in_dim3A_400, %broadcast_in_dim3A_401 : vector<16xi1>, vector<16xi32>
    %get3A_403 = arith.constant 26 : i32
    %get3A_404 = arith.index_cast %get3A_403 : i32 to index
    %get3A_405 = arith.constant 0 : index
    %get3A_406 = tpu.vector_load %arg7[%get3A_404, %get3A_405] {strides = array<i32>} : memref<128x128xi32, #tpu.memory_space<vmem>>, vector<1x16xi32>,
    %get3A_407 = vector.shape_cast %get3A_406 : vector<1x16xi32> to vector<16xi32>
    %mul3A_408 = arith.muli %get3A_407, %select_n3A_402 : vector<16xi32>
    %add3A_409 = arith.addi %add3A_394, %mul3A_408 : vector<16xi32>
    %eq3A_410 = arith.constant 11 : i32
    %eq3A_411 = vector.broadcast %eq3A_410 : i32 to vector<16xi32>
    %eq3A_412 = arith.cmpi eq, %iota3A, %eq3A_411 : vector<16xi32>
    %jit3A_413 = arith.constant 1 : i32
    %jit3A_414 = arith.constant 0 : i32
    %broadcast_in_dim3A_415 = vector.broadcast %jit3A_413 : i32 to vector<16xi32>
    %broadcast_in_dim3A_416 = vector.broadcast %jit3A_414 : i32 to vector<16xi32>
    %select_n3A_417 = arith.select %eq3A_412, %broadcast_in_dim3A_415, %broadcast_in_dim3A_416 : vector<16xi1>, vector<16xi32>
    %get3A_418 = arith.constant 27 : i32
    %get3A_419 = arith.index_cast %get3A_418 : i32 to index
    %get3A_420 = arith.constant 0 : index
    %get3A_421 = tpu.vector_load %arg7[%get3A_419, %get3A_420] {strides = array<i32>} : memref<128x128xi32, #tpu.memory_space<vmem>>, vector<1x16xi32>,
    %get3A_422 = vector.shape_cast %get3A_421 : vector<1x16xi32> to vector<16xi32>
    %mul3A_423 = arith.muli %get3A_422, %select_n3A_417 : vector<16xi32>
    %add3A_424 = arith.addi %add3A_409, %mul3A_423 : vector<16xi32>
    %eq3A_425 = arith.constant 12 : i32
    %eq3A_426 = vector.broadcast %eq3A_425 : i32 to vector<16xi32>
    %eq3A_427 = arith.cmpi eq, %iota3A, %eq3A_426 : vector<16xi32>
    %jit3A_428 = arith.constant 1 : i32
    %jit3A_429 = arith.constant 0 : i32
    %broadcast_in_dim3A_430 = vector.broadcast %jit3A_428 : i32 to vector<16xi32>
    %broadcast_in_dim3A_431 = vector.broadcast %jit3A_429 : i32 to vector<16xi32>
    %select_n3A_432 = arith.select %eq3A_427, %broadcast_in_dim3A_430, %broadcast_in_dim3A_431 : vector<16xi1>, vector<16xi32>
    %get3A_433 = arith.constant 28 : i32
    %get3A_434 = arith.index_cast %get3A_433 : i32 to index
    %get3A_435 = arith.constant 0 : index
    %get3A_436 = tpu.vector_load %arg7[%get3A_434, %get3A_435] {strides = array<i32>} : memref<128x128xi32, #tpu.memory_space<vmem>>, vector<1x16xi32>,
    %get3A_437 = vector.shape_cast %get3A_436 : vector<1x16xi32> to vector<16xi32>
    %mul3A_438 = arith.muli %get3A_437, %select_n3A_432 : vector<16xi32>
    %add3A_439 = arith.addi %add3A_424, %mul3A_438 : vector<16xi32>
    %eq3A_440 = arith.constant 13 : i32
    %eq3A_441 = vector.broadcast %eq3A_440 : i32 to vector<16xi32>
    %eq3A_442 = arith.cmpi eq, %iota3A, %eq3A_441 : vector<16xi32>
    %jit3A_443 = arith.constant 1 : i32
    %jit3A_444 = arith.constant 0 : i32
    %broadcast_in_dim3A_445 = vector.broadcast %jit3A_443 : i32 to vector<16xi32>
    %broadcast_in_dim3A_446 = vector.broadcast %jit3A_444 : i32 to vector<16xi32>
    %select_n3A_447 = arith.select %eq3A_442, %broadcast_in_dim3A_445, %broadcast_in_dim3A_446 : vector<16xi1>, vector<16xi32>
    %get3A_448 = arith.constant 29 : i32
    %get3A_449 = arith.index_cast %get3A_448 : i32 to index
    %get3A_450 = arith.constant 0 : index
    %get3A_451 = tpu.vector_load %arg7[%get3A_449, %get3A_450] {strides = array<i32>} : memref<128x128xi32, #tpu.memory_space<vmem>>, vector<1x16xi32>,
    %get3A_452 = vector.shape_cast %get3A_451 : vector<1x16xi32> to vector<16xi32>
    %mul3A_453 = arith.muli %get3A_452, %select_n3A_447 : vector<16xi32>
    %add3A_454 = arith.addi %add3A_439, %mul3A_453 : vector<16xi32>
    %eq3A_455 = arith.constant 14 : i32
    %eq3A_456 = vector.broadcast %eq3A_455 : i32 to vector<16xi32>
    %eq3A_457 = arith.cmpi eq, %iota3A, %eq3A_456 : vector<16xi32>
    %jit3A_458 = arith.constant 1 : i32
    %jit3A_459 = arith.constant 0 : i32
    %broadcast_in_dim3A_460 = vector.broadcast %jit3A_458 : i32 to vector<16xi32>
    %broadcast_in_dim3A_461 = vector.broadcast %jit3A_459 : i32 to vector<16xi32>
    %select_n3A_462 = arith.select %eq3A_457, %broadcast_in_dim3A_460, %broadcast_in_dim3A_461 : vector<16xi1>, vector<16xi32>
    %get3A_463 = arith.constant 30 : i32
    %get3A_464 = arith.index_cast %get3A_463 : i32 to index
    %get3A_465 = arith.constant 0 : index
    %get3A_466 = tpu.vector_load %arg7[%get3A_464, %get3A_465] {strides = array<i32>} : memref<128x128xi32, #tpu.memory_space<vmem>>, vector<1x16xi32>,
    %get3A_467 = vector.shape_cast %get3A_466 : vector<1x16xi32> to vector<16xi32>
    %mul3A_468 = arith.muli %get3A_467, %select_n3A_462 : vector<16xi32>
    %add3A_469 = arith.addi %add3A_454, %mul3A_468 : vector<16xi32>
    %eq3A_470 = arith.constant 15 : i32
    %eq3A_471 = vector.broadcast %eq3A_470 : i32 to vector<16xi32>
    %eq3A_472 = arith.cmpi eq, %iota3A, %eq3A_471 : vector<16xi32>
    %jit3A_473 = arith.constant 1 : i32
    %jit3A_474 = arith.constant 0 : i32
    %broadcast_in_dim3A_475 = vector.broadcast %jit3A_473 : i32 to vector<16xi32>
    %broadcast_in_dim3A_476 = vector.broadcast %jit3A_474 : i32 to vector<16xi32>
    %select_n3A_477 = arith.select %eq3A_472, %broadcast_in_dim3A_475, %broadcast_in_dim3A_476 : vector<16xi1>, vector<16xi32>
    %get3A_478 = arith.constant 31 : i32
    %get3A_479 = arith.index_cast %get3A_478 : i32 to index
    %get3A_480 = arith.constant 0 : index
    %get3A_481 = tpu.vector_load %arg7[%get3A_479, %get3A_480] {strides = array<i32>} : memref<128x128xi32, #tpu.memory_space<vmem>>, vector<1x16xi32>,
    %get3A_482 = vector.shape_cast %get3A_481 : vector<1x16xi32> to vector<16xi32>
    %mul3A_483 = arith.muli %get3A_482, %select_n3A_477 : vector<16xi32>
    %add3A_484 = arith.addi %add3A_469, %mul3A_483 : vector<16xi32>
    %swap3A_485 = arith.constant 16 : index
    %swap3A_486 = tpu.vector_load %arg8[%swap3A_485] {strides = array<i32>} : memref<128xi32, #tpu.memory_space<vmem>>, vector<16xi32>,
    %swap3A_487 = vector.shape_cast %swap3A_486 : vector<16xi32> to vector<16xi32>
    %swap3A_488 = vector.shape_cast %add3A_484 : vector<16xi32> to vector<16xi32>
    tpu.vector_store %arg8[%swap3A_485], %swap3A_488 {strides = array<i32>} : memref<128xi32, #tpu.memory_space<vmem>>, vector<16xi32>,
    %broadcast_in_dim3A_489 = arith.constant 0 : i32
    %broadcast_in_dim3A_490 = vector.broadcast %broadcast_in_dim3A_489 : i32 to vector<16xi32>
    %eq3A_491 = arith.constant 0 : i32
    %eq3A_492 = vector.broadcast %eq3A_491 : i32 to vector<16xi32>
    %eq3A_493 = arith.cmpi eq, %iota3A, %eq3A_492 : vector<16xi32>
    %jit3A_494 = arith.constant 1 : i32
    %jit3A_495 = arith.constant 0 : i32
    %broadcast_in_dim3A_496 = vector.broadcast %jit3A_494 : i32 to vector<16xi32>
    %broadcast_in_dim3A_497 = vector.broadcast %jit3A_495 : i32 to vector<16xi32>
    %select_n3A_498 = arith.select %eq3A_493, %broadcast_in_dim3A_496, %broadcast_in_dim3A_497 : vector<16xi1>, vector<16xi32>
    %get3A_499 = arith.constant 32 : i32
    %get3A_500 = arith.index_cast %get3A_499 : i32 to index
    %get3A_501 = arith.constant 0 : index
    %get3A_502 = tpu.vector_load %arg7[%get3A_500, %get3A_501] {strides = array<i32>} : memref<128x128xi32, #tpu.memory_space<vmem>>, vector<1x16xi32>,
    %get3A_503 = vector.shape_cast %get3A_502 : vector<1x16xi32> to vector<16xi32>
    %mul3A_504 = arith.muli %get3A_503, %select_n3A_498 : vector<16xi32>
    %add3A_505 = arith.addi %broadcast_in_dim3A_490, %mul3A_504 : vector<16xi32>
    %eq3A_506 = arith.constant 1 : i32
    %eq3A_507 = vector.broadcast %eq3A_506 : i32 to vector<16xi32>
    %eq3A_508 = arith.cmpi eq, %iota3A, %eq3A_507 : vector<16xi32>
    %jit3A_509 = arith.constant 1 : i32
    %jit3A_510 = arith.constant 0 : i32
    %broadcast_in_dim3A_511 = vector.broadcast %jit3A_509 : i32 to vector<16xi32>
    %broadcast_in_dim3A_512 = vector.broadcast %jit3A_510 : i32 to vector<16xi32>
    %select_n3A_513 = arith.select %eq3A_508, %broadcast_in_dim3A_511, %broadcast_in_dim3A_512 : vector<16xi1>, vector<16xi32>
    %get3A_514 = arith.constant 33 : i32
    %get3A_515 = arith.index_cast %get3A_514 : i32 to index
    %get3A_516 = arith.constant 0 : index
    %get3A_517 = tpu.vector_load %arg7[%get3A_515, %get3A_516] {strides = array<i32>} : memref<128x128xi32, #tpu.memory_space<vmem>>, vector<1x16xi32>,
    %get3A_518 = vector.shape_cast %get3A_517 : vector<1x16xi32> to vector<16xi32>
    %mul3A_519 = arith.muli %get3A_518, %select_n3A_513 : vector<16xi32>
    %add3A_520 = arith.addi %add3A_505, %mul3A_519 : vector<16xi32>
    %eq3A_521 = arith.constant 2 : i32
    %eq3A_522 = vector.broadcast %eq3A_521 : i32 to vector<16xi32>
    %eq3A_523 = arith.cmpi eq, %iota3A, %eq3A_522 : vector<16xi32>
    %jit3A_524 = arith.constant 1 : i32
    %jit3A_525 = arith.constant 0 : i32
    %broadcast_in_dim3A_526 = vector.broadcast %jit3A_524 : i32 to vector<16xi32>
    %broadcast_in_dim3A_527 = vector.broadcast %jit3A_525 : i32 to vector<16xi32>
    %select_n3A_528 = arith.select %eq3A_523, %broadcast_in_dim3A_526, %broadcast_in_dim3A_527 : vector<16xi1>, vector<16xi32>
    %get3A_529 = arith.constant 34 : i32
    %get3A_530 = arith.index_cast %get3A_529 : i32 to index
    %get3A_531 = arith.constant 0 : index
    %get3A_532 = tpu.vector_load %arg7[%get3A_530, %get3A_531] {strides = array<i32>} : memref<128x128xi32, #tpu.memory_space<vmem>>, vector<1x16xi32>,
    %get3A_533 = vector.shape_cast %get3A_532 : vector<1x16xi32> to vector<16xi32>
    %mul3A_534 = arith.muli %get3A_533, %select_n3A_528 : vector<16xi32>
    %add3A_535 = arith.addi %add3A_520, %mul3A_534 : vector<16xi32>
    %eq3A_536 = arith.constant 3 : i32
    %eq3A_537 = vector.broadcast %eq3A_536 : i32 to vector<16xi32>
    %eq3A_538 = arith.cmpi eq, %iota3A, %eq3A_537 : vector<16xi32>
    %jit3A_539 = arith.constant 1 : i32
    %jit3A_540 = arith.constant 0 : i32
    %broadcast_in_dim3A_541 = vector.broadcast %jit3A_539 : i32 to vector<16xi32>
    %broadcast_in_dim3A_542 = vector.broadcast %jit3A_540 : i32 to vector<16xi32>
    %select_n3A_543 = arith.select %eq3A_538, %broadcast_in_dim3A_541, %broadcast_in_dim3A_542 : vector<16xi1>, vector<16xi32>
    %get3A_544 = arith.constant 35 : i32
    %get3A_545 = arith.index_cast %get3A_544 : i32 to index
    %get3A_546 = arith.constant 0 : index
    %get3A_547 = tpu.vector_load %arg7[%get3A_545, %get3A_546] {strides = array<i32>} : memref<128x128xi32, #tpu.memory_space<vmem>>, vector<1x16xi32>,
    %get3A_548 = vector.shape_cast %get3A_547 : vector<1x16xi32> to vector<16xi32>
    %mul3A_549 = arith.muli %get3A_548, %select_n3A_543 : vector<16xi32>
    %add3A_550 = arith.addi %add3A_535, %mul3A_549 : vector<16xi32>
    %eq3A_551 = arith.constant 4 : i32
    %eq3A_552 = vector.broadcast %eq3A_551 : i32 to vector<16xi32>
    %eq3A_553 = arith.cmpi eq, %iota3A, %eq3A_552 : vector<16xi32>
    %jit3A_554 = arith.constant 1 : i32
    %jit3A_555 = arith.constant 0 : i32
    %broadcast_in_dim3A_556 = vector.broadcast %jit3A_554 : i32 to vector<16xi32>
    %broadcast_in_dim3A_557 = vector.broadcast %jit3A_555 : i32 to vector<16xi32>
    %select_n3A_558 = arith.select %eq3A_553, %broadcast_in_dim3A_556, %broadcast_in_dim3A_557 : vector<16xi1>, vector<16xi32>
    %get3A_559 = arith.constant 36 : i32
    %get3A_560 = arith.index_cast %get3A_559 : i32 to index
    %get3A_561 = arith.constant 0 : index
    %get3A_562 = tpu.vector_load %arg7[%get3A_560, %get3A_561] {strides = array<i32>} : memref<128x128xi32, #tpu.memory_space<vmem>>, vector<1x16xi32>,
    %get3A_563 = vector.shape_cast %get3A_562 : vector<1x16xi32> to vector<16xi32>
    %mul3A_564 = arith.muli %get3A_563, %select_n3A_558 : vector<16xi32>
    %add3A_565 = arith.addi %add3A_550, %mul3A_564 : vector<16xi32>
    %eq3A_566 = arith.constant 5 : i32
    %eq3A_567 = vector.broadcast %eq3A_566 : i32 to vector<16xi32>
    %eq3A_568 = arith.cmpi eq, %iota3A, %eq3A_567 : vector<16xi32>
    %jit3A_569 = arith.constant 1 : i32
    %jit3A_570 = arith.constant 0 : i32
    %broadcast_in_dim3A_571 = vector.broadcast %jit3A_569 : i32 to vector<16xi32>
    %broadcast_in_dim3A_572 = vector.broadcast %jit3A_570 : i32 to vector<16xi32>
    %select_n3A_573 = arith.select %eq3A_568, %broadcast_in_dim3A_571, %broadcast_in_dim3A_572 : vector<16xi1>, vector<16xi32>
    %get3A_574 = arith.constant 37 : i32
    %get3A_575 = arith.index_cast %get3A_574 : i32 to index
    %get3A_576 = arith.constant 0 : index
    %get3A_577 = tpu.vector_load %arg7[%get3A_575, %get3A_576] {strides = array<i32>} : memref<128x128xi32, #tpu.memory_space<vmem>>, vector<1x16xi32>,
    %get3A_578 = vector.shape_cast %get3A_577 : vector<1x16xi32> to vector<16xi32>
    %mul3A_579 = arith.muli %get3A_578, %select_n3A_573 : vector<16xi32>
    %add3A_580 = arith.addi %add3A_565, %mul3A_579 : vector<16xi32>
    %eq3A_581 = arith.constant 6 : i32
    %eq3A_582 = vector.broadcast %eq3A_581 : i32 to vector<16xi32>
    %eq3A_583 = arith.cmpi eq, %iota3A, %eq3A_582 : vector<16xi32>
    %jit3A_584 = arith.constant 1 : i32
    %jit3A_585 = arith.constant 0 : i32
    %broadcast_in_dim3A_586 = vector.broadcast %jit3A_584 : i32 to vector<16xi32>
    %broadcast_in_dim3A_587 = vector.broadcast %jit3A_585 : i32 to vector<16xi32>
    %select_n3A_588 = arith.select %eq3A_583, %broadcast_in_dim3A_586, %broadcast_in_dim3A_587 : vector<16xi1>, vector<16xi32>
    %get3A_589 = arith.constant 38 : i32
    %get3A_590 = arith.index_cast %get3A_589 : i32 to index
    %get3A_591 = arith.constant 0 : index
    %get3A_592 = tpu.vector_load %arg7[%get3A_590, %get3A_591] {strides = array<i32>} : memref<128x128xi32, #tpu.memory_space<vmem>>, vector<1x16xi32>,
    %get3A_593 = vector.shape_cast %get3A_592 : vector<1x16xi32> to vector<16xi32>
    %mul3A_594 = arith.muli %get3A_593, %select_n3A_588 : vector<16xi32>
    %add3A_595 = arith.addi %add3A_580, %mul3A_594 : vector<16xi32>
    %eq3A_596 = arith.constant 7 : i32
    %eq3A_597 = vector.broadcast %eq3A_596 : i32 to vector<16xi32>
    %eq3A_598 = arith.cmpi eq, %iota3A, %eq3A_597 : vector<16xi32>
    %jit3A_599 = arith.constant 1 : i32
    %jit3A_600 = arith.constant 0 : i32
    %broadcast_in_dim3A_601 = vector.broadcast %jit3A_599 : i32 to vector<16xi32>
    %broadcast_in_dim3A_602 = vector.broadcast %jit3A_600 : i32 to vector<16xi32>
    %select_n3A_603 = arith.select %eq3A_598, %broadcast_in_dim3A_601, %broadcast_in_dim3A_602 : vector<16xi1>, vector<16xi32>
    %get3A_604 = arith.constant 39 : i32
    %get3A_605 = arith.index_cast %get3A_604 : i32 to index
    %get3A_606 = arith.constant 0 : index
    %get3A_607 = tpu.vector_load %arg7[%get3A_605, %get3A_606] {strides = array<i32>} : memref<128x128xi32, #tpu.memory_space<vmem>>, vector<1x16xi32>,
    %get3A_608 = vector.shape_cast %get3A_607 : vector<1x16xi32> to vector<16xi32>
    %mul3A_609 = arith.muli %get3A_608, %select_n3A_603 : vector<16xi32>
    %add3A_610 = arith.addi %add3A_595, %mul3A_609 : vector<16xi32>
    %eq3A_611 = arith.constant 8 : i32
    %eq3A_612 = vector.broadcast %eq3A_611 : i32 to vector<16xi32>
    %eq3A_613 = arith.cmpi eq, %iota3A, %eq3A_612 : vector<16xi32>
    %jit3A_614 = arith.constant 1 : i32
    %jit3A_615 = arith.constant 0 : i32
    %broadcast_in_dim3A_616 = vector.broadcast %jit3A_614 : i32 to vector<16xi32>
    %broadcast_in_dim3A_617 = vector.broadcast %jit3A_615 : i32 to vector<16xi32>
    %select_n3A_618 = arith.select %eq3A_613, %broadcast_in_dim3A_616, %broadcast_in_dim3A_617 : vector<16xi1>, vector<16xi32>
    %get3A_619 = arith.constant 40 : i32
    %get3A_620 = arith.index_cast %get3A_619 : i32 to index
    %get3A_621 = arith.constant 0 : index
    %get3A_622 = tpu.vector_load %arg7[%get3A_620, %get3A_621] {strides = array<i32>} : memref<128x128xi32, #tpu.memory_space<vmem>>, vector<1x16xi32>,
    %get3A_623 = vector.shape_cast %get3A_622 : vector<1x16xi32> to vector<16xi32>
    %mul3A_624 = arith.muli %get3A_623, %select_n3A_618 : vector<16xi32>
    %add3A_625 = arith.addi %add3A_610, %mul3A_624 : vector<16xi32>
    %eq3A_626 = arith.constant 9 : i32
    %eq3A_627 = vector.broadcast %eq3A_626 : i32 to vector<16xi32>
    %eq3A_628 = arith.cmpi eq, %iota3A, %eq3A_627 : vector<16xi32>
    %jit3A_629 = arith.constant 1 : i32
    %jit3A_630 = arith.constant 0 : i32
    %broadcast_in_dim3A_631 = vector.broadcast %jit3A_629 : i32 to vector<16xi32>
    %broadcast_in_dim3A_632 = vector.broadcast %jit3A_630 : i32 to vector<16xi32>
    %select_n3A_633 = arith.select %eq3A_628, %broadcast_in_dim3A_631, %broadcast_in_dim3A_632 : vector<16xi1>, vector<16xi32>
    %get3A_634 = arith.constant 41 : i32
    %get3A_635 = arith.index_cast %get3A_634 : i32 to index
    %get3A_636 = arith.constant 0 : index
    %get3A_637 = tpu.vector_load %arg7[%get3A_635, %get3A_636] {strides = array<i32>} : memref<128x128xi32, #tpu.memory_space<vmem>>, vector<1x16xi32>,
    %get3A_638 = vector.shape_cast %get3A_637 : vector<1x16xi32> to vector<16xi32>
    %mul3A_639 = arith.muli %get3A_638, %select_n3A_633 : vector<16xi32>
    %add3A_640 = arith.addi %add3A_625, %mul3A_639 : vector<16xi32>
    %eq3A_641 = arith.constant 10 : i32
    %eq3A_642 = vector.broadcast %eq3A_641 : i32 to vector<16xi32>
    %eq3A_643 = arith.cmpi eq, %iota3A, %eq3A_642 : vector<16xi32>
    %jit3A_644 = arith.constant 1 : i32
    %jit3A_645 = arith.constant 0 : i32
    %broadcast_in_dim3A_646 = vector.broadcast %jit3A_644 : i32 to vector<16xi32>
    %broadcast_in_dim3A_647 = vector.broadcast %jit3A_645 : i32 to vector<16xi32>
    %select_n3A_648 = arith.select %eq3A_643, %broadcast_in_dim3A_646, %broadcast_in_dim3A_647 : vector<16xi1>, vector<16xi32>
    %get3A_649 = arith.constant 42 : i32
    %get3A_650 = arith.index_cast %get3A_649 : i32 to index
    %get3A_651 = arith.constant 0 : index
    %get3A_652 = tpu.vector_load %arg7[%get3A_650, %get3A_651] {strides = array<i32>} : memref<128x128xi32, #tpu.memory_space<vmem>>, vector<1x16xi32>,
    %get3A_653 = vector.shape_cast %get3A_652 : vector<1x16xi32> to vector<16xi32>
    %mul3A_654 = arith.muli %get3A_653, %select_n3A_648 : vector<16xi32>
    %add3A_655 = arith.addi %add3A_640, %mul3A_654 : vector<16xi32>
    %eq3A_656 = arith.constant 11 : i32
    %eq3A_657 = vector.broadcast %eq3A_656 : i32 to vector<16xi32>
    %eq3A_658 = arith.cmpi eq, %iota3A, %eq3A_657 : vector<16xi32>
    %jit3A_659 = arith.constant 1 : i32
    %jit3A_660 = arith.constant 0 : i32
    %broadcast_in_dim3A_661 = vector.broadcast %jit3A_659 : i32 to vector<16xi32>
    %broadcast_in_dim3A_662 = vector.broadcast %jit3A_660 : i32 to vector<16xi32>
    %select_n3A_663 = arith.select %eq3A_658, %broadcast_in_dim3A_661, %broadcast_in_dim3A_662 : vector<16xi1>, vector<16xi32>
    %get3A_664 = arith.constant 43 : i32
    %get3A_665 = arith.index_cast %get3A_664 : i32 to index
    %get3A_666 = arith.constant 0 : index
    %get3A_667 = tpu.vector_load %arg7[%get3A_665, %get3A_666] {strides = array<i32>} : memref<128x128xi32, #tpu.memory_space<vmem>>, vector<1x16xi32>,
    %get3A_668 = vector.shape_cast %get3A_667 : vector<1x16xi32> to vector<16xi32>
    %mul3A_669 = arith.muli %get3A_668, %select_n3A_663 : vector<16xi32>
    %add3A_670 = arith.addi %add3A_655, %mul3A_669 : vector<16xi32>
    %eq3A_671 = arith.constant 12 : i32
    %eq3A_672 = vector.broadcast %eq3A_671 : i32 to vector<16xi32>
    %eq3A_673 = arith.cmpi eq, %iota3A, %eq3A_672 : vector<16xi32>
    %jit3A_674 = arith.constant 1 : i32
    %jit3A_675 = arith.constant 0 : i32
    %broadcast_in_dim3A_676 = vector.broadcast %jit3A_674 : i32 to vector<16xi32>
    %broadcast_in_dim3A_677 = vector.broadcast %jit3A_675 : i32 to vector<16xi32>
    %select_n3A_678 = arith.select %eq3A_673, %broadcast_in_dim3A_676, %broadcast_in_dim3A_677 : vector<16xi1>, vector<16xi32>
    %get3A_679 = arith.constant 44 : i32
    %get3A_680 = arith.index_cast %get3A_679 : i32 to index
    %get3A_681 = arith.constant 0 : index
    %get3A_682 = tpu.vector_load %arg7[%get3A_680, %get3A_681] {strides = array<i32>} : memref<128x128xi32, #tpu.memory_space<vmem>>, vector<1x16xi32>,
    %get3A_683 = vector.shape_cast %get3A_682 : vector<1x16xi32> to vector<16xi32>
    %mul3A_684 = arith.muli %get3A_683, %select_n3A_678 : vector<16xi32>
    %add3A_685 = arith.addi %add3A_670, %mul3A_684 : vector<16xi32>
    %eq3A_686 = arith.constant 13 : i32
    %eq3A_687 = vector.broadcast %eq3A_686 : i32 to vector<16xi32>
    %eq3A_688 = arith.cmpi eq, %iota3A, %eq3A_687 : vector<16xi32>
    %jit3A_689 = arith.constant 1 : i32
    %jit3A_690 = arith.constant 0 : i32
    %broadcast_in_dim3A_691 = vector.broadcast %jit3A_689 : i32 to vector<16xi32>
    %broadcast_in_dim3A_692 = vector.broadcast %jit3A_690 : i32 to vector<16xi32>
    %select_n3A_693 = arith.select %eq3A_688, %broadcast_in_dim3A_691, %broadcast_in_dim3A_692 : vector<16xi1>, vector<16xi32>
    %get3A_694 = arith.constant 45 : i32
    %get3A_695 = arith.index_cast %get3A_694 : i32 to index
    %get3A_696 = arith.constant 0 : index
    %get3A_697 = tpu.vector_load %arg7[%get3A_695, %get3A_696] {strides = array<i32>} : memref<128x128xi32, #tpu.memory_space<vmem>>, vector<1x16xi32>,
    %get3A_698 = vector.shape_cast %get3A_697 : vector<1x16xi32> to vector<16xi32>
    %mul3A_699 = arith.muli %get3A_698, %select_n3A_693 : vector<16xi32>
    %add3A_700 = arith.addi %add3A_685, %mul3A_699 : vector<16xi32>
    %eq3A_701 = arith.constant 14 : i32
    %eq3A_702 = vector.broadcast %eq3A_701 : i32 to vector<16xi32>
    %eq3A_703 = arith.cmpi eq, %iota3A, %eq3A_702 : vector<16xi32>
    %jit3A_704 = arith.constant 1 : i32
    %jit3A_705 = arith.constant 0 : i32
    %broadcast_in_dim3A_706 = vector.broadcast %jit3A_704 : i32 to vector<16xi32>
    %broadcast_in_dim3A_707 = vector.broadcast %jit3A_705 : i32 to vector<16xi32>
    %select_n3A_708 = arith.select %eq3A_703, %broadcast_in_dim3A_706, %broadcast_in_dim3A_707 : vector<16xi1>, vector<16xi32>
    %get3A_709 = arith.constant 46 : i32
    %get3A_710 = arith.index_cast %get3A_709 : i32 to index
    %get3A_711 = arith.constant 0 : index
    %get3A_712 = tpu.vector_load %arg7[%get3A_710, %get3A_711] {strides = array<i32>} : memref<128x128xi32, #tpu.memory_space<vmem>>, vector<1x16xi32>,
    %get3A_713 = vector.shape_cast %get3A_712 : vector<1x16xi32> to vector<16xi32>
    %mul3A_714 = arith.muli %get3A_713, %select_n3A_708 : vector<16xi32>
    %add3A_715 = arith.addi %add3A_700, %mul3A_714 : vector<16xi32>
    %eq3A_716 = arith.constant 15 : i32
    %eq3A_717 = vector.broadcast %eq3A_716 : i32 to vector<16xi32>
    %eq3A_718 = arith.cmpi eq, %iota3A, %eq3A_717 : vector<16xi32>
    %jit3A_719 = arith.constant 1 : i32
    %jit3A_720 = arith.constant 0 : i32
    %broadcast_in_dim3A_721 = vector.broadcast %jit3A_719 : i32 to vector<16xi32>
    %broadcast_in_dim3A_722 = vector.broadcast %jit3A_720 : i32 to vector<16xi32>
    %select_n3A_723 = arith.select %eq3A_718, %broadcast_in_dim3A_721, %broadcast_in_dim3A_722 : vector<16xi1>, vector<16xi32>
    %get3A_724 = arith.constant 47 : i32
    %get3A_725 = arith.index_cast %get3A_724 : i32 to index
    %get3A_726 = arith.constant 0 : index
    %get3A_727 = tpu.vector_load %arg7[%get3A_725, %get3A_726] {strides = array<i32>} : memref<128x128xi32, #tpu.memory_space<vmem>>, vector<1x16xi32>,
    %get3A_728 = vector.shape_cast %get3A_727 : vector<1x16xi32> to vector<16xi32>
    %mul3A_729 = arith.muli %get3A_728, %select_n3A_723 : vector<16xi32>
    %add3A_730 = arith.addi %add3A_715, %mul3A_729 : vector<16xi32>
    %swap3A_731 = arith.constant 32 : index
    %swap3A_732 = tpu.vector_load %arg8[%swap3A_731] {strides = array<i32>} : memref<128xi32, #tpu.memory_space<vmem>>, vector<16xi32>,
    %swap3A_733 = vector.shape_cast %swap3A_732 : vector<16xi32> to vector<16xi32>
    %swap3A_734 = vector.shape_cast %add3A_730 : vector<16xi32> to vector<16xi32>
    tpu.vector_store %arg8[%swap3A_731], %swap3A_734 {strides = array<i32>} : memref<128xi32, #tpu.memory_space<vmem>>, vector<16xi32>,
    %broadcast_in_dim3A_735 = arith.constant 0 : i32
    %broadcast_in_dim3A_736 = vector.broadcast %broadcast_in_dim3A_735 : i32 to vector<16xi32>
    %eq3A_737 = arith.constant 0 : i32
    %eq3A_738 = vector.broadcast %eq3A_737 : i32 to vector<16xi32>
    %eq3A_739 = arith.cmpi eq, %iota3A, %eq3A_738 : vector<16xi32>
    %jit3A_740 = arith.constant 1 : i32
    %jit3A_741 = arith.constant 0 : i32
    %broadcast_in_dim3A_742 = vector.broadcast %jit3A_740 : i32 to vector<16xi32>
    %broadcast_in_dim3A_743 = vector.broadcast %jit3A_741 : i32 to vector<16xi32>
    %select_n3A_744 = arith.select %eq3A_739, %broadcast_in_dim3A_742, %broadcast_in_dim3A_743 : vector<16xi1>, vector<16xi32>
    %get3A_745 = arith.constant 48 : i32
    %get3A_746 = arith.index_cast %get3A_745 : i32 to index
    %get3A_747 = arith.constant 0 : index
    %get3A_748 = tpu.vector_load %arg7[%get3A_746, %get3A_747] {strides = array<i32>} : memref<128x128xi32, #tpu.memory_space<vmem>>, vector<1x16xi32>,
    %get3A_749 = vector.shape_cast %get3A_748 : vector<1x16xi32> to vector<16xi32>
    %mul3A_750 = arith.muli %get3A_749, %select_n3A_744 : vector<16xi32>
    %add3A_751 = arith.addi %broadcast_in_dim3A_736, %mul3A_750 : vector<16xi32>
    %eq3A_752 = arith.constant 1 : i32
    %eq3A_753 = vector.broadcast %eq3A_752 : i32 to vector<16xi32>
    %eq3A_754 = arith.cmpi eq, %iota3A, %eq3A_753 : vector<16xi32>
    %jit3A_755 = arith.constant 1 : i32
    %jit3A_756 = arith.constant 0 : i32
    %broadcast_in_dim3A_757 = vector.broadcast %jit3A_755 : i32 to vector<16xi32>
    %broadcast_in_dim3A_758 = vector.broadcast %jit3A_756 : i32 to vector<16xi32>
    %select_n3A_759 = arith.select %eq3A_754, %broadcast_in_dim3A_757, %broadcast_in_dim3A_758 : vector<16xi1>, vector<16xi32>
    %get3A_760 = arith.constant 49 : i32
    %get3A_761 = arith.index_cast %get3A_760 : i32 to index
    %get3A_762 = arith.constant 0 : index
    %get3A_763 = tpu.vector_load %arg7[%get3A_761, %get3A_762] {strides = array<i32>} : memref<128x128xi32, #tpu.memory_space<vmem>>, vector<1x16xi32>,
    %get3A_764 = vector.shape_cast %get3A_763 : vector<1x16xi32> to vector<16xi32>
    %mul3A_765 = arith.muli %get3A_764, %select_n3A_759 : vector<16xi32>
    %add3A_766 = arith.addi %add3A_751, %mul3A_765 : vector<16xi32>
    %eq3A_767 = arith.constant 2 : i32
    %eq3A_768 = vector.broadcast %eq3A_767 : i32 to vector<16xi32>
    %eq3A_769 = arith.cmpi eq, %iota3A, %eq3A_768 : vector<16xi32>
    %jit3A_770 = arith.constant 1 : i32
    %jit3A_771 = arith.constant 0 : i32
    %broadcast_in_dim3A_772 = vector.broadcast %jit3A_770 : i32 to vector<16xi32>
    %broadcast_in_dim3A_773 = vector.broadcast %jit3A_771 : i32 to vector<16xi32>
    %select_n3A_774 = arith.select %eq3A_769, %broadcast_in_dim3A_772, %broadcast_in_dim3A_773 : vector<16xi1>, vector<16xi32>
    %get3A_775 = arith.constant 50 : i32
    %get3A_776 = arith.index_cast %get3A_775 : i32 to index
    %get3A_777 = arith.constant 0 : index
    %get3A_778 = tpu.vector_load %arg7[%get3A_776, %get3A_777] {strides = array<i32>} : memref<128x128xi32, #tpu.memory_space<vmem>>, vector<1x16xi32>,
    %get3A_779 = vector.shape_cast %get3A_778 : vector<1x16xi32> to vector<16xi32>
    %mul3A_780 = arith.muli %get3A_779, %select_n3A_774 : vector<16xi32>
    %add3A_781 = arith.addi %add3A_766, %mul3A_780 : vector<16xi32>
    %eq3A_782 = arith.constant 3 : i32
    %eq3A_783 = vector.broadcast %eq3A_782 : i32 to vector<16xi32>
    %eq3A_784 = arith.cmpi eq, %iota3A, %eq3A_783 : vector<16xi32>
    %jit3A_785 = arith.constant 1 : i32
    %jit3A_786 = arith.constant 0 : i32
    %broadcast_in_dim3A_787 = vector.broadcast %jit3A_785 : i32 to vector<16xi32>
    %broadcast_in_dim3A_788 = vector.broadcast %jit3A_786 : i32 to vector<16xi32>
    %select_n3A_789 = arith.select %eq3A_784, %broadcast_in_dim3A_787, %broadcast_in_dim3A_788 : vector<16xi1>, vector<16xi32>
    %get3A_790 = arith.constant 51 : i32
    %get3A_791 = arith.index_cast %get3A_790 : i32 to index
    %get3A_792 = arith.constant 0 : index
    %get3A_793 = tpu.vector_load %arg7[%get3A_791, %get3A_792] {strides = array<i32>} : memref<128x128xi32, #tpu.memory_space<vmem>>, vector<1x16xi32>,
    %get3A_794 = vector.shape_cast %get3A_793 : vector<1x16xi32> to vector<16xi32>
    %mul3A_795 = arith.muli %get3A_794, %select_n3A_789 : vector<16xi32>
    %add3A_796 = arith.addi %add3A_781, %mul3A_795 : vector<16xi32>
    %eq3A_797 = arith.constant 4 : i32
    %eq3A_798 = vector.broadcast %eq3A_797 : i32 to vector<16xi32>
    %eq3A_799 = arith.cmpi eq, %iota3A, %eq3A_798 : vector<16xi32>
    %jit3A_800 = arith.constant 1 : i32
    %jit3A_801 = arith.constant 0 : i32
    %broadcast_in_dim3A_802 = vector.broadcast %jit3A_800 : i32 to vector<16xi32>
    %broadcast_in_dim3A_803 = vector.broadcast %jit3A_801 : i32 to vector<16xi32>
    %select_n3A_804 = arith.select %eq3A_799, %broadcast_in_dim3A_802, %broadcast_in_dim3A_803 : vector<16xi1>, vector<16xi32>
    %get3A_805 = arith.constant 52 : i32
    %get3A_806 = arith.index_cast %get3A_805 : i32 to index
    %get3A_807 = arith.constant 0 : index
    %get3A_808 = tpu.vector_load %arg7[%get3A_806, %get3A_807] {strides = array<i32>} : memref<128x128xi32, #tpu.memory_space<vmem>>, vector<1x16xi32>,
    %get3A_809 = vector.shape_cast %get3A_808 : vector<1x16xi32> to vector<16xi32>
    %mul3A_810 = arith.muli %get3A_809, %select_n3A_804 : vector<16xi32>
    %add3A_811 = arith.addi %add3A_796, %mul3A_810 : vector<16xi32>
    %eq3A_812 = arith.constant 5 : i32
    %eq3A_813 = vector.broadcast %eq3A_812 : i32 to vector<16xi32>
    %eq3A_814 = arith.cmpi eq, %iota3A, %eq3A_813 : vector<16xi32>
    %jit3A_815 = arith.constant 1 : i32
    %jit3A_816 = arith.constant 0 : i32
    %broadcast_in_dim3A_817 = vector.broadcast %jit3A_815 : i32 to vector<16xi32>
    %broadcast_in_dim3A_818 = vector.broadcast %jit3A_816 : i32 to vector<16xi32>
    %select_n3A_819 = arith.select %eq3A_814, %broadcast_in_dim3A_817, %broadcast_in_dim3A_818 : vector<16xi1>, vector<16xi32>
    %get3A_820 = arith.constant 53 : i32
    %get3A_821 = arith.index_cast %get3A_820 : i32 to index
    %get3A_822 = arith.constant 0 : index
    %get3A_823 = tpu.vector_load %arg7[%get3A_821, %get3A_822] {strides = array<i32>} : memref<128x128xi32, #tpu.memory_space<vmem>>, vector<1x16xi32>,
    %get3A_824 = vector.shape_cast %get3A_823 : vector<1x16xi32> to vector<16xi32>
    %mul3A_825 = arith.muli %get3A_824, %select_n3A_819 : vector<16xi32>
    %add3A_826 = arith.addi %add3A_811, %mul3A_825 : vector<16xi32>
    %eq3A_827 = arith.constant 6 : i32
    %eq3A_828 = vector.broadcast %eq3A_827 : i32 to vector<16xi32>
    %eq3A_829 = arith.cmpi eq, %iota3A, %eq3A_828 : vector<16xi32>
    %jit3A_830 = arith.constant 1 : i32
    %jit3A_831 = arith.constant 0 : i32
    %broadcast_in_dim3A_832 = vector.broadcast %jit3A_830 : i32 to vector<16xi32>
    %broadcast_in_dim3A_833 = vector.broadcast %jit3A_831 : i32 to vector<16xi32>
    %select_n3A_834 = arith.select %eq3A_829, %broadcast_in_dim3A_832, %broadcast_in_dim3A_833 : vector<16xi1>, vector<16xi32>
    %get3A_835 = arith.constant 54 : i32
    %get3A_836 = arith.index_cast %get3A_835 : i32 to index
    %get3A_837 = arith.constant 0 : index
    %get3A_838 = tpu.vector_load %arg7[%get3A_836, %get3A_837] {strides = array<i32>} : memref<128x128xi32, #tpu.memory_space<vmem>>, vector<1x16xi32>,
    %get3A_839 = vector.shape_cast %get3A_838 : vector<1x16xi32> to vector<16xi32>
    %mul3A_840 = arith.muli %get3A_839, %select_n3A_834 : vector<16xi32>
    %add3A_841 = arith.addi %add3A_826, %mul3A_840 : vector<16xi32>
    %eq3A_842 = arith.constant 7 : i32
    %eq3A_843 = vector.broadcast %eq3A_842 : i32 to vector<16xi32>
    %eq3A_844 = arith.cmpi eq, %iota3A, %eq3A_843 : vector<16xi32>
    %jit3A_845 = arith.constant 1 : i32
    %jit3A_846 = arith.constant 0 : i32
    %broadcast_in_dim3A_847 = vector.broadcast %jit3A_845 : i32 to vector<16xi32>
    %broadcast_in_dim3A_848 = vector.broadcast %jit3A_846 : i32 to vector<16xi32>
    %select_n3A_849 = arith.select %eq3A_844, %broadcast_in_dim3A_847, %broadcast_in_dim3A_848 : vector<16xi1>, vector<16xi32>
    %get3A_850 = arith.constant 55 : i32
    %get3A_851 = arith.index_cast %get3A_850 : i32 to index
    %get3A_852 = arith.constant 0 : index
    %get3A_853 = tpu.vector_load %arg7[%get3A_851, %get3A_852] {strides = array<i32>} : memref<128x128xi32, #tpu.memory_space<vmem>>, vector<1x16xi32>,
    %get3A_854 = vector.shape_cast %get3A_853 : vector<1x16xi32> to vector<16xi32>
    %mul3A_855 = arith.muli %get3A_854, %select_n3A_849 : vector<16xi32>
    %add3A_856 = arith.addi %add3A_841, %mul3A_855 : vector<16xi32>
    %eq3A_857 = arith.constant 8 : i32
    %eq3A_858 = vector.broadcast %eq3A_857 : i32 to vector<16xi32>
    %eq3A_859 = arith.cmpi eq, %iota3A, %eq3A_858 : vector<16xi32>
    %jit3A_860 = arith.constant 1 : i32
    %jit3A_861 = arith.constant 0 : i32
    %broadcast_in_dim3A_862 = vector.broadcast %jit3A_860 : i32 to vector<16xi32>
    %broadcast_in_dim3A_863 = vector.broadcast %jit3A_861 : i32 to vector<16xi32>
    %select_n3A_864 = arith.select %eq3A_859, %broadcast_in_dim3A_862, %broadcast_in_dim3A_863 : vector<16xi1>, vector<16xi32>
    %get3A_865 = arith.constant 56 : i32
    %get3A_866 = arith.index_cast %get3A_865 : i32 to index
    %get3A_867 = arith.constant 0 : index
    %get3A_868 = tpu.vector_load %arg7[%get3A_866, %get3A_867] {strides = array<i32>} : memref<128x128xi32, #tpu.memory_space<vmem>>, vector<1x16xi32>,
    %get3A_869 = vector.shape_cast %get3A_868 : vector<1x16xi32> to vector<16xi32>
    %mul3A_870 = arith.muli %get3A_869, %select_n3A_864 : vector<16xi32>
    %add3A_871 = arith.addi %add3A_856, %mul3A_870 : vector<16xi32>
    %eq3A_872 = arith.constant 9 : i32
    %eq3A_873 = vector.broadcast %eq3A_872 : i32 to vector<16xi32>
    %eq3A_874 = arith.cmpi eq, %iota3A, %eq3A_873 : vector<16xi32>
    %jit3A_875 = arith.constant 1 : i32
    %jit3A_876 = arith.constant 0 : i32
    %broadcast_in_dim3A_877 = vector.broadcast %jit3A_875 : i32 to vector<16xi32>
    %broadcast_in_dim3A_878 = vector.broadcast %jit3A_876 : i32 to vector<16xi32>
    %select_n3A_879 = arith.select %eq3A_874, %broadcast_in_dim3A_877, %broadcast_in_dim3A_878 : vector<16xi1>, vector<16xi32>
    %get3A_880 = arith.constant 57 : i32
    %get3A_881 = arith.index_cast %get3A_880 : i32 to index
    %get3A_882 = arith.constant 0 : index
    %get3A_883 = tpu.vector_load %arg7[%get3A_881, %get3A_882] {strides = array<i32>} : memref<128x128xi32, #tpu.memory_space<vmem>>, vector<1x16xi32>,
    %get3A_884 = vector.shape_cast %get3A_883 : vector<1x16xi32> to vector<16xi32>
    %mul3A_885 = arith.muli %get3A_884, %select_n3A_879 : vector<16xi32>
    %add3A_886 = arith.addi %add3A_871, %mul3A_885 : vector<16xi32>
    %eq3A_887 = arith.constant 10 : i32
    %eq3A_888 = vector.broadcast %eq3A_887 : i32 to vector<16xi32>
    %eq3A_889 = arith.cmpi eq, %iota3A, %eq3A_888 : vector<16xi32>
    %jit3A_890 = arith.constant 1 : i32
    %jit3A_891 = arith.constant 0 : i32
    %broadcast_in_dim3A_892 = vector.broadcast %jit3A_890 : i32 to vector<16xi32>
    %broadcast_in_dim3A_893 = vector.broadcast %jit3A_891 : i32 to vector<16xi32>
    %select_n3A_894 = arith.select %eq3A_889, %broadcast_in_dim3A_892, %broadcast_in_dim3A_893 : vector<16xi1>, vector<16xi32>
    %get3A_895 = arith.constant 58 : i32
    %get3A_896 = arith.index_cast %get3A_895 : i32 to index
    %get3A_897 = arith.constant 0 : index
    %get3A_898 = tpu.vector_load %arg7[%get3A_896, %get3A_897] {strides = array<i32>} : memref<128x128xi32, #tpu.memory_space<vmem>>, vector<1x16xi32>,
    %get3A_899 = vector.shape_cast %get3A_898 : vector<1x16xi32> to vector<16xi32>
    %mul3A_900 = arith.muli %get3A_899, %select_n3A_894 : vector<16xi32>
    %add3A_901 = arith.addi %add3A_886, %mul3A_900 : vector<16xi32>
    %eq3A_902 = arith.constant 11 : i32
    %eq3A_903 = vector.broadcast %eq3A_902 : i32 to vector<16xi32>
    %eq3A_904 = arith.cmpi eq, %iota3A, %eq3A_903 : vector<16xi32>
    %jit3A_905 = arith.constant 1 : i32
    %jit3A_906 = arith.constant 0 : i32
    %broadcast_in_dim3A_907 = vector.broadcast %jit3A_905 : i32 to vector<16xi32>
    %broadcast_in_dim3A_908 = vector.broadcast %jit3A_906 : i32 to vector<16xi32>
    %select_n3A_909 = arith.select %eq3A_904, %broadcast_in_dim3A_907, %broadcast_in_dim3A_908 : vector<16xi1>, vector<16xi32>
    %get3A_910 = arith.constant 59 : i32
    %get3A_911 = arith.index_cast %get3A_910 : i32 to index
    %get3A_912 = arith.constant 0 : index
    %get3A_913 = tpu.vector_load %arg7[%get3A_911, %get3A_912] {strides = array<i32>} : memref<128x128xi32, #tpu.memory_space<vmem>>, vector<1x16xi32>,
    %get3A_914 = vector.shape_cast %get3A_913 : vector<1x16xi32> to vector<16xi32>
    %mul3A_915 = arith.muli %get3A_914, %select_n3A_909 : vector<16xi32>
    %add3A_916 = arith.addi %add3A_901, %mul3A_915 : vector<16xi32>
    %eq3A_917 = arith.constant 12 : i32
    %eq3A_918 = vector.broadcast %eq3A_917 : i32 to vector<16xi32>
    %eq3A_919 = arith.cmpi eq, %iota3A, %eq3A_918 : vector<16xi32>
    %jit3A_920 = arith.constant 1 : i32
    %jit3A_921 = arith.constant 0 : i32
    %broadcast_in_dim3A_922 = vector.broadcast %jit3A_920 : i32 to vector<16xi32>
    %broadcast_in_dim3A_923 = vector.broadcast %jit3A_921 : i32 to vector<16xi32>
    %select_n3A_924 = arith.select %eq3A_919, %broadcast_in_dim3A_922, %broadcast_in_dim3A_923 : vector<16xi1>, vector<16xi32>
    %get3A_925 = arith.constant 60 : i32
    %get3A_926 = arith.index_cast %get3A_925 : i32 to index
    %get3A_927 = arith.constant 0 : index
    %get3A_928 = tpu.vector_load %arg7[%get3A_926, %get3A_927] {strides = array<i32>} : memref<128x128xi32, #tpu.memory_space<vmem>>, vector<1x16xi32>,
    %get3A_929 = vector.shape_cast %get3A_928 : vector<1x16xi32> to vector<16xi32>
    %mul3A_930 = arith.muli %get3A_929, %select_n3A_924 : vector<16xi32>
    %add3A_931 = arith.addi %add3A_916, %mul3A_930 : vector<16xi32>
    %eq3A_932 = arith.constant 13 : i32
    %eq3A_933 = vector.broadcast %eq3A_932 : i32 to vector<16xi32>
    %eq3A_934 = arith.cmpi eq, %iota3A, %eq3A_933 : vector<16xi32>
    %jit3A_935 = arith.constant 1 : i32
    %jit3A_936 = arith.constant 0 : i32
    %broadcast_in_dim3A_937 = vector.broadcast %jit3A_935 : i32 to vector<16xi32>
    %broadcast_in_dim3A_938 = vector.broadcast %jit3A_936 : i32 to vector<16xi32>
    %select_n3A_939 = arith.select %eq3A_934, %broadcast_in_dim3A_937, %broadcast_in_dim3A_938 : vector<16xi1>, vector<16xi32>
    %get3A_940 = arith.constant 61 : i32
    %get3A_941 = arith.index_cast %get3A_940 : i32 to index
    %get3A_942 = arith.constant 0 : index
    %get3A_943 = tpu.vector_load %arg7[%get3A_941, %get3A_942] {strides = array<i32>} : memref<128x128xi32, #tpu.memory_space<vmem>>, vector<1x16xi32>,
    %get3A_944 = vector.shape_cast %get3A_943 : vector<1x16xi32> to vector<16xi32>
    %mul3A_945 = arith.muli %get3A_944, %select_n3A_939 : vector<16xi32>
    %add3A_946 = arith.addi %add3A_931, %mul3A_945 : vector<16xi32>
    %eq3A_947 = arith.constant 14 : i32
    %eq3A_948 = vector.broadcast %eq3A_947 : i32 to vector<16xi32>
    %eq3A_949 = arith.cmpi eq, %iota3A, %eq3A_948 : vector<16xi32>
    %jit3A_950 = arith.constant 1 : i32
    %jit3A_951 = arith.constant 0 : i32
    %broadcast_in_dim3A_952 = vector.broadcast %jit3A_950 : i32 to vector<16xi32>
    %broadcast_in_dim3A_953 = vector.broadcast %jit3A_951 : i32 to vector<16xi32>
    %select_n3A_954 = arith.select %eq3A_949, %broadcast_in_dim3A_952, %broadcast_in_dim3A_953 : vector<16xi1>, vector<16xi32>
    %get3A_955 = arith.constant 62 : i32
    %get3A_956 = arith.index_cast %get3A_955 : i32 to index
    %get3A_957 = arith.constant 0 : index
    %get3A_958 = tpu.vector_load %arg7[%get3A_956, %get3A_957] {strides = array<i32>} : memref<128x128xi32, #tpu.memory_space<vmem>>, vector<1x16xi32>,
    %get3A_959 = vector.shape_cast %get3A_958 : vector<1x16xi32> to vector<16xi32>
    %mul3A_960 = arith.muli %get3A_959, %select_n3A_954 : vector<16xi32>
    %add3A_961 = arith.addi %add3A_946, %mul3A_960 : vector<16xi32>
    %eq3A_962 = arith.constant 15 : i32
    %eq3A_963 = vector.broadcast %eq3A_962 : i32 to vector<16xi32>
    %eq3A_964 = arith.cmpi eq, %iota3A, %eq3A_963 : vector<16xi32>
    %jit3A_965 = arith.constant 1 : i32
    %jit3A_966 = arith.constant 0 : i32
    %broadcast_in_dim3A_967 = vector.broadcast %jit3A_965 : i32 to vector<16xi32>
    %broadcast_in_dim3A_968 = vector.broadcast %jit3A_966 : i32 to vector<16xi32>
    %select_n3A_969 = arith.select %eq3A_964, %broadcast_in_dim3A_967, %broadcast_in_dim3A_968 : vector<16xi1>, vector<16xi32>
    %get3A_970 = arith.constant 63 : i32
    %get3A_971 = arith.index_cast %get3A_970 : i32 to index
    %get3A_972 = arith.constant 0 : index
    %get3A_973 = tpu.vector_load %arg7[%get3A_971, %get3A_972] {strides = array<i32>} : memref<128x128xi32, #tpu.memory_space<vmem>>, vector<1x16xi32>,
    %get3A_974 = vector.shape_cast %get3A_973 : vector<1x16xi32> to vector<16xi32>
    %mul3A_975 = arith.muli %get3A_974, %select_n3A_969 : vector<16xi32>
    %add3A_976 = arith.addi %add3A_961, %mul3A_975 : vector<16xi32>
    %swap3A_977 = arith.constant 48 : index
    %swap3A_978 = tpu.vector_load %arg8[%swap3A_977] {strides = array<i32>} : memref<128xi32, #tpu.memory_space<vmem>>, vector<16xi32>,
    %swap3A_979 = vector.shape_cast %swap3A_978 : vector<16xi32> to vector<16xi32>
    %swap3A_980 = vector.shape_cast %add3A_976 : vector<16xi32> to vector<16xi32>
    tpu.vector_store %arg8[%swap3A_977], %swap3A_980 {strides = array<i32>} : memref<128xi32, #tpu.memory_space<vmem>>, vector<16xi32>,
    %broadcast_in_dim3A_981 = arith.constant 0 : i32
    %broadcast_in_dim3A_982 = vector.broadcast %broadcast_in_dim3A_981 : i32 to vector<16xi32>
    %eq3A_983 = arith.constant 0 : i32
    %eq3A_984 = vector.broadcast %eq3A_983 : i32 to vector<16xi32>
    %eq3A_985 = arith.cmpi eq, %iota3A, %eq3A_984 : vector<16xi32>
    %jit3A_986 = arith.constant 1 : i32
    %jit3A_987 = arith.constant 0 : i32
    %broadcast_in_dim3A_988 = vector.broadcast %jit3A_986 : i32 to vector<16xi32>
    %broadcast_in_dim3A_989 = vector.broadcast %jit3A_987 : i32 to vector<16xi32>
    %select_n3A_990 = arith.select %eq3A_985, %broadcast_in_dim3A_988, %broadcast_in_dim3A_989 : vector<16xi1>, vector<16xi32>
    %get3A_991 = arith.constant 64 : i32
    %get3A_992 = arith.index_cast %get3A_991 : i32 to index
    %get3A_993 = arith.constant 0 : index
    %get3A_994 = tpu.vector_load %arg7[%get3A_992, %get3A_993] {strides = array<i32>} : memref<128x128xi32, #tpu.memory_space<vmem>>, vector<1x16xi32>,
    %get3A_995 = vector.shape_cast %get3A_994 : vector<1x16xi32> to vector<16xi32>
    %mul3A_996 = arith.muli %get3A_995, %select_n3A_990 : vector<16xi32>
    %add3A_997 = arith.addi %broadcast_in_dim3A_982, %mul3A_996 : vector<16xi32>
    %eq3A_998 = arith.constant 1 : i32
    %eq3A_999 = vector.broadcast %eq3A_998 : i32 to vector<16xi32>
    %eq3A_1000 = arith.cmpi eq, %iota3A, %eq3A_999 : vector<16xi32>
    %jit3A_1001 = arith.constant 1 : i32
    %jit3A_1002 = arith.constant 0 : i32
    %broadcast_in_dim3A_1003 = vector.broadcast %jit3A_1001 : i32 to vector<16xi32>
    %broadcast_in_dim3A_1004 = vector.broadcast %jit3A_1002 : i32 to vector<16xi32>
    %select_n3A_1005 = arith.select %eq3A_1000, %broadcast_in_dim3A_1003, %broadcast_in_dim3A_1004 : vector<16xi1>, vector<16xi32>
    %get3A_1006 = arith.constant 65 : i32
    %get3A_1007 = arith.index_cast %get3A_1006 : i32 to index
    %get3A_1008 = arith.constant 0 : index
    %get3A_1009 = tpu.vector_load %arg7[%get3A_1007, %get3A_1008] {strides = array<i32>} : memref<128x128xi32, #tpu.memory_space<vmem>>, vector<1x16xi32>,
    %get3A_1010 = vector.shape_cast %get3A_1009 : vector<1x16xi32> to vector<16xi32>
    %mul3A_1011 = arith.muli %get3A_1010, %select_n3A_1005 : vector<16xi32>
    %add3A_1012 = arith.addi %add3A_997, %mul3A_1011 : vector<16xi32>
    %eq3A_1013 = arith.constant 2 : i32
    %eq3A_1014 = vector.broadcast %eq3A_1013 : i32 to vector<16xi32>
    %eq3A_1015 = arith.cmpi eq, %iota3A, %eq3A_1014 : vector<16xi32>
    %jit3A_1016 = arith.constant 1 : i32
    %jit3A_1017 = arith.constant 0 : i32
    %broadcast_in_dim3A_1018 = vector.broadcast %jit3A_1016 : i32 to vector<16xi32>
    %broadcast_in_dim3A_1019 = vector.broadcast %jit3A_1017 : i32 to vector<16xi32>
    %select_n3A_1020 = arith.select %eq3A_1015, %broadcast_in_dim3A_1018, %broadcast_in_dim3A_1019 : vector<16xi1>, vector<16xi32>
    %get3A_1021 = arith.constant 66 : i32
    %get3A_1022 = arith.index_cast %get3A_1021 : i32 to index
    %get3A_1023 = arith.constant 0 : index
    %get3A_1024 = tpu.vector_load %arg7[%get3A_1022, %get3A_1023] {strides = array<i32>} : memref<128x128xi32, #tpu.memory_space<vmem>>, vector<1x16xi32>,
    %get3A_1025 = vector.shape_cast %get3A_1024 : vector<1x16xi32> to vector<16xi32>
    %mul3A_1026 = arith.muli %get3A_1025, %select_n3A_1020 : vector<16xi32>
    %add3A_1027 = arith.addi %add3A_1012, %mul3A_1026 : vector<16xi32>
    %eq3A_1028 = arith.constant 3 : i32
    %eq3A_1029 = vector.broadcast %eq3A_1028 : i32 to vector<16xi32>
    %eq3A_1030 = arith.cmpi eq, %iota3A, %eq3A_1029 : vector<16xi32>
    %jit3A_1031 = arith.constant 1 : i32
    %jit3A_1032 = arith.constant 0 : i32
    %broadcast_in_dim3A_1033 = vector.broadcast %jit3A_1031 : i32 to vector<16xi32>
    %broadcast_in_dim3A_1034 = vector.broadcast %jit3A_1032 : i32 to vector<16xi32>
    %select_n3A_1035 = arith.select %eq3A_1030, %broadcast_in_dim3A_1033, %broadcast_in_dim3A_1034 : vector<16xi1>, vector<16xi32>
    %get3A_1036 = arith.constant 67 : i32
    %get3A_1037 = arith.index_cast %get3A_1036 : i32 to index
    %get3A_1038 = arith.constant 0 : index
    %get3A_1039 = tpu.vector_load %arg7[%get3A_1037, %get3A_1038] {strides = array<i32>} : memref<128x128xi32, #tpu.memory_space<vmem>>, vector<1x16xi32>,
    %get3A_1040 = vector.shape_cast %get3A_1039 : vector<1x16xi32> to vector<16xi32>
    %mul3A_1041 = arith.muli %get3A_1040, %select_n3A_1035 : vector<16xi32>
    %add3A_1042 = arith.addi %add3A_1027, %mul3A_1041 : vector<16xi32>
    %eq3A_1043 = arith.constant 4 : i32
    %eq3A_1044 = vector.broadcast %eq3A_1043 : i32 to vector<16xi32>
    %eq3A_1045 = arith.cmpi eq, %iota3A, %eq3A_1044 : vector<16xi32>
    %jit3A_1046 = arith.constant 1 : i32
    %jit3A_1047 = arith.constant 0 : i32
    %broadcast_in_dim3A_1048 = vector.broadcast %jit3A_1046 : i32 to vector<16xi32>
    %broadcast_in_dim3A_1049 = vector.broadcast %jit3A_1047 : i32 to vector<16xi32>
    %select_n3A_1050 = arith.select %eq3A_1045, %broadcast_in_dim3A_1048, %broadcast_in_dim3A_1049 : vector<16xi1>, vector<16xi32>
    %get3A_1051 = arith.constant 68 : i32
    %get3A_1052 = arith.index_cast %get3A_1051 : i32 to index
    %get3A_1053 = arith.constant 0 : index
    %get3A_1054 = tpu.vector_load %arg7[%get3A_1052, %get3A_1053] {strides = array<i32>} : memref<128x128xi32, #tpu.memory_space<vmem>>, vector<1x16xi32>,
    %get3A_1055 = vector.shape_cast %get3A_1054 : vector<1x16xi32> to vector<16xi32>
    %mul3A_1056 = arith.muli %get3A_1055, %select_n3A_1050 : vector<16xi32>
    %add3A_1057 = arith.addi %add3A_1042, %mul3A_1056 : vector<16xi32>
    %eq3A_1058 = arith.constant 5 : i32
    %eq3A_1059 = vector.broadcast %eq3A_1058 : i32 to vector<16xi32>
    %eq3A_1060 = arith.cmpi eq, %iota3A, %eq3A_1059 : vector<16xi32>
    %jit3A_1061 = arith.constant 1 : i32
    %jit3A_1062 = arith.constant 0 : i32
    %broadcast_in_dim3A_1063 = vector.broadcast %jit3A_1061 : i32 to vector<16xi32>
    %broadcast_in_dim3A_1064 = vector.broadcast %jit3A_1062 : i32 to vector<16xi32>
    %select_n3A_1065 = arith.select %eq3A_1060, %broadcast_in_dim3A_1063, %broadcast_in_dim3A_1064 : vector<16xi1>, vector<16xi32>
    %get3A_1066 = arith.constant 69 : i32
    %get3A_1067 = arith.index_cast %get3A_1066 : i32 to index
    %get3A_1068 = arith.constant 0 : index
    %get3A_1069 = tpu.vector_load %arg7[%get3A_1067, %get3A_1068] {strides = array<i32>} : memref<128x128xi32, #tpu.memory_space<vmem>>, vector<1x16xi32>,
    %get3A_1070 = vector.shape_cast %get3A_1069 : vector<1x16xi32> to vector<16xi32>
    %mul3A_1071 = arith.muli %get3A_1070, %select_n3A_1065 : vector<16xi32>
    %add3A_1072 = arith.addi %add3A_1057, %mul3A_1071 : vector<16xi32>
    %eq3A_1073 = arith.constant 6 : i32
    %eq3A_1074 = vector.broadcast %eq3A_1073 : i32 to vector<16xi32>
    %eq3A_1075 = arith.cmpi eq, %iota3A, %eq3A_1074 : vector<16xi32>
    %jit3A_1076 = arith.constant 1 : i32
    %jit3A_1077 = arith.constant 0 : i32
    %broadcast_in_dim3A_1078 = vector.broadcast %jit3A_1076 : i32 to vector<16xi32>
    %broadcast_in_dim3A_1079 = vector.broadcast %jit3A_1077 : i32 to vector<16xi32>
    %select_n3A_1080 = arith.select %eq3A_1075, %broadcast_in_dim3A_1078, %broadcast_in_dim3A_1079 : vector<16xi1>, vector<16xi32>
    %get3A_1081 = arith.constant 70 : i32
    %get3A_1082 = arith.index_cast %get3A_1081 : i32 to index
    %get3A_1083 = arith.constant 0 : index
    %get3A_1084 = tpu.vector_load %arg7[%get3A_1082, %get3A_1083] {strides = array<i32>} : memref<128x128xi32, #tpu.memory_space<vmem>>, vector<1x16xi32>,
    %get3A_1085 = vector.shape_cast %get3A_1084 : vector<1x16xi32> to vector<16xi32>
    %mul3A_1086 = arith.muli %get3A_1085, %select_n3A_1080 : vector<16xi32>
    %add3A_1087 = arith.addi %add3A_1072, %mul3A_1086 : vector<16xi32>
    %eq3A_1088 = arith.constant 7 : i32
    %eq3A_1089 = vector.broadcast %eq3A_1088 : i32 to vector<16xi32>
    %eq3A_1090 = arith.cmpi eq, %iota3A, %eq3A_1089 : vector<16xi32>
    %jit3A_1091 = arith.constant 1 : i32
    %jit3A_1092 = arith.constant 0 : i32
    %broadcast_in_dim3A_1093 = vector.broadcast %jit3A_1091 : i32 to vector<16xi32>
    %broadcast_in_dim3A_1094 = vector.broadcast %jit3A_1092 : i32 to vector<16xi32>
    %select_n3A_1095 = arith.select %eq3A_1090, %broadcast_in_dim3A_1093, %broadcast_in_dim3A_1094 : vector<16xi1>, vector<16xi32>
    %get3A_1096 = arith.constant 71 : i32
    %get3A_1097 = arith.index_cast %get3A_1096 : i32 to index
    %get3A_1098 = arith.constant 0 : index
    %get3A_1099 = tpu.vector_load %arg7[%get3A_1097, %get3A_1098] {strides = array<i32>} : memref<128x128xi32, #tpu.memory_space<vmem>>, vector<1x16xi32>,
    %get3A_1100 = vector.shape_cast %get3A_1099 : vector<1x16xi32> to vector<16xi32>
    %mul3A_1101 = arith.muli %get3A_1100, %select_n3A_1095 : vector<16xi32>
    %add3A_1102 = arith.addi %add3A_1087, %mul3A_1101 : vector<16xi32>
    %eq3A_1103 = arith.constant 8 : i32
    %eq3A_1104 = vector.broadcast %eq3A_1103 : i32 to vector<16xi32>
    %eq3A_1105 = arith.cmpi eq, %iota3A, %eq3A_1104 : vector<16xi32>
    %jit3A_1106 = arith.constant 1 : i32
    %jit3A_1107 = arith.constant 0 : i32
    %broadcast_in_dim3A_1108 = vector.broadcast %jit3A_1106 : i32 to vector<16xi32>
    %broadcast_in_dim3A_1109 = vector.broadcast %jit3A_1107 : i32 to vector<16xi32>
    %select_n3A_1110 = arith.select %eq3A_1105, %broadcast_in_dim3A_1108, %broadcast_in_dim3A_1109 : vector<16xi1>, vector<16xi32>
    %get3A_1111 = arith.constant 72 : i32
    %get3A_1112 = arith.index_cast %get3A_1111 : i32 to index
    %get3A_1113 = arith.constant 0 : index
    %get3A_1114 = tpu.vector_load %arg7[%get3A_1112, %get3A_1113] {strides = array<i32>} : memref<128x128xi32, #tpu.memory_space<vmem>>, vector<1x16xi32>,
    %get3A_1115 = vector.shape_cast %get3A_1114 : vector<1x16xi32> to vector<16xi32>
    %mul3A_1116 = arith.muli %get3A_1115, %select_n3A_1110 : vector<16xi32>
    %add3A_1117 = arith.addi %add3A_1102, %mul3A_1116 : vector<16xi32>
    %eq3A_1118 = arith.constant 9 : i32
    %eq3A_1119 = vector.broadcast %eq3A_1118 : i32 to vector<16xi32>
    %eq3A_1120 = arith.cmpi eq, %iota3A, %eq3A_1119 : vector<16xi32>
    %jit3A_1121 = arith.constant 1 : i32
    %jit3A_1122 = arith.constant 0 : i32
    %broadcast_in_dim3A_1123 = vector.broadcast %jit3A_1121 : i32 to vector<16xi32>
    %broadcast_in_dim3A_1124 = vector.broadcast %jit3A_1122 : i32 to vector<16xi32>
    %select_n3A_1125 = arith.select %eq3A_1120, %broadcast_in_dim3A_1123, %broadcast_in_dim3A_1124 : vector<16xi1>, vector<16xi32>
    %get3A_1126 = arith.constant 73 : i32
    %get3A_1127 = arith.index_cast %get3A_1126 : i32 to index
    %get3A_1128 = arith.constant 0 : index
    %get3A_1129 = tpu.vector_load %arg7[%get3A_1127, %get3A_1128] {strides = array<i32>} : memref<128x128xi32, #tpu.memory_space<vmem>>, vector<1x16xi32>,
    %get3A_1130 = vector.shape_cast %get3A_1129 : vector<1x16xi32> to vector<16xi32>
    %mul3A_1131 = arith.muli %get3A_1130, %select_n3A_1125 : vector<16xi32>
    %add3A_1132 = arith.addi %add3A_1117, %mul3A_1131 : vector<16xi32>
    %eq3A_1133 = arith.constant 10 : i32
    %eq3A_1134 = vector.broadcast %eq3A_1133 : i32 to vector<16xi32>
    %eq3A_1135 = arith.cmpi eq, %iota3A, %eq3A_1134 : vector<16xi32>
    %jit3A_1136 = arith.constant 1 : i32
    %jit3A_1137 = arith.constant 0 : i32
    %broadcast_in_dim3A_1138 = vector.broadcast %jit3A_1136 : i32 to vector<16xi32>
    %broadcast_in_dim3A_1139 = vector.broadcast %jit3A_1137 : i32 to vector<16xi32>
    %select_n3A_1140 = arith.select %eq3A_1135, %broadcast_in_dim3A_1138, %broadcast_in_dim3A_1139 : vector<16xi1>, vector<16xi32>
    %get3A_1141 = arith.constant 74 : i32
    %get3A_1142 = arith.index_cast %get3A_1141 : i32 to index
    %get3A_1143 = arith.constant 0 : index
    %get3A_1144 = tpu.vector_load %arg7[%get3A_1142, %get3A_1143] {strides = array<i32>} : memref<128x128xi32, #tpu.memory_space<vmem>>, vector<1x16xi32>,
    %get3A_1145 = vector.shape_cast %get3A_1144 : vector<1x16xi32> to vector<16xi32>
    %mul3A_1146 = arith.muli %get3A_1145, %select_n3A_1140 : vector<16xi32>
    %add3A_1147 = arith.addi %add3A_1132, %mul3A_1146 : vector<16xi32>
    %eq3A_1148 = arith.constant 11 : i32
    %eq3A_1149 = vector.broadcast %eq3A_1148 : i32 to vector<16xi32>
    %eq3A_1150 = arith.cmpi eq, %iota3A, %eq3A_1149 : vector<16xi32>
    %jit3A_1151 = arith.constant 1 : i32
    %jit3A_1152 = arith.constant 0 : i32
    %broadcast_in_dim3A_1153 = vector.broadcast %jit3A_1151 : i32 to vector<16xi32>
    %broadcast_in_dim3A_1154 = vector.broadcast %jit3A_1152 : i32 to vector<16xi32>
    %select_n3A_1155 = arith.select %eq3A_1150, %broadcast_in_dim3A_1153, %broadcast_in_dim3A_1154 : vector<16xi1>, vector<16xi32>
    %get3A_1156 = arith.constant 75 : i32
    %get3A_1157 = arith.index_cast %get3A_1156 : i32 to index
    %get3A_1158 = arith.constant 0 : index
    %get3A_1159 = tpu.vector_load %arg7[%get3A_1157, %get3A_1158] {strides = array<i32>} : memref<128x128xi32, #tpu.memory_space<vmem>>, vector<1x16xi32>,
    %get3A_1160 = vector.shape_cast %get3A_1159 : vector<1x16xi32> to vector<16xi32>
    %mul3A_1161 = arith.muli %get3A_1160, %select_n3A_1155 : vector<16xi32>
    %add3A_1162 = arith.addi %add3A_1147, %mul3A_1161 : vector<16xi32>
    %eq3A_1163 = arith.constant 12 : i32
    %eq3A_1164 = vector.broadcast %eq3A_1163 : i32 to vector<16xi32>
    %eq3A_1165 = arith.cmpi eq, %iota3A, %eq3A_1164 : vector<16xi32>
    %jit3A_1166 = arith.constant 1 : i32
    %jit3A_1167 = arith.constant 0 : i32
    %broadcast_in_dim3A_1168 = vector.broadcast %jit3A_1166 : i32 to vector<16xi32>
    %broadcast_in_dim3A_1169 = vector.broadcast %jit3A_1167 : i32 to vector<16xi32>
    %select_n3A_1170 = arith.select %eq3A_1165, %broadcast_in_dim3A_1168, %broadcast_in_dim3A_1169 : vector<16xi1>, vector<16xi32>
    %get3A_1171 = arith.constant 76 : i32
    %get3A_1172 = arith.index_cast %get3A_1171 : i32 to index
    %get3A_1173 = arith.constant 0 : index
    %get3A_1174 = tpu.vector_load %arg7[%get3A_1172, %get3A_1173] {strides = array<i32>} : memref<128x128xi32, #tpu.memory_space<vmem>>, vector<1x16xi32>,
    %get3A_1175 = vector.shape_cast %get3A_1174 : vector<1x16xi32> to vector<16xi32>
    %mul3A_1176 = arith.muli %get3A_1175, %select_n3A_1170 : vector<16xi32>
    %add3A_1177 = arith.addi %add3A_1162, %mul3A_1176 : vector<16xi32>
    %eq3A_1178 = arith.constant 13 : i32
    %eq3A_1179 = vector.broadcast %eq3A_1178 : i32 to vector<16xi32>
    %eq3A_1180 = arith.cmpi eq, %iota3A, %eq3A_1179 : vector<16xi32>
    %jit3A_1181 = arith.constant 1 : i32
    %jit3A_1182 = arith.constant 0 : i32
    %broadcast_in_dim3A_1183 = vector.broadcast %jit3A_1181 : i32 to vector<16xi32>
    %broadcast_in_dim3A_1184 = vector.broadcast %jit3A_1182 : i32 to vector<16xi32>
    %select_n3A_1185 = arith.select %eq3A_1180, %broadcast_in_dim3A_1183, %broadcast_in_dim3A_1184 : vector<16xi1>, vector<16xi32>
    %get3A_1186 = arith.constant 77 : i32
    %get3A_1187 = arith.index_cast %get3A_1186 : i32 to index
    %get3A_1188 = arith.constant 0 : index
    %get3A_1189 = tpu.vector_load %arg7[%get3A_1187, %get3A_1188] {strides = array<i32>} : memref<128x128xi32, #tpu.memory_space<vmem>>, vector<1x16xi32>,
    %get3A_1190 = vector.shape_cast %get3A_1189 : vector<1x16xi32> to vector<16xi32>
    %mul3A_1191 = arith.muli %get3A_1190, %select_n3A_1185 : vector<16xi32>
    %add3A_1192 = arith.addi %add3A_1177, %mul3A_1191 : vector<16xi32>
    %eq3A_1193 = arith.constant 14 : i32
    %eq3A_1194 = vector.broadcast %eq3A_1193 : i32 to vector<16xi32>
    %eq3A_1195 = arith.cmpi eq, %iota3A, %eq3A_1194 : vector<16xi32>
    %jit3A_1196 = arith.constant 1 : i32
    %jit3A_1197 = arith.constant 0 : i32
    %broadcast_in_dim3A_1198 = vector.broadcast %jit3A_1196 : i32 to vector<16xi32>
    %broadcast_in_dim3A_1199 = vector.broadcast %jit3A_1197 : i32 to vector<16xi32>
    %select_n3A_1200 = arith.select %eq3A_1195, %broadcast_in_dim3A_1198, %broadcast_in_dim3A_1199 : vector<16xi1>, vector<16xi32>
    %get3A_1201 = arith.constant 78 : i32
    %get3A_1202 = arith.index_cast %get3A_1201 : i32 to index
    %get3A_1203 = arith.constant 0 : index
    %get3A_1204 = tpu.vector_load %arg7[%get3A_1202, %get3A_1203] {strides = array<i32>} : memref<128x128xi32, #tpu.memory_space<vmem>>, vector<1x16xi32>,
    %get3A_1205 = vector.shape_cast %get3A_1204 : vector<1x16xi32> to vector<16xi32>
    %mul3A_1206 = arith.muli %get3A_1205, %select_n3A_1200 : vector<16xi32>
    %add3A_1207 = arith.addi %add3A_1192, %mul3A_1206 : vector<16xi32>
    %eq3A_1208 = arith.constant 15 : i32
    %eq3A_1209 = vector.broadcast %eq3A_1208 : i32 to vector<16xi32>
    %eq3A_1210 = arith.cmpi eq, %iota3A, %eq3A_1209 : vector<16xi32>
    %jit3A_1211 = arith.constant 1 : i32
    %jit3A_1212 = arith.constant 0 : i32
    %broadcast_in_dim3A_1213 = vector.broadcast %jit3A_1211 : i32 to vector<16xi32>
    %broadcast_in_dim3A_1214 = vector.broadcast %jit3A_1212 : i32 to vector<16xi32>
    %select_n3A_1215 = arith.select %eq3A_1210, %broadcast_in_dim3A_1213, %broadcast_in_dim3A_1214 : vector<16xi1>, vector<16xi32>
    %get3A_1216 = arith.constant 79 : i32
    %get3A_1217 = arith.index_cast %get3A_1216 : i32 to index
    %get3A_1218 = arith.constant 0 : index
    %get3A_1219 = tpu.vector_load %arg7[%get3A_1217, %get3A_1218] {strides = array<i32>} : memref<128x128xi32, #tpu.memory_space<vmem>>, vector<1x16xi32>,
    %get3A_1220 = vector.shape_cast %get3A_1219 : vector<1x16xi32> to vector<16xi32>
    %mul3A_1221 = arith.muli %get3A_1220, %select_n3A_1215 : vector<16xi32>
    %add3A_1222 = arith.addi %add3A_1207, %mul3A_1221 : vector<16xi32>
    %swap3A_1223 = arith.constant 64 : index
    %swap3A_1224 = tpu.vector_load %arg8[%swap3A_1223] {strides = array<i32>} : memref<128xi32, #tpu.memory_space<vmem>>, vector<16xi32>,
    %swap3A_1225 = vector.shape_cast %swap3A_1224 : vector<16xi32> to vector<16xi32>
    %swap3A_1226 = vector.shape_cast %add3A_1222 : vector<16xi32> to vector<16xi32>
    tpu.vector_store %arg8[%swap3A_1223], %swap3A_1226 {strides = array<i32>} : memref<128xi32, #tpu.memory_space<vmem>>, vector<16xi32>,
    %broadcast_in_dim3A_1227 = arith.constant 0 : i32
    %broadcast_in_dim3A_1228 = vector.broadcast %broadcast_in_dim3A_1227 : i32 to vector<16xi32>
    %eq3A_1229 = arith.constant 0 : i32
    %eq3A_1230 = vector.broadcast %eq3A_1229 : i32 to vector<16xi32>
    %eq3A_1231 = arith.cmpi eq, %iota3A, %eq3A_1230 : vector<16xi32>
    %jit3A_1232 = arith.constant 1 : i32
    %jit3A_1233 = arith.constant 0 : i32
    %broadcast_in_dim3A_1234 = vector.broadcast %jit3A_1232 : i32 to vector<16xi32>
    %broadcast_in_dim3A_1235 = vector.broadcast %jit3A_1233 : i32 to vector<16xi32>
    %select_n3A_1236 = arith.select %eq3A_1231, %broadcast_in_dim3A_1234, %broadcast_in_dim3A_1235 : vector<16xi1>, vector<16xi32>
    %get3A_1237 = arith.constant 80 : i32
    %get3A_1238 = arith.index_cast %get3A_1237 : i32 to index
    %get3A_1239 = arith.constant 0 : index
    %get3A_1240 = tpu.vector_load %arg7[%get3A_1238, %get3A_1239] {strides = array<i32>} : memref<128x128xi32, #tpu.memory_space<vmem>>, vector<1x16xi32>,
    %get3A_1241 = vector.shape_cast %get3A_1240 : vector<1x16xi32> to vector<16xi32>
    %mul3A_1242 = arith.muli %get3A_1241, %select_n3A_1236 : vector<16xi32>
    %add3A_1243 = arith.addi %broadcast_in_dim3A_1228, %mul3A_1242 : vector<16xi32>
    %eq3A_1244 = arith.constant 1 : i32
    %eq3A_1245 = vector.broadcast %eq3A_1244 : i32 to vector<16xi32>
    %eq3A_1246 = arith.cmpi eq, %iota3A, %eq3A_1245 : vector<16xi32>
    %jit3A_1247 = arith.constant 1 : i32
    %jit3A_1248 = arith.constant 0 : i32
    %broadcast_in_dim3A_1249 = vector.broadcast %jit3A_1247 : i32 to vector<16xi32>
    %broadcast_in_dim3A_1250 = vector.broadcast %jit3A_1248 : i32 to vector<16xi32>
    %select_n3A_1251 = arith.select %eq3A_1246, %broadcast_in_dim3A_1249, %broadcast_in_dim3A_1250 : vector<16xi1>, vector<16xi32>
    %get3A_1252 = arith.constant 81 : i32
    %get3A_1253 = arith.index_cast %get3A_1252 : i32 to index
    %get3A_1254 = arith.constant 0 : index
    %get3A_1255 = tpu.vector_load %arg7[%get3A_1253, %get3A_1254] {strides = array<i32>} : memref<128x128xi32, #tpu.memory_space<vmem>>, vector<1x16xi32>,
    %get3A_1256 = vector.shape_cast %get3A_1255 : vector<1x16xi32> to vector<16xi32>
    %mul3A_1257 = arith.muli %get3A_1256, %select_n3A_1251 : vector<16xi32>
    %add3A_1258 = arith.addi %add3A_1243, %mul3A_1257 : vector<16xi32>
    %eq3A_1259 = arith.constant 2 : i32
    %eq3A_1260 = vector.broadcast %eq3A_1259 : i32 to vector<16xi32>
    %eq3A_1261 = arith.cmpi eq, %iota3A, %eq3A_1260 : vector<16xi32>
    %jit3A_1262 = arith.constant 1 : i32
    %jit3A_1263 = arith.constant 0 : i32
    %broadcast_in_dim3A_1264 = vector.broadcast %jit3A_1262 : i32 to vector<16xi32>
    %broadcast_in_dim3A_1265 = vector.broadcast %jit3A_1263 : i32 to vector<16xi32>
    %select_n3A_1266 = arith.select %eq3A_1261, %broadcast_in_dim3A_1264, %broadcast_in_dim3A_1265 : vector<16xi1>, vector<16xi32>
    %get3A_1267 = arith.constant 82 : i32
    %get3A_1268 = arith.index_cast %get3A_1267 : i32 to index
    %get3A_1269 = arith.constant 0 : index
    %get3A_1270 = tpu.vector_load %arg7[%get3A_1268, %get3A_1269] {strides = array<i32>} : memref<128x128xi32, #tpu.memory_space<vmem>>, vector<1x16xi32>,
    %get3A_1271 = vector.shape_cast %get3A_1270 : vector<1x16xi32> to vector<16xi32>
    %mul3A_1272 = arith.muli %get3A_1271, %select_n3A_1266 : vector<16xi32>
    %add3A_1273 = arith.addi %add3A_1258, %mul3A_1272 : vector<16xi32>
    %eq3A_1274 = arith.constant 3 : i32
    %eq3A_1275 = vector.broadcast %eq3A_1274 : i32 to vector<16xi32>
    %eq3A_1276 = arith.cmpi eq, %iota3A, %eq3A_1275 : vector<16xi32>
    %jit3A_1277 = arith.constant 1 : i32
    %jit3A_1278 = arith.constant 0 : i32
    %broadcast_in_dim3A_1279 = vector.broadcast %jit3A_1277 : i32 to vector<16xi32>
    %broadcast_in_dim3A_1280 = vector.broadcast %jit3A_1278 : i32 to vector<16xi32>
    %select_n3A_1281 = arith.select %eq3A_1276, %broadcast_in_dim3A_1279, %broadcast_in_dim3A_1280 : vector<16xi1>, vector<16xi32>
    %get3A_1282 = arith.constant 83 : i32
    %get3A_1283 = arith.index_cast %get3A_1282 : i32 to index
    %get3A_1284 = arith.constant 0 : index
    %get3A_1285 = tpu.vector_load %arg7[%get3A_1283, %get3A_1284] {strides = array<i32>} : memref<128x128xi32, #tpu.memory_space<vmem>>, vector<1x16xi32>,
    %get3A_1286 = vector.shape_cast %get3A_1285 : vector<1x16xi32> to vector<16xi32>
    %mul3A_1287 = arith.muli %get3A_1286, %select_n3A_1281 : vector<16xi32>
    %add3A_1288 = arith.addi %add3A_1273, %mul3A_1287 : vector<16xi32>
    %eq3A_1289 = arith.constant 4 : i32
    %eq3A_1290 = vector.broadcast %eq3A_1289 : i32 to vector<16xi32>
    %eq3A_1291 = arith.cmpi eq, %iota3A, %eq3A_1290 : vector<16xi32>
    %jit3A_1292 = arith.constant 1 : i32
    %jit3A_1293 = arith.constant 0 : i32
    %broadcast_in_dim3A_1294 = vector.broadcast %jit3A_1292 : i32 to vector<16xi32>
    %broadcast_in_dim3A_1295 = vector.broadcast %jit3A_1293 : i32 to vector<16xi32>
    %select_n3A_1296 = arith.select %eq3A_1291, %broadcast_in_dim3A_1294, %broadcast_in_dim3A_1295 : vector<16xi1>, vector<16xi32>
    %get3A_1297 = arith.constant 84 : i32
    %get3A_1298 = arith.index_cast %get3A_1297 : i32 to index
    %get3A_1299 = arith.constant 0 : index
    %get3A_1300 = tpu.vector_load %arg7[%get3A_1298, %get3A_1299] {strides = array<i32>} : memref<128x128xi32, #tpu.memory_space<vmem>>, vector<1x16xi32>,
    %get3A_1301 = vector.shape_cast %get3A_1300 : vector<1x16xi32> to vector<16xi32>
    %mul3A_1302 = arith.muli %get3A_1301, %select_n3A_1296 : vector<16xi32>
    %add3A_1303 = arith.addi %add3A_1288, %mul3A_1302 : vector<16xi32>
    %eq3A_1304 = arith.constant 5 : i32
    %eq3A_1305 = vector.broadcast %eq3A_1304 : i32 to vector<16xi32>
    %eq3A_1306 = arith.cmpi eq, %iota3A, %eq3A_1305 : vector<16xi32>
    %jit3A_1307 = arith.constant 1 : i32
    %jit3A_1308 = arith.constant 0 : i32
    %broadcast_in_dim3A_1309 = vector.broadcast %jit3A_1307 : i32 to vector<16xi32>
    %broadcast_in_dim3A_1310 = vector.broadcast %jit3A_1308 : i32 to vector<16xi32>
    %select_n3A_1311 = arith.select %eq3A_1306, %broadcast_in_dim3A_1309, %broadcast_in_dim3A_1310 : vector<16xi1>, vector<16xi32>
    %get3A_1312 = arith.constant 85 : i32
    %get3A_1313 = arith.index_cast %get3A_1312 : i32 to index
    %get3A_1314 = arith.constant 0 : index
    %get3A_1315 = tpu.vector_load %arg7[%get3A_1313, %get3A_1314] {strides = array<i32>} : memref<128x128xi32, #tpu.memory_space<vmem>>, vector<1x16xi32>,
    %get3A_1316 = vector.shape_cast %get3A_1315 : vector<1x16xi32> to vector<16xi32>
    %mul3A_1317 = arith.muli %get3A_1316, %select_n3A_1311 : vector<16xi32>
    %add3A_1318 = arith.addi %add3A_1303, %mul3A_1317 : vector<16xi32>
    %eq3A_1319 = arith.constant 6 : i32
    %eq3A_1320 = vector.broadcast %eq3A_1319 : i32 to vector<16xi32>
    %eq3A_1321 = arith.cmpi eq, %iota3A, %eq3A_1320 : vector<16xi32>
    %jit3A_1322 = arith.constant 1 : i32
    %jit3A_1323 = arith.constant 0 : i32
    %broadcast_in_dim3A_1324 = vector.broadcast %jit3A_1322 : i32 to vector<16xi32>
    %broadcast_in_dim3A_1325 = vector.broadcast %jit3A_1323 : i32 to vector<16xi32>
    %select_n3A_1326 = arith.select %eq3A_1321, %broadcast_in_dim3A_1324, %broadcast_in_dim3A_1325 : vector<16xi1>, vector<16xi32>
    %get3A_1327 = arith.constant 86 : i32
    %get3A_1328 = arith.index_cast %get3A_1327 : i32 to index
    %get3A_1329 = arith.constant 0 : index
    %get3A_1330 = tpu.vector_load %arg7[%get3A_1328, %get3A_1329] {strides = array<i32>} : memref<128x128xi32, #tpu.memory_space<vmem>>, vector<1x16xi32>,
    %get3A_1331 = vector.shape_cast %get3A_1330 : vector<1x16xi32> to vector<16xi32>
    %mul3A_1332 = arith.muli %get3A_1331, %select_n3A_1326 : vector<16xi32>
    %add3A_1333 = arith.addi %add3A_1318, %mul3A_1332 : vector<16xi32>
    %eq3A_1334 = arith.constant 7 : i32
    %eq3A_1335 = vector.broadcast %eq3A_1334 : i32 to vector<16xi32>
    %eq3A_1336 = arith.cmpi eq, %iota3A, %eq3A_1335 : vector<16xi32>
    %jit3A_1337 = arith.constant 1 : i32
    %jit3A_1338 = arith.constant 0 : i32
    %broadcast_in_dim3A_1339 = vector.broadcast %jit3A_1337 : i32 to vector<16xi32>
    %broadcast_in_dim3A_1340 = vector.broadcast %jit3A_1338 : i32 to vector<16xi32>
    %select_n3A_1341 = arith.select %eq3A_1336, %broadcast_in_dim3A_1339, %broadcast_in_dim3A_1340 : vector<16xi1>, vector<16xi32>
    %get3A_1342 = arith.constant 87 : i32
    %get3A_1343 = arith.index_cast %get3A_1342 : i32 to index
    %get3A_1344 = arith.constant 0 : index
    %get3A_1345 = tpu.vector_load %arg7[%get3A_1343, %get3A_1344] {strides = array<i32>} : memref<128x128xi32, #tpu.memory_space<vmem>>, vector<1x16xi32>,
    %get3A_1346 = vector.shape_cast %get3A_1345 : vector<1x16xi32> to vector<16xi32>
    %mul3A_1347 = arith.muli %get3A_1346, %select_n3A_1341 : vector<16xi32>
    %add3A_1348 = arith.addi %add3A_1333, %mul3A_1347 : vector<16xi32>
    %eq3A_1349 = arith.constant 8 : i32
    %eq3A_1350 = vector.broadcast %eq3A_1349 : i32 to vector<16xi32>
    %eq3A_1351 = arith.cmpi eq, %iota3A, %eq3A_1350 : vector<16xi32>
    %jit3A_1352 = arith.constant 1 : i32
    %jit3A_1353 = arith.constant 0 : i32
    %broadcast_in_dim3A_1354 = vector.broadcast %jit3A_1352 : i32 to vector<16xi32>
    %broadcast_in_dim3A_1355 = vector.broadcast %jit3A_1353 : i32 to vector<16xi32>
    %select_n3A_1356 = arith.select %eq3A_1351, %broadcast_in_dim3A_1354, %broadcast_in_dim3A_1355 : vector<16xi1>, vector<16xi32>
    %get3A_1357 = arith.constant 88 : i32
    %get3A_1358 = arith.index_cast %get3A_1357 : i32 to index
    %get3A_1359 = arith.constant 0 : index
    %get3A_1360 = tpu.vector_load %arg7[%get3A_1358, %get3A_1359] {strides = array<i32>} : memref<128x128xi32, #tpu.memory_space<vmem>>, vector<1x16xi32>,
    %get3A_1361 = vector.shape_cast %get3A_1360 : vector<1x16xi32> to vector<16xi32>
    %mul3A_1362 = arith.muli %get3A_1361, %select_n3A_1356 : vector<16xi32>
    %add3A_1363 = arith.addi %add3A_1348, %mul3A_1362 : vector<16xi32>
    %eq3A_1364 = arith.constant 9 : i32
    %eq3A_1365 = vector.broadcast %eq3A_1364 : i32 to vector<16xi32>
    %eq3A_1366 = arith.cmpi eq, %iota3A, %eq3A_1365 : vector<16xi32>
    %jit3A_1367 = arith.constant 1 : i32
    %jit3A_1368 = arith.constant 0 : i32
    %broadcast_in_dim3A_1369 = vector.broadcast %jit3A_1367 : i32 to vector<16xi32>
    %broadcast_in_dim3A_1370 = vector.broadcast %jit3A_1368 : i32 to vector<16xi32>
    %select_n3A_1371 = arith.select %eq3A_1366, %broadcast_in_dim3A_1369, %broadcast_in_dim3A_1370 : vector<16xi1>, vector<16xi32>
    %get3A_1372 = arith.constant 89 : i32
    %get3A_1373 = arith.index_cast %get3A_1372 : i32 to index
    %get3A_1374 = arith.constant 0 : index
    %get3A_1375 = tpu.vector_load %arg7[%get3A_1373, %get3A_1374] {strides = array<i32>} : memref<128x128xi32, #tpu.memory_space<vmem>>, vector<1x16xi32>,
    %get3A_1376 = vector.shape_cast %get3A_1375 : vector<1x16xi32> to vector<16xi32>
    %mul3A_1377 = arith.muli %get3A_1376, %select_n3A_1371 : vector<16xi32>
    %add3A_1378 = arith.addi %add3A_1363, %mul3A_1377 : vector<16xi32>
    %eq3A_1379 = arith.constant 10 : i32
    %eq3A_1380 = vector.broadcast %eq3A_1379 : i32 to vector<16xi32>
    %eq3A_1381 = arith.cmpi eq, %iota3A, %eq3A_1380 : vector<16xi32>
    %jit3A_1382 = arith.constant 1 : i32
    %jit3A_1383 = arith.constant 0 : i32
    %broadcast_in_dim3A_1384 = vector.broadcast %jit3A_1382 : i32 to vector<16xi32>
    %broadcast_in_dim3A_1385 = vector.broadcast %jit3A_1383 : i32 to vector<16xi32>
    %select_n3A_1386 = arith.select %eq3A_1381, %broadcast_in_dim3A_1384, %broadcast_in_dim3A_1385 : vector<16xi1>, vector<16xi32>
    %get3A_1387 = arith.constant 90 : i32
    %get3A_1388 = arith.index_cast %get3A_1387 : i32 to index
    %get3A_1389 = arith.constant 0 : index
    %get3A_1390 = tpu.vector_load %arg7[%get3A_1388, %get3A_1389] {strides = array<i32>} : memref<128x128xi32, #tpu.memory_space<vmem>>, vector<1x16xi32>,
    %get3A_1391 = vector.shape_cast %get3A_1390 : vector<1x16xi32> to vector<16xi32>
    %mul3A_1392 = arith.muli %get3A_1391, %select_n3A_1386 : vector<16xi32>
    %add3A_1393 = arith.addi %add3A_1378, %mul3A_1392 : vector<16xi32>
    %eq3A_1394 = arith.constant 11 : i32
    %eq3A_1395 = vector.broadcast %eq3A_1394 : i32 to vector<16xi32>
    %eq3A_1396 = arith.cmpi eq, %iota3A, %eq3A_1395 : vector<16xi32>
    %jit3A_1397 = arith.constant 1 : i32
    %jit3A_1398 = arith.constant 0 : i32
    %broadcast_in_dim3A_1399 = vector.broadcast %jit3A_1397 : i32 to vector<16xi32>
    %broadcast_in_dim3A_1400 = vector.broadcast %jit3A_1398 : i32 to vector<16xi32>
    %select_n3A_1401 = arith.select %eq3A_1396, %broadcast_in_dim3A_1399, %broadcast_in_dim3A_1400 : vector<16xi1>, vector<16xi32>
    %get3A_1402 = arith.constant 91 : i32
    %get3A_1403 = arith.index_cast %get3A_1402 : i32 to index
    %get3A_1404 = arith.constant 0 : index
    %get3A_1405 = tpu.vector_load %arg7[%get3A_1403, %get3A_1404] {strides = array<i32>} : memref<128x128xi32, #tpu.memory_space<vmem>>, vector<1x16xi32>,
    %get3A_1406 = vector.shape_cast %get3A_1405 : vector<1x16xi32> to vector<16xi32>
    %mul3A_1407 = arith.muli %get3A_1406, %select_n3A_1401 : vector<16xi32>
    %add3A_1408 = arith.addi %add3A_1393, %mul3A_1407 : vector<16xi32>
    %eq3A_1409 = arith.constant 12 : i32
    %eq3A_1410 = vector.broadcast %eq3A_1409 : i32 to vector<16xi32>
    %eq3A_1411 = arith.cmpi eq, %iota3A, %eq3A_1410 : vector<16xi32>
    %jit3A_1412 = arith.constant 1 : i32
    %jit3A_1413 = arith.constant 0 : i32
    %broadcast_in_dim3A_1414 = vector.broadcast %jit3A_1412 : i32 to vector<16xi32>
    %broadcast_in_dim3A_1415 = vector.broadcast %jit3A_1413 : i32 to vector<16xi32>
    %select_n3A_1416 = arith.select %eq3A_1411, %broadcast_in_dim3A_1414, %broadcast_in_dim3A_1415 : vector<16xi1>, vector<16xi32>
    %get3A_1417 = arith.constant 92 : i32
    %get3A_1418 = arith.index_cast %get3A_1417 : i32 to index
    %get3A_1419 = arith.constant 0 : index
    %get3A_1420 = tpu.vector_load %arg7[%get3A_1418, %get3A_1419] {strides = array<i32>} : memref<128x128xi32, #tpu.memory_space<vmem>>, vector<1x16xi32>,
    %get3A_1421 = vector.shape_cast %get3A_1420 : vector<1x16xi32> to vector<16xi32>
    %mul3A_1422 = arith.muli %get3A_1421, %select_n3A_1416 : vector<16xi32>
    %add3A_1423 = arith.addi %add3A_1408, %mul3A_1422 : vector<16xi32>
    %eq3A_1424 = arith.constant 13 : i32
    %eq3A_1425 = vector.broadcast %eq3A_1424 : i32 to vector<16xi32>
    %eq3A_1426 = arith.cmpi eq, %iota3A, %eq3A_1425 : vector<16xi32>
    %jit3A_1427 = arith.constant 1 : i32
    %jit3A_1428 = arith.constant 0 : i32
    %broadcast_in_dim3A_1429 = vector.broadcast %jit3A_1427 : i32 to vector<16xi32>
    %broadcast_in_dim3A_1430 = vector.broadcast %jit3A_1428 : i32 to vector<16xi32>
    %select_n3A_1431 = arith.select %eq3A_1426, %broadcast_in_dim3A_1429, %broadcast_in_dim3A_1430 : vector<16xi1>, vector<16xi32>
    %get3A_1432 = arith.constant 93 : i32
    %get3A_1433 = arith.index_cast %get3A_1432 : i32 to index
    %get3A_1434 = arith.constant 0 : index
    %get3A_1435 = tpu.vector_load %arg7[%get3A_1433, %get3A_1434] {strides = array<i32>} : memref<128x128xi32, #tpu.memory_space<vmem>>, vector<1x16xi32>,
    %get3A_1436 = vector.shape_cast %get3A_1435 : vector<1x16xi32> to vector<16xi32>
    %mul3A_1437 = arith.muli %get3A_1436, %select_n3A_1431 : vector<16xi32>
    %add3A_1438 = arith.addi %add3A_1423, %mul3A_1437 : vector<16xi32>
    %eq3A_1439 = arith.constant 14 : i32
    %eq3A_1440 = vector.broadcast %eq3A_1439 : i32 to vector<16xi32>
    %eq3A_1441 = arith.cmpi eq, %iota3A, %eq3A_1440 : vector<16xi32>
    %jit3A_1442 = arith.constant 1 : i32
    %jit3A_1443 = arith.constant 0 : i32
    %broadcast_in_dim3A_1444 = vector.broadcast %jit3A_1442 : i32 to vector<16xi32>
    %broadcast_in_dim3A_1445 = vector.broadcast %jit3A_1443 : i32 to vector<16xi32>
    %select_n3A_1446 = arith.select %eq3A_1441, %broadcast_in_dim3A_1444, %broadcast_in_dim3A_1445 : vector<16xi1>, vector<16xi32>
    %get3A_1447 = arith.constant 94 : i32
    %get3A_1448 = arith.index_cast %get3A_1447 : i32 to index
    %get3A_1449 = arith.constant 0 : index
    %get3A_1450 = tpu.vector_load %arg7[%get3A_1448, %get3A_1449] {strides = array<i32>} : memref<128x128xi32, #tpu.memory_space<vmem>>, vector<1x16xi32>,
    %get3A_1451 = vector.shape_cast %get3A_1450 : vector<1x16xi32> to vector<16xi32>
    %mul3A_1452 = arith.muli %get3A_1451, %select_n3A_1446 : vector<16xi32>
    %add3A_1453 = arith.addi %add3A_1438, %mul3A_1452 : vector<16xi32>
    %eq3A_1454 = arith.constant 15 : i32
    %eq3A_1455 = vector.broadcast %eq3A_1454 : i32 to vector<16xi32>
    %eq3A_1456 = arith.cmpi eq, %iota3A, %eq3A_1455 : vector<16xi32>
    %jit3A_1457 = arith.constant 1 : i32
    %jit3A_1458 = arith.constant 0 : i32
    %broadcast_in_dim3A_1459 = vector.broadcast %jit3A_1457 : i32 to vector<16xi32>
    %broadcast_in_dim3A_1460 = vector.broadcast %jit3A_1458 : i32 to vector<16xi32>
    %select_n3A_1461 = arith.select %eq3A_1456, %broadcast_in_dim3A_1459, %broadcast_in_dim3A_1460 : vector<16xi1>, vector<16xi32>
    %get3A_1462 = arith.constant 95 : i32
    %get3A_1463 = arith.index_cast %get3A_1462 : i32 to index
    %get3A_1464 = arith.constant 0 : index
    %get3A_1465 = tpu.vector_load %arg7[%get3A_1463, %get3A_1464] {strides = array<i32>} : memref<128x128xi32, #tpu.memory_space<vmem>>, vector<1x16xi32>,
    %get3A_1466 = vector.shape_cast %get3A_1465 : vector<1x16xi32> to vector<16xi32>
    %mul3A_1467 = arith.muli %get3A_1466, %select_n3A_1461 : vector<16xi32>
    %add3A_1468 = arith.addi %add3A_1453, %mul3A_1467 : vector<16xi32>
    %swap3A_1469 = arith.constant 80 : index
    %swap3A_1470 = tpu.vector_load %arg8[%swap3A_1469] {strides = array<i32>} : memref<128xi32, #tpu.memory_space<vmem>>, vector<16xi32>,
    %swap3A_1471 = vector.shape_cast %swap3A_1470 : vector<16xi32> to vector<16xi32>
    %swap3A_1472 = vector.shape_cast %add3A_1468 : vector<16xi32> to vector<16xi32>
    tpu.vector_store %arg8[%swap3A_1469], %swap3A_1472 {strides = array<i32>} : memref<128xi32, #tpu.memory_space<vmem>>, vector<16xi32>,
    %broadcast_in_dim3A_1473 = arith.constant 0 : i32
    %broadcast_in_dim3A_1474 = vector.broadcast %broadcast_in_dim3A_1473 : i32 to vector<16xi32>
    %eq3A_1475 = arith.constant 0 : i32
    %eq3A_1476 = vector.broadcast %eq3A_1475 : i32 to vector<16xi32>
    %eq3A_1477 = arith.cmpi eq, %iota3A, %eq3A_1476 : vector<16xi32>
    %jit3A_1478 = arith.constant 1 : i32
    %jit3A_1479 = arith.constant 0 : i32
    %broadcast_in_dim3A_1480 = vector.broadcast %jit3A_1478 : i32 to vector<16xi32>
    %broadcast_in_dim3A_1481 = vector.broadcast %jit3A_1479 : i32 to vector<16xi32>
    %select_n3A_1482 = arith.select %eq3A_1477, %broadcast_in_dim3A_1480, %broadcast_in_dim3A_1481 : vector<16xi1>, vector<16xi32>
    %get3A_1483 = arith.constant 96 : i32
    %get3A_1484 = arith.index_cast %get3A_1483 : i32 to index
    %get3A_1485 = arith.constant 0 : index
    %get3A_1486 = tpu.vector_load %arg7[%get3A_1484, %get3A_1485] {strides = array<i32>} : memref<128x128xi32, #tpu.memory_space<vmem>>, vector<1x16xi32>,
    %get3A_1487 = vector.shape_cast %get3A_1486 : vector<1x16xi32> to vector<16xi32>
    %mul3A_1488 = arith.muli %get3A_1487, %select_n3A_1482 : vector<16xi32>
    %add3A_1489 = arith.addi %broadcast_in_dim3A_1474, %mul3A_1488 : vector<16xi32>
    %eq3A_1490 = arith.constant 1 : i32
    %eq3A_1491 = vector.broadcast %eq3A_1490 : i32 to vector<16xi32>
    %eq3A_1492 = arith.cmpi eq, %iota3A, %eq3A_1491 : vector<16xi32>
    %jit3A_1493 = arith.constant 1 : i32
    %jit3A_1494 = arith.constant 0 : i32
    %broadcast_in_dim3A_1495 = vector.broadcast %jit3A_1493 : i32 to vector<16xi32>
    %broadcast_in_dim3A_1496 = vector.broadcast %jit3A_1494 : i32 to vector<16xi32>
    %select_n3A_1497 = arith.select %eq3A_1492, %broadcast_in_dim3A_1495, %broadcast_in_dim3A_1496 : vector<16xi1>, vector<16xi32>
    %get3A_1498 = arith.constant 97 : i32
    %get3A_1499 = arith.index_cast %get3A_1498 : i32 to index
    %get3A_1500 = arith.constant 0 : index
    %get3A_1501 = tpu.vector_load %arg7[%get3A_1499, %get3A_1500] {strides = array<i32>} : memref<128x128xi32, #tpu.memory_space<vmem>>, vector<1x16xi32>,
    %get3A_1502 = vector.shape_cast %get3A_1501 : vector<1x16xi32> to vector<16xi32>
    %mul3A_1503 = arith.muli %get3A_1502, %select_n3A_1497 : vector<16xi32>
    %add3A_1504 = arith.addi %add3A_1489, %mul3A_1503 : vector<16xi32>
    %eq3A_1505 = arith.constant 2 : i32
    %eq3A_1506 = vector.broadcast %eq3A_1505 : i32 to vector<16xi32>
    %eq3A_1507 = arith.cmpi eq, %iota3A, %eq3A_1506 : vector<16xi32>
    %jit3A_1508 = arith.constant 1 : i32
    %jit3A_1509 = arith.constant 0 : i32
    %broadcast_in_dim3A_1510 = vector.broadcast %jit3A_1508 : i32 to vector<16xi32>
    %broadcast_in_dim3A_1511 = vector.broadcast %jit3A_1509 : i32 to vector<16xi32>
    %select_n3A_1512 = arith.select %eq3A_1507, %broadcast_in_dim3A_1510, %broadcast_in_dim3A_1511 : vector<16xi1>, vector<16xi32>
    %get3A_1513 = arith.constant 98 : i32
    %get3A_1514 = arith.index_cast %get3A_1513 : i32 to index
    %get3A_1515 = arith.constant 0 : index
    %get3A_1516 = tpu.vector_load %arg7[%get3A_1514, %get3A_1515] {strides = array<i32>} : memref<128x128xi32, #tpu.memory_space<vmem>>, vector<1x16xi32>,
    %get3A_1517 = vector.shape_cast %get3A_1516 : vector<1x16xi32> to vector<16xi32>
    %mul3A_1518 = arith.muli %get3A_1517, %select_n3A_1512 : vector<16xi32>
    %add3A_1519 = arith.addi %add3A_1504, %mul3A_1518 : vector<16xi32>
    %eq3A_1520 = arith.constant 3 : i32
    %eq3A_1521 = vector.broadcast %eq3A_1520 : i32 to vector<16xi32>
    %eq3A_1522 = arith.cmpi eq, %iota3A, %eq3A_1521 : vector<16xi32>
    %jit3A_1523 = arith.constant 1 : i32
    %jit3A_1524 = arith.constant 0 : i32
    %broadcast_in_dim3A_1525 = vector.broadcast %jit3A_1523 : i32 to vector<16xi32>
    %broadcast_in_dim3A_1526 = vector.broadcast %jit3A_1524 : i32 to vector<16xi32>
    %select_n3A_1527 = arith.select %eq3A_1522, %broadcast_in_dim3A_1525, %broadcast_in_dim3A_1526 : vector<16xi1>, vector<16xi32>
    %get3A_1528 = arith.constant 99 : i32
    %get3A_1529 = arith.index_cast %get3A_1528 : i32 to index
    %get3A_1530 = arith.constant 0 : index
    %get3A_1531 = tpu.vector_load %arg7[%get3A_1529, %get3A_1530] {strides = array<i32>} : memref<128x128xi32, #tpu.memory_space<vmem>>, vector<1x16xi32>,
    %get3A_1532 = vector.shape_cast %get3A_1531 : vector<1x16xi32> to vector<16xi32>
    %mul3A_1533 = arith.muli %get3A_1532, %select_n3A_1527 : vector<16xi32>
    %add3A_1534 = arith.addi %add3A_1519, %mul3A_1533 : vector<16xi32>
    %eq3A_1535 = arith.constant 4 : i32
    %eq3A_1536 = vector.broadcast %eq3A_1535 : i32 to vector<16xi32>
    %eq3A_1537 = arith.cmpi eq, %iota3A, %eq3A_1536 : vector<16xi32>
    %jit3A_1538 = arith.constant 1 : i32
    %jit3A_1539 = arith.constant 0 : i32
    %broadcast_in_dim3A_1540 = vector.broadcast %jit3A_1538 : i32 to vector<16xi32>
    %broadcast_in_dim3A_1541 = vector.broadcast %jit3A_1539 : i32 to vector<16xi32>
    %select_n3A_1542 = arith.select %eq3A_1537, %broadcast_in_dim3A_1540, %broadcast_in_dim3A_1541 : vector<16xi1>, vector<16xi32>
    %get3A_1543 = arith.constant 100 : i32
    %get3A_1544 = arith.index_cast %get3A_1543 : i32 to index
    %get3A_1545 = arith.constant 0 : index
    %get3A_1546 = tpu.vector_load %arg7[%get3A_1544, %get3A_1545] {strides = array<i32>} : memref<128x128xi32, #tpu.memory_space<vmem>>, vector<1x16xi32>,
    %get3A_1547 = vector.shape_cast %get3A_1546 : vector<1x16xi32> to vector<16xi32>
    %mul3A_1548 = arith.muli %get3A_1547, %select_n3A_1542 : vector<16xi32>
    %add3A_1549 = arith.addi %add3A_1534, %mul3A_1548 : vector<16xi32>
    %eq3A_1550 = arith.constant 5 : i32
    %eq3A_1551 = vector.broadcast %eq3A_1550 : i32 to vector<16xi32>
    %eq3A_1552 = arith.cmpi eq, %iota3A, %eq3A_1551 : vector<16xi32>
    %jit3A_1553 = arith.constant 1 : i32
    %jit3A_1554 = arith.constant 0 : i32
    %broadcast_in_dim3A_1555 = vector.broadcast %jit3A_1553 : i32 to vector<16xi32>
    %broadcast_in_dim3A_1556 = vector.broadcast %jit3A_1554 : i32 to vector<16xi32>
    %select_n3A_1557 = arith.select %eq3A_1552, %broadcast_in_dim3A_1555, %broadcast_in_dim3A_1556 : vector<16xi1>, vector<16xi32>
    %get3A_1558 = arith.constant 101 : i32
    %get3A_1559 = arith.index_cast %get3A_1558 : i32 to index
    %get3A_1560 = arith.constant 0 : index
    %get3A_1561 = tpu.vector_load %arg7[%get3A_1559, %get3A_1560] {strides = array<i32>} : memref<128x128xi32, #tpu.memory_space<vmem>>, vector<1x16xi32>,
    %get3A_1562 = vector.shape_cast %get3A_1561 : vector<1x16xi32> to vector<16xi32>
    %mul3A_1563 = arith.muli %get3A_1562, %select_n3A_1557 : vector<16xi32>
    %add3A_1564 = arith.addi %add3A_1549, %mul3A_1563 : vector<16xi32>
    %eq3A_1565 = arith.constant 6 : i32
    %eq3A_1566 = vector.broadcast %eq3A_1565 : i32 to vector<16xi32>
    %eq3A_1567 = arith.cmpi eq, %iota3A, %eq3A_1566 : vector<16xi32>
    %jit3A_1568 = arith.constant 1 : i32
    %jit3A_1569 = arith.constant 0 : i32
    %broadcast_in_dim3A_1570 = vector.broadcast %jit3A_1568 : i32 to vector<16xi32>
    %broadcast_in_dim3A_1571 = vector.broadcast %jit3A_1569 : i32 to vector<16xi32>
    %select_n3A_1572 = arith.select %eq3A_1567, %broadcast_in_dim3A_1570, %broadcast_in_dim3A_1571 : vector<16xi1>, vector<16xi32>
    %get3A_1573 = arith.constant 102 : i32
    %get3A_1574 = arith.index_cast %get3A_1573 : i32 to index
    %get3A_1575 = arith.constant 0 : index
    %get3A_1576 = tpu.vector_load %arg7[%get3A_1574, %get3A_1575] {strides = array<i32>} : memref<128x128xi32, #tpu.memory_space<vmem>>, vector<1x16xi32>,
    %get3A_1577 = vector.shape_cast %get3A_1576 : vector<1x16xi32> to vector<16xi32>
    %mul3A_1578 = arith.muli %get3A_1577, %select_n3A_1572 : vector<16xi32>
    %add3A_1579 = arith.addi %add3A_1564, %mul3A_1578 : vector<16xi32>
    %eq3A_1580 = arith.constant 7 : i32
    %eq3A_1581 = vector.broadcast %eq3A_1580 : i32 to vector<16xi32>
    %eq3A_1582 = arith.cmpi eq, %iota3A, %eq3A_1581 : vector<16xi32>
    %jit3A_1583 = arith.constant 1 : i32
    %jit3A_1584 = arith.constant 0 : i32
    %broadcast_in_dim3A_1585 = vector.broadcast %jit3A_1583 : i32 to vector<16xi32>
    %broadcast_in_dim3A_1586 = vector.broadcast %jit3A_1584 : i32 to vector<16xi32>
    %select_n3A_1587 = arith.select %eq3A_1582, %broadcast_in_dim3A_1585, %broadcast_in_dim3A_1586 : vector<16xi1>, vector<16xi32>
    %get3A_1588 = arith.constant 103 : i32
    %get3A_1589 = arith.index_cast %get3A_1588 : i32 to index
    %get3A_1590 = arith.constant 0 : index
    %get3A_1591 = tpu.vector_load %arg7[%get3A_1589, %get3A_1590] {strides = array<i32>} : memref<128x128xi32, #tpu.memory_space<vmem>>, vector<1x16xi32>,
    %get3A_1592 = vector.shape_cast %get3A_1591 : vector<1x16xi32> to vector<16xi32>
    %mul3A_1593 = arith.muli %get3A_1592, %select_n3A_1587 : vector<16xi32>
    %add3A_1594 = arith.addi %add3A_1579, %mul3A_1593 : vector<16xi32>
    %eq3A_1595 = arith.constant 8 : i32
    %eq3A_1596 = vector.broadcast %eq3A_1595 : i32 to vector<16xi32>
    %eq3A_1597 = arith.cmpi eq, %iota3A, %eq3A_1596 : vector<16xi32>
    %jit3A_1598 = arith.constant 1 : i32
    %jit3A_1599 = arith.constant 0 : i32
    %broadcast_in_dim3A_1600 = vector.broadcast %jit3A_1598 : i32 to vector<16xi32>
    %broadcast_in_dim3A_1601 = vector.broadcast %jit3A_1599 : i32 to vector<16xi32>
    %select_n3A_1602 = arith.select %eq3A_1597, %broadcast_in_dim3A_1600, %broadcast_in_dim3A_1601 : vector<16xi1>, vector<16xi32>
    %get3A_1603 = arith.constant 104 : i32
    %get3A_1604 = arith.index_cast %get3A_1603 : i32 to index
    %get3A_1605 = arith.constant 0 : index
    %get3A_1606 = tpu.vector_load %arg7[%get3A_1604, %get3A_1605] {strides = array<i32>} : memref<128x128xi32, #tpu.memory_space<vmem>>, vector<1x16xi32>,
    %get3A_1607 = vector.shape_cast %get3A_1606 : vector<1x16xi32> to vector<16xi32>
    %mul3A_1608 = arith.muli %get3A_1607, %select_n3A_1602 : vector<16xi32>
    %add3A_1609 = arith.addi %add3A_1594, %mul3A_1608 : vector<16xi32>
    %eq3A_1610 = arith.constant 9 : i32
    %eq3A_1611 = vector.broadcast %eq3A_1610 : i32 to vector<16xi32>
    %eq3A_1612 = arith.cmpi eq, %iota3A, %eq3A_1611 : vector<16xi32>
    %jit3A_1613 = arith.constant 1 : i32
    %jit3A_1614 = arith.constant 0 : i32
    %broadcast_in_dim3A_1615 = vector.broadcast %jit3A_1613 : i32 to vector<16xi32>
    %broadcast_in_dim3A_1616 = vector.broadcast %jit3A_1614 : i32 to vector<16xi32>
    %select_n3A_1617 = arith.select %eq3A_1612, %broadcast_in_dim3A_1615, %broadcast_in_dim3A_1616 : vector<16xi1>, vector<16xi32>
    %get3A_1618 = arith.constant 105 : i32
    %get3A_1619 = arith.index_cast %get3A_1618 : i32 to index
    %get3A_1620 = arith.constant 0 : index
    %get3A_1621 = tpu.vector_load %arg7[%get3A_1619, %get3A_1620] {strides = array<i32>} : memref<128x128xi32, #tpu.memory_space<vmem>>, vector<1x16xi32>,
    %get3A_1622 = vector.shape_cast %get3A_1621 : vector<1x16xi32> to vector<16xi32>
    %mul3A_1623 = arith.muli %get3A_1622, %select_n3A_1617 : vector<16xi32>
    %add3A_1624 = arith.addi %add3A_1609, %mul3A_1623 : vector<16xi32>
    %eq3A_1625 = arith.constant 10 : i32
    %eq3A_1626 = vector.broadcast %eq3A_1625 : i32 to vector<16xi32>
    %eq3A_1627 = arith.cmpi eq, %iota3A, %eq3A_1626 : vector<16xi32>
    %jit3A_1628 = arith.constant 1 : i32
    %jit3A_1629 = arith.constant 0 : i32
    %broadcast_in_dim3A_1630 = vector.broadcast %jit3A_1628 : i32 to vector<16xi32>
    %broadcast_in_dim3A_1631 = vector.broadcast %jit3A_1629 : i32 to vector<16xi32>
    %select_n3A_1632 = arith.select %eq3A_1627, %broadcast_in_dim3A_1630, %broadcast_in_dim3A_1631 : vector<16xi1>, vector<16xi32>
    %get3A_1633 = arith.constant 106 : i32
    %get3A_1634 = arith.index_cast %get3A_1633 : i32 to index
    %get3A_1635 = arith.constant 0 : index
    %get3A_1636 = tpu.vector_load %arg7[%get3A_1634, %get3A_1635] {strides = array<i32>} : memref<128x128xi32, #tpu.memory_space<vmem>>, vector<1x16xi32>,
    %get3A_1637 = vector.shape_cast %get3A_1636 : vector<1x16xi32> to vector<16xi32>
    %mul3A_1638 = arith.muli %get3A_1637, %select_n3A_1632 : vector<16xi32>
    %add3A_1639 = arith.addi %add3A_1624, %mul3A_1638 : vector<16xi32>
    %eq3A_1640 = arith.constant 11 : i32
    %eq3A_1641 = vector.broadcast %eq3A_1640 : i32 to vector<16xi32>
    %eq3A_1642 = arith.cmpi eq, %iota3A, %eq3A_1641 : vector<16xi32>
    %jit3A_1643 = arith.constant 1 : i32
    %jit3A_1644 = arith.constant 0 : i32
    %broadcast_in_dim3A_1645 = vector.broadcast %jit3A_1643 : i32 to vector<16xi32>
    %broadcast_in_dim3A_1646 = vector.broadcast %jit3A_1644 : i32 to vector<16xi32>
    %select_n3A_1647 = arith.select %eq3A_1642, %broadcast_in_dim3A_1645, %broadcast_in_dim3A_1646 : vector<16xi1>, vector<16xi32>
    %get3A_1648 = arith.constant 107 : i32
    %get3A_1649 = arith.index_cast %get3A_1648 : i32 to index
    %get3A_1650 = arith.constant 0 : index
    %get3A_1651 = tpu.vector_load %arg7[%get3A_1649, %get3A_1650] {strides = array<i32>} : memref<128x128xi32, #tpu.memory_space<vmem>>, vector<1x16xi32>,
    %get3A_1652 = vector.shape_cast %get3A_1651 : vector<1x16xi32> to vector<16xi32>
    %mul3A_1653 = arith.muli %get3A_1652, %select_n3A_1647 : vector<16xi32>
    %add3A_1654 = arith.addi %add3A_1639, %mul3A_1653 : vector<16xi32>
    %eq3A_1655 = arith.constant 12 : i32
    %eq3A_1656 = vector.broadcast %eq3A_1655 : i32 to vector<16xi32>
    %eq3A_1657 = arith.cmpi eq, %iota3A, %eq3A_1656 : vector<16xi32>
    %jit3A_1658 = arith.constant 1 : i32
    %jit3A_1659 = arith.constant 0 : i32
    %broadcast_in_dim3A_1660 = vector.broadcast %jit3A_1658 : i32 to vector<16xi32>
    %broadcast_in_dim3A_1661 = vector.broadcast %jit3A_1659 : i32 to vector<16xi32>
    %select_n3A_1662 = arith.select %eq3A_1657, %broadcast_in_dim3A_1660, %broadcast_in_dim3A_1661 : vector<16xi1>, vector<16xi32>
    %get3A_1663 = arith.constant 108 : i32
    %get3A_1664 = arith.index_cast %get3A_1663 : i32 to index
    %get3A_1665 = arith.constant 0 : index
    %get3A_1666 = tpu.vector_load %arg7[%get3A_1664, %get3A_1665] {strides = array<i32>} : memref<128x128xi32, #tpu.memory_space<vmem>>, vector<1x16xi32>,
    %get3A_1667 = vector.shape_cast %get3A_1666 : vector<1x16xi32> to vector<16xi32>
    %mul3A_1668 = arith.muli %get3A_1667, %select_n3A_1662 : vector<16xi32>
    %add3A_1669 = arith.addi %add3A_1654, %mul3A_1668 : vector<16xi32>
    %eq3A_1670 = arith.constant 13 : i32
    %eq3A_1671 = vector.broadcast %eq3A_1670 : i32 to vector<16xi32>
    %eq3A_1672 = arith.cmpi eq, %iota3A, %eq3A_1671 : vector<16xi32>
    %jit3A_1673 = arith.constant 1 : i32
    %jit3A_1674 = arith.constant 0 : i32
    %broadcast_in_dim3A_1675 = vector.broadcast %jit3A_1673 : i32 to vector<16xi32>
    %broadcast_in_dim3A_1676 = vector.broadcast %jit3A_1674 : i32 to vector<16xi32>
    %select_n3A_1677 = arith.select %eq3A_1672, %broadcast_in_dim3A_1675, %broadcast_in_dim3A_1676 : vector<16xi1>, vector<16xi32>
    %get3A_1678 = arith.constant 109 : i32
    %get3A_1679 = arith.index_cast %get3A_1678 : i32 to index
    %get3A_1680 = arith.constant 0 : index
    %get3A_1681 = tpu.vector_load %arg7[%get3A_1679, %get3A_1680] {strides = array<i32>} : memref<128x128xi32, #tpu.memory_space<vmem>>, vector<1x16xi32>,
    %get3A_1682 = vector.shape_cast %get3A_1681 : vector<1x16xi32> to vector<16xi32>
    %mul3A_1683 = arith.muli %get3A_1682, %select_n3A_1677 : vector<16xi32>
    %add3A_1684 = arith.addi %add3A_1669, %mul3A_1683 : vector<16xi32>
    %eq3A_1685 = arith.constant 14 : i32
    %eq3A_1686 = vector.broadcast %eq3A_1685 : i32 to vector<16xi32>
    %eq3A_1687 = arith.cmpi eq, %iota3A, %eq3A_1686 : vector<16xi32>
    %jit3A_1688 = arith.constant 1 : i32
    %jit3A_1689 = arith.constant 0 : i32
    %broadcast_in_dim3A_1690 = vector.broadcast %jit3A_1688 : i32 to vector<16xi32>
    %broadcast_in_dim3A_1691 = vector.broadcast %jit3A_1689 : i32 to vector<16xi32>
    %select_n3A_1692 = arith.select %eq3A_1687, %broadcast_in_dim3A_1690, %broadcast_in_dim3A_1691 : vector<16xi1>, vector<16xi32>
    %get3A_1693 = arith.constant 110 : i32
    %get3A_1694 = arith.index_cast %get3A_1693 : i32 to index
    %get3A_1695 = arith.constant 0 : index
    %get3A_1696 = tpu.vector_load %arg7[%get3A_1694, %get3A_1695] {strides = array<i32>} : memref<128x128xi32, #tpu.memory_space<vmem>>, vector<1x16xi32>,
    %get3A_1697 = vector.shape_cast %get3A_1696 : vector<1x16xi32> to vector<16xi32>
    %mul3A_1698 = arith.muli %get3A_1697, %select_n3A_1692 : vector<16xi32>
    %add3A_1699 = arith.addi %add3A_1684, %mul3A_1698 : vector<16xi32>
    %eq3A_1700 = arith.constant 15 : i32
    %eq3A_1701 = vector.broadcast %eq3A_1700 : i32 to vector<16xi32>
    %eq3A_1702 = arith.cmpi eq, %iota3A, %eq3A_1701 : vector<16xi32>
    %jit3A_1703 = arith.constant 1 : i32
    %jit3A_1704 = arith.constant 0 : i32
    %broadcast_in_dim3A_1705 = vector.broadcast %jit3A_1703 : i32 to vector<16xi32>
    %broadcast_in_dim3A_1706 = vector.broadcast %jit3A_1704 : i32 to vector<16xi32>
    %select_n3A_1707 = arith.select %eq3A_1702, %broadcast_in_dim3A_1705, %broadcast_in_dim3A_1706 : vector<16xi1>, vector<16xi32>
    %get3A_1708 = arith.constant 111 : i32
    %get3A_1709 = arith.index_cast %get3A_1708 : i32 to index
    %get3A_1710 = arith.constant 0 : index
    %get3A_1711 = tpu.vector_load %arg7[%get3A_1709, %get3A_1710] {strides = array<i32>} : memref<128x128xi32, #tpu.memory_space<vmem>>, vector<1x16xi32>,
    %get3A_1712 = vector.shape_cast %get3A_1711 : vector<1x16xi32> to vector<16xi32>
    %mul3A_1713 = arith.muli %get3A_1712, %select_n3A_1707 : vector<16xi32>
    %add3A_1714 = arith.addi %add3A_1699, %mul3A_1713 : vector<16xi32>
    %swap3A_1715 = arith.constant 96 : index
    %swap3A_1716 = tpu.vector_load %arg8[%swap3A_1715] {strides = array<i32>} : memref<128xi32, #tpu.memory_space<vmem>>, vector<16xi32>,
    %swap3A_1717 = vector.shape_cast %swap3A_1716 : vector<16xi32> to vector<16xi32>
    %swap3A_1718 = vector.shape_cast %add3A_1714 : vector<16xi32> to vector<16xi32>
    tpu.vector_store %arg8[%swap3A_1715], %swap3A_1718 {strides = array<i32>} : memref<128xi32, #tpu.memory_space<vmem>>, vector<16xi32>,
    %broadcast_in_dim3A_1719 = arith.constant 0 : i32
    %broadcast_in_dim3A_1720 = vector.broadcast %broadcast_in_dim3A_1719 : i32 to vector<16xi32>
    %eq3A_1721 = arith.constant 0 : i32
    %eq3A_1722 = vector.broadcast %eq3A_1721 : i32 to vector<16xi32>
    %eq3A_1723 = arith.cmpi eq, %iota3A, %eq3A_1722 : vector<16xi32>
    %jit3A_1724 = arith.constant 1 : i32
    %jit3A_1725 = arith.constant 0 : i32
    %broadcast_in_dim3A_1726 = vector.broadcast %jit3A_1724 : i32 to vector<16xi32>
    %broadcast_in_dim3A_1727 = vector.broadcast %jit3A_1725 : i32 to vector<16xi32>
    %select_n3A_1728 = arith.select %eq3A_1723, %broadcast_in_dim3A_1726, %broadcast_in_dim3A_1727 : vector<16xi1>, vector<16xi32>
    %get3A_1729 = arith.constant 112 : i32
    %get3A_1730 = arith.index_cast %get3A_1729 : i32 to index
    %get3A_1731 = arith.constant 0 : index
    %get3A_1732 = tpu.vector_load %arg7[%get3A_1730, %get3A_1731] {strides = array<i32>} : memref<128x128xi32, #tpu.memory_space<vmem>>, vector<1x16xi32>,
    %get3A_1733 = vector.shape_cast %get3A_1732 : vector<1x16xi32> to vector<16xi32>
    %mul3A_1734 = arith.muli %get3A_1733, %select_n3A_1728 : vector<16xi32>
    %add3A_1735 = arith.addi %broadcast_in_dim3A_1720, %mul3A_1734 : vector<16xi32>
    %eq3A_1736 = arith.constant 1 : i32
    %eq3A_1737 = vector.broadcast %eq3A_1736 : i32 to vector<16xi32>
    %eq3A_1738 = arith.cmpi eq, %iota3A, %eq3A_1737 : vector<16xi32>
    %jit3A_1739 = arith.constant 1 : i32
    %jit3A_1740 = arith.constant 0 : i32
    %broadcast_in_dim3A_1741 = vector.broadcast %jit3A_1739 : i32 to vector<16xi32>
    %broadcast_in_dim3A_1742 = vector.broadcast %jit3A_1740 : i32 to vector<16xi32>
    %select_n3A_1743 = arith.select %eq3A_1738, %broadcast_in_dim3A_1741, %broadcast_in_dim3A_1742 : vector<16xi1>, vector<16xi32>
    %get3A_1744 = arith.constant 113 : i32
    %get3A_1745 = arith.index_cast %get3A_1744 : i32 to index
    %get3A_1746 = arith.constant 0 : index
    %get3A_1747 = tpu.vector_load %arg7[%get3A_1745, %get3A_1746] {strides = array<i32>} : memref<128x128xi32, #tpu.memory_space<vmem>>, vector<1x16xi32>,
    %get3A_1748 = vector.shape_cast %get3A_1747 : vector<1x16xi32> to vector<16xi32>
    %mul3A_1749 = arith.muli %get3A_1748, %select_n3A_1743 : vector<16xi32>
    %add3A_1750 = arith.addi %add3A_1735, %mul3A_1749 : vector<16xi32>
    %eq3A_1751 = arith.constant 2 : i32
    %eq3A_1752 = vector.broadcast %eq3A_1751 : i32 to vector<16xi32>
    %eq3A_1753 = arith.cmpi eq, %iota3A, %eq3A_1752 : vector<16xi32>
    %jit3A_1754 = arith.constant 1 : i32
    %jit3A_1755 = arith.constant 0 : i32
    %broadcast_in_dim3A_1756 = vector.broadcast %jit3A_1754 : i32 to vector<16xi32>
    %broadcast_in_dim3A_1757 = vector.broadcast %jit3A_1755 : i32 to vector<16xi32>
    %select_n3A_1758 = arith.select %eq3A_1753, %broadcast_in_dim3A_1756, %broadcast_in_dim3A_1757 : vector<16xi1>, vector<16xi32>
    %get3A_1759 = arith.constant 114 : i32
    %get3A_1760 = arith.index_cast %get3A_1759 : i32 to index
    %get3A_1761 = arith.constant 0 : index
    %get3A_1762 = tpu.vector_load %arg7[%get3A_1760, %get3A_1761] {strides = array<i32>} : memref<128x128xi32, #tpu.memory_space<vmem>>, vector<1x16xi32>,
    %get3A_1763 = vector.shape_cast %get3A_1762 : vector<1x16xi32> to vector<16xi32>
    %mul3A_1764 = arith.muli %get3A_1763, %select_n3A_1758 : vector<16xi32>
    %add3A_1765 = arith.addi %add3A_1750, %mul3A_1764 : vector<16xi32>
    %eq3A_1766 = arith.constant 3 : i32
    %eq3A_1767 = vector.broadcast %eq3A_1766 : i32 to vector<16xi32>
    %eq3A_1768 = arith.cmpi eq, %iota3A, %eq3A_1767 : vector<16xi32>
    %jit3A_1769 = arith.constant 1 : i32
    %jit3A_1770 = arith.constant 0 : i32
    %broadcast_in_dim3A_1771 = vector.broadcast %jit3A_1769 : i32 to vector<16xi32>
    %broadcast_in_dim3A_1772 = vector.broadcast %jit3A_1770 : i32 to vector<16xi32>
    %select_n3A_1773 = arith.select %eq3A_1768, %broadcast_in_dim3A_1771, %broadcast_in_dim3A_1772 : vector<16xi1>, vector<16xi32>
    %get3A_1774 = arith.constant 115 : i32
    %get3A_1775 = arith.index_cast %get3A_1774 : i32 to index
    %get3A_1776 = arith.constant 0 : index
    %get3A_1777 = tpu.vector_load %arg7[%get3A_1775, %get3A_1776] {strides = array<i32>} : memref<128x128xi32, #tpu.memory_space<vmem>>, vector<1x16xi32>,
    %get3A_1778 = vector.shape_cast %get3A_1777 : vector<1x16xi32> to vector<16xi32>
    %mul3A_1779 = arith.muli %get3A_1778, %select_n3A_1773 : vector<16xi32>
    %add3A_1780 = arith.addi %add3A_1765, %mul3A_1779 : vector<16xi32>
    %eq3A_1781 = arith.constant 4 : i32
    %eq3A_1782 = vector.broadcast %eq3A_1781 : i32 to vector<16xi32>
    %eq3A_1783 = arith.cmpi eq, %iota3A, %eq3A_1782 : vector<16xi32>
    %jit3A_1784 = arith.constant 1 : i32
    %jit3A_1785 = arith.constant 0 : i32
    %broadcast_in_dim3A_1786 = vector.broadcast %jit3A_1784 : i32 to vector<16xi32>
    %broadcast_in_dim3A_1787 = vector.broadcast %jit3A_1785 : i32 to vector<16xi32>
    %select_n3A_1788 = arith.select %eq3A_1783, %broadcast_in_dim3A_1786, %broadcast_in_dim3A_1787 : vector<16xi1>, vector<16xi32>
    %get3A_1789 = arith.constant 116 : i32
    %get3A_1790 = arith.index_cast %get3A_1789 : i32 to index
    %get3A_1791 = arith.constant 0 : index
    %get3A_1792 = tpu.vector_load %arg7[%get3A_1790, %get3A_1791] {strides = array<i32>} : memref<128x128xi32, #tpu.memory_space<vmem>>, vector<1x16xi32>,
    %get3A_1793 = vector.shape_cast %get3A_1792 : vector<1x16xi32> to vector<16xi32>
    %mul3A_1794 = arith.muli %get3A_1793, %select_n3A_1788 : vector<16xi32>
    %add3A_1795 = arith.addi %add3A_1780, %mul3A_1794 : vector<16xi32>
    %eq3A_1796 = arith.constant 5 : i32
    %eq3A_1797 = vector.broadcast %eq3A_1796 : i32 to vector<16xi32>
    %eq3A_1798 = arith.cmpi eq, %iota3A, %eq3A_1797 : vector<16xi32>
    %jit3A_1799 = arith.constant 1 : i32
    %jit3A_1800 = arith.constant 0 : i32
    %broadcast_in_dim3A_1801 = vector.broadcast %jit3A_1799 : i32 to vector<16xi32>
    %broadcast_in_dim3A_1802 = vector.broadcast %jit3A_1800 : i32 to vector<16xi32>
    %select_n3A_1803 = arith.select %eq3A_1798, %broadcast_in_dim3A_1801, %broadcast_in_dim3A_1802 : vector<16xi1>, vector<16xi32>
    %get3A_1804 = arith.constant 117 : i32
    %get3A_1805 = arith.index_cast %get3A_1804 : i32 to index
    %get3A_1806 = arith.constant 0 : index
    %get3A_1807 = tpu.vector_load %arg7[%get3A_1805, %get3A_1806] {strides = array<i32>} : memref<128x128xi32, #tpu.memory_space<vmem>>, vector<1x16xi32>,
    %get3A_1808 = vector.shape_cast %get3A_1807 : vector<1x16xi32> to vector<16xi32>
    %mul3A_1809 = arith.muli %get3A_1808, %select_n3A_1803 : vector<16xi32>
    %add3A_1810 = arith.addi %add3A_1795, %mul3A_1809 : vector<16xi32>
    %eq3A_1811 = arith.constant 6 : i32
    %eq3A_1812 = vector.broadcast %eq3A_1811 : i32 to vector<16xi32>
    %eq3A_1813 = arith.cmpi eq, %iota3A, %eq3A_1812 : vector<16xi32>
    %jit3A_1814 = arith.constant 1 : i32
    %jit3A_1815 = arith.constant 0 : i32
    %broadcast_in_dim3A_1816 = vector.broadcast %jit3A_1814 : i32 to vector<16xi32>
    %broadcast_in_dim3A_1817 = vector.broadcast %jit3A_1815 : i32 to vector<16xi32>
    %select_n3A_1818 = arith.select %eq3A_1813, %broadcast_in_dim3A_1816, %broadcast_in_dim3A_1817 : vector<16xi1>, vector<16xi32>
    %get3A_1819 = arith.constant 118 : i32
    %get3A_1820 = arith.index_cast %get3A_1819 : i32 to index
    %get3A_1821 = arith.constant 0 : index
    %get3A_1822 = tpu.vector_load %arg7[%get3A_1820, %get3A_1821] {strides = array<i32>} : memref<128x128xi32, #tpu.memory_space<vmem>>, vector<1x16xi32>,
    %get3A_1823 = vector.shape_cast %get3A_1822 : vector<1x16xi32> to vector<16xi32>
    %mul3A_1824 = arith.muli %get3A_1823, %select_n3A_1818 : vector<16xi32>
    %add3A_1825 = arith.addi %add3A_1810, %mul3A_1824 : vector<16xi32>
    %eq3A_1826 = arith.constant 7 : i32
    %eq3A_1827 = vector.broadcast %eq3A_1826 : i32 to vector<16xi32>
    %eq3A_1828 = arith.cmpi eq, %iota3A, %eq3A_1827 : vector<16xi32>
    %jit3A_1829 = arith.constant 1 : i32
    %jit3A_1830 = arith.constant 0 : i32
    %broadcast_in_dim3A_1831 = vector.broadcast %jit3A_1829 : i32 to vector<16xi32>
    %broadcast_in_dim3A_1832 = vector.broadcast %jit3A_1830 : i32 to vector<16xi32>
    %select_n3A_1833 = arith.select %eq3A_1828, %broadcast_in_dim3A_1831, %broadcast_in_dim3A_1832 : vector<16xi1>, vector<16xi32>
    %get3A_1834 = arith.constant 119 : i32
    %get3A_1835 = arith.index_cast %get3A_1834 : i32 to index
    %get3A_1836 = arith.constant 0 : index
    %get3A_1837 = tpu.vector_load %arg7[%get3A_1835, %get3A_1836] {strides = array<i32>} : memref<128x128xi32, #tpu.memory_space<vmem>>, vector<1x16xi32>,
    %get3A_1838 = vector.shape_cast %get3A_1837 : vector<1x16xi32> to vector<16xi32>
    %mul3A_1839 = arith.muli %get3A_1838, %select_n3A_1833 : vector<16xi32>
    %add3A_1840 = arith.addi %add3A_1825, %mul3A_1839 : vector<16xi32>
    %eq3A_1841 = arith.constant 8 : i32
    %eq3A_1842 = vector.broadcast %eq3A_1841 : i32 to vector<16xi32>
    %eq3A_1843 = arith.cmpi eq, %iota3A, %eq3A_1842 : vector<16xi32>
    %jit3A_1844 = arith.constant 1 : i32
    %jit3A_1845 = arith.constant 0 : i32
    %broadcast_in_dim3A_1846 = vector.broadcast %jit3A_1844 : i32 to vector<16xi32>
    %broadcast_in_dim3A_1847 = vector.broadcast %jit3A_1845 : i32 to vector<16xi32>
    %select_n3A_1848 = arith.select %eq3A_1843, %broadcast_in_dim3A_1846, %broadcast_in_dim3A_1847 : vector<16xi1>, vector<16xi32>
    %get3A_1849 = arith.constant 120 : i32
    %get3A_1850 = arith.index_cast %get3A_1849 : i32 to index
    %get3A_1851 = arith.constant 0 : index
    %get3A_1852 = tpu.vector_load %arg7[%get3A_1850, %get3A_1851] {strides = array<i32>} : memref<128x128xi32, #tpu.memory_space<vmem>>, vector<1x16xi32>,
    %get3A_1853 = vector.shape_cast %get3A_1852 : vector<1x16xi32> to vector<16xi32>
    %mul3A_1854 = arith.muli %get3A_1853, %select_n3A_1848 : vector<16xi32>
    %add3A_1855 = arith.addi %add3A_1840, %mul3A_1854 : vector<16xi32>
    %eq3A_1856 = arith.constant 9 : i32
    %eq3A_1857 = vector.broadcast %eq3A_1856 : i32 to vector<16xi32>
    %eq3A_1858 = arith.cmpi eq, %iota3A, %eq3A_1857 : vector<16xi32>
    %jit3A_1859 = arith.constant 1 : i32
    %jit3A_1860 = arith.constant 0 : i32
    %broadcast_in_dim3A_1861 = vector.broadcast %jit3A_1859 : i32 to vector<16xi32>
    %broadcast_in_dim3A_1862 = vector.broadcast %jit3A_1860 : i32 to vector<16xi32>
    %select_n3A_1863 = arith.select %eq3A_1858, %broadcast_in_dim3A_1861, %broadcast_in_dim3A_1862 : vector<16xi1>, vector<16xi32>
    %get3A_1864 = arith.constant 121 : i32
    %get3A_1865 = arith.index_cast %get3A_1864 : i32 to index
    %get3A_1866 = arith.constant 0 : index
    %get3A_1867 = tpu.vector_load %arg7[%get3A_1865, %get3A_1866] {strides = array<i32>} : memref<128x128xi32, #tpu.memory_space<vmem>>, vector<1x16xi32>,
    %get3A_1868 = vector.shape_cast %get3A_1867 : vector<1x16xi32> to vector<16xi32>
    %mul3A_1869 = arith.muli %get3A_1868, %select_n3A_1863 : vector<16xi32>
    %add3A_1870 = arith.addi %add3A_1855, %mul3A_1869 : vector<16xi32>
    %eq3A_1871 = arith.constant 10 : i32
    %eq3A_1872 = vector.broadcast %eq3A_1871 : i32 to vector<16xi32>
    %eq3A_1873 = arith.cmpi eq, %iota3A, %eq3A_1872 : vector<16xi32>
    %jit3A_1874 = arith.constant 1 : i32
    %jit3A_1875 = arith.constant 0 : i32
    %broadcast_in_dim3A_1876 = vector.broadcast %jit3A_1874 : i32 to vector<16xi32>
    %broadcast_in_dim3A_1877 = vector.broadcast %jit3A_1875 : i32 to vector<16xi32>
    %select_n3A_1878 = arith.select %eq3A_1873, %broadcast_in_dim3A_1876, %broadcast_in_dim3A_1877 : vector<16xi1>, vector<16xi32>
    %get3A_1879 = arith.constant 122 : i32
    %get3A_1880 = arith.index_cast %get3A_1879 : i32 to index
    %get3A_1881 = arith.constant 0 : index
    %get3A_1882 = tpu.vector_load %arg7[%get3A_1880, %get3A_1881] {strides = array<i32>} : memref<128x128xi32, #tpu.memory_space<vmem>>, vector<1x16xi32>,
    %get3A_1883 = vector.shape_cast %get3A_1882 : vector<1x16xi32> to vector<16xi32>
    %mul3A_1884 = arith.muli %get3A_1883, %select_n3A_1878 : vector<16xi32>
    %add3A_1885 = arith.addi %add3A_1870, %mul3A_1884 : vector<16xi32>
    %eq3A_1886 = arith.constant 11 : i32
    %eq3A_1887 = vector.broadcast %eq3A_1886 : i32 to vector<16xi32>
    %eq3A_1888 = arith.cmpi eq, %iota3A, %eq3A_1887 : vector<16xi32>
    %jit3A_1889 = arith.constant 1 : i32
    %jit3A_1890 = arith.constant 0 : i32
    %broadcast_in_dim3A_1891 = vector.broadcast %jit3A_1889 : i32 to vector<16xi32>
    %broadcast_in_dim3A_1892 = vector.broadcast %jit3A_1890 : i32 to vector<16xi32>
    %select_n3A_1893 = arith.select %eq3A_1888, %broadcast_in_dim3A_1891, %broadcast_in_dim3A_1892 : vector<16xi1>, vector<16xi32>
    %get3A_1894 = arith.constant 123 : i32
    %get3A_1895 = arith.index_cast %get3A_1894 : i32 to index
    %get3A_1896 = arith.constant 0 : index
    %get3A_1897 = tpu.vector_load %arg7[%get3A_1895, %get3A_1896] {strides = array<i32>} : memref<128x128xi32, #tpu.memory_space<vmem>>, vector<1x16xi32>,
    %get3A_1898 = vector.shape_cast %get3A_1897 : vector<1x16xi32> to vector<16xi32>
    %mul3A_1899 = arith.muli %get3A_1898, %select_n3A_1893 : vector<16xi32>
    %add3A_1900 = arith.addi %add3A_1885, %mul3A_1899 : vector<16xi32>
    %eq3A_1901 = arith.constant 12 : i32
    %eq3A_1902 = vector.broadcast %eq3A_1901 : i32 to vector<16xi32>
    %eq3A_1903 = arith.cmpi eq, %iota3A, %eq3A_1902 : vector<16xi32>
    %jit3A_1904 = arith.constant 1 : i32
    %jit3A_1905 = arith.constant 0 : i32
    %broadcast_in_dim3A_1906 = vector.broadcast %jit3A_1904 : i32 to vector<16xi32>
    %broadcast_in_dim3A_1907 = vector.broadcast %jit3A_1905 : i32 to vector<16xi32>
    %select_n3A_1908 = arith.select %eq3A_1903, %broadcast_in_dim3A_1906, %broadcast_in_dim3A_1907 : vector<16xi1>, vector<16xi32>
    %get3A_1909 = arith.constant 124 : i32
    %get3A_1910 = arith.index_cast %get3A_1909 : i32 to index
    %get3A_1911 = arith.constant 0 : index
    %get3A_1912 = tpu.vector_load %arg7[%get3A_1910, %get3A_1911] {strides = array<i32>} : memref<128x128xi32, #tpu.memory_space<vmem>>, vector<1x16xi32>,
    %get3A_1913 = vector.shape_cast %get3A_1912 : vector<1x16xi32> to vector<16xi32>
    %mul3A_1914 = arith.muli %get3A_1913, %select_n3A_1908 : vector<16xi32>
    %add3A_1915 = arith.addi %add3A_1900, %mul3A_1914 : vector<16xi32>
    %eq3A_1916 = arith.constant 13 : i32
    %eq3A_1917 = vector.broadcast %eq3A_1916 : i32 to vector<16xi32>
    %eq3A_1918 = arith.cmpi eq, %iota3A, %eq3A_1917 : vector<16xi32>
    %jit3A_1919 = arith.constant 1 : i32
    %jit3A_1920 = arith.constant 0 : i32
    %broadcast_in_dim3A_1921 = vector.broadcast %jit3A_1919 : i32 to vector<16xi32>
    %broadcast_in_dim3A_1922 = vector.broadcast %jit3A_1920 : i32 to vector<16xi32>
    %select_n3A_1923 = arith.select %eq3A_1918, %broadcast_in_dim3A_1921, %broadcast_in_dim3A_1922 : vector<16xi1>, vector<16xi32>
    %get3A_1924 = arith.constant 125 : i32
    %get3A_1925 = arith.index_cast %get3A_1924 : i32 to index
    %get3A_1926 = arith.constant 0 : index
    %get3A_1927 = tpu.vector_load %arg7[%get3A_1925, %get3A_1926] {strides = array<i32>} : memref<128x128xi32, #tpu.memory_space<vmem>>, vector<1x16xi32>,
    %get3A_1928 = vector.shape_cast %get3A_1927 : vector<1x16xi32> to vector<16xi32>
    %mul3A_1929 = arith.muli %get3A_1928, %select_n3A_1923 : vector<16xi32>
    %add3A_1930 = arith.addi %add3A_1915, %mul3A_1929 : vector<16xi32>
    %eq3A_1931 = arith.constant 14 : i32
    %eq3A_1932 = vector.broadcast %eq3A_1931 : i32 to vector<16xi32>
    %eq3A_1933 = arith.cmpi eq, %iota3A, %eq3A_1932 : vector<16xi32>
    %jit3A_1934 = arith.constant 1 : i32
    %jit3A_1935 = arith.constant 0 : i32
    %broadcast_in_dim3A_1936 = vector.broadcast %jit3A_1934 : i32 to vector<16xi32>
    %broadcast_in_dim3A_1937 = vector.broadcast %jit3A_1935 : i32 to vector<16xi32>
    %select_n3A_1938 = arith.select %eq3A_1933, %broadcast_in_dim3A_1936, %broadcast_in_dim3A_1937 : vector<16xi1>, vector<16xi32>
    %get3A_1939 = arith.constant 126 : i32
    %get3A_1940 = arith.index_cast %get3A_1939 : i32 to index
    %get3A_1941 = arith.constant 0 : index
    %get3A_1942 = tpu.vector_load %arg7[%get3A_1940, %get3A_1941] {strides = array<i32>} : memref<128x128xi32, #tpu.memory_space<vmem>>, vector<1x16xi32>,
    %get3A_1943 = vector.shape_cast %get3A_1942 : vector<1x16xi32> to vector<16xi32>
    %mul3A_1944 = arith.muli %get3A_1943, %select_n3A_1938 : vector<16xi32>
    %add3A_1945 = arith.addi %add3A_1930, %mul3A_1944 : vector<16xi32>
    %eq3A_1946 = arith.constant 15 : i32
    %eq3A_1947 = vector.broadcast %eq3A_1946 : i32 to vector<16xi32>
    %eq3A_1948 = arith.cmpi eq, %iota3A, %eq3A_1947 : vector<16xi32>
    %jit3A_1949 = arith.constant 1 : i32
    %jit3A_1950 = arith.constant 0 : i32
    %broadcast_in_dim3A_1951 = vector.broadcast %jit3A_1949 : i32 to vector<16xi32>
    %broadcast_in_dim3A_1952 = vector.broadcast %jit3A_1950 : i32 to vector<16xi32>
    %select_n3A_1953 = arith.select %eq3A_1948, %broadcast_in_dim3A_1951, %broadcast_in_dim3A_1952 : vector<16xi1>, vector<16xi32>
    %get3A_1954 = arith.constant 127 : i32
    %get3A_1955 = arith.index_cast %get3A_1954 : i32 to index
    %get3A_1956 = arith.constant 0 : index
    %get3A_1957 = tpu.vector_load %arg7[%get3A_1955, %get3A_1956] {strides = array<i32>} : memref<128x128xi32, #tpu.memory_space<vmem>>, vector<1x16xi32>,
    %get3A_1958 = vector.shape_cast %get3A_1957 : vector<1x16xi32> to vector<16xi32>
    %mul3A_1959 = arith.muli %get3A_1958, %select_n3A_1953 : vector<16xi32>
    %add3A_1960 = arith.addi %add3A_1945, %mul3A_1959 : vector<16xi32>
    %swap3A_1961 = arith.constant 112 : index
    %swap3A_1962 = tpu.vector_load %arg8[%swap3A_1961] {strides = array<i32>} : memref<128xi32, #tpu.memory_space<vmem>>, vector<16xi32>,
    %swap3A_1963 = vector.shape_cast %swap3A_1962 : vector<16xi32> to vector<16xi32>
    %swap3A_1964 = vector.shape_cast %add3A_1960 : vector<16xi32> to vector<16xi32>
    tpu.vector_store %arg8[%swap3A_1961], %swap3A_1964 {strides = array<i32>} : memref<128xi32, #tpu.memory_space<vmem>>, vector<16xi32>,
    %get3A_1965 = arith.constant 0 : index
    %get3A_1966 = tpu.vector_load %arg8[%get3A_1965] {strides = array<i32>} : memref<128xi32, #tpu.memory_space<vmem>>, vector<16xi32>,
    %get3A_1967 = vector.shape_cast %get3A_1966 : vector<16xi32> to vector<16xi32>
    %add3A_1968 = arith.constant 0 : i32
    %add3A_1969 = vector.broadcast %add3A_1968 : i32 to vector<16xi32>
    %add3A_1970 = arith.addi %get3A_1967, %add3A_1969 : vector<16xi32>
    %swap3A_1971 = arith.constant 0 : i32
    %swap3A_1972 = arith.index_cast %swap3A_1971 : i32 to index
    %swap3A_1973 = arith.constant 0 : index
    %swap3A_1974 = tpu.vector_load %arg9[%swap3A_1972, %swap3A_1973] {strides = array<i32>} : memref<3x128xi32, #tpu.memory_space<vmem>>, vector<1x16xi32>,
    %swap3A_1975 = vector.shape_cast %swap3A_1974 : vector<1x16xi32> to vector<16xi32>
    %swap3A_1976 = vector.shape_cast %add3A_1970 : vector<16xi32> to vector<1x16xi32>
    tpu.vector_store %arg9[%swap3A_1972, %swap3A_1973], %swap3A_1976 {strides = array<i32>} : memref<3x128xi32, #tpu.memory_space<vmem>>, vector<1x16xi32>,
    %get3A_1977 = arith.constant 16 : index
    %get3A_1978 = tpu.vector_load %arg8[%get3A_1977] {strides = array<i32>} : memref<128xi32, #tpu.memory_space<vmem>>, vector<16xi32>,
    %get3A_1979 = vector.shape_cast %get3A_1978 : vector<16xi32> to vector<16xi32>
    %add3A_1980 = arith.constant 0 : i32
    %add3A_1981 = vector.broadcast %add3A_1980 : i32 to vector<16xi32>
    %add3A_1982 = arith.addi %get3A_1979, %add3A_1981 : vector<16xi32>
    %swap3A_1983 = arith.constant 0 : i32
    %swap3A_1984 = arith.index_cast %swap3A_1983 : i32 to index
    %swap3A_1985 = arith.constant 16 : index
    %swap3A_1986 = tpu.vector_load %arg9[%swap3A_1984, %swap3A_1985] {strides = array<i32>} : memref<3x128xi32, #tpu.memory_space<vmem>>, vector<1x16xi32>,
    %swap3A_1987 = vector.shape_cast %swap3A_1986 : vector<1x16xi32> to vector<16xi32>
    %swap3A_1988 = vector.shape_cast %add3A_1982 : vector<16xi32> to vector<1x16xi32>
    tpu.vector_store %arg9[%swap3A_1984, %swap3A_1985], %swap3A_1988 {strides = array<i32>} : memref<3x128xi32, #tpu.memory_space<vmem>>, vector<1x16xi32>,
    %get3A_1989 = arith.constant 32 : index
    %get3A_1990 = tpu.vector_load %arg8[%get3A_1989] {strides = array<i32>} : memref<128xi32, #tpu.memory_space<vmem>>, vector<16xi32>,
    %get3A_1991 = vector.shape_cast %get3A_1990 : vector<16xi32> to vector<16xi32>
    %add3A_1992 = arith.constant 0 : i32
    %add3A_1993 = vector.broadcast %add3A_1992 : i32 to vector<16xi32>
    %add3A_1994 = arith.addi %get3A_1991, %add3A_1993 : vector<16xi32>
    %swap3A_1995 = arith.constant 0 : i32
    %swap3A_1996 = arith.index_cast %swap3A_1995 : i32 to index
    %swap3A_1997 = arith.constant 32 : index
    %swap3A_1998 = tpu.vector_load %arg9[%swap3A_1996, %swap3A_1997] {strides = array<i32>} : memref<3x128xi32, #tpu.memory_space<vmem>>, vector<1x16xi32>,
    %swap3A_1999 = vector.shape_cast %swap3A_1998 : vector<1x16xi32> to vector<16xi32>
    %swap3A_2000 = vector.shape_cast %add3A_1994 : vector<16xi32> to vector<1x16xi32>
    tpu.vector_store %arg9[%swap3A_1996, %swap3A_1997], %swap3A_2000 {strides = array<i32>} : memref<3x128xi32, #tpu.memory_space<vmem>>, vector<1x16xi32>,
    %get3A_2001 = arith.constant 48 : index
    %get3A_2002 = tpu.vector_load %arg8[%get3A_2001] {strides = array<i32>} : memref<128xi32, #tpu.memory_space<vmem>>, vector<16xi32>,
    %get3A_2003 = vector.shape_cast %get3A_2002 : vector<16xi32> to vector<16xi32>
    %add3A_2004 = arith.constant 0 : i32
    %add3A_2005 = vector.broadcast %add3A_2004 : i32 to vector<16xi32>
    %add3A_2006 = arith.addi %get3A_2003, %add3A_2005 : vector<16xi32>
    %swap3A_2007 = arith.constant 0 : i32
    %swap3A_2008 = arith.index_cast %swap3A_2007 : i32 to index
    %swap3A_2009 = arith.constant 48 : index
    %swap3A_2010 = tpu.vector_load %arg9[%swap3A_2008, %swap3A_2009] {strides = array<i32>} : memref<3x128xi32, #tpu.memory_space<vmem>>, vector<1x16xi32>,
    %swap3A_2011 = vector.shape_cast %swap3A_2010 : vector<1x16xi32> to vector<16xi32>
    %swap3A_2012 = vector.shape_cast %add3A_2006 : vector<16xi32> to vector<1x16xi32>
    tpu.vector_store %arg9[%swap3A_2008, %swap3A_2009], %swap3A_2012 {strides = array<i32>} : memref<3x128xi32, #tpu.memory_space<vmem>>, vector<1x16xi32>,
    %get3A_2013 = arith.constant 64 : index
    %get3A_2014 = tpu.vector_load %arg8[%get3A_2013] {strides = array<i32>} : memref<128xi32, #tpu.memory_space<vmem>>, vector<16xi32>,
    %get3A_2015 = vector.shape_cast %get3A_2014 : vector<16xi32> to vector<16xi32>
    %add3A_2016 = arith.constant 0 : i32
    %add3A_2017 = vector.broadcast %add3A_2016 : i32 to vector<16xi32>
    %add3A_2018 = arith.addi %get3A_2015, %add3A_2017 : vector<16xi32>
    %swap3A_2019 = arith.constant 0 : i32
    %swap3A_2020 = arith.index_cast %swap3A_2019 : i32 to index
    %swap3A_2021 = arith.constant 64 : index
    %swap3A_2022 = tpu.vector_load %arg9[%swap3A_2020, %swap3A_2021] {strides = array<i32>} : memref<3x128xi32, #tpu.memory_space<vmem>>, vector<1x16xi32>,
    %swap3A_2023 = vector.shape_cast %swap3A_2022 : vector<1x16xi32> to vector<16xi32>
    %swap3A_2024 = vector.shape_cast %add3A_2018 : vector<16xi32> to vector<1x16xi32>
    tpu.vector_store %arg9[%swap3A_2020, %swap3A_2021], %swap3A_2024 {strides = array<i32>} : memref<3x128xi32, #tpu.memory_space<vmem>>, vector<1x16xi32>,
    %get3A_2025 = arith.constant 80 : index
    %get3A_2026 = tpu.vector_load %arg8[%get3A_2025] {strides = array<i32>} : memref<128xi32, #tpu.memory_space<vmem>>, vector<16xi32>,
    %get3A_2027 = vector.shape_cast %get3A_2026 : vector<16xi32> to vector<16xi32>
    %add3A_2028 = arith.constant 0 : i32
    %add3A_2029 = vector.broadcast %add3A_2028 : i32 to vector<16xi32>
    %add3A_2030 = arith.addi %get3A_2027, %add3A_2029 : vector<16xi32>
    %swap3A_2031 = arith.constant 0 : i32
    %swap3A_2032 = arith.index_cast %swap3A_2031 : i32 to index
    %swap3A_2033 = arith.constant 80 : index
    %swap3A_2034 = tpu.vector_load %arg9[%swap3A_2032, %swap3A_2033] {strides = array<i32>} : memref<3x128xi32, #tpu.memory_space<vmem>>, vector<1x16xi32>,
    %swap3A_2035 = vector.shape_cast %swap3A_2034 : vector<1x16xi32> to vector<16xi32>
    %swap3A_2036 = vector.shape_cast %add3A_2030 : vector<16xi32> to vector<1x16xi32>
    tpu.vector_store %arg9[%swap3A_2032, %swap3A_2033], %swap3A_2036 {strides = array<i32>} : memref<3x128xi32, #tpu.memory_space<vmem>>, vector<1x16xi32>,
    %get3A_2037 = arith.constant 96 : index
    %get3A_2038 = tpu.vector_load %arg8[%get3A_2037] {strides = array<i32>} : memref<128xi32, #tpu.memory_space<vmem>>, vector<16xi32>,
    %get3A_2039 = vector.shape_cast %get3A_2038 : vector<16xi32> to vector<16xi32>
    %add3A_2040 = arith.constant 0 : i32
    %add3A_2041 = vector.broadcast %add3A_2040 : i32 to vector<16xi32>
    %add3A_2042 = arith.addi %get3A_2039, %add3A_2041 : vector<16xi32>
    %swap3A_2043 = arith.constant 0 : i32
    %swap3A_2044 = arith.index_cast %swap3A_2043 : i32 to index
    %swap3A_2045 = arith.constant 96 : index
    %swap3A_2046 = tpu.vector_load %arg9[%swap3A_2044, %swap3A_2045] {strides = array<i32>} : memref<3x128xi32, #tpu.memory_space<vmem>>, vector<1x16xi32>,
    %swap3A_2047 = vector.shape_cast %swap3A_2046 : vector<1x16xi32> to vector<16xi32>
    %swap3A_2048 = vector.shape_cast %add3A_2042 : vector<16xi32> to vector<1x16xi32>
    tpu.vector_store %arg9[%swap3A_2044, %swap3A_2045], %swap3A_2048 {strides = array<i32>} : memref<3x128xi32, #tpu.memory_space<vmem>>, vector<1x16xi32>,
    %get3A_2049 = arith.constant 112 : index
    %get3A_2050 = tpu.vector_load %arg8[%get3A_2049] {strides = array<i32>} : memref<128xi32, #tpu.memory_space<vmem>>, vector<16xi32>,
    %get3A_2051 = vector.shape_cast %get3A_2050 : vector<16xi32> to vector<16xi32>
    %add3A_2052 = arith.constant 0 : i32
    %add3A_2053 = vector.broadcast %add3A_2052 : i32 to vector<16xi32>
    %add3A_2054 = arith.addi %get3A_2051, %add3A_2053 : vector<16xi32>
    %swap3A_2055 = arith.constant 0 : i32
    %swap3A_2056 = arith.index_cast %swap3A_2055 : i32 to index
    %swap3A_2057 = arith.constant 112 : index
    %swap3A_2058 = tpu.vector_load %arg9[%swap3A_2056, %swap3A_2057] {strides = array<i32>} : memref<3x128xi32, #tpu.memory_space<vmem>>, vector<1x16xi32>,
    %swap3A_2059 = vector.shape_cast %swap3A_2058 : vector<1x16xi32> to vector<16xi32>
    %swap3A_2060 = vector.shape_cast %add3A_2054 : vector<16xi32> to vector<1x16xi32>
    tpu.vector_store %arg9[%swap3A_2056, %swap3A_2057], %swap3A_2060 {strides = array<i32>} : memref<3x128xi32, #tpu.memory_space<vmem>>, vector<1x16xi32>,
    %get3A_2061 = arith.constant 0 : index
    %get3A_2062 = tpu.vector_load %arg8[%get3A_2061] {strides = array<i32>} : memref<128xi32, #tpu.memory_space<vmem>>, vector<16xi32>,
    %get3A_2063 = vector.shape_cast %get3A_2062 : vector<16xi32> to vector<16xi32>
    %add3A_2064 = arith.constant 16384 : i32
    %add3A_2065 = vector.broadcast %add3A_2064 : i32 to vector<16xi32>
    %add3A_2066 = arith.addi %get3A_2063, %add3A_2065 : vector<16xi32>
    %swap3A_2067 = arith.constant 1 : i32
    %swap3A_2068 = arith.index_cast %swap3A_2067 : i32 to index
    %swap3A_2069 = arith.constant 0 : index
    %swap3A_2070 = tpu.vector_load %arg9[%swap3A_2068, %swap3A_2069] {strides = array<i32>} : memref<3x128xi32, #tpu.memory_space<vmem>>, vector<1x16xi32>,
    %swap3A_2071 = vector.shape_cast %swap3A_2070 : vector<1x16xi32> to vector<16xi32>
    %swap3A_2072 = vector.shape_cast %add3A_2066 : vector<16xi32> to vector<1x16xi32>
    tpu.vector_store %arg9[%swap3A_2068, %swap3A_2069], %swap3A_2072 {strides = array<i32>} : memref<3x128xi32, #tpu.memory_space<vmem>>, vector<1x16xi32>,
    %get3A_2073 = arith.constant 16 : index
    %get3A_2074 = tpu.vector_load %arg8[%get3A_2073] {strides = array<i32>} : memref<128xi32, #tpu.memory_space<vmem>>, vector<16xi32>,
    %get3A_2075 = vector.shape_cast %get3A_2074 : vector<16xi32> to vector<16xi32>
    %add3A_2076 = arith.constant 16384 : i32
    %add3A_2077 = vector.broadcast %add3A_2076 : i32 to vector<16xi32>
    %add3A_2078 = arith.addi %get3A_2075, %add3A_2077 : vector<16xi32>
    %swap3A_2079 = arith.constant 1 : i32
    %swap3A_2080 = arith.index_cast %swap3A_2079 : i32 to index
    %swap3A_2081 = arith.constant 16 : index
    %swap3A_2082 = tpu.vector_load %arg9[%swap3A_2080, %swap3A_2081] {strides = array<i32>} : memref<3x128xi32, #tpu.memory_space<vmem>>, vector<1x16xi32>,
    %swap3A_2083 = vector.shape_cast %swap3A_2082 : vector<1x16xi32> to vector<16xi32>
    %swap3A_2084 = vector.shape_cast %add3A_2078 : vector<16xi32> to vector<1x16xi32>
    tpu.vector_store %arg9[%swap3A_2080, %swap3A_2081], %swap3A_2084 {strides = array<i32>} : memref<3x128xi32, #tpu.memory_space<vmem>>, vector<1x16xi32>,
    %get3A_2085 = arith.constant 32 : index
    %get3A_2086 = tpu.vector_load %arg8[%get3A_2085] {strides = array<i32>} : memref<128xi32, #tpu.memory_space<vmem>>, vector<16xi32>,
    %get3A_2087 = vector.shape_cast %get3A_2086 : vector<16xi32> to vector<16xi32>
    %add3A_2088 = arith.constant 16384 : i32
    %add3A_2089 = vector.broadcast %add3A_2088 : i32 to vector<16xi32>
    %add3A_2090 = arith.addi %get3A_2087, %add3A_2089 : vector<16xi32>
    %swap3A_2091 = arith.constant 1 : i32
    %swap3A_2092 = arith.index_cast %swap3A_2091 : i32 to index
    %swap3A_2093 = arith.constant 32 : index
    %swap3A_2094 = tpu.vector_load %arg9[%swap3A_2092, %swap3A_2093] {strides = array<i32>} : memref<3x128xi32, #tpu.memory_space<vmem>>, vector<1x16xi32>,
    %swap3A_2095 = vector.shape_cast %swap3A_2094 : vector<1x16xi32> to vector<16xi32>
    %swap3A_2096 = vector.shape_cast %add3A_2090 : vector<16xi32> to vector<1x16xi32>
    tpu.vector_store %arg9[%swap3A_2092, %swap3A_2093], %swap3A_2096 {strides = array<i32>} : memref<3x128xi32, #tpu.memory_space<vmem>>, vector<1x16xi32>,
    %get3A_2097 = arith.constant 48 : index
    %get3A_2098 = tpu.vector_load %arg8[%get3A_2097] {strides = array<i32>} : memref<128xi32, #tpu.memory_space<vmem>>, vector<16xi32>,
    %get3A_2099 = vector.shape_cast %get3A_2098 : vector<16xi32> to vector<16xi32>
    %add3A_2100 = arith.constant 16384 : i32
    %add3A_2101 = vector.broadcast %add3A_2100 : i32 to vector<16xi32>
    %add3A_2102 = arith.addi %get3A_2099, %add3A_2101 : vector<16xi32>
    %swap3A_2103 = arith.constant 1 : i32
    %swap3A_2104 = arith.index_cast %swap3A_2103 : i32 to index
    %swap3A_2105 = arith.constant 48 : index
    %swap3A_2106 = tpu.vector_load %arg9[%swap3A_2104, %swap3A_2105] {strides = array<i32>} : memref<3x128xi32, #tpu.memory_space<vmem>>, vector<1x16xi32>,
    %swap3A_2107 = vector.shape_cast %swap3A_2106 : vector<1x16xi32> to vector<16xi32>
    %swap3A_2108 = vector.shape_cast %add3A_2102 : vector<16xi32> to vector<1x16xi32>
    tpu.vector_store %arg9[%swap3A_2104, %swap3A_2105], %swap3A_2108 {strides = array<i32>} : memref<3x128xi32, #tpu.memory_space<vmem>>, vector<1x16xi32>,
    %get3A_2109 = arith.constant 64 : index
    %get3A_2110 = tpu.vector_load %arg8[%get3A_2109] {strides = array<i32>} : memref<128xi32, #tpu.memory_space<vmem>>, vector<16xi32>,
    %get3A_2111 = vector.shape_cast %get3A_2110 : vector<16xi32> to vector<16xi32>
    %add3A_2112 = arith.constant 16384 : i32
    %add3A_2113 = vector.broadcast %add3A_2112 : i32 to vector<16xi32>
    %add3A_2114 = arith.addi %get3A_2111, %add3A_2113 : vector<16xi32>
    %swap3A_2115 = arith.constant 1 : i32
    %swap3A_2116 = arith.index_cast %swap3A_2115 : i32 to index
    %swap3A_2117 = arith.constant 64 : index
    %swap3A_2118 = tpu.vector_load %arg9[%swap3A_2116, %swap3A_2117] {strides = array<i32>} : memref<3x128xi32, #tpu.memory_space<vmem>>, vector<1x16xi32>,
    %swap3A_2119 = vector.shape_cast %swap3A_2118 : vector<1x16xi32> to vector<16xi32>
    %swap3A_2120 = vector.shape_cast %add3A_2114 : vector<16xi32> to vector<1x16xi32>
    tpu.vector_store %arg9[%swap3A_2116, %swap3A_2117], %swap3A_2120 {strides = array<i32>} : memref<3x128xi32, #tpu.memory_space<vmem>>, vector<1x16xi32>,
    %get3A_2121 = arith.constant 80 : index
    %get3A_2122 = tpu.vector_load %arg8[%get3A_2121] {strides = array<i32>} : memref<128xi32, #tpu.memory_space<vmem>>, vector<16xi32>,
    %get3A_2123 = vector.shape_cast %get3A_2122 : vector<16xi32> to vector<16xi32>
    %add3A_2124 = arith.constant 16384 : i32
    %add3A_2125 = vector.broadcast %add3A_2124 : i32 to vector<16xi32>
    %add3A_2126 = arith.addi %get3A_2123, %add3A_2125 : vector<16xi32>
    %swap3A_2127 = arith.constant 1 : i32
    %swap3A_2128 = arith.index_cast %swap3A_2127 : i32 to index
    %swap3A_2129 = arith.constant 80 : index
    %swap3A_2130 = tpu.vector_load %arg9[%swap3A_2128, %swap3A_2129] {strides = array<i32>} : memref<3x128xi32, #tpu.memory_space<vmem>>, vector<1x16xi32>,
    %swap3A_2131 = vector.shape_cast %swap3A_2130 : vector<1x16xi32> to vector<16xi32>
    %swap3A_2132 = vector.shape_cast %add3A_2126 : vector<16xi32> to vector<1x16xi32>
    tpu.vector_store %arg9[%swap3A_2128, %swap3A_2129], %swap3A_2132 {strides = array<i32>} : memref<3x128xi32, #tpu.memory_space<vmem>>, vector<1x16xi32>,
    %get3A_2133 = arith.constant 96 : index
    %get3A_2134 = tpu.vector_load %arg8[%get3A_2133] {strides = array<i32>} : memref<128xi32, #tpu.memory_space<vmem>>, vector<16xi32>,
    %get3A_2135 = vector.shape_cast %get3A_2134 : vector<16xi32> to vector<16xi32>
    %add3A_2136 = arith.constant 16384 : i32
    %add3A_2137 = vector.broadcast %add3A_2136 : i32 to vector<16xi32>
    %add3A_2138 = arith.addi %get3A_2135, %add3A_2137 : vector<16xi32>
    %swap3A_2139 = arith.constant 1 : i32
    %swap3A_2140 = arith.index_cast %swap3A_2139 : i32 to index
    %swap3A_2141 = arith.constant 96 : index
    %swap3A_2142 = tpu.vector_load %arg9[%swap3A_2140, %swap3A_2141] {strides = array<i32>} : memref<3x128xi32, #tpu.memory_space<vmem>>, vector<1x16xi32>,
    %swap3A_2143 = vector.shape_cast %swap3A_2142 : vector<1x16xi32> to vector<16xi32>
    %swap3A_2144 = vector.shape_cast %add3A_2138 : vector<16xi32> to vector<1x16xi32>
    tpu.vector_store %arg9[%swap3A_2140, %swap3A_2141], %swap3A_2144 {strides = array<i32>} : memref<3x128xi32, #tpu.memory_space<vmem>>, vector<1x16xi32>,
    %get3A_2145 = arith.constant 112 : index
    %get3A_2146 = tpu.vector_load %arg8[%get3A_2145] {strides = array<i32>} : memref<128xi32, #tpu.memory_space<vmem>>, vector<16xi32>,
    %get3A_2147 = vector.shape_cast %get3A_2146 : vector<16xi32> to vector<16xi32>
    %add3A_2148 = arith.constant 16384 : i32
    %add3A_2149 = vector.broadcast %add3A_2148 : i32 to vector<16xi32>
    %add3A_2150 = arith.addi %get3A_2147, %add3A_2149 : vector<16xi32>
    %swap3A_2151 = arith.constant 1 : i32
    %swap3A_2152 = arith.index_cast %swap3A_2151 : i32 to index
    %swap3A_2153 = arith.constant 112 : index
    %swap3A_2154 = tpu.vector_load %arg9[%swap3A_2152, %swap3A_2153] {strides = array<i32>} : memref<3x128xi32, #tpu.memory_space<vmem>>, vector<1x16xi32>,
    %swap3A_2155 = vector.shape_cast %swap3A_2154 : vector<1x16xi32> to vector<16xi32>
    %swap3A_2156 = vector.shape_cast %add3A_2150 : vector<16xi32> to vector<1x16xi32>
    tpu.vector_store %arg9[%swap3A_2152, %swap3A_2153], %swap3A_2156 {strides = array<i32>} : memref<3x128xi32, #tpu.memory_space<vmem>>, vector<1x16xi32>,
    %get3A_2157 = arith.constant 0 : index
    %get3A_2158 = tpu.vector_load %arg8[%get3A_2157] {strides = array<i32>} : memref<128xi32, #tpu.memory_space<vmem>>, vector<16xi32>,
    %get3A_2159 = vector.shape_cast %get3A_2158 : vector<16xi32> to vector<16xi32>
    %add3A_2160 = arith.constant 32768 : i32
    %add3A_2161 = vector.broadcast %add3A_2160 : i32 to vector<16xi32>
    %add3A_2162 = arith.addi %get3A_2159, %add3A_2161 : vector<16xi32>
    %swap3A_2163 = arith.constant 2 : i32
    %swap3A_2164 = arith.index_cast %swap3A_2163 : i32 to index
    %swap3A_2165 = arith.constant 0 : index
    %swap3A_2166 = tpu.vector_load %arg9[%swap3A_2164, %swap3A_2165] {strides = array<i32>} : memref<3x128xi32, #tpu.memory_space<vmem>>, vector<1x16xi32>,
    %swap3A_2167 = vector.shape_cast %swap3A_2166 : vector<1x16xi32> to vector<16xi32>
    %swap3A_2168 = vector.shape_cast %add3A_2162 : vector<16xi32> to vector<1x16xi32>
    tpu.vector_store %arg9[%swap3A_2164, %swap3A_2165], %swap3A_2168 {strides = array<i32>} : memref<3x128xi32, #tpu.memory_space<vmem>>, vector<1x16xi32>,
    %get3A_2169 = arith.constant 16 : index
    %get3A_2170 = tpu.vector_load %arg8[%get3A_2169] {strides = array<i32>} : memref<128xi32, #tpu.memory_space<vmem>>, vector<16xi32>,
    %get3A_2171 = vector.shape_cast %get3A_2170 : vector<16xi32> to vector<16xi32>
    %add3A_2172 = arith.constant 32768 : i32
    %add3A_2173 = vector.broadcast %add3A_2172 : i32 to vector<16xi32>
    %add3A_2174 = arith.addi %get3A_2171, %add3A_2173 : vector<16xi32>
    %swap3A_2175 = arith.constant 2 : i32
    %swap3A_2176 = arith.index_cast %swap3A_2175 : i32 to index
    %swap3A_2177 = arith.constant 16 : index
    %swap3A_2178 = tpu.vector_load %arg9[%swap3A_2176, %swap3A_2177] {strides = array<i32>} : memref<3x128xi32, #tpu.memory_space<vmem>>, vector<1x16xi32>,
    %swap3A_2179 = vector.shape_cast %swap3A_2178 : vector<1x16xi32> to vector<16xi32>
    %swap3A_2180 = vector.shape_cast %add3A_2174 : vector<16xi32> to vector<1x16xi32>
    tpu.vector_store %arg9[%swap3A_2176, %swap3A_2177], %swap3A_2180 {strides = array<i32>} : memref<3x128xi32, #tpu.memory_space<vmem>>, vector<1x16xi32>,
    %get3A_2181 = arith.constant 32 : index
    %get3A_2182 = tpu.vector_load %arg8[%get3A_2181] {strides = array<i32>} : memref<128xi32, #tpu.memory_space<vmem>>, vector<16xi32>,
    %get3A_2183 = vector.shape_cast %get3A_2182 : vector<16xi32> to vector<16xi32>
    %add3A_2184 = arith.constant 32768 : i32
    %add3A_2185 = vector.broadcast %add3A_2184 : i32 to vector<16xi32>
    %add3A_2186 = arith.addi %get3A_2183, %add3A_2185 : vector<16xi32>
    %swap3A_2187 = arith.constant 2 : i32
    %swap3A_2188 = arith.index_cast %swap3A_2187 : i32 to index
    %swap3A_2189 = arith.constant 32 : index
    %swap3A_2190 = tpu.vector_load %arg9[%swap3A_2188, %swap3A_2189] {strides = array<i32>} : memref<3x128xi32, #tpu.memory_space<vmem>>, vector<1x16xi32>,
    %swap3A_2191 = vector.shape_cast %swap3A_2190 : vector<1x16xi32> to vector<16xi32>
    %swap3A_2192 = vector.shape_cast %add3A_2186 : vector<16xi32> to vector<1x16xi32>
    tpu.vector_store %arg9[%swap3A_2188, %swap3A_2189], %swap3A_2192 {strides = array<i32>} : memref<3x128xi32, #tpu.memory_space<vmem>>, vector<1x16xi32>,
    %get3A_2193 = arith.constant 48 : index
    %get3A_2194 = tpu.vector_load %arg8[%get3A_2193] {strides = array<i32>} : memref<128xi32, #tpu.memory_space<vmem>>, vector<16xi32>,
    %get3A_2195 = vector.shape_cast %get3A_2194 : vector<16xi32> to vector<16xi32>
    %add3A_2196 = arith.constant 32768 : i32
    %add3A_2197 = vector.broadcast %add3A_2196 : i32 to vector<16xi32>
    %add3A_2198 = arith.addi %get3A_2195, %add3A_2197 : vector<16xi32>
    %swap3A_2199 = arith.constant 2 : i32
    %swap3A_2200 = arith.index_cast %swap3A_2199 : i32 to index
    %swap3A_2201 = arith.constant 48 : index
    %swap3A_2202 = tpu.vector_load %arg9[%swap3A_2200, %swap3A_2201] {strides = array<i32>} : memref<3x128xi32, #tpu.memory_space<vmem>>, vector<1x16xi32>,
    %swap3A_2203 = vector.shape_cast %swap3A_2202 : vector<1x16xi32> to vector<16xi32>
    %swap3A_2204 = vector.shape_cast %add3A_2198 : vector<16xi32> to vector<1x16xi32>
    tpu.vector_store %arg9[%swap3A_2200, %swap3A_2201], %swap3A_2204 {strides = array<i32>} : memref<3x128xi32, #tpu.memory_space<vmem>>, vector<1x16xi32>,
    %get3A_2205 = arith.constant 64 : index
    %get3A_2206 = tpu.vector_load %arg8[%get3A_2205] {strides = array<i32>} : memref<128xi32, #tpu.memory_space<vmem>>, vector<16xi32>,
    %get3A_2207 = vector.shape_cast %get3A_2206 : vector<16xi32> to vector<16xi32>
    %add3A_2208 = arith.constant 32768 : i32
    %add3A_2209 = vector.broadcast %add3A_2208 : i32 to vector<16xi32>
    %add3A_2210 = arith.addi %get3A_2207, %add3A_2209 : vector<16xi32>
    %swap3A_2211 = arith.constant 2 : i32
    %swap3A_2212 = arith.index_cast %swap3A_2211 : i32 to index
    %swap3A_2213 = arith.constant 64 : index
    %swap3A_2214 = tpu.vector_load %arg9[%swap3A_2212, %swap3A_2213] {strides = array<i32>} : memref<3x128xi32, #tpu.memory_space<vmem>>, vector<1x16xi32>,
    %swap3A_2215 = vector.shape_cast %swap3A_2214 : vector<1x16xi32> to vector<16xi32>
    %swap3A_2216 = vector.shape_cast %add3A_2210 : vector<16xi32> to vector<1x16xi32>
    tpu.vector_store %arg9[%swap3A_2212, %swap3A_2213], %swap3A_2216 {strides = array<i32>} : memref<3x128xi32, #tpu.memory_space<vmem>>, vector<1x16xi32>,
    %get3A_2217 = arith.constant 80 : index
    %get3A_2218 = tpu.vector_load %arg8[%get3A_2217] {strides = array<i32>} : memref<128xi32, #tpu.memory_space<vmem>>, vector<16xi32>,
    %get3A_2219 = vector.shape_cast %get3A_2218 : vector<16xi32> to vector<16xi32>
    %add3A_2220 = arith.constant 32768 : i32
    %add3A_2221 = vector.broadcast %add3A_2220 : i32 to vector<16xi32>
    %add3A_2222 = arith.addi %get3A_2219, %add3A_2221 : vector<16xi32>
    %swap3A_2223 = arith.constant 2 : i32
    %swap3A_2224 = arith.index_cast %swap3A_2223 : i32 to index
    %swap3A_2225 = arith.constant 80 : index
    %swap3A_2226 = tpu.vector_load %arg9[%swap3A_2224, %swap3A_2225] {strides = array<i32>} : memref<3x128xi32, #tpu.memory_space<vmem>>, vector<1x16xi32>,
    %swap3A_2227 = vector.shape_cast %swap3A_2226 : vector<1x16xi32> to vector<16xi32>
    %swap3A_2228 = vector.shape_cast %add3A_2222 : vector<16xi32> to vector<1x16xi32>
    tpu.vector_store %arg9[%swap3A_2224, %swap3A_2225], %swap3A_2228 {strides = array<i32>} : memref<3x128xi32, #tpu.memory_space<vmem>>, vector<1x16xi32>,
    %get3A_2229 = arith.constant 96 : index
    %get3A_2230 = tpu.vector_load %arg8[%get3A_2229] {strides = array<i32>} : memref<128xi32, #tpu.memory_space<vmem>>, vector<16xi32>,
    %get3A_2231 = vector.shape_cast %get3A_2230 : vector<16xi32> to vector<16xi32>
    %add3A_2232 = arith.constant 32768 : i32
    %add3A_2233 = vector.broadcast %add3A_2232 : i32 to vector<16xi32>
    %add3A_2234 = arith.addi %get3A_2231, %add3A_2233 : vector<16xi32>
    %swap3A_2235 = arith.constant 2 : i32
    %swap3A_2236 = arith.index_cast %swap3A_2235 : i32 to index
    %swap3A_2237 = arith.constant 96 : index
    %swap3A_2238 = tpu.vector_load %arg9[%swap3A_2236, %swap3A_2237] {strides = array<i32>} : memref<3x128xi32, #tpu.memory_space<vmem>>, vector<1x16xi32>,
    %swap3A_2239 = vector.shape_cast %swap3A_2238 : vector<1x16xi32> to vector<16xi32>
    %swap3A_2240 = vector.shape_cast %add3A_2234 : vector<16xi32> to vector<1x16xi32>
    tpu.vector_store %arg9[%swap3A_2236, %swap3A_2237], %swap3A_2240 {strides = array<i32>} : memref<3x128xi32, #tpu.memory_space<vmem>>, vector<1x16xi32>,
    %get3A_2241 = arith.constant 112 : index
    %get3A_2242 = tpu.vector_load %arg8[%get3A_2241] {strides = array<i32>} : memref<128xi32, #tpu.memory_space<vmem>>, vector<16xi32>,
    %get3A_2243 = vector.shape_cast %get3A_2242 : vector<16xi32> to vector<16xi32>
    %add3A_2244 = arith.constant 32768 : i32
    %add3A_2245 = vector.broadcast %add3A_2244 : i32 to vector<16xi32>
    %add3A_2246 = arith.addi %get3A_2243, %add3A_2245 : vector<16xi32>
    %swap3A_2247 = arith.constant 2 : i32
    %swap3A_2248 = arith.index_cast %swap3A_2247 : i32 to index
    %swap3A_2249 = arith.constant 112 : index
    %swap3A_2250 = tpu.vector_load %arg9[%swap3A_2248, %swap3A_2249] {strides = array<i32>} : memref<3x128xi32, #tpu.memory_space<vmem>>, vector<1x16xi32>,
    %swap3A_2251 = vector.shape_cast %swap3A_2250 : vector<1x16xi32> to vector<16xi32>
    %swap3A_2252 = vector.shape_cast %add3A_2246 : vector<16xi32> to vector<1x16xi32>
    tpu.vector_store %arg9[%swap3A_2248, %swap3A_2249], %swap3A_2252 {strides = array<i32>} : memref<3x128xi32, #tpu.memory_space<vmem>>, vector<1x16xi32>,
    %dma_start3A = arith.constant 0 : i32
    %dma_start3A_2253 = tpu.memref_slice %arg8[%dma_start3A] : memref<128xi32, #tpu.memory_space<vmem>> -> memref<32xi32, #tpu.memory_space<vmem>>
    %dma_start3A_2254 = arith.constant 0 : i32
    %dma_start3A_2255 = arith.constant 0 : i32
    %dma_start3A_2256 = tpu.memref_slice %arg3[%dma_start3A_2254, %dma_start3A_2255] : memref<16384x1024xf32, #tpu.memory_space<hbm>> -> memref<16384x1024xf32, #tpu.memory_space<hbm>>
    tpu.enqueue_indirect_dma source(%dma_start3A_2256 : memref<16384x1024xf32, #tpu.memory_space<hbm>>) target(%arg10 : memref<32x1024xf32, #tpu.memory_space<vmem>>) offsets(%dma_start3A_2253 : memref<32xi32, #tpu.memory_space<vmem>>) semaphore(%arg12 : memref<!tpu.dma_semaphore, #tpu.memory_space<semaphore_mem>>)
    %dma_start3A_2257 = arith.constant 32 : i32
    %dma_start3A_2258 = tpu.memref_slice %arg8[%dma_start3A_2257] : memref<128xi32, #tpu.memory_space<vmem>> -> memref<32xi32, #tpu.memory_space<vmem>>
    %dma_start3A_2259 = arith.constant 0 : i32
    %dma_start3A_2260 = arith.constant 0 : i32
    %dma_start3A_2261 = tpu.memref_slice %arg3[%dma_start3A_2259, %dma_start3A_2260] : memref<16384x1024xf32, #tpu.memory_space<hbm>> -> memref<16384x1024xf32, #tpu.memory_space<hbm>>
    tpu.enqueue_indirect_dma source(%dma_start3A_2261 : memref<16384x1024xf32, #tpu.memory_space<hbm>>) target(%arg11 : memref<32x1024xf32, #tpu.memory_space<vmem>>) offsets(%dma_start3A_2258 : memref<32xi32, #tpu.memory_space<vmem>>) semaphore(%arg13 : memref<!tpu.dma_semaphore, #tpu.memory_space<semaphore_mem>>)
    %dma_wait3A = arith.constant 0 : i32
    %dma_wait3A_2262 = tpu.memref_slice %arg8[%dma_wait3A] : memref<128xi32, #tpu.memory_space<vmem>> -> memref<32xi32, #tpu.memory_space<vmem>>
    %dma_wait3A_2263 = arith.constant 0 : i32
    %dma_wait3A_2264 = arith.constant 0 : i32
    %dma_wait3A_2265 = tpu.memref_slice %arg3[%dma_wait3A_2263, %dma_wait3A_2264] : memref<16384x1024xf32, #tpu.memory_space<hbm>> -> memref<16384x1024xf32, #tpu.memory_space<hbm>>
    tpu.wait_indirect_dma semaphore(%arg12 : memref<!tpu.dma_semaphore, #tpu.memory_space<semaphore_mem>>) src(%dma_wait3A_2265 : memref<16384x1024xf32, #tpu.memory_space<hbm>>) dst(%arg10 : memref<32x1024xf32, #tpu.memory_space<vmem>>)
    %add3A_2266 = arith.constant 0 : i32
    %add3A_2267 = arith.addi %multiple_of3A, %add3A_2266 : i32
    %dma_start3A_2268 = arith.constant 0 : i32
    %dma_start3A_2269 = tpu.memref_slice %arg5[%add3A_2267, %dma_start3A_2268] : memref<4096x1024xf32, #tpu.memory_space<hbm>> -> memref<32x1024xf32, #tpu.memory_space<hbm>>
    %dma_start3A_2270 = arith.constant 0 : i32
    %dma_start3A_2271 = tpu.memref_slice %arg5[%add3A_2267, %dma_start3A_2270] : memref<4096x1024xf32, #tpu.memory_space<hbm>> -> memref<32x1024xf32, #tpu.memory_space<hbm>>
    tpu.enqueue_dma source(%arg10 : memref<32x1024xf32, #tpu.memory_space<vmem>>) target(%dma_start3A_2271 : memref<32x1024xf32, #tpu.memory_space<hbm>>) target_semaphore(%arg14 : memref<!tpu.dma_semaphore, #tpu.memory_space<semaphore_mem>>)
    %dma_wait3A_2272 = arith.constant 0 : i32
    %dma_wait3A_2273 = tpu.memref_slice %arg5[%add3A_2267, %dma_wait3A_2272] : memref<4096x1024xf32, #tpu.memory_space<hbm>> -> memref<32x1024xf32, #tpu.memory_space<hbm>>
    %dma_wait3A_2274 = arith.constant 0 : i32
    %dma_wait3A_2275 = tpu.memref_slice %arg5[%add3A_2267, %dma_wait3A_2274] : memref<4096x1024xf32, #tpu.memory_space<hbm>> -> memref<32x1024xf32, #tpu.memory_space<hbm>>
    tpu.wait_dma2 semaphore(%arg14 : memref<!tpu.dma_semaphore, #tpu.memory_space<semaphore_mem>>) src(%arg10 : memref<32x1024xf32, #tpu.memory_space<vmem>>) dst(%dma_wait3A_2275 : memref<32x1024xf32, #tpu.memory_space<hbm>>)
    %dma_start3A_2276 = arith.constant 64 : i32
    %dma_start3A_2277 = tpu.memref_slice %arg8[%dma_start3A_2276] : memref<128xi32, #tpu.memory_space<vmem>> -> memref<32xi32, #tpu.memory_space<vmem>>
    %dma_start3A_2278 = arith.constant 0 : i32
    %dma_start3A_2279 = arith.constant 0 : i32
    %dma_start3A_2280 = tpu.memref_slice %arg3[%dma_start3A_2278, %dma_start3A_2279] : memref<16384x1024xf32, #tpu.memory_space<hbm>> -> memref<16384x1024xf32, #tpu.memory_space<hbm>>
    tpu.enqueue_indirect_dma source(%dma_start3A_2280 : memref<16384x1024xf32, #tpu.memory_space<hbm>>) target(%arg10 : memref<32x1024xf32, #tpu.memory_space<vmem>>) offsets(%dma_start3A_2277 : memref<32xi32, #tpu.memory_space<vmem>>) semaphore(%arg12 : memref<!tpu.dma_semaphore, #tpu.memory_space<semaphore_mem>>)
    %dma_wait3A_2281 = arith.constant 32 : i32
    %dma_wait3A_2282 = tpu.memref_slice %arg8[%dma_wait3A_2281] : memref<128xi32, #tpu.memory_space<vmem>> -> memref<32xi32, #tpu.memory_space<vmem>>
    %dma_wait3A_2283 = arith.constant 0 : i32
    %dma_wait3A_2284 = arith.constant 0 : i32
    %dma_wait3A_2285 = tpu.memref_slice %arg3[%dma_wait3A_2283, %dma_wait3A_2284] : memref<16384x1024xf32, #tpu.memory_space<hbm>> -> memref<16384x1024xf32, #tpu.memory_space<hbm>>
    tpu.wait_indirect_dma semaphore(%arg13 : memref<!tpu.dma_semaphore, #tpu.memory_space<semaphore_mem>>) src(%dma_wait3A_2285 : memref<16384x1024xf32, #tpu.memory_space<hbm>>) dst(%arg11 : memref<32x1024xf32, #tpu.memory_space<vmem>>)
    %add3A_2286 = arith.constant 32 : i32
    %add3A_2287 = arith.addi %multiple_of3A, %add3A_2286 : i32
    %dma_start3A_2288 = arith.constant 0 : i32
    %dma_start3A_2289 = tpu.memref_slice %arg5[%add3A_2287, %dma_start3A_2288] : memref<4096x1024xf32, #tpu.memory_space<hbm>> -> memref<32x1024xf32, #tpu.memory_space<hbm>>
    %dma_start3A_2290 = arith.constant 0 : i32
    %dma_start3A_2291 = tpu.memref_slice %arg5[%add3A_2287, %dma_start3A_2290] : memref<4096x1024xf32, #tpu.memory_space<hbm>> -> memref<32x1024xf32, #tpu.memory_space<hbm>>
    tpu.enqueue_dma source(%arg11 : memref<32x1024xf32, #tpu.memory_space<vmem>>) target(%dma_start3A_2291 : memref<32x1024xf32, #tpu.memory_space<hbm>>) target_semaphore(%arg15 : memref<!tpu.dma_semaphore, #tpu.memory_space<semaphore_mem>>)
    %dma_wait3A_2292 = arith.constant 0 : i32
    %dma_wait3A_2293 = tpu.memref_slice %arg5[%add3A_2287, %dma_wait3A_2292] : memref<4096x1024xf32, #tpu.memory_space<hbm>> -> memref<32x1024xf32, #tpu.memory_space<hbm>>
    %dma_wait3A_2294 = arith.constant 0 : i32
    %dma_wait3A_2295 = tpu.memref_slice %arg5[%add3A_2287, %dma_wait3A_2294] : memref<4096x1024xf32, #tpu.memory_space<hbm>> -> memref<32x1024xf32, #tpu.memory_space<hbm>>
    tpu.wait_dma2 semaphore(%arg15 : memref<!tpu.dma_semaphore, #tpu.memory_space<semaphore_mem>>) src(%arg11 : memref<32x1024xf32, #tpu.memory_space<vmem>>) dst(%dma_wait3A_2295 : memref<32x1024xf32, #tpu.memory_space<hbm>>)
    %dma_start3A_2296 = arith.constant 96 : i32
    %dma_start3A_2297 = tpu.memref_slice %arg8[%dma_start3A_2296] : memref<128xi32, #tpu.memory_space<vmem>> -> memref<32xi32, #tpu.memory_space<vmem>>
    %dma_start3A_2298 = arith.constant 0 : i32
    %dma_start3A_2299 = arith.constant 0 : i32
    %dma_start3A_2300 = tpu.memref_slice %arg3[%dma_start3A_2298, %dma_start3A_2299] : memref<16384x1024xf32, #tpu.memory_space<hbm>> -> memref<16384x1024xf32, #tpu.memory_space<hbm>>
    tpu.enqueue_indirect_dma source(%dma_start3A_2300 : memref<16384x1024xf32, #tpu.memory_space<hbm>>) target(%arg11 : memref<32x1024xf32, #tpu.memory_space<vmem>>) offsets(%dma_start3A_2297 : memref<32xi32, #tpu.memory_space<vmem>>) semaphore(%arg13 : memref<!tpu.dma_semaphore, #tpu.memory_space<semaphore_mem>>)
    %dma_wait3A_2301 = arith.constant 64 : i32
    %dma_wait3A_2302 = tpu.memref_slice %arg8[%dma_wait3A_2301] : memref<128xi32, #tpu.memory_space<vmem>> -> memref<32xi32, #tpu.memory_space<vmem>>
    %dma_wait3A_2303 = arith.constant 0 : i32
    %dma_wait3A_2304 = arith.constant 0 : i32
    %dma_wait3A_2305 = tpu.memref_slice %arg3[%dma_wait3A_2303, %dma_wait3A_2304] : memref<16384x1024xf32, #tpu.memory_space<hbm>> -> memref<16384x1024xf32, #tpu.memory_space<hbm>>
    tpu.wait_indirect_dma semaphore(%arg12 : memref<!tpu.dma_semaphore, #tpu.memory_space<semaphore_mem>>) src(%dma_wait3A_2305 : memref<16384x1024xf32, #tpu.memory_space<hbm>>) dst(%arg10 : memref<32x1024xf32, #tpu.memory_space<vmem>>)
    %add3A_2306 = arith.constant 64 : i32
    %add3A_2307 = arith.addi %multiple_of3A, %add3A_2306 : i32
    %dma_start3A_2308 = arith.constant 0 : i32
    %dma_start3A_2309 = tpu.memref_slice %arg5[%add3A_2307, %dma_start3A_2308] : memref<4096x1024xf32, #tpu.memory_space<hbm>> -> memref<32x1024xf32, #tpu.memory_space<hbm>>
    %dma_start3A_2310 = arith.constant 0 : i32
    %dma_start3A_2311 = tpu.memref_slice %arg5[%add3A_2307, %dma_start3A_2310] : memref<4096x1024xf32, #tpu.memory_space<hbm>> -> memref<32x1024xf32, #tpu.memory_space<hbm>>
    tpu.enqueue_dma source(%arg10 : memref<32x1024xf32, #tpu.memory_space<vmem>>) target(%dma_start3A_2311 : memref<32x1024xf32, #tpu.memory_space<hbm>>) target_semaphore(%arg14 : memref<!tpu.dma_semaphore, #tpu.memory_space<semaphore_mem>>)
    %dma_wait3A_2312 = arith.constant 0 : i32
    %dma_wait3A_2313 = tpu.memref_slice %arg5[%add3A_2307, %dma_wait3A_2312] : memref<4096x1024xf32, #tpu.memory_space<hbm>> -> memref<32x1024xf32, #tpu.memory_space<hbm>>
    %dma_wait3A_2314 = arith.constant 0 : i32
    %dma_wait3A_2315 = tpu.memref_slice %arg5[%add3A_2307, %dma_wait3A_2314] : memref<4096x1024xf32, #tpu.memory_space<hbm>> -> memref<32x1024xf32, #tpu.memory_space<hbm>>
    tpu.wait_dma2 semaphore(%arg14 : memref<!tpu.dma_semaphore, #tpu.memory_space<semaphore_mem>>) src(%arg10 : memref<32x1024xf32, #tpu.memory_space<vmem>>) dst(%dma_wait3A_2315 : memref<32x1024xf32, #tpu.memory_space<hbm>>)
    %dma_start3A_2316 = arith.constant 0 : i32
    %dma_start3A_2317 = arith.constant 0 : i32
    %dma_start3A_2318 = tpu.memref_slice %arg9[%dma_start3A_2316, %dma_start3A_2317] : memref<3x128xi32, #tpu.memory_space<vmem>> -> memref<1x32xi32, #tpu.memory_space<vmem>>
    %dma_start3A_2319 = tpu.memref_squeeze %dma_start3A_2318 : memref<1x32xi32, #tpu.memory_space<vmem>> -> memref<32xi32, #tpu.memory_space<vmem>>
    %dma_start3A_2320 = arith.constant 0 : i32
    %dma_start3A_2321 = arith.constant 0 : i32
    %dma_start3A_2322 = tpu.memref_slice %arg4[%dma_start3A_2320, %dma_start3A_2321] : memref<49152x1024xf32, #tpu.memory_space<hbm>> -> memref<49152x1024xf32, #tpu.memory_space<hbm>>
    tpu.enqueue_indirect_dma source(%dma_start3A_2322 : memref<49152x1024xf32, #tpu.memory_space<hbm>>) target(%arg10 : memref<32x1024xf32, #tpu.memory_space<vmem>>) offsets(%dma_start3A_2319 : memref<32xi32, #tpu.memory_space<vmem>>) semaphore(%arg12 : memref<!tpu.dma_semaphore, #tpu.memory_space<semaphore_mem>>)
    %dma_wait3A_2323 = arith.constant 96 : i32
    %dma_wait3A_2324 = tpu.memref_slice %arg8[%dma_wait3A_2323] : memref<128xi32, #tpu.memory_space<vmem>> -> memref<32xi32, #tpu.memory_space<vmem>>
    %dma_wait3A_2325 = arith.constant 0 : i32
    %dma_wait3A_2326 = arith.constant 0 : i32
    %dma_wait3A_2327 = tpu.memref_slice %arg3[%dma_wait3A_2325, %dma_wait3A_2326] : memref<16384x1024xf32, #tpu.memory_space<hbm>> -> memref<16384x1024xf32, #tpu.memory_space<hbm>>
    tpu.wait_indirect_dma semaphore(%arg13 : memref<!tpu.dma_semaphore, #tpu.memory_space<semaphore_mem>>) src(%dma_wait3A_2327 : memref<16384x1024xf32, #tpu.memory_space<hbm>>) dst(%arg11 : memref<32x1024xf32, #tpu.memory_space<vmem>>)
    %add3A_2328 = arith.constant 96 : i32
    %add3A_2329 = arith.addi %multiple_of3A, %add3A_2328 : i32
    %dma_start3A_2330 = arith.constant 0 : i32
    %dma_start3A_2331 = tpu.memref_slice %arg5[%add3A_2329, %dma_start3A_2330] : memref<4096x1024xf32, #tpu.memory_space<hbm>> -> memref<32x1024xf32, #tpu.memory_space<hbm>>
    %dma_start3A_2332 = arith.constant 0 : i32
    %dma_start3A_2333 = tpu.memref_slice %arg5[%add3A_2329, %dma_start3A_2332] : memref<4096x1024xf32, #tpu.memory_space<hbm>> -> memref<32x1024xf32, #tpu.memory_space<hbm>>
    tpu.enqueue_dma source(%arg11 : memref<32x1024xf32, #tpu.memory_space<vmem>>) target(%dma_start3A_2333 : memref<32x1024xf32, #tpu.memory_space<hbm>>) target_semaphore(%arg15 : memref<!tpu.dma_semaphore, #tpu.memory_space<semaphore_mem>>)
    %dma_wait3A_2334 = arith.constant 0 : i32
    %dma_wait3A_2335 = tpu.memref_slice %arg5[%add3A_2329, %dma_wait3A_2334] : memref<4096x1024xf32, #tpu.memory_space<hbm>> -> memref<32x1024xf32, #tpu.memory_space<hbm>>
    %dma_wait3A_2336 = arith.constant 0 : i32
    %dma_wait3A_2337 = tpu.memref_slice %arg5[%add3A_2329, %dma_wait3A_2336] : memref<4096x1024xf32, #tpu.memory_space<hbm>> -> memref<32x1024xf32, #tpu.memory_space<hbm>>
    tpu.wait_dma2 semaphore(%arg15 : memref<!tpu.dma_semaphore, #tpu.memory_space<semaphore_mem>>) src(%arg11 : memref<32x1024xf32, #tpu.memory_space<vmem>>) dst(%dma_wait3A_2337 : memref<32x1024xf32, #tpu.memory_space<hbm>>)
    %dma_start3A_2338 = arith.constant 0 : i32
    %dma_start3A_2339 = arith.constant 32 : i32
    %dma_start3A_2340 = tpu.memref_slice %arg9[%dma_start3A_2338, %dma_start3A_2339] : memref<3x128xi32, #tpu.memory_space<vmem>> -> memref<1x32xi32, #tpu.memory_space<vmem>>
    %dma_start3A_2341 = tpu.memref_squeeze %dma_start3A_2340 : memref<1x32xi32, #tpu.memory_space<vmem>> -> memref<32xi32, #tpu.memory_space<vmem>>
    %dma_start3A_2342 = arith.constant 0 : i32
    %dma_start3A_2343 = arith.constant 0 : i32
    %dma_start3A_2344 = tpu.memref_slice %arg4[%dma_start3A_2342, %dma_start3A_2343] : memref<49152x1024xf32, #tpu.memory_space<hbm>> -> memref<49152x1024xf32, #tpu.memory_space<hbm>>
    tpu.enqueue_indirect_dma source(%dma_start3A_2344 : memref<49152x1024xf32, #tpu.memory_space<hbm>>) target(%arg11 : memref<32x1024xf32, #tpu.memory_space<vmem>>) offsets(%dma_start3A_2341 : memref<32xi32, #tpu.memory_space<vmem>>) semaphore(%arg13 : memref<!tpu.dma_semaphore, #tpu.memory_space<semaphore_mem>>)
    %dma_wait3A_2345 = arith.constant 0 : i32
    %dma_wait3A_2346 = arith.constant 0 : i32
    %dma_wait3A_2347 = tpu.memref_slice %arg9[%dma_wait3A_2345, %dma_wait3A_2346] : memref<3x128xi32, #tpu.memory_space<vmem>> -> memref<1x32xi32, #tpu.memory_space<vmem>>
    %dma_wait3A_2348 = tpu.memref_squeeze %dma_wait3A_2347 : memref<1x32xi32, #tpu.memory_space<vmem>> -> memref<32xi32, #tpu.memory_space<vmem>>
    %dma_wait3A_2349 = arith.constant 0 : i32
    %dma_wait3A_2350 = arith.constant 0 : i32
    %dma_wait3A_2351 = tpu.memref_slice %arg4[%dma_wait3A_2349, %dma_wait3A_2350] : memref<49152x1024xf32, #tpu.memory_space<hbm>> -> memref<49152x1024xf32, #tpu.memory_space<hbm>>
    tpu.wait_indirect_dma semaphore(%arg12 : memref<!tpu.dma_semaphore, #tpu.memory_space<semaphore_mem>>) src(%dma_wait3A_2351 : memref<49152x1024xf32, #tpu.memory_space<hbm>>) dst(%arg10 : memref<32x1024xf32, #tpu.memory_space<vmem>>)
    %add3A_2352 = arith.constant 0 : i32
    %add3A_2353 = arith.addi %multiple_of3A, %add3A_2352 : i32
    %dma_start3A_2354 = arith.constant 0 : i32
    %dma_start3A_2355 = tpu.memref_slice %arg6[%add3A_2353, %dma_start3A_2354] : memref<12288x1024xf32, #tpu.memory_space<hbm>> -> memref<32x1024xf32, #tpu.memory_space<hbm>>
    %dma_start3A_2356 = arith.constant 0 : i32
    %dma_start3A_2357 = tpu.memref_slice %arg6[%add3A_2353, %dma_start3A_2356] : memref<12288x1024xf32, #tpu.memory_space<hbm>> -> memref<32x1024xf32, #tpu.memory_space<hbm>>
    tpu.enqueue_dma source(%arg10 : memref<32x1024xf32, #tpu.memory_space<vmem>>) target(%dma_start3A_2357 : memref<32x1024xf32, #tpu.memory_space<hbm>>) target_semaphore(%arg14 : memref<!tpu.dma_semaphore, #tpu.memory_space<semaphore_mem>>)
    %dma_wait3A_2358 = arith.constant 0 : i32
    %dma_wait3A_2359 = tpu.memref_slice %arg6[%add3A_2353, %dma_wait3A_2358] : memref<12288x1024xf32, #tpu.memory_space<hbm>> -> memref<32x1024xf32, #tpu.memory_space<hbm>>
    %dma_wait3A_2360 = arith.constant 0 : i32
    %dma_wait3A_2361 = tpu.memref_slice %arg6[%add3A_2353, %dma_wait3A_2360] : memref<12288x1024xf32, #tpu.memory_space<hbm>> -> memref<32x1024xf32, #tpu.memory_space<hbm>>
    tpu.wait_dma2 semaphore(%arg14 : memref<!tpu.dma_semaphore, #tpu.memory_space<semaphore_mem>>) src(%arg10 : memref<32x1024xf32, #tpu.memory_space<vmem>>) dst(%dma_wait3A_2361 : memref<32x1024xf32, #tpu.memory_space<hbm>>)
    %dma_start3A_2362 = arith.constant 0 : i32
    %dma_start3A_2363 = arith.constant 64 : i32
    %dma_start3A_2364 = tpu.memref_slice %arg9[%dma_start3A_2362, %dma_start3A_2363] : memref<3x128xi32, #tpu.memory_space<vmem>> -> memref<1x32xi32, #tpu.memory_space<vmem>>
    %dma_start3A_2365 = tpu.memref_squeeze %dma_start3A_2364 : memref<1x32xi32, #tpu.memory_space<vmem>> -> memref<32xi32, #tpu.memory_space<vmem>>
    %dma_start3A_2366 = arith.constant 0 : i32
    %dma_start3A_2367 = arith.constant 0 : i32
    %dma_start3A_2368 = tpu.memref_slice %arg4[%dma_start3A_2366, %dma_start3A_2367] : memref<49152x1024xf32, #tpu.memory_space<hbm>> -> memref<49152x1024xf32, #tpu.memory_space<hbm>>
    tpu.enqueue_indirect_dma source(%dma_start3A_2368 : memref<49152x1024xf32, #tpu.memory_space<hbm>>) target(%arg10 : memref<32x1024xf32, #tpu.memory_space<vmem>>) offsets(%dma_start3A_2365 : memref<32xi32, #tpu.memory_space<vmem>>) semaphore(%arg12 : memref<!tpu.dma_semaphore, #tpu.memory_space<semaphore_mem>>)
    %dma_wait3A_2369 = arith.constant 0 : i32
    %dma_wait3A_2370 = arith.constant 32 : i32
    %dma_wait3A_2371 = tpu.memref_slice %arg9[%dma_wait3A_2369, %dma_wait3A_2370] : memref<3x128xi32, #tpu.memory_space<vmem>> -> memref<1x32xi32, #tpu.memory_space<vmem>>
    %dma_wait3A_2372 = tpu.memref_squeeze %dma_wait3A_2371 : memref<1x32xi32, #tpu.memory_space<vmem>> -> memref<32xi32, #tpu.memory_space<vmem>>
    %dma_wait3A_2373 = arith.constant 0 : i32
    %dma_wait3A_2374 = arith.constant 0 : i32
    %dma_wait3A_2375 = tpu.memref_slice %arg4[%dma_wait3A_2373, %dma_wait3A_2374] : memref<49152x1024xf32, #tpu.memory_space<hbm>> -> memref<49152x1024xf32, #tpu.memory_space<hbm>>
    tpu.wait_indirect_dma semaphore(%arg13 : memref<!tpu.dma_semaphore, #tpu.memory_space<semaphore_mem>>) src(%dma_wait3A_2375 : memref<49152x1024xf32, #tpu.memory_space<hbm>>) dst(%arg11 : memref<32x1024xf32, #tpu.memory_space<vmem>>)
    %add3A_2376 = arith.constant 32 : i32
    %add3A_2377 = arith.addi %multiple_of3A, %add3A_2376 : i32
    %dma_start3A_2378 = arith.constant 0 : i32
    %dma_start3A_2379 = tpu.memref_slice %arg6[%add3A_2377, %dma_start3A_2378] : memref<12288x1024xf32, #tpu.memory_space<hbm>> -> memref<32x1024xf32, #tpu.memory_space<hbm>>
    %dma_start3A_2380 = arith.constant 0 : i32
    %dma_start3A_2381 = tpu.memref_slice %arg6[%add3A_2377, %dma_start3A_2380] : memref<12288x1024xf32, #tpu.memory_space<hbm>> -> memref<32x1024xf32, #tpu.memory_space<hbm>>
    tpu.enqueue_dma source(%arg11 : memref<32x1024xf32, #tpu.memory_space<vmem>>) target(%dma_start3A_2381 : memref<32x1024xf32, #tpu.memory_space<hbm>>) target_semaphore(%arg15 : memref<!tpu.dma_semaphore, #tpu.memory_space<semaphore_mem>>)
    %dma_wait3A_2382 = arith.constant 0 : i32
    %dma_wait3A_2383 = tpu.memref_slice %arg6[%add3A_2377, %dma_wait3A_2382] : memref<12288x1024xf32, #tpu.memory_space<hbm>> -> memref<32x1024xf32, #tpu.memory_space<hbm>>
    %dma_wait3A_2384 = arith.constant 0 : i32
    %dma_wait3A_2385 = tpu.memref_slice %arg6[%add3A_2377, %dma_wait3A_2384] : memref<12288x1024xf32, #tpu.memory_space<hbm>> -> memref<32x1024xf32, #tpu.memory_space<hbm>>
    tpu.wait_dma2 semaphore(%arg15 : memref<!tpu.dma_semaphore, #tpu.memory_space<semaphore_mem>>) src(%arg11 : memref<32x1024xf32, #tpu.memory_space<vmem>>) dst(%dma_wait3A_2385 : memref<32x1024xf32, #tpu.memory_space<hbm>>)
    %dma_start3A_2386 = arith.constant 0 : i32
    %dma_start3A_2387 = arith.constant 96 : i32
    %dma_start3A_2388 = tpu.memref_slice %arg9[%dma_start3A_2386, %dma_start3A_2387] : memref<3x128xi32, #tpu.memory_space<vmem>> -> memref<1x32xi32, #tpu.memory_space<vmem>>
    %dma_start3A_2389 = tpu.memref_squeeze %dma_start3A_2388 : memref<1x32xi32, #tpu.memory_space<vmem>> -> memref<32xi32, #tpu.memory_space<vmem>>
    %dma_start3A_2390 = arith.constant 0 : i32
    %dma_start3A_2391 = arith.constant 0 : i32
    %dma_start3A_2392 = tpu.memref_slice %arg4[%dma_start3A_2390, %dma_start3A_2391] : memref<49152x1024xf32, #tpu.memory_space<hbm>> -> memref<49152x1024xf32, #tpu.memory_space<hbm>>
    tpu.enqueue_indirect_dma source(%dma_start3A_2392 : memref<49152x1024xf32, #tpu.memory_space<hbm>>) target(%arg11 : memref<32x1024xf32, #tpu.memory_space<vmem>>) offsets(%dma_start3A_2389 : memref<32xi32, #tpu.memory_space<vmem>>) semaphore(%arg13 : memref<!tpu.dma_semaphore, #tpu.memory_space<semaphore_mem>>)
    %dma_wait3A_2393 = arith.constant 0 : i32
    %dma_wait3A_2394 = arith.constant 64 : i32
    %dma_wait3A_2395 = tpu.memref_slice %arg9[%dma_wait3A_2393, %dma_wait3A_2394] : memref<3x128xi32, #tpu.memory_space<vmem>> -> memref<1x32xi32, #tpu.memory_space<vmem>>
    %dma_wait3A_2396 = tpu.memref_squeeze %dma_wait3A_2395 : memref<1x32xi32, #tpu.memory_space<vmem>> -> memref<32xi32, #tpu.memory_space<vmem>>
    %dma_wait3A_2397 = arith.constant 0 : i32
    %dma_wait3A_2398 = arith.constant 0 : i32
    %dma_wait3A_2399 = tpu.memref_slice %arg4[%dma_wait3A_2397, %dma_wait3A_2398] : memref<49152x1024xf32, #tpu.memory_space<hbm>> -> memref<49152x1024xf32, #tpu.memory_space<hbm>>
    tpu.wait_indirect_dma semaphore(%arg12 : memref<!tpu.dma_semaphore, #tpu.memory_space<semaphore_mem>>) src(%dma_wait3A_2399 : memref<49152x1024xf32, #tpu.memory_space<hbm>>) dst(%arg10 : memref<32x1024xf32, #tpu.memory_space<vmem>>)
    %add3A_2400 = arith.constant 64 : i32
    %add3A_2401 = arith.addi %multiple_of3A, %add3A_2400 : i32
    %dma_start3A_2402 = arith.constant 0 : i32
    %dma_start3A_2403 = tpu.memref_slice %arg6[%add3A_2401, %dma_start3A_2402] : memref<12288x1024xf32, #tpu.memory_space<hbm>> -> memref<32x1024xf32, #tpu.memory_space<hbm>>
    %dma_start3A_2404 = arith.constant 0 : i32
    %dma_start3A_2405 = tpu.memref_slice %arg6[%add3A_2401, %dma_start3A_2404] : memref<12288x1024xf32, #tpu.memory_space<hbm>> -> memref<32x1024xf32, #tpu.memory_space<hbm>>
    tpu.enqueue_dma source(%arg10 : memref<32x1024xf32, #tpu.memory_space<vmem>>) target(%dma_start3A_2405 : memref<32x1024xf32, #tpu.memory_space<hbm>>) target_semaphore(%arg14 : memref<!tpu.dma_semaphore, #tpu.memory_space<semaphore_mem>>)
    %dma_wait3A_2406 = arith.constant 0 : i32
    %dma_wait3A_2407 = tpu.memref_slice %arg6[%add3A_2401, %dma_wait3A_2406] : memref<12288x1024xf32, #tpu.memory_space<hbm>> -> memref<32x1024xf32, #tpu.memory_space<hbm>>
    %dma_wait3A_2408 = arith.constant 0 : i32
    %dma_wait3A_2409 = tpu.memref_slice %arg6[%add3A_2401, %dma_wait3A_2408] : memref<12288x1024xf32, #tpu.memory_space<hbm>> -> memref<32x1024xf32, #tpu.memory_space<hbm>>
    tpu.wait_dma2 semaphore(%arg14 : memref<!tpu.dma_semaphore, #tpu.memory_space<semaphore_mem>>) src(%arg10 : memref<32x1024xf32, #tpu.memory_space<vmem>>) dst(%dma_wait3A_2409 : memref<32x1024xf32, #tpu.memory_space<hbm>>)
    %dma_start3A_2410 = arith.constant 1 : i32
    %dma_start3A_2411 = arith.constant 0 : i32
    %dma_start3A_2412 = tpu.memref_slice %arg9[%dma_start3A_2410, %dma_start3A_2411] : memref<3x128xi32, #tpu.memory_space<vmem>> -> memref<1x32xi32, #tpu.memory_space<vmem>>
    %dma_start3A_2413 = tpu.memref_squeeze %dma_start3A_2412 : memref<1x32xi32, #tpu.memory_space<vmem>> -> memref<32xi32, #tpu.memory_space<vmem>>
    %dma_start3A_2414 = arith.constant 0 : i32
    %dma_start3A_2415 = arith.constant 0 : i32
    %dma_start3A_2416 = tpu.memref_slice %arg4[%dma_start3A_2414, %dma_start3A_2415] : memref<49152x1024xf32, #tpu.memory_space<hbm>> -> memref<49152x1024xf32, #tpu.memory_space<hbm>>
    tpu.enqueue_indirect_dma source(%dma_start3A_2416 : memref<49152x1024xf32, #tpu.memory_space<hbm>>) target(%arg10 : memref<32x1024xf32, #tpu.memory_space<vmem>>) offsets(%dma_start3A_2413 : memref<32xi32, #tpu.memory_space<vmem>>) semaphore(%arg12 : memref<!tpu.dma_semaphore, #tpu.memory_space<semaphore_mem>>)
    %dma_wait3A_2417 = arith.constant 0 : i32
    %dma_wait3A_2418 = arith.constant 96 : i32
    %dma_wait3A_2419 = tpu.memref_slice %arg9[%dma_wait3A_2417, %dma_wait3A_2418] : memref<3x128xi32, #tpu.memory_space<vmem>> -> memref<1x32xi32, #tpu.memory_space<vmem>>
    %dma_wait3A_2420 = tpu.memref_squeeze %dma_wait3A_2419 : memref<1x32xi32, #tpu.memory_space<vmem>> -> memref<32xi32, #tpu.memory_space<vmem>>
    %dma_wait3A_2421 = arith.constant 0 : i32
    %dma_wait3A_2422 = arith.constant 0 : i32
    %dma_wait3A_2423 = tpu.memref_slice %arg4[%dma_wait3A_2421, %dma_wait3A_2422] : memref<49152x1024xf32, #tpu.memory_space<hbm>> -> memref<49152x1024xf32, #tpu.memory_space<hbm>>
    tpu.wait_indirect_dma semaphore(%arg13 : memref<!tpu.dma_semaphore, #tpu.memory_space<semaphore_mem>>) src(%dma_wait3A_2423 : memref<49152x1024xf32, #tpu.memory_space<hbm>>) dst(%arg11 : memref<32x1024xf32, #tpu.memory_space<vmem>>)
    %add3A_2424 = arith.constant 96 : i32
    %add3A_2425 = arith.addi %multiple_of3A, %add3A_2424 : i32
    %dma_start3A_2426 = arith.constant 0 : i32
    %dma_start3A_2427 = tpu.memref_slice %arg6[%add3A_2425, %dma_start3A_2426] : memref<12288x1024xf32, #tpu.memory_space<hbm>> -> memref<32x1024xf32, #tpu.memory_space<hbm>>
    %dma_start3A_2428 = arith.constant 0 : i32
    %dma_start3A_2429 = tpu.memref_slice %arg6[%add3A_2425, %dma_start3A_2428] : memref<12288x1024xf32, #tpu.memory_space<hbm>> -> memref<32x1024xf32, #tpu.memory_space<hbm>>
    tpu.enqueue_dma source(%arg11 : memref<32x1024xf32, #tpu.memory_space<vmem>>) target(%dma_start3A_2429 : memref<32x1024xf32, #tpu.memory_space<hbm>>) target_semaphore(%arg15 : memref<!tpu.dma_semaphore, #tpu.memory_space<semaphore_mem>>)
    %dma_wait3A_2430 = arith.constant 0 : i32
    %dma_wait3A_2431 = tpu.memref_slice %arg6[%add3A_2425, %dma_wait3A_2430] : memref<12288x1024xf32, #tpu.memory_space<hbm>> -> memref<32x1024xf32, #tpu.memory_space<hbm>>
    %dma_wait3A_2432 = arith.constant 0 : i32
    %dma_wait3A_2433 = tpu.memref_slice %arg6[%add3A_2425, %dma_wait3A_2432] : memref<12288x1024xf32, #tpu.memory_space<hbm>> -> memref<32x1024xf32, #tpu.memory_space<hbm>>
    tpu.wait_dma2 semaphore(%arg15 : memref<!tpu.dma_semaphore, #tpu.memory_space<semaphore_mem>>) src(%arg11 : memref<32x1024xf32, #tpu.memory_space<vmem>>) dst(%dma_wait3A_2433 : memref<32x1024xf32, #tpu.memory_space<hbm>>)
    %dma_start3A_2434 = arith.constant 1 : i32
    %dma_start3A_2435 = arith.constant 32 : i32
    %dma_start3A_2436 = tpu.memref_slice %arg9[%dma_start3A_2434, %dma_start3A_2435] : memref<3x128xi32, #tpu.memory_space<vmem>> -> memref<1x32xi32, #tpu.memory_space<vmem>>
    %dma_start3A_2437 = tpu.memref_squeeze %dma_start3A_2436 : memref<1x32xi32, #tpu.memory_space<vmem>> -> memref<32xi32, #tpu.memory_space<vmem>>
    %dma_start3A_2438 = arith.constant 0 : i32
    %dma_start3A_2439 = arith.constant 0 : i32
    %dma_start3A_2440 = tpu.memref_slice %arg4[%dma_start3A_2438, %dma_start3A_2439] : memref<49152x1024xf32, #tpu.memory_space<hbm>> -> memref<49152x1024xf32, #tpu.memory_space<hbm>>
    tpu.enqueue_indirect_dma source(%dma_start3A_2440 : memref<49152x1024xf32, #tpu.memory_space<hbm>>) target(%arg11 : memref<32x1024xf32, #tpu.memory_space<vmem>>) offsets(%dma_start3A_2437 : memref<32xi32, #tpu.memory_space<vmem>>) semaphore(%arg13 : memref<!tpu.dma_semaphore, #tpu.memory_space<semaphore_mem>>)
    %dma_wait3A_2441 = arith.constant 1 : i32
    %dma_wait3A_2442 = arith.constant 0 : i32
    %dma_wait3A_2443 = tpu.memref_slice %arg9[%dma_wait3A_2441, %dma_wait3A_2442] : memref<3x128xi32, #tpu.memory_space<vmem>> -> memref<1x32xi32, #tpu.memory_space<vmem>>
    %dma_wait3A_2444 = tpu.memref_squeeze %dma_wait3A_2443 : memref<1x32xi32, #tpu.memory_space<vmem>> -> memref<32xi32, #tpu.memory_space<vmem>>
    %dma_wait3A_2445 = arith.constant 0 : i32
    %dma_wait3A_2446 = arith.constant 0 : i32
    %dma_wait3A_2447 = tpu.memref_slice %arg4[%dma_wait3A_2445, %dma_wait3A_2446] : memref<49152x1024xf32, #tpu.memory_space<hbm>> -> memref<49152x1024xf32, #tpu.memory_space<hbm>>
    tpu.wait_indirect_dma semaphore(%arg12 : memref<!tpu.dma_semaphore, #tpu.memory_space<semaphore_mem>>) src(%dma_wait3A_2447 : memref<49152x1024xf32, #tpu.memory_space<hbm>>) dst(%arg10 : memref<32x1024xf32, #tpu.memory_space<vmem>>)
    %add3A_2448 = arith.constant 4096 : i32
    %add3A_2449 = arith.addi %multiple_of3A, %add3A_2448 : i32
    %dma_start3A_2450 = arith.constant 0 : i32
    %dma_start3A_2451 = tpu.memref_slice %arg6[%add3A_2449, %dma_start3A_2450] : memref<12288x1024xf32, #tpu.memory_space<hbm>> -> memref<32x1024xf32, #tpu.memory_space<hbm>>
    %dma_start3A_2452 = arith.constant 0 : i32
    %dma_start3A_2453 = tpu.memref_slice %arg6[%add3A_2449, %dma_start3A_2452] : memref<12288x1024xf32, #tpu.memory_space<hbm>> -> memref<32x1024xf32, #tpu.memory_space<hbm>>
    tpu.enqueue_dma source(%arg10 : memref<32x1024xf32, #tpu.memory_space<vmem>>) target(%dma_start3A_2453 : memref<32x1024xf32, #tpu.memory_space<hbm>>) target_semaphore(%arg14 : memref<!tpu.dma_semaphore, #tpu.memory_space<semaphore_mem>>)
    %dma_wait3A_2454 = arith.constant 0 : i32
    %dma_wait3A_2455 = tpu.memref_slice %arg6[%add3A_2449, %dma_wait3A_2454] : memref<12288x1024xf32, #tpu.memory_space<hbm>> -> memref<32x1024xf32, #tpu.memory_space<hbm>>
    %dma_wait3A_2456 = arith.constant 0 : i32
    %dma_wait3A_2457 = tpu.memref_slice %arg6[%add3A_2449, %dma_wait3A_2456] : memref<12288x1024xf32, #tpu.memory_space<hbm>> -> memref<32x1024xf32, #tpu.memory_space<hbm>>
    tpu.wait_dma2 semaphore(%arg14 : memref<!tpu.dma_semaphore, #tpu.memory_space<semaphore_mem>>) src(%arg10 : memref<32x1024xf32, #tpu.memory_space<vmem>>) dst(%dma_wait3A_2457 : memref<32x1024xf32, #tpu.memory_space<hbm>>)
    %dma_start3A_2458 = arith.constant 1 : i32
    %dma_start3A_2459 = arith.constant 64 : i32
    %dma_start3A_2460 = tpu.memref_slice %arg9[%dma_start3A_2458, %dma_start3A_2459] : memref<3x128xi32, #tpu.memory_space<vmem>> -> memref<1x32xi32, #tpu.memory_space<vmem>>
    %dma_start3A_2461 = tpu.memref_squeeze %dma_start3A_2460 : memref<1x32xi32, #tpu.memory_space<vmem>> -> memref<32xi32, #tpu.memory_space<vmem>>
    %dma_start3A_2462 = arith.constant 0 : i32
    %dma_start3A_2463 = arith.constant 0 : i32
    %dma_start3A_2464 = tpu.memref_slice %arg4[%dma_start3A_2462, %dma_start3A_2463] : memref<49152x1024xf32, #tpu.memory_space<hbm>> -> memref<49152x1024xf32, #tpu.memory_space<hbm>>
    tpu.enqueue_indirect_dma source(%dma_start3A_2464 : memref<49152x1024xf32, #tpu.memory_space<hbm>>) target(%arg10 : memref<32x1024xf32, #tpu.memory_space<vmem>>) offsets(%dma_start3A_2461 : memref<32xi32, #tpu.memory_space<vmem>>) semaphore(%arg12 : memref<!tpu.dma_semaphore, #tpu.memory_space<semaphore_mem>>)
    %dma_wait3A_2465 = arith.constant 1 : i32
    %dma_wait3A_2466 = arith.constant 32 : i32
    %dma_wait3A_2467 = tpu.memref_slice %arg9[%dma_wait3A_2465, %dma_wait3A_2466] : memref<3x128xi32, #tpu.memory_space<vmem>> -> memref<1x32xi32, #tpu.memory_space<vmem>>
    %dma_wait3A_2468 = tpu.memref_squeeze %dma_wait3A_2467 : memref<1x32xi32, #tpu.memory_space<vmem>> -> memref<32xi32, #tpu.memory_space<vmem>>
    %dma_wait3A_2469 = arith.constant 0 : i32
    %dma_wait3A_2470 = arith.constant 0 : i32
    %dma_wait3A_2471 = tpu.memref_slice %arg4[%dma_wait3A_2469, %dma_wait3A_2470] : memref<49152x1024xf32, #tpu.memory_space<hbm>> -> memref<49152x1024xf32, #tpu.memory_space<hbm>>
    tpu.wait_indirect_dma semaphore(%arg13 : memref<!tpu.dma_semaphore, #tpu.memory_space<semaphore_mem>>) src(%dma_wait3A_2471 : memref<49152x1024xf32, #tpu.memory_space<hbm>>) dst(%arg11 : memref<32x1024xf32, #tpu.memory_space<vmem>>)
    %add3A_2472 = arith.constant 4128 : i32
    %add3A_2473 = arith.addi %multiple_of3A, %add3A_2472 : i32
    %dma_start3A_2474 = arith.constant 0 : i32
    %dma_start3A_2475 = tpu.memref_slice %arg6[%add3A_2473, %dma_start3A_2474] : memref<12288x1024xf32, #tpu.memory_space<hbm>> -> memref<32x1024xf32, #tpu.memory_space<hbm>>
    %dma_start3A_2476 = arith.constant 0 : i32
    %dma_start3A_2477 = tpu.memref_slice %arg6[%add3A_2473, %dma_start3A_2476] : memref<12288x1024xf32, #tpu.memory_space<hbm>> -> memref<32x1024xf32, #tpu.memory_space<hbm>>
    tpu.enqueue_dma source(%arg11 : memref<32x1024xf32, #tpu.memory_space<vmem>>) target(%dma_start3A_2477 : memref<32x1024xf32, #tpu.memory_space<hbm>>) target_semaphore(%arg15 : memref<!tpu.dma_semaphore, #tpu.memory_space<semaphore_mem>>)
    %dma_wait3A_2478 = arith.constant 0 : i32
    %dma_wait3A_2479 = tpu.memref_slice %arg6[%add3A_2473, %dma_wait3A_2478] : memref<12288x1024xf32, #tpu.memory_space<hbm>> -> memref<32x1024xf32, #tpu.memory_space<hbm>>
    %dma_wait3A_2480 = arith.constant 0 : i32
    %dma_wait3A_2481 = tpu.memref_slice %arg6[%add3A_2473, %dma_wait3A_2480] : memref<12288x1024xf32, #tpu.memory_space<hbm>> -> memref<32x1024xf32, #tpu.memory_space<hbm>>
    tpu.wait_dma2 semaphore(%arg15 : memref<!tpu.dma_semaphore, #tpu.memory_space<semaphore_mem>>) src(%arg11 : memref<32x1024xf32, #tpu.memory_space<vmem>>) dst(%dma_wait3A_2481 : memref<32x1024xf32, #tpu.memory_space<hbm>>)
    %dma_start3A_2482 = arith.constant 1 : i32
    %dma_start3A_2483 = arith.constant 96 : i32
    %dma_start3A_2484 = tpu.memref_slice %arg9[%dma_start3A_2482, %dma_start3A_2483] : memref<3x128xi32, #tpu.memory_space<vmem>> -> memref<1x32xi32, #tpu.memory_space<vmem>>
    %dma_start3A_2485 = tpu.memref_squeeze %dma_start3A_2484 : memref<1x32xi32, #tpu.memory_space<vmem>> -> memref<32xi32, #tpu.memory_space<vmem>>
    %dma_start3A_2486 = arith.constant 0 : i32
    %dma_start3A_2487 = arith.constant 0 : i32
    %dma_start3A_2488 = tpu.memref_slice %arg4[%dma_start3A_2486, %dma_start3A_2487] : memref<49152x1024xf32, #tpu.memory_space<hbm>> -> memref<49152x1024xf32, #tpu.memory_space<hbm>>
    tpu.enqueue_indirect_dma source(%dma_start3A_2488 : memref<49152x1024xf32, #tpu.memory_space<hbm>>) target(%arg11 : memref<32x1024xf32, #tpu.memory_space<vmem>>) offsets(%dma_start3A_2485 : memref<32xi32, #tpu.memory_space<vmem>>) semaphore(%arg13 : memref<!tpu.dma_semaphore, #tpu.memory_space<semaphore_mem>>)
    %dma_wait3A_2489 = arith.constant 1 : i32
    %dma_wait3A_2490 = arith.constant 64 : i32
    %dma_wait3A_2491 = tpu.memref_slice %arg9[%dma_wait3A_2489, %dma_wait3A_2490] : memref<3x128xi32, #tpu.memory_space<vmem>> -> memref<1x32xi32, #tpu.memory_space<vmem>>
    %dma_wait3A_2492 = tpu.memref_squeeze %dma_wait3A_2491 : memref<1x32xi32, #tpu.memory_space<vmem>> -> memref<32xi32, #tpu.memory_space<vmem>>
    %dma_wait3A_2493 = arith.constant 0 : i32
    %dma_wait3A_2494 = arith.constant 0 : i32
    %dma_wait3A_2495 = tpu.memref_slice %arg4[%dma_wait3A_2493, %dma_wait3A_2494] : memref<49152x1024xf32, #tpu.memory_space<hbm>> -> memref<49152x1024xf32, #tpu.memory_space<hbm>>
    tpu.wait_indirect_dma semaphore(%arg12 : memref<!tpu.dma_semaphore, #tpu.memory_space<semaphore_mem>>) src(%dma_wait3A_2495 : memref<49152x1024xf32, #tpu.memory_space<hbm>>) dst(%arg10 : memref<32x1024xf32, #tpu.memory_space<vmem>>)
    %add3A_2496 = arith.constant 4160 : i32
    %add3A_2497 = arith.addi %multiple_of3A, %add3A_2496 : i32
    %dma_start3A_2498 = arith.constant 0 : i32
    %dma_start3A_2499 = tpu.memref_slice %arg6[%add3A_2497, %dma_start3A_2498] : memref<12288x1024xf32, #tpu.memory_space<hbm>> -> memref<32x1024xf32, #tpu.memory_space<hbm>>
    %dma_start3A_2500 = arith.constant 0 : i32
    %dma_start3A_2501 = tpu.memref_slice %arg6[%add3A_2497, %dma_start3A_2500] : memref<12288x1024xf32, #tpu.memory_space<hbm>> -> memref<32x1024xf32, #tpu.memory_space<hbm>>
    tpu.enqueue_dma source(%arg10 : memref<32x1024xf32, #tpu.memory_space<vmem>>) target(%dma_start3A_2501 : memref<32x1024xf32, #tpu.memory_space<hbm>>) target_semaphore(%arg14 : memref<!tpu.dma_semaphore, #tpu.memory_space<semaphore_mem>>)
    %dma_wait3A_2502 = arith.constant 0 : i32
    %dma_wait3A_2503 = tpu.memref_slice %arg6[%add3A_2497, %dma_wait3A_2502] : memref<12288x1024xf32, #tpu.memory_space<hbm>> -> memref<32x1024xf32, #tpu.memory_space<hbm>>
    %dma_wait3A_2504 = arith.constant 0 : i32
    %dma_wait3A_2505 = tpu.memref_slice %arg6[%add3A_2497, %dma_wait3A_2504] : memref<12288x1024xf32, #tpu.memory_space<hbm>> -> memref<32x1024xf32, #tpu.memory_space<hbm>>
    tpu.wait_dma2 semaphore(%arg14 : memref<!tpu.dma_semaphore, #tpu.memory_space<semaphore_mem>>) src(%arg10 : memref<32x1024xf32, #tpu.memory_space<vmem>>) dst(%dma_wait3A_2505 : memref<32x1024xf32, #tpu.memory_space<hbm>>)
    %dma_start3A_2506 = arith.constant 2 : i32
    %dma_start3A_2507 = arith.constant 0 : i32
    %dma_start3A_2508 = tpu.memref_slice %arg9[%dma_start3A_2506, %dma_start3A_2507] : memref<3x128xi32, #tpu.memory_space<vmem>> -> memref<1x32xi32, #tpu.memory_space<vmem>>
    %dma_start3A_2509 = tpu.memref_squeeze %dma_start3A_2508 : memref<1x32xi32, #tpu.memory_space<vmem>> -> memref<32xi32, #tpu.memory_space<vmem>>
    %dma_start3A_2510 = arith.constant 0 : i32
    %dma_start3A_2511 = arith.constant 0 : i32
    %dma_start3A_2512 = tpu.memref_slice %arg4[%dma_start3A_2510, %dma_start3A_2511] : memref<49152x1024xf32, #tpu.memory_space<hbm>> -> memref<49152x1024xf32, #tpu.memory_space<hbm>>
    tpu.enqueue_indirect_dma source(%dma_start3A_2512 : memref<49152x1024xf32, #tpu.memory_space<hbm>>) target(%arg10 : memref<32x1024xf32, #tpu.memory_space<vmem>>) offsets(%dma_start3A_2509 : memref<32xi32, #tpu.memory_space<vmem>>) semaphore(%arg12 : memref<!tpu.dma_semaphore, #tpu.memory_space<semaphore_mem>>)
    %dma_wait3A_2513 = arith.constant 1 : i32
    %dma_wait3A_2514 = arith.constant 96 : i32
    %dma_wait3A_2515 = tpu.memref_slice %arg9[%dma_wait3A_2513, %dma_wait3A_2514] : memref<3x128xi32, #tpu.memory_space<vmem>> -> memref<1x32xi32, #tpu.memory_space<vmem>>
    %dma_wait3A_2516 = tpu.memref_squeeze %dma_wait3A_2515 : memref<1x32xi32, #tpu.memory_space<vmem>> -> memref<32xi32, #tpu.memory_space<vmem>>
    %dma_wait3A_2517 = arith.constant 0 : i32
    %dma_wait3A_2518 = arith.constant 0 : i32
    %dma_wait3A_2519 = tpu.memref_slice %arg4[%dma_wait3A_2517, %dma_wait3A_2518] : memref<49152x1024xf32, #tpu.memory_space<hbm>> -> memref<49152x1024xf32, #tpu.memory_space<hbm>>
    tpu.wait_indirect_dma semaphore(%arg13 : memref<!tpu.dma_semaphore, #tpu.memory_space<semaphore_mem>>) src(%dma_wait3A_2519 : memref<49152x1024xf32, #tpu.memory_space<hbm>>) dst(%arg11 : memref<32x1024xf32, #tpu.memory_space<vmem>>)
    %add3A_2520 = arith.constant 4192 : i32
    %add3A_2521 = arith.addi %multiple_of3A, %add3A_2520 : i32
    %dma_start3A_2522 = arith.constant 0 : i32
    %dma_start3A_2523 = tpu.memref_slice %arg6[%add3A_2521, %dma_start3A_2522] : memref<12288x1024xf32, #tpu.memory_space<hbm>> -> memref<32x1024xf32, #tpu.memory_space<hbm>>
    %dma_start3A_2524 = arith.constant 0 : i32
    %dma_start3A_2525 = tpu.memref_slice %arg6[%add3A_2521, %dma_start3A_2524] : memref<12288x1024xf32, #tpu.memory_space<hbm>> -> memref<32x1024xf32, #tpu.memory_space<hbm>>
    tpu.enqueue_dma source(%arg11 : memref<32x1024xf32, #tpu.memory_space<vmem>>) target(%dma_start3A_2525 : memref<32x1024xf32, #tpu.memory_space<hbm>>) target_semaphore(%arg15 : memref<!tpu.dma_semaphore, #tpu.memory_space<semaphore_mem>>)
    %dma_wait3A_2526 = arith.constant 0 : i32
    %dma_wait3A_2527 = tpu.memref_slice %arg6[%add3A_2521, %dma_wait3A_2526] : memref<12288x1024xf32, #tpu.memory_space<hbm>> -> memref<32x1024xf32, #tpu.memory_space<hbm>>
    %dma_wait3A_2528 = arith.constant 0 : i32
    %dma_wait3A_2529 = tpu.memref_slice %arg6[%add3A_2521, %dma_wait3A_2528] : memref<12288x1024xf32, #tpu.memory_space<hbm>> -> memref<32x1024xf32, #tpu.memory_space<hbm>>
    tpu.wait_dma2 semaphore(%arg15 : memref<!tpu.dma_semaphore, #tpu.memory_space<semaphore_mem>>) src(%arg11 : memref<32x1024xf32, #tpu.memory_space<vmem>>) dst(%dma_wait3A_2529 : memref<32x1024xf32, #tpu.memory_space<hbm>>)
    %dma_start3A_2530 = arith.constant 2 : i32
    %dma_start3A_2531 = arith.constant 32 : i32
    %dma_start3A_2532 = tpu.memref_slice %arg9[%dma_start3A_2530, %dma_start3A_2531] : memref<3x128xi32, #tpu.memory_space<vmem>> -> memref<1x32xi32, #tpu.memory_space<vmem>>
    %dma_start3A_2533 = tpu.memref_squeeze %dma_start3A_2532 : memref<1x32xi32, #tpu.memory_space<vmem>> -> memref<32xi32, #tpu.memory_space<vmem>>
    %dma_start3A_2534 = arith.constant 0 : i32
    %dma_start3A_2535 = arith.constant 0 : i32
    %dma_start3A_2536 = tpu.memref_slice %arg4[%dma_start3A_2534, %dma_start3A_2535] : memref<49152x1024xf32, #tpu.memory_space<hbm>> -> memref<49152x1024xf32, #tpu.memory_space<hbm>>
    tpu.enqueue_indirect_dma source(%dma_start3A_2536 : memref<49152x1024xf32, #tpu.memory_space<hbm>>) target(%arg11 : memref<32x1024xf32, #tpu.memory_space<vmem>>) offsets(%dma_start3A_2533 : memref<32xi32, #tpu.memory_space<vmem>>) semaphore(%arg13 : memref<!tpu.dma_semaphore, #tpu.memory_space<semaphore_mem>>)
    %dma_wait3A_2537 = arith.constant 2 : i32
    %dma_wait3A_2538 = arith.constant 0 : i32
    %dma_wait3A_2539 = tpu.memref_slice %arg9[%dma_wait3A_2537, %dma_wait3A_2538] : memref<3x128xi32, #tpu.memory_space<vmem>> -> memref<1x32xi32, #tpu.memory_space<vmem>>
    %dma_wait3A_2540 = tpu.memref_squeeze %dma_wait3A_2539 : memref<1x32xi32, #tpu.memory_space<vmem>> -> memref<32xi32, #tpu.memory_space<vmem>>
    %dma_wait3A_2541 = arith.constant 0 : i32
    %dma_wait3A_2542 = arith.constant 0 : i32
    %dma_wait3A_2543 = tpu.memref_slice %arg4[%dma_wait3A_2541, %dma_wait3A_2542] : memref<49152x1024xf32, #tpu.memory_space<hbm>> -> memref<49152x1024xf32, #tpu.memory_space<hbm>>
    tpu.wait_indirect_dma semaphore(%arg12 : memref<!tpu.dma_semaphore, #tpu.memory_space<semaphore_mem>>) src(%dma_wait3A_2543 : memref<49152x1024xf32, #tpu.memory_space<hbm>>) dst(%arg10 : memref<32x1024xf32, #tpu.memory_space<vmem>>)
    %add3A_2544 = arith.constant 8192 : i32
    %add3A_2545 = arith.addi %multiple_of3A, %add3A_2544 : i32
    %dma_start3A_2546 = arith.constant 0 : i32
    %dma_start3A_2547 = tpu.memref_slice %arg6[%add3A_2545, %dma_start3A_2546] : memref<12288x1024xf32, #tpu.memory_space<hbm>> -> memref<32x1024xf32, #tpu.memory_space<hbm>>
    %dma_start3A_2548 = arith.constant 0 : i32
    %dma_start3A_2549 = tpu.memref_slice %arg6[%add3A_2545, %dma_start3A_2548] : memref<12288x1024xf32, #tpu.memory_space<hbm>> -> memref<32x1024xf32, #tpu.memory_space<hbm>>
    tpu.enqueue_dma source(%arg10 : memref<32x1024xf32, #tpu.memory_space<vmem>>) target(%dma_start3A_2549 : memref<32x1024xf32, #tpu.memory_space<hbm>>) target_semaphore(%arg14 : memref<!tpu.dma_semaphore, #tpu.memory_space<semaphore_mem>>)
    %dma_wait3A_2550 = arith.constant 0 : i32
    %dma_wait3A_2551 = tpu.memref_slice %arg6[%add3A_2545, %dma_wait3A_2550] : memref<12288x1024xf32, #tpu.memory_space<hbm>> -> memref<32x1024xf32, #tpu.memory_space<hbm>>
    %dma_wait3A_2552 = arith.constant 0 : i32
    %dma_wait3A_2553 = tpu.memref_slice %arg6[%add3A_2545, %dma_wait3A_2552] : memref<12288x1024xf32, #tpu.memory_space<hbm>> -> memref<32x1024xf32, #tpu.memory_space<hbm>>
    tpu.wait_dma2 semaphore(%arg14 : memref<!tpu.dma_semaphore, #tpu.memory_space<semaphore_mem>>) src(%arg10 : memref<32x1024xf32, #tpu.memory_space<vmem>>) dst(%dma_wait3A_2553 : memref<32x1024xf32, #tpu.memory_space<hbm>>)
    %dma_start3A_2554 = arith.constant 2 : i32
    %dma_start3A_2555 = arith.constant 64 : i32
    %dma_start3A_2556 = tpu.memref_slice %arg9[%dma_start3A_2554, %dma_start3A_2555] : memref<3x128xi32, #tpu.memory_space<vmem>> -> memref<1x32xi32, #tpu.memory_space<vmem>>
    %dma_start3A_2557 = tpu.memref_squeeze %dma_start3A_2556 : memref<1x32xi32, #tpu.memory_space<vmem>> -> memref<32xi32, #tpu.memory_space<vmem>>
    %dma_start3A_2558 = arith.constant 0 : i32
    %dma_start3A_2559 = arith.constant 0 : i32
    %dma_start3A_2560 = tpu.memref_slice %arg4[%dma_start3A_2558, %dma_start3A_2559] : memref<49152x1024xf32, #tpu.memory_space<hbm>> -> memref<49152x1024xf32, #tpu.memory_space<hbm>>
    tpu.enqueue_indirect_dma source(%dma_start3A_2560 : memref<49152x1024xf32, #tpu.memory_space<hbm>>) target(%arg10 : memref<32x1024xf32, #tpu.memory_space<vmem>>) offsets(%dma_start3A_2557 : memref<32xi32, #tpu.memory_space<vmem>>) semaphore(%arg12 : memref<!tpu.dma_semaphore, #tpu.memory_space<semaphore_mem>>)
    %dma_wait3A_2561 = arith.constant 2 : i32
    %dma_wait3A_2562 = arith.constant 32 : i32
    %dma_wait3A_2563 = tpu.memref_slice %arg9[%dma_wait3A_2561, %dma_wait3A_2562] : memref<3x128xi32, #tpu.memory_space<vmem>> -> memref<1x32xi32, #tpu.memory_space<vmem>>
    %dma_wait3A_2564 = tpu.memref_squeeze %dma_wait3A_2563 : memref<1x32xi32, #tpu.memory_space<vmem>> -> memref<32xi32, #tpu.memory_space<vmem>>
    %dma_wait3A_2565 = arith.constant 0 : i32
    %dma_wait3A_2566 = arith.constant 0 : i32
    %dma_wait3A_2567 = tpu.memref_slice %arg4[%dma_wait3A_2565, %dma_wait3A_2566] : memref<49152x1024xf32, #tpu.memory_space<hbm>> -> memref<49152x1024xf32, #tpu.memory_space<hbm>>
    tpu.wait_indirect_dma semaphore(%arg13 : memref<!tpu.dma_semaphore, #tpu.memory_space<semaphore_mem>>) src(%dma_wait3A_2567 : memref<49152x1024xf32, #tpu.memory_space<hbm>>) dst(%arg11 : memref<32x1024xf32, #tpu.memory_space<vmem>>)
    %add3A_2568 = arith.constant 8224 : i32
    %add3A_2569 = arith.addi %multiple_of3A, %add3A_2568 : i32
    %dma_start3A_2570 = arith.constant 0 : i32
    %dma_start3A_2571 = tpu.memref_slice %arg6[%add3A_2569, %dma_start3A_2570] : memref<12288x1024xf32, #tpu.memory_space<hbm>> -> memref<32x1024xf32, #tpu.memory_space<hbm>>
    %dma_start3A_2572 = arith.constant 0 : i32
    %dma_start3A_2573 = tpu.memref_slice %arg6[%add3A_2569, %dma_start3A_2572] : memref<12288x1024xf32, #tpu.memory_space<hbm>> -> memref<32x1024xf32, #tpu.memory_space<hbm>>
    tpu.enqueue_dma source(%arg11 : memref<32x1024xf32, #tpu.memory_space<vmem>>) target(%dma_start3A_2573 : memref<32x1024xf32, #tpu.memory_space<hbm>>) target_semaphore(%arg15 : memref<!tpu.dma_semaphore, #tpu.memory_space<semaphore_mem>>)
    %dma_wait3A_2574 = arith.constant 0 : i32
    %dma_wait3A_2575 = tpu.memref_slice %arg6[%add3A_2569, %dma_wait3A_2574] : memref<12288x1024xf32, #tpu.memory_space<hbm>> -> memref<32x1024xf32, #tpu.memory_space<hbm>>
    %dma_wait3A_2576 = arith.constant 0 : i32
    %dma_wait3A_2577 = tpu.memref_slice %arg6[%add3A_2569, %dma_wait3A_2576] : memref<12288x1024xf32, #tpu.memory_space<hbm>> -> memref<32x1024xf32, #tpu.memory_space<hbm>>
    tpu.wait_dma2 semaphore(%arg15 : memref<!tpu.dma_semaphore, #tpu.memory_space<semaphore_mem>>) src(%arg11 : memref<32x1024xf32, #tpu.memory_space<vmem>>) dst(%dma_wait3A_2577 : memref<32x1024xf32, #tpu.memory_space<hbm>>)
    %dma_start3A_2578 = arith.constant 2 : i32
    %dma_start3A_2579 = arith.constant 96 : i32
    %dma_start3A_2580 = tpu.memref_slice %arg9[%dma_start3A_2578, %dma_start3A_2579] : memref<3x128xi32, #tpu.memory_space<vmem>> -> memref<1x32xi32, #tpu.memory_space<vmem>>
    %dma_start3A_2581 = tpu.memref_squeeze %dma_start3A_2580 : memref<1x32xi32, #tpu.memory_space<vmem>> -> memref<32xi32, #tpu.memory_space<vmem>>
    %dma_start3A_2582 = arith.constant 0 : i32
    %dma_start3A_2583 = arith.constant 0 : i32
    %dma_start3A_2584 = tpu.memref_slice %arg4[%dma_start3A_2582, %dma_start3A_2583] : memref<49152x1024xf32, #tpu.memory_space<hbm>> -> memref<49152x1024xf32, #tpu.memory_space<hbm>>
    tpu.enqueue_indirect_dma source(%dma_start3A_2584 : memref<49152x1024xf32, #tpu.memory_space<hbm>>) target(%arg11 : memref<32x1024xf32, #tpu.memory_space<vmem>>) offsets(%dma_start3A_2581 : memref<32xi32, #tpu.memory_space<vmem>>) semaphore(%arg13 : memref<!tpu.dma_semaphore, #tpu.memory_space<semaphore_mem>>)
    %dma_wait3A_2585 = arith.constant 2 : i32
    %dma_wait3A_2586 = arith.constant 64 : i32
    %dma_wait3A_2587 = tpu.memref_slice %arg9[%dma_wait3A_2585, %dma_wait3A_2586] : memref<3x128xi32, #tpu.memory_space<vmem>> -> memref<1x32xi32, #tpu.memory_space<vmem>>
    %dma_wait3A_2588 = tpu.memref_squeeze %dma_wait3A_2587 : memref<1x32xi32, #tpu.memory_space<vmem>> -> memref<32xi32, #tpu.memory_space<vmem>>
    %dma_wait3A_2589 = arith.constant 0 : i32
    %dma_wait3A_2590 = arith.constant 0 : i32
    %dma_wait3A_2591 = tpu.memref_slice %arg4[%dma_wait3A_2589, %dma_wait3A_2590] : memref<49152x1024xf32, #tpu.memory_space<hbm>> -> memref<49152x1024xf32, #tpu.memory_space<hbm>>
    tpu.wait_indirect_dma semaphore(%arg12 : memref<!tpu.dma_semaphore, #tpu.memory_space<semaphore_mem>>) src(%dma_wait3A_2591 : memref<49152x1024xf32, #tpu.memory_space<hbm>>) dst(%arg10 : memref<32x1024xf32, #tpu.memory_space<vmem>>)
    %add3A_2592 = arith.constant 8256 : i32
    %add3A_2593 = arith.addi %multiple_of3A, %add3A_2592 : i32
    %dma_start3A_2594 = arith.constant 0 : i32
    %dma_start3A_2595 = tpu.memref_slice %arg6[%add3A_2593, %dma_start3A_2594] : memref<12288x1024xf32, #tpu.memory_space<hbm>> -> memref<32x1024xf32, #tpu.memory_space<hbm>>
    %dma_start3A_2596 = arith.constant 0 : i32
    %dma_start3A_2597 = tpu.memref_slice %arg6[%add3A_2593, %dma_start3A_2596] : memref<12288x1024xf32, #tpu.memory_space<hbm>> -> memref<32x1024xf32, #tpu.memory_space<hbm>>
    tpu.enqueue_dma source(%arg10 : memref<32x1024xf32, #tpu.memory_space<vmem>>) target(%dma_start3A_2597 : memref<32x1024xf32, #tpu.memory_space<hbm>>) target_semaphore(%arg14 : memref<!tpu.dma_semaphore, #tpu.memory_space<semaphore_mem>>)
    %dma_wait3A_2598 = arith.constant 2 : i32
    %dma_wait3A_2599 = arith.constant 96 : i32
    %dma_wait3A_2600 = tpu.memref_slice %arg9[%dma_wait3A_2598, %dma_wait3A_2599] : memref<3x128xi32, #tpu.memory_space<vmem>> -> memref<1x32xi32, #tpu.memory_space<vmem>>
    %dma_wait3A_2601 = tpu.memref_squeeze %dma_wait3A_2600 : memref<1x32xi32, #tpu.memory_space<vmem>> -> memref<32xi32, #tpu.memory_space<vmem>>
    %dma_wait3A_2602 = arith.constant 0 : i32
    %dma_wait3A_2603 = arith.constant 0 : i32
    %dma_wait3A_2604 = tpu.memref_slice %arg4[%dma_wait3A_2602, %dma_wait3A_2603] : memref<49152x1024xf32, #tpu.memory_space<hbm>> -> memref<49152x1024xf32, #tpu.memory_space<hbm>>
    tpu.wait_indirect_dma semaphore(%arg13 : memref<!tpu.dma_semaphore, #tpu.memory_space<semaphore_mem>>) src(%dma_wait3A_2604 : memref<49152x1024xf32, #tpu.memory_space<hbm>>) dst(%arg11 : memref<32x1024xf32, #tpu.memory_space<vmem>>)
    %add3A_2605 = arith.constant 8288 : i32
    %add3A_2606 = arith.addi %multiple_of3A, %add3A_2605 : i32
    "tpu.region"() ({
      %run_scoped3A = tpu.sem_alloc : memref<!tpu.dma_semaphore, #tpu.memory_space<semaphore_mem>>
      %dma_start3A_2611 = arith.constant 0 : i32
      %dma_start3A_2612 = tpu.memref_slice %arg6[%add3A_2606, %dma_start3A_2611] : memref<12288x1024xf32, #tpu.memory_space<hbm>> -> memref<32x1024xf32, #tpu.memory_space<hbm>>
      %dma_start3A_2613 = arith.constant 0 : i32
      %dma_start3A_2614 = tpu.memref_slice %arg6[%add3A_2606, %dma_start3A_2613] : memref<12288x1024xf32, #tpu.memory_space<hbm>> -> memref<32x1024xf32, #tpu.memory_space<hbm>>
      tpu.enqueue_dma source(%arg11 : memref<32x1024xf32, #tpu.memory_space<vmem>>) target(%dma_start3A_2614 : memref<32x1024xf32, #tpu.memory_space<hbm>>) target_semaphore(%run_scoped3A : memref<!tpu.dma_semaphore, #tpu.memory_space<semaphore_mem>>)
      %dma_wait3A_2615 = arith.constant 0 : i32
      %dma_wait3A_2616 = tpu.memref_slice %arg6[%add3A_2606, %dma_wait3A_2615] : memref<12288x1024xf32, #tpu.memory_space<hbm>> -> memref<32x1024xf32, #tpu.memory_space<hbm>>
      %dma_wait3A_2617 = arith.constant 0 : i32
      %dma_wait3A_2618 = tpu.memref_slice %arg6[%add3A_2606, %dma_wait3A_2617] : memref<12288x1024xf32, #tpu.memory_space<hbm>> -> memref<32x1024xf32, #tpu.memory_space<hbm>>
      tpu.wait_dma2 semaphore(%run_scoped3A : memref<!tpu.dma_semaphore, #tpu.memory_space<semaphore_mem>>) src(%arg11 : memref<32x1024xf32, #tpu.memory_space<vmem>>) dst(%dma_wait3A_2618 : memref<32x1024xf32, #tpu.memory_space<hbm>>)
      tpu.yield
    }) : () -> ()
    %dma_wait3A_2607 = arith.constant 0 : i32
    %dma_wait3A_2608 = tpu.memref_slice %arg6[%add3A_2593, %dma_wait3A_2607] : memref<12288x1024xf32, #tpu.memory_space<hbm>> -> memref<32x1024xf32, #tpu.memory_space<hbm>>
    %dma_wait3A_2609 = arith.constant 0 : i32
    %dma_wait3A_2610 = tpu.memref_slice %arg6[%add3A_2593, %dma_wait3A_2609] : memref<12288x1024xf32, #tpu.memory_space<hbm>> -> memref<32x1024xf32, #tpu.memory_space<hbm>>
    tpu.wait_dma2 semaphore(%arg14 : memref<!tpu.dma_semaphore, #tpu.memory_space<semaphore_mem>>) src(%arg10 : memref<32x1024xf32, #tpu.memory_space<vmem>>) dst(%dma_wait3A_2610 : memref<32x1024xf32, #tpu.memory_space<hbm>>)
    return
  }
}

module attributes {stable_mosaic.version = 14 : i64} {
  func.func @_score_body(%arg0: i32, %arg1: memref<2048x1024xf32, #tpu.memory_space<vmem>>, %arg2: memref<1024x1024xf32, #tpu.memory_space<vmem>>, %arg3: memref<1024x1xf32, #tpu.memory_space<vmem>>, %arg4: memref<1x1024xf32, #tpu.memory_space<vmem>>) attributes {dimension_semantics = [#tpu.dimension_semantics<arbitrary>], iteration_bounds = array<i64: 16>, scalar_prefetch = 0 : i64, scratch_operands = 1 : i64, tpu.core_type = #tpu.core_type<tc>, window_params = [{pipeline_mode = #tpu.pipeline_mode<synchronous>, transform_indices = @transform_0, window_bounds = array<i64: 2048, 1024>}, {transform_indices = @transform_1, window_bounds = array<i64: 1024, 1024>}, {transform_indices = @transform_2, window_bounds = array<i64: 1024, 1>}]} {
    %eq3A = arith.constant 0 : i32
    %eq3A_0 = arith.cmpi eq, %arg0, %eq3A : i32
    %convert_element_type3A = arith.extui %eq3A_0 : i1 to i32
    %cond3A = arith.constant 0 : i32
    %cond3A_1 = arith.cmpi ne, %convert_element_type3A, %cond3A : i32
    scf.if %cond3A_1 {
      %get3A_18 = arith.constant 0 : index
      %get3A_19 = arith.constant 0 : index
      %get3A_20 = vector.load %arg1[%get3A_18, %get3A_19] : memref<2048x1024xf32, #tpu.memory_space<vmem>>, vector<2048x1024xf32>
      %reduce_sum3A_21 = arith.constant dense<0.000000e+00> : vector<1024xf32>
      %reduce_sum3A_22 = vector.multi_reduction <add>, %get3A_20, %reduce_sum3A_21 [0] : vector<2048x1024xf32> to vector<1024xf32>
      %broadcast_in_dim3A_23 = vector.shape_cast %reduce_sum3A_22 : vector<1024xf32> to vector<1x1024xf32>
      %div3A_24 = arith.constant 2.048000e+03 : f32
      %div3A_25 = vector.broadcast %div3A_24 : f32 to vector<1x1024xf32>
      %div3A_26 = arith.divf %broadcast_in_dim3A_23, %div3A_25 : vector<1x1024xf32>
      %mul3A_27 = arith.mulf %div3A_26, %div3A_26 : vector<1x1024xf32>
      %reduce_sum3A_28 = vector.shape_cast %mul3A_27 : vector<1x1024xf32> to vector<1x1x1024xf32>
      %reduce_sum3A_29 = arith.constant dense<0.000000e+00> : vector<1xf32>
      %reduce_sum3A_30 = vector.multi_reduction <add>, %reduce_sum3A_28, %reduce_sum3A_29 [1, 2] : vector<1x1x1024xf32> to vector<1xf32>
      %reduce_sum3A_31 = vector.shape_cast %reduce_sum3A_30 : vector<1xf32> to vector<1x1x1xf32>
      %reduce_sum3A_32 = vector.extract %reduce_sum3A_31[0, 0, 0] : f32 from vector<1x1x1xf32>
      %sqrt3A_33 = math.sqrt %reduce_sum3A_32 : f32
      %add3A_34 = arith.constant 9.99999997E-7 : f32
      %add3A_35 = arith.addf %sqrt3A_33, %add3A_34 : f32
      %div3A_36 = vector.broadcast %add3A_35 : f32 to vector<1x1024xf32>
      %div3A_37 = arith.divf %div3A_26, %div3A_36 : vector<1x1024xf32>
      %swap3A_38 = arith.constant 0 : index
      %swap3A_39 = arith.constant 0 : index
      %swap3A_40 = vector.load %arg4[%swap3A_38, %swap3A_39] : memref<1x1024xf32, #tpu.memory_space<vmem>>, vector<1x1024xf32>
      tpu.vector_store %arg4[%swap3A_38, %swap3A_39], %div3A_37 {strides = array<i32>} : memref<1x1024xf32, #tpu.memory_space<vmem>>, vector<1x1024xf32>,
    } else {
    }
    %get3A = arith.constant 0 : index
    %get3A_2 = arith.constant 0 : index
    %get3A_3 = vector.load %arg2[%get3A, %get3A_2] : memref<1024x1024xf32, #tpu.memory_space<vmem>>, vector<1024x1024xf32>
    %mul3A = arith.mulf %get3A_3, %get3A_3 : vector<1024x1024xf32>
    %reduce_sum3A = arith.constant dense<0.000000e+00> : vector<1024xf32>
    %reduce_sum3A_4 = vector.multi_reduction <add>, %mul3A, %reduce_sum3A [1] : vector<1024x1024xf32> to vector<1024xf32>
    %broadcast_in_dim3A = vector.shape_cast %reduce_sum3A_4 : vector<1024xf32> to vector<1024x1xf32>
    %sqrt3A = math.sqrt %broadcast_in_dim3A : vector<1024x1xf32>
    %add3A = arith.constant 9.99999997E-7 : f32
    %add3A_5 = vector.broadcast %add3A : f32 to vector<1024x1xf32>
    %add3A_6 = arith.addf %sqrt3A, %add3A_5 : vector<1024x1xf32>
    %div3A = vector.broadcast %add3A_6 : vector<1024x1xf32> to vector<1024x1024xf32>
    %div3A_7 = arith.divf %get3A_3, %div3A : vector<1024x1024xf32>
    %convert_element_type3A_8 = arith.truncf %div3A_7 : vector<1024x1024xf32> to vector<1024x1024xbf16>
    %convert_element_type3A_9 = arith.extf %convert_element_type3A_8 : vector<1024x1024xbf16> to vector<1024x1024xf32>
    %get3A_10 = arith.constant 0 : index
    %get3A_11 = arith.constant 0 : index
    %get3A_12 = vector.load %arg4[%get3A_10, %get3A_11] : memref<1x1024xf32, #tpu.memory_space<vmem>>, vector<1x1024xf32>
    %convert_element_type3A_13 = arith.truncf %get3A_12 : vector<1x1024xf32> to vector<1x1024xbf16>
    %convert_element_type3A_14 = arith.extf %convert_element_type3A_13 : vector<1x1024xbf16> to vector<1x1024xf32>
    %dot_general3A = arith.constant dense<0.000000e+00> : vector<1024x1xf32>
    %dot_general3A_15 = tpu.matmul %convert_element_type3A_9, %convert_element_type3A_14, %dot_general3A {dimension_numbers = #tpu.dot_dimension_numbers<[1], [1], [0], [0], [0, 0, 1, 0], [], []>, transpose_lhs_hint = false} : vector<1024x1024xf32>, vector<1x1024xf32>, vector<1024x1xf32> -> vector<1024x1xf32>
    %swap3A = arith.constant 0 : index
    %swap3A_16 = arith.constant 0 : index
    %swap3A_17 = vector.load %arg3[%swap3A, %swap3A_16] : memref<1024x1xf32, #tpu.memory_space<vmem>>, vector<1024x1xf32>
    tpu.vector_store %arg3[%swap3A, %swap3A_16], %dot_general3A_15 {strides = array<i32>} : memref<1024x1xf32, #tpu.memory_space<vmem>>, vector<1024x1xf32>,
    return
  }
  func.func @transform_0(%arg0: i32) -> (i32, i32) {
    %c0_i32 = arith.constant 0 : i32
    %c0_i32_0 = arith.constant 0 : i32
    %c0_i32_1 = arith.constant 0 : i32
    return %c0_i32, %c0_i32_0 : i32, i32
  }
  func.func @transform_1(%arg0: i32) -> (i32, i32) {
    %c0_i32 = arith.constant 0 : i32
    %c0_i32_0 = arith.constant 0 : i32
    return %arg0, %c0_i32 : i32, i32
  }
  func.func @transform_2(%arg0: i32) -> (i32, i32) {
    %c0_i32 = arith.constant 0 : i32
    %c0_i32_0 = arith.constant 0 : i32
    return %arg0, %c0_i32 : i32, i32
  }
}

module attributes {stable_mosaic.version = 14 : i64} {
  func.func @_thresh_body(%arg0: memref<128x128xf32, #tpu.memory_space<vmem>>, %arg1: memref<128x128xi32, #tpu.memory_space<vmem>>, %arg2: memref<16384x128xi32, #tpu.memory_space<vmem>>) attributes {dimension_semantics = [], scalar_prefetch = 0 : i64, scratch_operands = 0 : i64, tpu.core_type = #tpu.core_type<tc>} {
    %get3A = arith.constant 0 : index
    %get3A_0 = arith.constant 0 : index
    %get3A_1 = vector.load %arg0[%get3A, %get3A_0] : memref<128x128xf32, #tpu.memory_space<vmem>>, vector<128x128xf32>
    %bitcast_convert_type3A = tpu.bitcast %get3A_1 : vector<128x128xf32> -> vector<128x128xi32>
    %ge3A = arith.constant -2147483648 : i32
    %ge3A_2 = vector.broadcast %ge3A : i32 to vector<128x128xi32>
    %ge3A_3 = arith.cmpi uge, %bitcast_convert_type3A, %ge3A_2 : vector<128x128xi32>
    %not3A = arith.constant dense<-1> : vector<128x128xi32>
    %not3A_4 = arith.xori %bitcast_convert_type3A, %not3A : vector<128x128xi32>
    %or3A = arith.constant -2147483648 : i32
    %or3A_5 = vector.broadcast %or3A : i32 to vector<128x128xi32>
    %or3A_6 = arith.ori %bitcast_convert_type3A, %or3A_5 : vector<128x128xi32>
    %select_n3A = arith.select %ge3A_3, %not3A_4, %or3A_6 : vector<128x128xi1>, vector<128x128xi32>
    %scan3A = arith.constant 4096 : i32
    %scan3A_7 = arith.constant 0 : i32
    %scan3A_8 = arith.constant 0 : i32
    %scan3A_9 = arith.constant 32 : i32
    %scan3A_10 = arith.addi %scan3A_8, %scan3A_9 : i32
    %scan3A_11 = arith.constant 1 : i32
    %scan3A_12 = scf.for %scan3A_77 = %scan3A_8 to %scan3A_10 step %scan3A_11 iter_args(%scan3A_78 = %scan3A_7) -> (i32)  : i32 {
      %sub3A_79 = arith.constant 31 : i32
      %sub3A_80 = arith.subi %sub3A_79, %scan3A_77 : i32
      %shift_left3A = arith.constant 1 : i32
      %shift_left3A_81 = arith.shli %shift_left3A, %sub3A_80 : i32
      %or3A_82 = arith.ori %scan3A_78, %shift_left3A_81 : i32
      %ge3A_83 = vector.broadcast %or3A_82 : i32 to vector<128x128xi32>
      %ge3A_84 = arith.cmpi uge, %select_n3A, %ge3A_83 : vector<128x128xi32>
      %convert_element_type3A_85 = arith.extui %ge3A_84 : vector<128x128xi1> to vector<128x128xi32>
      %reduce_sum3A_86 = vector.shape_cast %convert_element_type3A_85 : vector<128x128xi32> to vector<1x128x128xi32>
      %reduce_sum3A_87 = arith.constant dense<0> : vector<1xi32>
      %reduce_sum3A_88 = vector.multi_reduction <add>, %reduce_sum3A_86, %reduce_sum3A_87 [1, 2] : vector<1x128x128xi32> to vector<1xi32>
      %reduce_sum3A_89 = vector.shape_cast %reduce_sum3A_88 : vector<1xi32> to vector<1x1x1xi32>
      %reduce_sum3A_90 = vector.extract %reduce_sum3A_89[0, 0, 0] : i32 from vector<1x1x1xi32>
      %ge3A_91 = arith.cmpi sge, %reduce_sum3A_90, %scan3A : i32
      %select_n3A_92 = arith.select %ge3A_91, %or3A_82, %scan3A_78 : i32
      scf.yield %select_n3A_92 : i32
    }
    %scan3A_13 = arith.constant 32 : i32
    %ge3A_14 = arith.constant -2147483648 : i32
    %ge3A_15 = arith.cmpi uge, %scan3A_12, %ge3A_14 : i32
    %xor3A = arith.constant -2147483648 : i32
    %xor3A_16 = arith.xori %scan3A_12, %xor3A : i32
    %not3A_17 = arith.constant -1 : i32
    %not3A_18 = arith.xori %scan3A_12, %not3A_17 : i32
    %select_n3A_19 = arith.select %ge3A_15, %xor3A_16, %not3A_18 : i32
    %bitcast_convert_type3A_20 = arith.bitcast %select_n3A_19 : i32 to f32
    %gt3A = vector.broadcast %bitcast_convert_type3A_20 : f32 to vector<128x128xf32>
    %gt3A_21 = arith.cmpf ogt, %get3A_1, %gt3A : vector<128x128xf32>
    %convert_element_type3A = arith.extui %gt3A_21 : vector<128x128xi1> to vector<128x128xi32>
    %convert_element_type3A_22 = arith.sitofp %convert_element_type3A : vector<128x128xi32> to vector<128x128xf32>
    %eq3A = vector.broadcast %bitcast_convert_type3A_20 : f32 to vector<128x128xf32>
    %eq3A_23 = arith.cmpf oeq, %get3A_1, %eq3A : vector<128x128xf32>
    %convert_element_type3A_24 = arith.extui %eq3A_23 : vector<128x128xi1> to vector<128x128xi32>
    %convert_element_type3A_25 = arith.sitofp %convert_element_type3A_24 : vector<128x128xi32> to vector<128x128xf32>
    %iota3A = tpu.iota {dimensions = array<i32: 0>} : vector<128x128xi32>
    %iota3A_26 = tpu.iota {dimensions = array<i32: 1>} : vector<128x128xi32>
    %lt3A = arith.cmpi slt, %iota3A, %iota3A_26 : vector<128x128xi32>
    %convert_element_type3A_27 = arith.extui %lt3A : vector<128x128xi1> to vector<128x128xi32>
    %convert_element_type3A_28 = arith.sitofp %convert_element_type3A_27 : vector<128x128xi32> to vector<128x128xf32>
    %lt3A_29 = arith.cmpi slt, %iota3A_26, %iota3A : vector<128x128xi32>
    %convert_element_type3A_30 = arith.extui %lt3A_29 : vector<128x128xi1> to vector<128x128xi32>
    %convert_element_type3A_31 = arith.sitofp %convert_element_type3A_30 : vector<128x128xi32> to vector<128x128xf32>
    %dot_general3A = arith.constant dense<0.000000e+00> : vector<128x128xf32>
    %dot_general3A_32 = tpu.matmul %convert_element_type3A_22, %convert_element_type3A_28, %dot_general3A {dimension_numbers = #tpu.dot_dimension_numbers<[1], [0], [0], [1], [0, 0, 1, 1], [], []>, transpose_lhs_hint = false} : vector<128x128xf32>, vector<128x128xf32>, vector<128x128xf32> -> vector<128x128xf32>
    %reduce_sum3A = arith.constant dense<0.000000e+00> : vector<128xf32>
    %reduce_sum3A_33 = vector.multi_reduction <add>, %convert_element_type3A_22, %reduce_sum3A [1] : vector<128x128xf32> to vector<128xf32>
    %broadcast_in_dim3A = vector.shape_cast %reduce_sum3A_33 : vector<128xf32> to vector<128x1xf32>
    %dot_general3A_34 = arith.constant dense<0.000000e+00> : vector<128x1xf32>
    %dot_general3A_35 = tpu.matmul %convert_element_type3A_31, %broadcast_in_dim3A, %dot_general3A_34 {dimension_numbers = #tpu.dot_dimension_numbers<[1], [0], [0], [1], [0, 0, 1, 1], [], []>, transpose_lhs_hint = false} : vector<128x128xf32>, vector<128x1xf32>, vector<128x1xf32> -> vector<128x1xf32>
    %add3A = vector.broadcast %dot_general3A_35 : vector<128x1xf32> to vector<128x128xf32>
    %add3A_36 = arith.addf %dot_general3A_32, %add3A : vector<128x128xf32>
    %dot_general3A_37 = arith.constant dense<0.000000e+00> : vector<128x128xf32>
    %dot_general3A_38 = tpu.matmul %convert_element_type3A_25, %convert_element_type3A_28, %dot_general3A_37 {dimension_numbers = #tpu.dot_dimension_numbers<[1], [0], [0], [1], [0, 0, 1, 1], [], []>, transpose_lhs_hint = false} : vector<128x128xf32>, vector<128x128xf32>, vector<128x128xf32> -> vector<128x128xf32>
    %reduce_sum3A_39 = arith.constant dense<0.000000e+00> : vector<128xf32>
    %reduce_sum3A_40 = vector.multi_reduction <add>, %convert_element_type3A_25, %reduce_sum3A_39 [1] : vector<128x128xf32> to vector<128xf32>
    %broadcast_in_dim3A_41 = vector.shape_cast %reduce_sum3A_40 : vector<128xf32> to vector<128x1xf32>
    %dot_general3A_42 = arith.constant dense<0.000000e+00> : vector<128x1xf32>
    %dot_general3A_43 = tpu.matmul %convert_element_type3A_31, %broadcast_in_dim3A_41, %dot_general3A_42 {dimension_numbers = #tpu.dot_dimension_numbers<[1], [0], [0], [1], [0, 0, 1, 1], [], []>, transpose_lhs_hint = false} : vector<128x128xf32>, vector<128x1xf32>, vector<128x1xf32> -> vector<128x1xf32>
    %add3A_44 = vector.broadcast %dot_general3A_43 : vector<128x1xf32> to vector<128x128xf32>
    %add3A_45 = arith.addf %dot_general3A_38, %add3A_44 : vector<128x128xf32>
    %reduce_sum3A_46 = vector.shape_cast %convert_element_type3A_22 : vector<128x128xf32> to vector<1x128x128xf32>
    %reduce_sum3A_47 = arith.constant dense<0.000000e+00> : vector<1xf32>
    %reduce_sum3A_48 = vector.multi_reduction <add>, %reduce_sum3A_46, %reduce_sum3A_47 [1, 2] : vector<1x128x128xf32> to vector<1xf32>
    %reduce_sum3A_49 = vector.shape_cast %reduce_sum3A_48 : vector<1xf32> to vector<1x1x1xf32>
    %reduce_sum3A_50 = vector.extract %reduce_sum3A_49[0, 0, 0] : f32 from vector<1x1x1xf32>
    %sub3A = arith.constant 4.096000e+03 : f32
    %sub3A_51 = arith.subf %sub3A, %reduce_sum3A_50 : f32
    %gt3A_52 = arith.constant 5.000000e-01 : f32
    %gt3A_53 = vector.broadcast %gt3A_52 : f32 to vector<128x128xf32>
    %gt3A_54 = arith.cmpf ogt, %convert_element_type3A_22, %gt3A_53 : vector<128x128xf32>
    %gt3A_55 = arith.constant 5.000000e-01 : f32
    %gt3A_56 = vector.broadcast %gt3A_55 : f32 to vector<128x128xf32>
    %gt3A_57 = arith.cmpf ogt, %convert_element_type3A_25, %gt3A_56 : vector<128x128xf32>
    %lt3A_58 = vector.broadcast %sub3A_51 : f32 to vector<128x128xf32>
    %lt3A_59 = arith.cmpf olt, %add3A_45, %lt3A_58 : vector<128x128xf32>
    %and3A = arith.andi %gt3A_57, %lt3A_59 : vector<128x128xi1>
    %or3A_60 = arith.ori %gt3A_54, %and3A : vector<128x128xi1>
    %min3A = vector.broadcast %sub3A_51 : f32 to vector<128x128xf32>
    %min3A_61 = arith.minimumf %add3A_45, %min3A : vector<128x128xf32>
    %add3A_62 = arith.addf %add3A_36, %min3A_61 : vector<128x128xf32>
    %mul3A = arith.constant 128 : i32
    %mul3A_63 = vector.broadcast %mul3A : i32 to vector<128x128xi32>
    %mul3A_64 = arith.muli %iota3A, %mul3A_63 : vector<128x128xi32>
    %add3A_65 = arith.addi %mul3A_64, %iota3A_26 : vector<128x128xi32>
    %convert_element_type3A_66 = arith.fptosi %add3A_62 : vector<128x128xf32> to vector<128x128xi32>
    %add3A_67 = arith.constant 4096 : i32
    %add3A_68 = vector.broadcast %add3A_67 : i32 to vector<128x128xi32>
    %add3A_69 = arith.addi %add3A_65, %add3A_68 : vector<128x128xi32>
    %select_n3A_70 = arith.select %or3A_60, %convert_element_type3A_66, %add3A_69 : vector<128x128xi1>, vector<128x128xi32>
    %swap3A = arith.constant 0 : index
    %swap3A_71 = arith.constant 0 : index
    %swap3A_72 = vector.load %arg1[%swap3A, %swap3A_71] : memref<128x128xi32, #tpu.memory_space<vmem>>, vector<128x128xi32>
    tpu.vector_store %arg1[%swap3A, %swap3A_71], %select_n3A_70 {strides = array<i32>} : memref<128x128xi32, #tpu.memory_space<vmem>>, vector<128x128xi32>,
    %iota3A_73 = tpu.iota {dimensions = array<i32: 0>} : vector<16384x128xi32>
    %swap3A_74 = arith.constant 0 : index
    %swap3A_75 = arith.constant 0 : index
    %swap3A_76 = vector.load %arg2[%swap3A_74, %swap3A_75] : memref<16384x128xi32, #tpu.memory_space<vmem>>, vector<16384x128xi32>
    tpu.vector_store %arg2[%swap3A_74, %swap3A_75], %iota3A_73 {strides = array<i32>} : memref<16384x128xi32, #tpu.memory_space<vmem>>, vector<16384x128xi32>,
    return
  }
}

</mosaic_0001>

<sc_bundles>
// kernel: kernel.6.cloned.1.call-start
scs
__scs_entry_jumppad:
0x0: {  	(pc) =	sbr.rel $0x88, $3  }
0x1: {  	(tag) =	ssettag $0x0;
	lr =	simm.s32 $0x1  }
0x2: {  	[smem:$0x3F9D] =	sst lr;
	_ =	strace $0xD0000000  }
0x3: {  	_ = 	snop  }
0x4: {  	_ = 	snop  }
0x5: {  	_ = 	snop  }
0x6: {  	_ = 	snop  }
0x7: {  	_ = 	snop  }
__scs_overlays_trampoline_lowered:
0x8: {  	[smem:$0x3FAC] =	sst s0  }
0x9: {  	[smem:$0x3FAD] =	sst s1  }
0xa: {  	[smem:$0x3FAE] =	sst s2  }
0xb: {  	[smem:$0x3FAF] =	sst s3  }
0xc: {  	[smem:$0x3FB0] =	sst s4  }
0xd: {  	[smem:$0x3FB1] =	sst s5  }
0xe: {  	[smem:$0x3FB2] =	sst s6  }
0xf: {  	[smem:$0x3FB3] =	sst s7  }
0x10: {  	[smem:$0x3FB4] =	sst s8  }
0x11: {  	[smem:$0x3FB5] =	sst s9;
	s0 =	simm.s32 @!p0 $0x0  }
0x12: {  	s1 =	sld [smem:$0x3F9B];
	s0 =	simm.s32 @p0 $0x1  }
0x13: {  	[smem:$0x3FB6] =	sst s0;
	s0 =	simm.s32 @!p1 $0x0  }
0x14: {  	s2 =	sld [smem:$0x3F9A];
	s0 =	simm.s32 @p1 $0x1  }
0x15: {  	[smem:$0x3FB7] =	sst s0;
	s0 =	simm.s32 @!p2 $0x0  }
0x16: {  	s3 =	sld [smem:$0x3FDB];
	s0 =	simm.s32 @p2 $0x1  }
0x17: {  	s4 =	simm.s32 $0x1BF5;
	[smem:$0x3FB9] =	sst s0  }
0x18: {  	s0 =	sld [smem:$0x3F9C];
	_ =	swait.ge [sflag:s4], $0x0  }
0x19: {  	s7 =	sld [smem:$0x3F9D]  }
0x1a: {  	s8 =	sadd.s32 $0xFFFFE003, lr  }
0x1b: {  	s9 =	sadd.s32 $0xFFFFFEF7, lr;
	s5 =	simm.s32 $0xFFFFFFFF;
	p2 =	slt.u32 s8, $0xFFFFF086  }
0x1c: {  	p1 =	slt.u32 s9, $0xF7A;
	s5 =	simm.s32 @!p2 $0x0  }
0x1d: {  	s5 =	simm.s32 @p1 $0x1;
	p0 =	seq.s32 s7, s2  }
0x1e: {  	s7 =	smul.u32 @!p0 $0xF7A, s2;
	p2 =	seq.s32 @!p0 s5, $0x0  }
0x1f: {  	s9 =	smul.u32 $0xF7A, s1;
	s8 =	simm.s32 @!p0 $0x1BF5;
	p2 =	por !p2, p0  }
0x20: {  	[sflag:s8] =	ssyncset.s32 @!p0 $0xFFFFF086;
	s6 =	sadd.s32 @!p0 s3, s7;
	s7 =	simm.s32 @!p0 $0x108  }
0x21: {  	s3 =	sadd.s32 s3, s9;
	s6 =	sadd.s32 @!p0 $0x88, s6;
	s7 =	simm.s32 @p2 $0x1082  }
0x22: {  	[simem:s7], [sflag:s8] =	dma.local @!p0 [hbm:s6], $0xF7A  }
0x23: {  	s9 =	sor.u32 $0xD0000000, s2;
	s6 =	simm.s32 $0x108;
	_ =	swait.ge @!p0 [sflag:s8], $0x0  }
0x24: {  	s3 =	sadd.s32 $0x88, s3;
	s6 =	simm.s32 @!p1 $0x1082;
	[sflag:s4] =	ssyncset.s32 $0xFFFFF086  }
0x25: {  	[simem:s6], [sflag:s4] =	dma.local [hbm:s3], $0xF7A  }
0x26: {  	[smem:$0x3F9D] =	sst s1;
	(tag) =	ssettag s2;
	_ =	strace s9  }
0x27: {  	s1 =	sld [smem:$0x3FAD]  }
0x28: {  	s2 =	sld [smem:$0x3FAE]  }
0x29: {  	s4 =	sld [smem:$0x3FB0]  }
0x2a: {  	p0 =	seq.s32 s5, $0x0;
	s5 =	sld [smem:$0x3FB1]  }
0x2b: {  	s6 =	sld [smem:$0x3FB2]  }
0x2c: {  	s7 =	sld [smem:$0x3FB3]  }
0x2d: {  	s3 =	simm.s32 $0x108;
	s8 =	sld [smem:$0x3FB4]  }
0x2e: {  	s3 =	simm.s32 @!p0 $0x1082;
	s9 =	sld [smem:$0x3FB5]  }
0x2f: {  	lr =	sadd.s32 s0, s3;
	s0 =	sld [smem:$0x3FAC]  }
0x30: {  	s3 =	sld [smem:$0x3FAF]  }
0x31: {  	[smem:$0x3FB8] =	sst s10  }
0x32: {  	s10 =	sld [smem:$0x3FB6];
	_ =	sdelay $0x3  }
0x33: {  	p0 =	seq.s32 s10, $0x1;
	s10 =	sld [smem:$0x3FB8];
	_ =	sdelay $0x3  }
0x34: {  	[smem:$0x3FB8] =	sst s10  }
0x35: {  	s10 =	sld [smem:$0x3FB7];
	_ =	sdelay $0x3  }
0x36: {  	p1 =	seq.s32 s10, $0x1;
	s10 =	sld [smem:$0x3FB8];
	_ =	sdelay $0x3  }
0x37: {  	[smem:$0x3FB8] =	sst s10  }
0x38: {  	s10 =	sld [smem:$0x3FB9]  }
0x39: {  	_ = 	snop;
	(pc) =	sbr.ind lr, $3  }
0x3a: {  	_ = 	snop  }
0x3b: {  	_ = 	snop  }
0x3c: {  	p2 =	seq.s32 s10, $0x1;
	s10 =	sld [smem:$0x3FB8]  }
0x3d: {  	_ =	shalt  }
0x3e: {  	_ =	shalt  }
0x3f: {  	_ =	shalt  }
0x40: {  	_ =	shalt  }
0x41: {  	_ =	shalt  }
0x42: {  	_ =	shalt  }
0x43: {  	_ =	shalt  }
0x44: {  	_ =	shalt  }
0x45: {  	_ =	shalt  }
0x46: {  	_ =	shalt  }
0x47: {  	_ =	shalt  }
0x48: {  	_ =	shalt  }
0x49: {  	_ =	shalt  }
0x4a: {  	_ =	shalt  }
0x4b: {  	_ =	shalt  }
0x4c: {  	_ =	shalt  }
0x4d: {  	_ =	shalt  }
0x4e: {  	_ =	shalt  }
0x4f: {  	_ =	shalt  }
0x50: {  	_ =	shalt  }
0x51: {  	_ =	shalt  }
0x52: {  	_ =	shalt  }
0x53: {  	_ =	shalt  }
0x54: {  	_ =	shalt  }
0x55: {  	_ =	shalt  }
0x56: {  	_ =	shalt  }
0x57: {  	_ =	shalt  }
0x58: {  	_ =	shalt  }
0x59: {  	_ =	shalt  }
0x5a: {  	_ =	shalt  }
0x5b: {  	_ =	shalt  }
0x5c: {  	_ =	shalt  }
0x5d: {  	_ =	shalt  }
0x5e: {  	_ =	shalt  }
0x5f: {  	_ =	shalt  }
0x60: {  	_ =	shalt  }
0x61: {  	_ =	shalt  }
0x62: {  	_ =	shalt  }
0x63: {  	_ =	shalt  }
0x64: {  	_ =	shalt  }
0x65: {  	_ =	shalt  }
0x66: {  	_ =	shalt  }
0x67: {  	_ =	shalt  }
0x68: {  	_ =	shalt  }
0x69: {  	_ =	shalt  }
0x6a: {  	_ =	shalt  }
0x6b: {  	_ =	shalt  }
0x6c: {  	_ =	shalt  }
0x6d: {  	_ =	shalt  }
0x6e: {  	_ =	shalt  }
0x6f: {  	_ =	shalt  }
0x70: {  	_ =	shalt  }
0x71: {  	_ =	shalt  }
0x72: {  	_ =	shalt  }
0x73: {  	_ =	shalt  }
0x74: {  	_ =	shalt  }
0x75: {  	_ =	shalt  }
0x76: {  	_ =	shalt  }
0x77: {  	_ =	shalt  }
0x78: {  	_ =	shalt  }
0x79: {  	_ =	shalt  }
0x7a: {  	_ =	shalt  }
0x7b: {  	_ =	shalt  }
0x7c: {  	_ =	shalt  }
0x7d: {  	_ =	shalt  }
0x7e: {  	_ =	shalt  }
0x7f: {  	_ =	shalt  }
0x80: {  	_ =	shalt  }
0x81: {  	_ =	shalt  }
0x82: {  	_ =	shalt  }
0x83: {  	_ =	shalt  }
0x84: {  	_ =	shalt  }
0x85: {  	_ =	shalt  }
0x86: {  	_ =	shalt  }
0x87: {  	_ =	shalt  }
.Lfunc_end0:
.L_simem_size_0:
called_computation_lowered:
.L_overlay_start_0:
0x88: {  	s2 =	sld [smem:$0x3FD9]  }
0x89: {  	s3 =	sld [smem:$0x3FFE];
	_ =	sdelay $0x1  }
0x8a: {  	s1 =	srdreg.scid  }
0x8b: {  	s0 =	sand.u32 $0x1, s1  }
0x8c: {  	s14 =	sshll.u32 s0, $0xA;
	s2 =	sadd.s32 s3, s2  }
0x8d: {  	s2 =	sadd.s32 s2, s14  }
0x8e: {  	[smem:$0x3FC4] =	sst s2  }
0x8f: {  	_ = 	snop  }
0x90: {  	s2 =	sld [smem:$0x3FD0];
	_ =	sdelay $0x2  }
0x91: {  	s15 =	simm.s32 $0xA;
	s4 =	simm.s32 $0x10  }
0x92: {  	[smem:s4], [sflag:s15] =	dma.local [hbm:s2], $0x1  }
0x93: {  	_ =	swait.eq [sflag:s15], $0x1  }
0x94: {  	[sflag:s15] =	ssyncset.done $0x0  }
0x95: {  	s16 =	sld [smem:$0x10];
	[sflag:s15] =	ssyncadd.s32 $0xFFFFFFFF  }
0x96: {  	s17 =	sld [smem:$0x11];
	(tm) =	ssettm $0x1  }
0x97: {  	s18 =	sld [smem:$0x3FFB];
	_ =	sdelay $0x3  }
0x98: {  	_ =	strace s18  }
0x99: {  	s4 =	sld [smem:$0x3FFC];
	_ =	sdelay $0x3  }
0x9a: {  	_ =	strace s4  }
0x9b: {  	s4 =	sld [smem:$0x3FFD];
	_ =	sdelay $0x3  }
0x9c: {  	_ =	strace s4  }
0x9d: {  	_ =	strace $0x8FFFFFFF  }
0x9e: {  	s19 =	sld [smem:$0x3FDB];
	_ =	sdelay $0x1  }
0x9f: {  	s5 =	simm.s32 $_scs_section_size  }
0xa0: {  	s6 =	simm.s32 $_size__tile_overlayer_lowered;
	s7 =	simm.s32 $_tile_overlayer_lowered  }
0xa1: {  	s22 =	simm.s32 $0x1BFF;
	s21 =	sshll.u32 s7, $0x1;
	s4 =	sadd.s32 s5, s19  }
0xa2: {  	s8 =	simm.s32 $0x0;
	s20 =	sshll.u32 s6, $0x1;
	s6 =	sadd.s32 s21, s4  }
0xa3: {  	[timem:s8], [sflag:s22] =	dma.local [hbm:s6], s20  }
0xa4: {  	_ =	swait.ge [sflag:s22], s20  }
0xa5: {  	s5 =	ssub.s32 $0x0, s20;
	[sflag:s22] =	ssyncset.done $0x0  }
0xa6: {  	[sflag:s22] =	ssyncadd.s32 s5;
	_ =	sdelay $0x1  }
0xa7: {  	s23 =	simm.s32 $0x1B8B  }
0xa8: {  	_ =	swait.ge [sflag:s23], $0x1  }
0xa9: {  	[sflag:s23] =	ssyncset.done $0x0  }
0xaa: {  	s25 =	simm.s32 $0x1B8E;
	s24 =	sld [smem:$0x3FFE];
	[sflag:s23] =	ssyncadd.s32 $0xFFFFFFFF  }
0xab: {  	s26 =	simm.s32 $execute0_lowered;
	[smem:$0x3FD2] =	sst s25  }
0xac: {  	s6 =	sshll.u32 s26, $0x1;
	_ =	strace $0x80000046;
	[dreg:$0x1] =	wrdreg $0xFFFFFFFF  }
0xad: {  	s28 =	simm.s32 $_size_execute0_lowered;
	s4 =	sadd.s32 s4, s6;
	[dreg:$0x0] =	wrdreg $0x0  }
0xae: {  	s6 =	sshll.u32 s28, $0x1;
	[dreg:$0x2] =	wrdreg s4  }
0xaf: {  	[dreg:$0x3] =	wrdreg s6  }
0xb0: {  	[dreg:$0x4] =	wrdreg $0xC0  }
0xb1: {  	_ =	task [dreg:s8], $0x5FFFF  }
0xb2: {  	[dreg:$0x1] =	wrdreg $0xFFFFFFFF  }
0xb3: {  	[dreg:$0x0] =	wrdreg $0x60  }
0xb4: {  	[dreg:$0x2] =	wrdreg s24  }
0xb5: {  	[dreg:$0x3] =	wrdreg s17  }
0xb6: {  	[dreg:$0x4] =	wrdreg s16  }
0xb7: {  	[dreg:$0x5] =	wrdreg $0x9  }
0xb8: {  	_ =	task.clear_ibuf [dreg:s8], $0x6FFFF;
	_ =	strace $0x90000046  }
0xb9: {  	s29 =	simm.s32 $0x9;
	_ =	strace $0x80000048  }
0xba: {  	_ =	swait.ge [sflag:s29], $0x1  }
0xbb: {  	[sflag:s29] =	ssyncadd.s32 $0xFFFFFFFF  }
0xbc: {  	_ =	strace $0x90000048  }
0xbd: {  	_ =	sfence  }
0xbe: {  	s30 =	sld [smem:$0x0];
	_ =	sdelay $0x2  }
0xbf: {  	s31 =	sshll.u32 s1, $0xD;
	s1 =	sshrl.u32 s1, $0x2  }
0xc0: {  	s3 =	sand.u32 $0x4000, s31;
	s1 =	sadd.s32 s1, s30  }
0xc1: {  	s0 =	sor.u32 s3, s0;
	s1 =	sshll.u32 s1, $0x11  }
0xc2: {  	s0 =	sor.u32 s1, s0  }
0xc3: {  	s0 =	sadd.s32 $0x8F2B, s0  }
0xc4: {  	[sflag:s0] =	ssyncadd.remote.s32 $0x1  }
0xc5: {  	_ =	sfence.sel $0xFFFF  }
0xc6: {  	[dreg:$0x0] =	wrdreg $0xFFFFFFFF;
	(pc) =	sbr.abs _section_cstart, $3  }
0xc7: {  	[dreg:$0x1] =	wrdreg $0xFFFFFFFF  }
0xc8: {  	_ =	task.clear_ibuf [dreg:s8], $0x2FFFF;
	_ =	strace $0x9FFFFFFF  }
0xc9: {  	(tm) =	ssettm $0x7FFFFFFF  }
tec
execute0_lowered:
.L_overlay_start_1:
0x0: {  	(tag) =	ssettag $0x1  }
0x1: {  	s0 =	srdreg.scid  }
0x2: {  	s4 =	rddreg [dreg:$0x0];
	s15 =	sand.u32 $0x1, s0  }
0x3: {  	s6 =	rddreg [dreg:$0x1];
	s0 =	stileid.u32;
	s1 =	sshll.u32 s15, $0x4  }
0x4: {  	s2 =	rddreg [dreg:$0x2];
	s3 =	sshll.u32 s0, $0x6;
	s7 =	sor.u32 s0, s1  }
0x5: {  	s1 =	rddreg [dreg:$0x3];
	s5 =	sand.u32 $0x40, s3;
	s8 =	sshll.u32 s7, $0x6  }
0x6: {  	s3 =	simm.s32 $0x0;
	s4 =	sadd.s32 s5, s4;
	s31 =	sand.u32 $0x780, s8  }
0x7: {  	[smem:$0x7FF] =	sst s3;
	s4 =	sadd.s32 s31, s4  }
0x8: {  	s5 =	simm.s32 $0x2;
	_ =	strace $0x80000047;
	s4 =	sadd.s32 $0x1600, s4  }
0x9: {  	[tilespmem:s3], [sflag:$0x2] =	stream.linear.gather [hbm4b:s4+s3], $0x200, $0x38;
	[tilespmem:$0x10200] =	vst v63  }
0xa: {  	_ =	swait.ge [sflag:s5], $0x200  }
0xb: {  	s7 =	sshll.u32 s7, $0xD;
	[sflag:s5] =	ssyncset.done $0x0  }
0xc: {  	s6 =	sadd.s32 s6, s7;
	s7 =	simm.s32 $0x200;
	[sflag:s5] =	ssyncadd.s32 $0xFFFFFE00  }
0xd: {  	[tilespmem:s7], [sflag:$0x2] =	stream.linear.gather [hbm4b:s6+s3], $0x10000, $0x38;
	[tilespmem:$0x10200] =	vst v63  }
0xe: {  	_ =	swait.ge [sflag:s5], $0x10000  }
0xf: {  	[sflag:s5] =	ssyncset.done $0x0  }
0x10: {  	s8 =	simm.s32 $0x80;
	[sflag:s5] =	ssyncadd.s32 $0xFFFF0000  }
0x11: {  	[hbm4b:s2+s8] =	stream.indirect.scatter [tilespmem:s7], [sflag:$0x1], $0x80, s3, s8, $0xb8;
	[tilespmem:$0x10200] =	vst v63  }
0x12: {  	s9 =	simm.s32 $0x4200  }
0x13: {  	[hbm4b:s2+s8] =	stream.indirect.scatter [tilespmem:s9], [sflag:$0x1], $0x80, s8, s8, $0xb8;
	[tilespmem:$0x10200] =	vst v63  }
0x14: {  	s10 =	simm.s32 $0x100;
	s11 =	simm.s32 $0x8200  }
0x15: {  	[hbm4b:s2+s8] =	stream.indirect.scatter [tilespmem:s11], [sflag:$0x1], $0x80, s10, s8, $0xb8;
	[tilespmem:$0x10200] =	vst v63  }
0x16: {  	s12 =	simm.s32 $0x180;
	s14 =	simm.s32 $0xC200;
	s13 =	simm.s32 $0x1  }
0x17: {  	[hbm4b:s2+s8] =	stream.indirect.scatter [tilespmem:s14], [sflag:$0x1], $0x80, s12, s8, $0xb8;
	[tilespmem:$0x10200] =	vst v63  }
0x18: {  	_ =	swait.ge [sflag:s13], $0x4000  }
0x19: {  	s15 =	ssub.s32 $0x2, s15;
	[sflag:s13] =	ssyncset.done $0x0  }
0x1a: {  	s16 =	sshrl.u32 s15, $0x1;
	[sflag:s13] =	ssyncadd.s32 $0xFFFFC000  }
0x1b: {  	s15 =	ssub.s32 s15, s16;
	_ =	swait.ge [sflag:s13], $0x4000  }
0x1c: {  	s15 =	smax.u32 s15, $0x1;
	[sflag:s13] =	ssyncset.done $0x0  }
0x1d: {  	p0 =	sne.s32 s15, $0x1;
	[sflag:s13] =	ssyncadd.s32 $0xFFFFC000  }
.Ltmp0:
0x1e: {  	_ =	swait.ge [sflag:s13], $0x4000;
	(pc) =	sbr.rel @!p0 .LBB2_2-.Ltmp0, $4  }
0x1f: {  	[sflag:s13] =	ssyncset.done $0x0  }
0x20: {  	[sflag:s13] =	ssyncadd.s32 $0xFFFFC000  }
0x21: {  	_ =	swait.ge [sflag:s13], $0x4000  }
0x22: {  	s15 =	sadd.s32 $0xFFFFFFFF, s15;
	[sflag:s13] =	ssyncset.done $0x0  }
.LBB2_1:
0x23: {  	p0 =	sne.s32 s15, $0x1;
	s15 =	sadd.s32 $0xFFFFFFFF, s15;
	[sflag:s13] =	ssyncadd.s32 $0xFFFFC000  }
0x24: {  	[tilespmem:s3], [sflag:$0x2] =	stream.linear.gather [hbm4b:s4+s3], $0x200, $0x38;
	[tilespmem:$0x10200] =	vst v63  }
0x25: {  	_ =	swait.ge [sflag:s5], $0x200  }
0x26: {  	[sflag:s5] =	ssyncset.done $0x0  }
0x27: {  	[sflag:s5] =	ssyncadd.s32 $0xFFFFFE00  }
0x28: {  	[tilespmem:s7], [sflag:$0x2] =	stream.linear.gather [hbm4b:s6+s3], $0x10000, $0x38;
	[tilespmem:$0x10200] =	vst v63  }
0x29: {  	_ =	swait.ge [sflag:s5], $0x10000  }
0x2a: {  	[sflag:s5] =	ssyncset.done $0x0  }
0x2b: {  	[sflag:s5] =	ssyncadd.s32 $0xFFFF0000  }
0x2c: {  	[hbm4b:s2+s8] =	stream.indirect.scatter [tilespmem:s7], [sflag:$0x1], $0x80, s3, s8, $0xb8;
	[tilespmem:$0x10200] =	vst v63  }
0x2d: {  	_ = 	snop  }
0x2e: {  	[hbm4b:s2+s8] =	stream.indirect.scatter [tilespmem:s9], [sflag:$0x1], $0x80, s8, s8, $0xb8;
	[tilespmem:$0x10200] =	vst v63  }
0x2f: {  	_ = 	snop  }
0x30: {  	[hbm4b:s2+s8] =	stream.indirect.scatter [tilespmem:s11], [sflag:$0x1], $0x80, s10, s8, $0xb8;
	[tilespmem:$0x10200] =	vst v63  }
0x31: {  	_ = 	snop  }
0x32: {  	[hbm4b:s2+s8] =	stream.indirect.scatter [tilespmem:s14], [sflag:$0x1], $0x80, s12, s8, $0xb8;
	[tilespmem:$0x10200] =	vst v63  }
0x33: {  	_ =	swait.ge [sflag:s13], $0x4000  }
0x34: {  	[sflag:s13] =	ssyncset.done $0x0  }
0x35: {  	[sflag:s13] =	ssyncadd.s32 $0xFFFFC000  }
0x36: {  	_ =	swait.ge [sflag:s13], $0x4000  }
0x37: {  	[sflag:s13] =	ssyncset.done $0x0  }
0x38: {  	[sflag:s13] =	ssyncadd.s32 $0xFFFFC000  }
.Ltmp1:
0x39: {  	_ =	swait.ge [sflag:s13], $0x4000;
	(pc) =	sbr.rel @p0 .LBB2_1-.Ltmp1, $4  }
0x3a: {  	[sflag:s13] =	ssyncset.done $0x0  }
0x3b: {  	[sflag:s13] =	ssyncadd.s32 $0xFFFFC000  }
0x3c: {  	_ =	swait.ge [sflag:s13], $0x4000  }
0x3d: {  	[sflag:s13] =	ssyncset.done $0x0  }
.LBB2_2:
0x3e: {  	[sflag:s13] =	ssyncadd.s32 $0xFFFFC000  }
0x3f: {  	_ =	sfence.sel $0x180000  }
0x40: {  	[bflag:$0x0] =	sbarrier.arrive $0xFFFF  }
0x41: {  	p0 =	sne.s32 s0, $0x0;
	_ =	strace $0x90000047  }
0x42: {  	s0 =	sadd.s32 @!p0 $0x100000, s1;
	[bflag:$0x2] =	sbarrier.arrive $0xFFFF  }
0x43: {  	[sflag:s0] =	ssyncadd.tile.s32 @!p0 $0x1;
	_ =	shalt  }
.Lfunc_end2:
_tile_overlayer_lowered:
.L_overlay_start_2:
0x44: {  	(tag) =	ssettag $0x2  }
0x45: {  	s0 =	rddreg [dreg:$0x0];
	s2 =	stileid.u32  }
0x46: {  	s1 =	rddreg [dreg:$0x1];
	p0 =	sne.s32 s2, $0x0  }
0x47: {  	s3 =	rddreg [dreg:$0x2];
	[bflag:$0x3] =	sbarrier.arrive $0xFFFF;
	s2 =	simm.s32 @!p0 $0x1C02  }
0x48: {  	[timem:s3], [sflag:s2] =	dma.local @!p0 [hbm:s0], s1  }
0x49: {  	s0 =	simm.s32 @!p0 $0x2  }
0x4a: {  	_ =	swait.ge @!p0 [sflag:s0], s1  }
0x4b: {  	s1 =	ssub.s32 @!p0 $0x0, s1;
	[sflag:s0] =	ssyncset.done @!p0 $0x0  }
0x4c: {  	[sflag:s0] =	ssyncadd.s32 @!p0 s1  }
0x4d: {  	[bflag:$0x3] =	sbarrier.arrive $0xFFFF  }
0x4e: {  	_ =	shalt  }

// kernel: kernel.9.cloned.1.call-start
scs
__scs_entry_jumppad:
0x0: {  	(pc) =	sbr.rel $0x88, $3  }
0x1: {  	(tag) =	ssettag $0x0;
	lr =	simm.s32 $0x1  }
0x2: {  	[smem:$0x3F9D] =	sst lr;
	_ =	strace $0xD0000000  }
0x3: {  	_ = 	snop  }
0x4: {  	_ = 	snop  }
0x5: {  	_ = 	snop  }
0x6: {  	_ = 	snop  }
0x7: {  	_ = 	snop  }
__scs_overlays_trampoline_lowered:
0x8: {  	[smem:$0x3FAC] =	sst s0  }
0x9: {  	[smem:$0x3FAD] =	sst s1  }
0xa: {  	[smem:$0x3FAE] =	sst s2  }
0xb: {  	[smem:$0x3FAF] =	sst s3  }
0xc: {  	[smem:$0x3FB0] =	sst s4  }
0xd: {  	[smem:$0x3FB1] =	sst s5  }
0xe: {  	[smem:$0x3FB2] =	sst s6  }
0xf: {  	[smem:$0x3FB3] =	sst s7  }
0x10: {  	[smem:$0x3FB4] =	sst s8  }
0x11: {  	[smem:$0x3FB5] =	sst s9;
	s0 =	simm.s32 @!p0 $0x0  }
0x12: {  	s1 =	sld [smem:$0x3F9B];
	s0 =	simm.s32 @p0 $0x1  }
0x13: {  	[smem:$0x3FB6] =	sst s0;
	s0 =	simm.s32 @!p1 $0x0  }
0x14: {  	s2 =	sld [smem:$0x3F9A];
	s0 =	simm.s32 @p1 $0x1  }
0x15: {  	[smem:$0x3FB7] =	sst s0;
	s0 =	simm.s32 @!p2 $0x0  }
0x16: {  	s3 =	sld [smem:$0x3FDB];
	s0 =	simm.s32 @p2 $0x1  }
0x17: {  	s4 =	simm.s32 $0x1BF5;
	[smem:$0x3FB9] =	sst s0  }
0x18: {  	s0 =	sld [smem:$0x3F9C];
	_ =	swait.ge [sflag:s4], $0x0  }
0x19: {  	s7 =	sld [smem:$0x3F9D]  }
0x1a: {  	s8 =	sadd.s32 $0xFFFFE003, lr  }
0x1b: {  	s9 =	sadd.s32 $0xFFFFFEF7, lr;
	s5 =	simm.s32 $0xFFFFFFFF;
	p2 =	slt.u32 s8, $0xFFFFF086  }
0x1c: {  	p1 =	slt.u32 s9, $0xF7A;
	s5 =	simm.s32 @!p2 $0x0  }
0x1d: {  	s5 =	simm.s32 @p1 $0x1;
	p0 =	seq.s32 s7, s2  }
0x1e: {  	s7 =	smul.u32 @!p0 $0xF7A, s2;
	p2 =	seq.s32 @!p0 s5, $0x0  }
0x1f: {  	s9 =	smul.u32 $0xF7A, s1;
	s8 =	simm.s32 @!p0 $0x1BF5;
	p2 =	por !p2, p0  }
0x20: {  	[sflag:s8] =	ssyncset.s32 @!p0 $0xFFFFF086;
	s6 =	sadd.s32 @!p0 s3, s7;
	s7 =	simm.s32 @!p0 $0x108  }
0x21: {  	s3 =	sadd.s32 s3, s9;
	s6 =	sadd.s32 @!p0 $0x88, s6;
	s7 =	simm.s32 @p2 $0x1082  }
0x22: {  	[simem:s7], [sflag:s8] =	dma.local @!p0 [hbm:s6], $0xF7A  }
0x23: {  	s9 =	sor.u32 $0xD0000000, s2;
	s6 =	simm.s32 $0x108;
	_ =	swait.ge @!p0 [sflag:s8], $0x0  }
0x24: {  	s3 =	sadd.s32 $0x88, s3;
	s6 =	simm.s32 @!p1 $0x1082;
	[sflag:s4] =	ssyncset.s32 $0xFFFFF086  }
0x25: {  	[simem:s6], [sflag:s4] =	dma.local [hbm:s3], $0xF7A  }
0x26: {  	[smem:$0x3F9D] =	sst s1;
	(tag) =	ssettag s2;
	_ =	strace s9  }
0x27: {  	s1 =	sld [smem:$0x3FAD]  }
0x28: {  	s2 =	sld [smem:$0x3FAE]  }
0x29: {  	s4 =	sld [smem:$0x3FB0]  }
0x2a: {  	p0 =	seq.s32 s5, $0x0;
	s5 =	sld [smem:$0x3FB1]  }
0x2b: {  	s6 =	sld [smem:$0x3FB2]  }
0x2c: {  	s7 =	sld [smem:$0x3FB3]  }
0x2d: {  	s3 =	simm.s32 $0x108;
	s8 =	sld [smem:$0x3FB4]  }
0x2e: {  	s3 =	simm.s32 @!p0 $0x1082;
	s9 =	sld [smem:$0x3FB5]  }
0x2f: {  	lr =	sadd.s32 s0, s3;
	s0 =	sld [smem:$0x3FAC]  }
0x30: {  	s3 =	sld [smem:$0x3FAF]  }
0x31: {  	[smem:$0x3FB8] =	sst s10  }
0x32: {  	s10 =	sld [smem:$0x3FB6];
	_ =	sdelay $0x3  }
0x33: {  	p0 =	seq.s32 s10, $0x1;
	s10 =	sld [smem:$0x3FB8];
	_ =	sdelay $0x3  }
0x34: {  	[smem:$0x3FB8] =	sst s10  }
0x35: {  	s10 =	sld [smem:$0x3FB7];
	_ =	sdelay $0x3  }
0x36: {  	p1 =	seq.s32 s10, $0x1;
	s10 =	sld [smem:$0x3FB8];
	_ =	sdelay $0x3  }
0x37: {  	[smem:$0x3FB8] =	sst s10  }
0x38: {  	s10 =	sld [smem:$0x3FB9]  }
0x39: {  	_ = 	snop;
	(pc) =	sbr.ind lr, $3  }
0x3a: {  	_ = 	snop  }
0x3b: {  	_ = 	snop  }
0x3c: {  	p2 =	seq.s32 s10, $0x1;
	s10 =	sld [smem:$0x3FB8]  }
0x3d: {  	_ =	shalt  }
0x3e: {  	_ =	shalt  }
0x3f: {  	_ =	shalt  }
0x40: {  	_ =	shalt  }
0x41: {  	_ =	shalt  }
0x42: {  	_ =	shalt  }
0x43: {  	_ =	shalt  }
0x44: {  	_ =	shalt  }
0x45: {  	_ =	shalt  }
0x46: {  	_ =	shalt  }
0x47: {  	_ =	shalt  }
0x48: {  	_ =	shalt  }
0x49: {  	_ =	shalt  }
0x4a: {  	_ =	shalt  }
0x4b: {  	_ =	shalt  }
0x4c: {  	_ =	shalt  }
0x4d: {  	_ =	shalt  }
0x4e: {  	_ =	shalt  }
0x4f: {  	_ =	shalt  }
0x50: {  	_ =	shalt  }
0x51: {  	_ =	shalt  }
0x52: {  	_ =	shalt  }
0x53: {  	_ =	shalt  }
0x54: {  	_ =	shalt  }
0x55: {  	_ =	shalt  }
0x56: {  	_ =	shalt  }
0x57: {  	_ =	shalt  }
0x58: {  	_ =	shalt  }
0x59: {  	_ =	shalt  }
0x5a: {  	_ =	shalt  }
0x5b: {  	_ =	shalt  }
0x5c: {  	_ =	shalt  }
0x5d: {  	_ =	shalt  }
0x5e: {  	_ =	shalt  }
0x5f: {  	_ =	shalt  }
0x60: {  	_ =	shalt  }
0x61: {  	_ =	shalt  }
0x62: {  	_ =	shalt  }
0x63: {  	_ =	shalt  }
0x64: {  	_ =	shalt  }
0x65: {  	_ =	shalt  }
0x66: {  	_ =	shalt  }
0x67: {  	_ =	shalt  }
0x68: {  	_ =	shalt  }
0x69: {  	_ =	shalt  }
0x6a: {  	_ =	shalt  }
0x6b: {  	_ =	shalt  }
0x6c: {  	_ =	shalt  }
0x6d: {  	_ =	shalt  }
0x6e: {  	_ =	shalt  }
0x6f: {  	_ =	shalt  }
0x70: {  	_ =	shalt  }
0x71: {  	_ =	shalt  }
0x72: {  	_ =	shalt  }
0x73: {  	_ =	shalt  }
0x74: {  	_ =	shalt  }
0x75: {  	_ =	shalt  }
0x76: {  	_ =	shalt  }
0x77: {  	_ =	shalt  }
0x78: {  	_ =	shalt  }
0x79: {  	_ =	shalt  }
0x7a: {  	_ =	shalt  }
0x7b: {  	_ =	shalt  }
0x7c: {  	_ =	shalt  }
0x7d: {  	_ =	shalt  }
0x7e: {  	_ =	shalt  }
0x7f: {  	_ =	shalt  }
0x80: {  	_ =	shalt  }
0x81: {  	_ =	shalt  }
0x82: {  	_ =	shalt  }
0x83: {  	_ =	shalt  }
0x84: {  	_ =	shalt  }
0x85: {  	_ =	shalt  }
0x86: {  	_ =	shalt  }
0x87: {  	_ =	shalt  }
.Lfunc_end0:
.L_simem_size_0:
called_computation.1_lowered:
.L_overlay_start_0:
0x88: {  	s2 =	sld [smem:$0x3FD9]  }
0x89: {  	s3 =	sld [smem:$0x3FFE];
	_ =	sdelay $0x1  }
0x8a: {  	s1 =	srdreg.scid  }
0x8b: {  	s0 =	sand.u32 $0x1, s1  }
0x8c: {  	s14 =	sshll.u32 s0, $0xA;
	s2 =	sadd.s32 s3, s2  }
0x8d: {  	s2 =	sadd.s32 s2, s14  }
0x8e: {  	[smem:$0x3FC4] =	sst s2  }
0x8f: {  	_ = 	snop  }
0x90: {  	s2 =	sld [smem:$0x3FD0];
	_ =	sdelay $0x1  }
0x91: {  	s15 =	sld [smem:$0x3FC9]  }
0x92: {  	s5 =	simm.s32 $0xA;
	s6 =	simm.s32 $0x10;
	s4 =	sld [smem:$0x3FC8]  }
0x93: {  	[smem:s6], [sflag:s5] =	dma.local [hbm:s2], $0x1  }
0x94: {  	_ =	swait.eq [sflag:s5], $0x1  }
0x95: {  	[sflag:s5] =	ssyncset.done $0x0  }
0x96: {  	s16 =	sld [smem:$0x10];
	[sflag:s5] =	ssyncadd.s32 $0xFFFFFFFF  }
0x97: {  	s17 =	sld [smem:$0x11];
	(tm) =	ssettm $0x1  }
0x98: {  	s18 =	sld [smem:$0x3FFB];
	_ =	sdelay $0x3  }
0x99: {  	_ =	strace s18  }
0x9a: {  	s6 =	sld [smem:$0x3FFC];
	_ =	sdelay $0x3  }
0x9b: {  	_ =	strace s6  }
0x9c: {  	s6 =	sld [smem:$0x3FFD];
	_ =	sdelay $0x3  }
0x9d: {  	_ =	strace s6  }
0x9e: {  	_ =	strace $0x8FFFFFFF  }
0x9f: {  	s19 =	sld [smem:$0x3FDB];
	_ =	sdelay $0x1  }
0xa0: {  	s7 =	simm.s32 $_scs_section_size  }
0xa1: {  	s8 =	simm.s32 $_size__tile_overlayer_lowered;
	s9 =	simm.s32 $_tile_overlayer_lowered  }
0xa2: {  	s22 =	simm.s32 $0x1BFF;
	s21 =	sshll.u32 s9, $0x1;
	s6 =	sadd.s32 s7, s19  }
0xa3: {  	s10 =	simm.s32 $0x0;
	s20 =	sshll.u32 s8, $0x1;
	s8 =	sadd.s32 s21, s6  }
0xa4: {  	[timem:s10], [sflag:s22] =	dma.local [hbm:s8], s20  }
0xa5: {  	_ =	swait.ge [sflag:s22], s20  }
0xa6: {  	s7 =	ssub.s32 $0x0, s20;
	[sflag:s22] =	ssyncset.done $0x0  }
0xa7: {  	[sflag:s22] =	ssyncadd.s32 s7;
	_ =	sdelay $0x1  }
0xa8: {  	s23 =	simm.s32 $0x1B8B  }
0xa9: {  	_ =	swait.ge [sflag:s23], $0x1  }
0xaa: {  	[sflag:s23] =	ssyncset.done $0x0  }
0xab: {  	s25 =	simm.s32 $0x1B8E;
	s24 =	sld [smem:$0x3FFE];
	[sflag:s23] =	ssyncadd.s32 $0xFFFFFFFF  }
0xac: {  	s26 =	simm.s32 $execute0_lowered;
	[smem:$0x3FD2] =	sst s25  }
0xad: {  	s8 =	sshll.u32 s26, $0x1;
	_ =	strace $0x80000049;
	[dreg:$0x1] =	wrdreg $0xFFFFFFFF  }
0xae: {  	s28 =	simm.s32 $_size_execute0_lowered;
	s6 =	sadd.s32 s6, s8;
	[dreg:$0x0] =	wrdreg $0x0  }
0xaf: {  	s8 =	sshll.u32 s28, $0x1;
	[dreg:$0x2] =	wrdreg s6  }
0xb0: {  	[dreg:$0x3] =	wrdreg s8  }
0xb1: {  	[dreg:$0x4] =	wrdreg $0xC0  }
0xb2: {  	_ =	task [dreg:s10], $0x5FFFF  }
0xb3: {  	[dreg:$0x1] =	wrdreg $0xFFFFFFFF  }
0xb4: {  	[dreg:$0x0] =	wrdreg $0x60  }
0xb5: {  	[dreg:$0x2] =	wrdreg s24  }
0xb6: {  	[dreg:$0x3] =	wrdreg s15  }
0xb7: {  	[dreg:$0x4] =	wrdreg s4  }
0xb8: {  	[dreg:$0x5] =	wrdreg s16  }
0xb9: {  	[dreg:$0x6] =	wrdreg s17  }
0xba: {  	[dreg:$0x7] =	wrdreg $0x9  }
0xbb: {  	_ =	task.clear_ibuf [dreg:s10], $0x8FFFF;
	_ =	strace $0x90000049  }
0xbc: {  	s29 =	simm.s32 $0x9;
	_ =	strace $0x8000004B  }
0xbd: {  	_ =	swait.ge [sflag:s29], $0x1  }
0xbe: {  	[sflag:s29] =	ssyncadd.s32 $0xFFFFFFFF  }
0xbf: {  	_ =	strace $0x9000004B  }
0xc0: {  	_ =	sfence  }
0xc1: {  	s30 =	sld [smem:$0x0];
	_ =	sdelay $0x2  }
0xc2: {  	s31 =	sshll.u32 s1, $0xD;
	s1 =	sshrl.u32 s1, $0x2  }
0xc3: {  	s3 =	sand.u32 $0x4000, s31;
	s1 =	sadd.s32 s1, s30  }
0xc4: {  	s0 =	sor.u32 s3, s0;
	s1 =	sshll.u32 s1, $0x11  }
0xc5: {  	s0 =	sor.u32 s1, s0  }
0xc6: {  	s0 =	sadd.s32 $0x8F2B, s0  }
0xc7: {  	[sflag:s0] =	ssyncadd.remote.s32 $0x1  }
0xc8: {  	_ =	sfence.sel $0xFFFF  }
0xc9: {  	[dreg:$0x0] =	wrdreg $0xFFFFFFFF;
	(pc) =	sbr.abs _section_cstart, $3  }
0xca: {  	[dreg:$0x1] =	wrdreg $0xFFFFFFFF  }
0xcb: {  	_ =	task.clear_ibuf [dreg:s10], $0x2FFFF;
	_ =	strace $0x9FFFFFFF  }
0xcc: {  	(tm) =	ssettm $0x7FFFFFFF  }
0xcd: {  	_ =	shalt  }
tec
execute0_lowered:
.L_overlay_start_1:
0x0: {  	(tag) =	ssettag $0x1  }
0x1: {  	s0 =	rddreg [dreg:$0x0]  }
0x2: {  	s1 =	rddreg [dreg:$0x1];
	s3 =	srdreg.scid  }
0x3: {  	s2 =	rddreg [dreg:$0x2];
	s6 =	stileid.u32;
	s3 =	sand.u32 $0x1, s3  }
0x4: {  	s5 =	rddreg [dreg:$0x3];
	s6 =	sshll.u32 s6, $0x7;
	s4 =	sshll.u32 s3, $0xB  }
0x5: {  	s7 =	rddreg [dreg:$0x4];
	s6 =	sor.u32 s6, s4;
	s4 =	simm.s32 $0x0  }
0x6: {  	s21 =	sadd.s32 $0x100, s1;
	s23 =	sadd.s32 $0x200, s1;
	[smem:$0x7FF] =	sst s4  }
0x7: {  	s1 =	sadd.s32 $0x300, s1;
	_ =	strace $0x8000004A;
	[dreg:$0x18] =	wrdreg s21  }
0x8: {  	s8 =	sshll.u32 s6, $0x4;
	s6 =	sshll.u32 s6, $0x7;
	[dreg:$0x19] =	wrdreg s23  }
0x9: {  	s0 =	sadd.s32 s8, s0;
	s10 =	sadd.s32 s5, s6;
	[dreg:$0x1a] =	wrdreg s1  }
0xa: {  	s11 =	sor.u32 $0x1000, s6;
	s0 =	sadd.s32 $0x1600, s0;
	[dreg:$0x7] =	wrdreg s10  }
0xb: {  	s9 =	sor.u32 $0x2000, s6;
	s12 =	sadd.s32 s5, s11;
	[dreg:$0x6] =	wrdreg s0  }
0xc: {  	s13 =	sadd.s32 s5, s9;
	[dreg:$0x8] =	wrdreg s12  }
0xd: {  	vm0 =	vcmask $0x300;
	s15 =	sadd.s32 s7, s11;
	[dreg:$0x9] =	wrdreg s13  }
0xe: {  	v14 =	vimm.s32 $0x0;
	vm1 =	vcmask $0x704;
	vm2 =	vcmask $0xB08;
	s10 =	sor.u32 $0x3000, s6;
	s16 =	sadd.s32 s7, s9;
	[dreg:$0xb] =	wrdreg s15  }
0xf: {  	v15 =	vimm.s32 $0xFFFFFFFF;
	v18 =	vlaneseq.u32;
	v0 =	vsel vm0, $0xFFFFFFFF, v14;
	s14 =	sadd.s32 s5, s10;
	[dreg:$0xc] =	wrdreg s16  }
0x10: {  	v1 =	vsel vm1, $0xFFFFFFFF, v14;
	v2 =	vsel vm2, $0xFFFFFFFF, v14;
	vm0 =	vcmask $0xF0C;
	s17 =	sadd.s32 s7, s10;
	[dreg:$0xa] =	wrdreg s14  }
0x11: {  	vm1 =	vcmask $0x1310;
	vm2 =	vcmask $0x1714;
	v16 =	vand.u32 $0x7, v18;
	s12 =	sadd.s32 s7, s6;
	[dreg:$0xd] =	wrdreg s17  }
0x12: {  	v17 =	vshrl.u32 v18, $0x3;
	v18 =	vor.u32 $0x8, v18;
	v3 =	vsel vm0, $0xFFFFFFFF, v14;
	s19 =	sadd.s32 $0x80000, s12;
	[dreg:$0x16] =	wrdreg s12  }
0x13: {  	s28 =	simm.s32 $0x1;
	v4 =	vsel vm1, $0xFFFFFFFF, v14;
	v5 =	vsel vm2, $0xFFFFFFFF, v14;
	vm0 =	vcmask $0x1B18;
	s20 =	sadd.s32 $0x81000, s12;
	[dreg:$0xe] =	wrdreg s19  }
0x14: {  	s29 =	simm.s32 $0x3;
	vm1 =	vcmask $0x1F1C;
	vm2 =	vcmask $0x2320;
	v17 =	vmul.u32 $0x8, v17;
	s22 =	sadd.s32 $0x82000, s12;
	[dreg:$0xf] =	wrdreg s20  }
0x15: {  	s3 =	ssub.s32 $0x2, s3;
	v6 =	vsel vm0, $0xFFFFFFFF, v14;
	v7 =	vsel vm1, $0xFFFFFFFF, v14;
	v8 =	vsel vm2, $0xFFFFFFFF, v14;
	s24 =	sadd.s32 $0x83000, s12;
	[dreg:$0x10] =	wrdreg s22  }
0x16: {  	s18 =	sshrl.u32 s3, $0x1;
	vm0 =	vcmask $0x2724;
	vm1 =	vcmask $0x2B28;
	vm2 =	vcmask $0x2F2C;
	s25 =	sadd.s32 $0x100000, s12;
	[dreg:$0x11] =	wrdreg s24  }
0x17: {  	s3 =	ssub.s32 s3, s18;
	v9 =	vsel vm0, $0xFFFFFFFF, v14;
	v10 =	vsel vm1, $0xFFFFFFFF, v14;
	v11 =	vsel vm2, $0xFFFFFFFF, v14;
	s26 =	sadd.s32 $0x101000, s12;
	[dreg:$0x12] =	wrdreg s25  }
0x18: {  	vm0 =	vcmask $0x3330;
	vm1 =	vcmask $0x3734;
	vm2 =	vcmask $0x3B38;
	s9 =	sadd.s32 $0x100, s2;
	s30 =	sadd.s32 $0x102000, s12;
	[dreg:$0x13] =	wrdreg s26  }
0x19: {  	v12 =	vsel vm0, $0xFFFFFFFF, v14;
	v13 =	vsel vm1, $0xFFFFFFFF, v14;
	vm0 =	vcmask $0x3B00;
	s11 =	sadd.s32 $0x300, s2;
	s31 =	sadd.s32 $0x103000, s12;
	[dreg:$0x14] =	wrdreg s30  }
0x1a: {  	v14 =	vsel vm2, $0xFFFFFFFF, v14;
	v15 =	vsel vm0, $0x0, v15;
	vm0 =	vmmov $0xffff;
	s10 =	sadd.s32 $0x200, s2;
	s0 =	smax.u32 s3, $0x1;
	[dreg:$0x15] =	wrdreg s31  }
.LBB2_1:
0x1b: {  	[dreg:$0x17] =	wrdreg s0  }
0x1c: {  	s3 =	rddreg [dreg:$0x6];
	s7 =	simm.s32 $0x5  }
0x1d: {  	[tilespmem:s4], [sflag:$0x5] =	stream.linear.gather [hbm4b:s3+s4], $0x4000, $0x38;
	[tilespmem:$0x14280] =	vst v63  }
0x1e: {  	_ =	swait.ge [sflag:s7], $0x4000  }
0x1f: {  	[sflag:s7] =	ssyncset.done $0x0  }
0x20: {  	[sflag:s7] =	ssyncadd.s32 $0xFFFFC000  }
0x21: {  	v19 =	vld [tilespmem:$0x0]  }
0x22: {  	v20 =	vld [tilespmem:$0x80]  }
0x23: {  	v21 =	vld [tilespmem:$0x100]  }
0x24: {  	v22 =	vld [tilespmem:$0x180]  }
0x25: {  	v23 =	vld [tilespmem:$0x200]  }
0x26: {  	v24 =	vld [tilespmem:$0x280]  }
0x27: {  	v25 =	vld [tilespmem:$0x300]  }
0x28: {  	v26 =	vld [tilespmem:$0x380]  }
0x29: {  	v27 =	vld [tilespmem:$0x400]  }
0x2a: {  	v28 =	vld [tilespmem:$0x480]  }
0x2b: {  	v29 =	vld [tilespmem:$0x500]  }
0x2c: {  	v30 =	vld [tilespmem:$0x580]  }
0x2d: {  	v31 =	vld [tilespmem:$0x600]  }
0x2e: {  	v32 =	vld [tilespmem:$0x680]  }
0x2f: {  	v33 =	vld [tilespmem:$0x700]  }
0x30: {  	v34 =	vld [tilespmem:$0x780]  }
0x31: {  	v35 =	vld [tilespmem:$0x800]  }
0x32: {  	v36 =	vld [tilespmem:$0x880]  }
0x33: {  	v37 =	vld [tilespmem:$0x900]  }
0x34: {  	v38 =	vld [tilespmem:$0x980]  }
0x35: {  	v39 =	vld [tilespmem:$0xA00]  }
0x36: {  	v40 =	vld [tilespmem:$0xA80]  }
0x37: {  	v41 =	vld [tilespmem:$0xB00]  }
0x38: {  	v42 =	vld [tilespmem:$0xB80]  }
0x39: {  	v43 =	vld [tilespmem:$0xC00]  }
0x3a: {  	v44 =	vld [tilespmem:$0xC80]  }
0x3b: {  	v45 =	vld [tilespmem:$0xD00]  }
0x3c: {  	v56 =	vld [tilespmem:$0x1000]  }
0x3d: {  	v57 =	vld [tilespmem:$0x1080]  }
0x3e: {  	v58 =	vld [tilespmem:$0x1100]  }
0x3f: {  	v59 =	vld [tilespmem:$0x1180]  }
0x40: {  	v46 =	vld [tilespmem:$0x1300]  }
0x41: {  	v62 =	vld [tilespmem:$0x1380]  }
0x42: {  	v49 =	vld [tilespmem:$0x1580]  }
0x43: {  	v51 =	vld [tilespmem:$0x1600]  }
0x44: {  	v53 =	vld [tilespmem:$0x1680]  }
0x45: {  	v54 =	vld [tilespmem:$0x1700];
	v19 =	vand.u32 v0, v19;
	v20 =	vand.u32 v1, v20;
	v31 =	vand.u32 v12, v31  }
0x46: {  	v35 =	vand.u32 v0, v35;
	v36 =	vand.u32 v1, v36;
	v61 =	vand.u32 v2, v37;
	v37 =	vld [tilespmem:$0x1400]  }
0x47: {  	v32 =	vand.u32 v13, v32;
	v63 =	vand.u32 v3, v38;
	v39 =	vand.u32 v4, v39;
	v38 =	vld [tilespmem:$0x1500]  }
0x48: {  	v33 =	vand.u32 v14, v33;
	v47 =	vand.u32 v5, v40;
	v48 =	vand.u32 v6, v41;
	v40 =	vld [tilespmem:$0x1980]  }
0x49: {  	v34 =	vand.u32 v15, v34;
	v19 =	vadd.s32 v19, v20;
	v20 =	vand.u32 v2, v21;
	v21 =	vld [tilespmem:$0xD80]  }
0x4a: {  	v60 =	vadd.s32 v35, v36;
	v35 =	vld [tilespmem:$0x1480];
	v19 =	vadd.s32 v20, v19;
	v20 =	vand.u32 v3, v22  }
0x4b: {  	v50 =	vand.u32 v7, v42;
	v36 =	vld [tilespmem:$0x1A80];
	v19 =	vadd.s32 v20, v19;
	v20 =	vand.u32 v4, v23  }
0x4c: {  	v52 =	vand.u32 v8, v43;
	v22 =	vld [tilespmem:$0xE00];
	v19 =	vadd.s32 v20, v19;
	v20 =	vand.u32 v5, v24  }
0x4d: {  	v55 =	vand.u32 v9, v44;
	v23 =	vld [tilespmem:$0xE80];
	v19 =	vadd.s32 v20, v19;
	v20 =	vand.u32 v6, v25  }
0x4e: {  	v62 =	vand.u32 v7, v62;
	v49 =	vand.u32 v11, v49;
	v24 =	vld [tilespmem:$0xF00];
	v19 =	vadd.s32 v20, v19  }
0x4f: {  	v25 =	vld [tilespmem:$0xF80];
	v20 =	vand.u32 v7, v26;
	v26 =	vand.u32 v0, v56;
	v56 =	vand.u32 v2, v58  }
0x50: {  	v19 =	vadd.s32 v20, v19;
	v20 =	vand.u32 v8, v27;
	v27 =	vand.u32 v1, v57;
	v57 =	vld [tilespmem:$0x1780]  }
0x51: {  	v19 =	vadd.s32 v20, v19;
	v20 =	vand.u32 v9, v28;
	v26 =	vadd.s32 v26, v27;
	v27 =	vld [tilespmem:$0x1900]  }
0x52: {  	v58 =	vand.u32 v3, v59;
	v19 =	vadd.s32 v20, v19;
	v20 =	vand.u32 v10, v29;
	v29 =	vld [tilespmem:$0x1800]  }
0x53: {  	v59 =	vand.u32 v10, v45;
	v19 =	vadd.s32 v20, v19;
	v20 =	vand.u32 v11, v30;
	v30 =	vld [tilespmem:$0x1200]  }
0x54: {  	v21 =	vand.u32 v11, v21;
	v22 =	vand.u32 v12, v22;
	v19 =	vadd.s32 v20, v19;
	v20 =	vld [tilespmem:$0x1280]  }
0x55: {  	v26 =	vadd.s32 v56, v26;
	v56 =	vld [tilespmem:$0x2100];
	v19 =	vadd.s32 v31, v19;
	v31 =	vadd.s32 v61, v60  }
0x56: {  	v26 =	vadd.s32 v58, v26;
	v58 =	vld [tilespmem:$0x2200];
	v61 =	vand.u32 v6, v46;
	v31 =	vadd.s32 v63, v31  }
0x57: {  	v46 =	vand.u32 v8, v37;
	v19 =	vadd.s32 v32, v19;
	v63 =	vld [tilespmem:$0x1A00];
	v31 =	vadd.s32 v39, v31  }
0x58: {  	v32 =	vld [tilespmem:$0x1D80];
	v19 =	vadd.s32 v33, v19;
	v31 =	vadd.s32 v47, v31;
	v60 =	vand.u32 v4, v30  }
0x59: {  	v33 =	vld [tilespmem:$0x1C80];
	v47 =	vand.u32 v9, v35;
	v26 =	vadd.s32 v60, v26;
	v20 =	vand.u32 v5, v20  }
0x5a: {  	v30 =	vld [tilespmem:$0x1880];
	v31 =	vadd.s32 v48, v31;
	v48 =	vand.u32 v10, v38;
	v20 =	vadd.s32 v20, v26  }
0x5b: {  	v35 =	vld [tilespmem:$0x1B80];
	v31 =	vadd.s32 v50, v31;
	v50 =	vand.u32 v12, v51;
	v20 =	vadd.s32 v61, v20  }
0x5c: {  	v26 =	vld [tilespmem:$0x1B00];
	v51 =	vand.u32 v13, v53;
	v31 =	vadd.s32 v52, v31;
	v20 =	vadd.s32 v62, v20  }
0x5d: {  	v53 =	vand.u32 v15, v57;
	v57 =	vld [tilespmem:$0x2180];
	v31 =	vadd.s32 v55, v31;
	v20 =	vadd.s32 v46, v20  }
0x5e: {  	v52 =	vand.u32 v14, v54;
	v54 =	vld [tilespmem:$0x2000];
	v31 =	vadd.s32 v59, v31;
	v20 =	vadd.s32 v47, v20  }
0x5f: {  	v23 =	vand.u32 v13, v23;
	v55 =	vld [tilespmem:$0x2080];
	v21 =	vadd.s32 v21, v31;
	v20 =	vadd.s32 v48, v20  }
0x60: {  	v24 =	vand.u32 v14, v24;
	v21 =	vadd.s32 v22, v21;
	v22 =	vld [tilespmem:$0x1F80];
	v20 =	vadd.s32 v49, v20  }
0x61: {  	v25 =	vand.u32 v15, v25;
	v21 =	vadd.s32 v23, v21;
	v23 =	vld [tilespmem:$0x1C00];
	v20 =	vadd.s32 v50, v20  }
0x62: {  	v19 =	vadd.s32 v34, v19;
	v21 =	vadd.s32 v24, v21;
	v24 =	vld [tilespmem:$0x1D00];
	v20 =	vadd.s32 v51, v20  }
0x63: {  	[tilespmem:$0x4000] =	vst v19;
	v21 =	vadd.s32 v25, v21;
	v25 =	vld [tilespmem:$0x1E00];
	v20 =	vadd.s32 v52, v20  }
0x64: {  	[tilespmem:$0x4010] =	vst v21;
	v21 =	vld [tilespmem:$0x1E80];
	v20 =	vadd.s32 v53, v20  }
0x65: {  	[tilespmem:$0x4020] =	vst v20;
	v20 =	vld [tilespmem:$0x1F00]  }
0x66: {  	v59 =	vld [tilespmem:$0x2280]  }
0x67: {  	v60 =	vld [tilespmem:$0x2300]  }
0x68: {  	v61 =	vld [tilespmem:$0x2380]  }
0x69: {  	v44 =	vld [tilespmem:$0x2400]  }
0x6a: {  	v45 =	vld [tilespmem:$0x2480]  }
0x6b: {  	v46 =	vld [tilespmem:$0x2500]  }
0x6c: {  	v47 =	vld [tilespmem:$0x2580]  }
0x6d: {  	v48 =	vld [tilespmem:$0x2600]  }
0x6e: {  	v49 =	vld [tilespmem:$0x2680]  }
0x6f: {  	v29 =	vand.u32 v0, v29;
	v30 =	vand.u32 v1, v30;
	v50 =	vld [tilespmem:$0x2700]  }
0x70: {  	v29 =	vadd.s32 v29, v30;
	v30 =	vld [tilespmem:$0x2780]  }
0x71: {  	v27 =	vand.u32 v2, v27;
	v62 =	vand.u32 v3, v40;
	v40 =	vld [tilespmem:$0x2800]  }
0x72: {  	v27 =	vadd.s32 v27, v29;
	v31 =	vld [tilespmem:$0x2880]  }
0x73: {  	v63 =	vand.u32 v4, v63;
	v27 =	vadd.s32 v62, v27;
	v51 =	vand.u32 v5, v36;
	v36 =	vld [tilespmem:$0x2900]  }
0x74: {  	v27 =	vadd.s32 v63, v27;
	v29 =	vld [tilespmem:$0x2980]  }
0x75: {  	v26 =	vand.u32 v6, v26;
	v27 =	vadd.s32 v51, v27;
	v52 =	vand.u32 v7, v35;
	v35 =	vld [tilespmem:$0x2A00]  }
0x76: {  	v26 =	vadd.s32 v26, v27;
	v27 =	vld [tilespmem:$0x2A80]  }
0x77: {  	v53 =	vand.u32 v9, v33;
	v26 =	vadd.s32 v52, v26;
	v23 =	vand.u32 v8, v23;
	v33 =	vld [tilespmem:$0x2B00]  }
0x78: {  	v23 =	vadd.s32 v23, v26;
	v26 =	vld [tilespmem:$0x2B80]  }
0x79: {  	v28 =	vand.u32 v0, v54;
	v34 =	vand.u32 v1, v55;
	v51 =	vld [tilespmem:$0x2C00]  }
0x7a: {  	v32 =	vand.u32 v11, v32;
	v54 =	vadd.s32 v28, v34;
	v34 =	vld [tilespmem:$0x2C80]  }
0x7b: {  	v55 =	vand.u32 v2, v56;
	v56 =	vand.u32 v3, v57;
	v57 =	vand.u32 v4, v58;
	v37 =	vld [tilespmem:$0x2D00]  }
0x7c: {  	v22 =	vand.u32 v15, v22;
	v24 =	vand.u32 v10, v24;
	v38 =	vld [tilespmem:$0x2E00];
	v23 =	vadd.s32 v53, v23  }
0x7d: {  	v28 =	vld [tilespmem:$0x2E80];
	v25 =	vand.u32 v12, v25;
	v23 =	vadd.s32 v24, v23;
	v24 =	vadd.s32 v55, v54  }
0x7e: {  	v39 =	vld [tilespmem:$0x2F00];
	v21 =	vand.u32 v13, v21;
	v23 =	vadd.s32 v32, v23;
	v24 =	vadd.s32 v56, v24  }
0x7f: {  	v41 =	vld [tilespmem:$0x3000];
	v24 =	vadd.s32 v57, v24;
	v23 =	vadd.s32 v25, v23;
	v20 =	vand.u32 v14, v20  }
0x80: {  	v52 =	vld [tilespmem:$0x3100];
	v58 =	vand.u32 v5, v59;
	v59 =	vand.u32 v6, v60;
	v60 =	vand.u32 v7, v61  }
0x81: {  	v42 =	vld [tilespmem:$0x3B00];
	v21 =	vadd.s32 v21, v23;
	v62 =	vand.u32 v8, v44;
	v63 =	vand.u32 v9, v45  }
0x82: {  	v55 =	vld [tilespmem:$0x3180];
	v45 =	vand.u32 v10, v46;
	v46 =	vand.u32 v0, v40;
	v31 =	vand.u32 v1, v31  }
0x83: {  	v32 =	vld [tilespmem:$0x2D80];
	v53 =	vand.u32 v11, v47;
	v54 =	vand.u32 v2, v36;
	v29 =	vand.u32 v3, v29  }
0x84: {  	v56 =	vld [tilespmem:$0x3200];
	v57 =	vand.u32 v12, v48;
	v27 =	vand.u32 v5, v27;
	v26 =	vand.u32 v7, v26  }
0x85: {  	v25 =	vld [tilespmem:$0x2F80];
	v47 =	vand.u32 v10, v37;
	v30 =	vand.u32 v15, v30;
	v52 =	vand.u32 v2, v52  }
0x86: {  	v37 =	vld [tilespmem:$0x3580];
	v28 =	vand.u32 v13, v28;
	v24 =	vadd.s32 v58, v24;
	v20 =	vadd.s32 v20, v21  }
0x87: {  	v58 =	vand.u32 v4, v35;
	v24 =	vadd.s32 v59, v24;
	v59 =	vld [tilespmem:$0x3280];
	v20 =	vadd.s32 v22, v20  }
0x88: {  	v61 =	vadd.s32 v60, v24;
	v24 =	vld [tilespmem:$0x3080];
	v60 =	vand.u32 v13, v49;
	v48 =	vand.u32 v11, v32  }
0x89: {  	v32 =	vld [tilespmem:$0x3600];
	v23 =	vadd.s32 v62, v61;
	v61 =	vand.u32 v6, v33;
	v62 =	vand.u32 v14, v50  }
0x8a: {  	v33 =	vld [tilespmem:$0x3380];
	v50 =	vand.u32 v12, v38;
	v25 =	vand.u32 v15, v25;
	v44 =	vadd.s32 v63, v23  }
0x8b: {  	[tilespmem:$0x4030] =	vst v20;
	v38 =	vld [tilespmem:$0x3700];
	v23 =	vadd.s32 v46, v31;
	v63 =	vand.u32 v8, v51;
	v46 =	vand.u32 v9, v34  }
0x8c: {  	v43 =	vld [tilespmem:$0x4030];
	v51 =	vand.u32 v0, v41;
	v21 =	vadd.s32 v45, v44;
	v23 =	vadd.s32 v54, v23  }
0x8d: {  	v34 =	vld [tilespmem:$0x3500];
	v21 =	vadd.s32 v53, v21;
	v23 =	vadd.s32 v29, v23;
	v53 =	vand.u32 v3, v55  }
0x8e: {  	v45 =	vld [tilespmem:$0x3480];
	v55 =	vand.u32 v4, v56;
	v21 =	vadd.s32 v57, v21;
	v23 =	vadd.s32 v58, v23  }
0x8f: {  	v54 =	vld [tilespmem:$0x3800];
	v24 =	vand.u32 v1, v24;
	v57 =	vand.u32 v14, v39;
	v23 =	vadd.s32 v27, v23  }
0x90: {  	v29 =	vld [tilespmem:$0x3300];
	v58 =	vand.u32 v5, v59;
	v32 =	vand.u32 v12, v32;
	v23 =	vadd.s32 v61, v23  }
0x91: {  	v56 =	vld [tilespmem:$0x3880];
	v21 =	vadd.s32 v60, v21;
	v24 =	vadd.s32 v51, v24;
	v23 =	vadd.s32 v26, v23  }
0x92: {  	v59 =	vld [tilespmem:$0x3900];
	v35 =	vand.u32 v14, v38;
	v21 =	vadd.s32 v62, v21;
	v23 =	vadd.s32 v63, v23  }
0x93: {  	v39 =	vld [tilespmem:$0x3A80];
	v24 =	vadd.s32 v52, v24;
	v62 =	vand.u32 v7, v33;
	v23 =	vadd.s32 v46, v23  }
0x94: {  	v27 =	vld [tilespmem:$0x3400];
	v21 =	vadd.s32 v30, v21;
	v24 =	vadd.s32 v53, v24;
	v23 =	vadd.s32 v47, v23  }
0x95: {  	v61 =	vld [tilespmem:$0x3980];
	v40 =	vand.u32 v0, v54;
	v44 =	vand.u32 v9, v45;
	v49 =	vadd.s32 v48, v23  }
0x96: {  	v53 =	vand.u32 v11, v37;
	v54 =	vand.u32 v6, v42;
	v63 =	vld [tilespmem:$0x3A00];
	v22 =	vadd.s32 v50, v49  }
0x97: {  	v51 =	vld [tilespmem:$0x3C80];
	v24 =	vadd.s32 v55, v24;
	v60 =	vand.u32 v6, v29;
	v22 =	vadd.s32 v28, v22  }
0x98: {  	v52 =	vld [tilespmem:$0x3D00];
	v41 =	vand.u32 v1, v56;
	v24 =	vadd.s32 v58, v24;
	v22 =	vadd.s32 v57, v22  }
0x99: {  	v45 =	vand.u32 v2, v59;
	v46 =	vld [tilespmem:$0x3B80];
	v22 =	vadd.s32 v25, v22;
	v25 =	vadd.s32 v40, v41  }
0x9a: {  	v26 =	vand.u32 v5, v39;
	v47 =	vand.u32 v3, v61;
	v48 =	vld [tilespmem:$0x3C00];
	v25 =	vadd.s32 v45, v25  }
0x9b: {  	v30 =	vld [tilespmem:$0x3780];
	v24 =	vadd.s32 v60, v24;
	v50 =	vand.u32 v4, v63;
	v25 =	vadd.s32 v47, v25  }
0x9c: {  	v55 =	vld [tilespmem:$0x3D80];
	v33 =	vand.u32 v8, v27;
	v24 =	vadd.s32 v62, v24;
	v25 =	vadd.s32 v50, v25  }
0x9d: {  	v60 =	vand.u32 v9, v51;
	v23 =	vld [tilespmem:$0x3680];
	v24 =	vadd.s32 v33, v24;
	v25 =	vadd.s32 v26, v25  }
0x9e: {  	v49 =	vand.u32 v10, v34;
	v56 =	vand.u32 v7, v46;
	v57 =	vld [tilespmem:$0x3E00];
	v25 =	vadd.s32 v54, v25  }
0x9f: {  	v59 =	vld [tilespmem:$0x3E80];
	v24 =	vadd.s32 v44, v24;
	v58 =	vand.u32 v8, v48;
	v25 =	vadd.s32 v56, v25  }
0xa0: {  	v61 =	vld [tilespmem:$0x3F00];
	v62 =	vand.u32 v10, v52;
	v24 =	vadd.s32 v49, v24;
	v25 =	vadd.s32 v58, v25  }
0xa1: {  	v63 =	vld [tilespmem:$0x3F80];
	v34 =	vand.u32 v11, v55;
	v24 =	vadd.s32 v53, v24;
	v25 =	vadd.s32 v60, v25  }
0xa2: {  	v37 =	vld [tilespmem:$0x4010];
	v24 =	vadd.s32 v32, v24;
	v23 =	vand.u32 v13, v23;
	v32 =	vadd.s32 v62, v25  }
0xa3: {  	[tilespmem:$0x4040] =	vst v21;
	v51 =	vld [tilespmem:$0x4030];
	v23 =	vadd.s32 v23, v24;
	v36 =	vand.u32 v12, v57;
	v24 =	vadd.s32 v34, v32  }
0xa4: {  	[tilespmem:$0x4080] =	vst v19;
	v39 =	vand.u32 v13, v59;
	v46 =	vld [tilespmem:$0x4040];
	v41 =	vand.u32 v15, v30;
	v38 =	vadd.s32 v36, v24  }
0xa5: {  	[tilespmem:$0x40B0] =	vst v43;
	v40 =	vld [tilespmem:$0x4020];
	v42 =	vand.u32 v14, v61;
	v20 =	vadd.s32 v35, v23;
	v23 =	vadd.s32 v39, v38  }
0xa6: {  	[tilespmem:$0x4050] =	vst v22;
	v48 =	vld [tilespmem:$0x4000];
	v45 =	vand.u32 v15, v63;
	v20 =	vadd.s32 v41, v20;
	v44 =	vadd.s32 v42, v23  }
0xa7: {  	v47 =	vld [tilespmem:$0x4050];
	[tilespmem:$0x4060] =	vst v20;
	v20 =	vadd.s32 v45, v44  }
0xa8: {  	[tilespmem:$0x4070] =	vst v20;
	v20 =	vld [tilespmem:$0x4060]  }
0xa9: {  	[tilespmem:$0x4090] =	vst v37;
	v19 =	vld [tilespmem:$0x4070]  }
0xaa: {  	v49 =	vld [tilespmem:$0x4010];
	[tilespmem:$0x40C0] =	vst v46  }
0xab: {  	v50 =	vld [tilespmem:$0x4020];
	[tilespmem:$0x40A0] =	vst v40  }
0xac: {  	v52 =	vld [tilespmem:$0x4040];
	[tilespmem:$0x40D0] =	vst v47  }
0xad: {  	v55 =	vld [tilespmem:$0x4000];
	[tilespmem:$0x40E0] =	vst v20  }
0xae: {  	v20 =	vld [tilespmem:$0x4050];
	[tilespmem:$0x40F0] =	vst v19;
	v19 =	vadd.s32 $0x4000, v48  }
0xaf: {  	v53 =	vld [tilespmem:$0x4060];
	[tilespmem:$0x4100] =	vst v19;
	v19 =	vadd.s32 $0x4000, v49  }
0xb0: {  	v54 =	vld [tilespmem:$0x4070];
	[tilespmem:$0x4110] =	vst v19;
	v19 =	vadd.s32 $0x4000, v50  }
0xb1: {  	v56 =	vld [tilespmem:$0x4000];
	[tilespmem:$0x4120] =	vst v19;
	v19 =	vadd.s32 $0x4000, v51  }
0xb2: {  	v57 =	vld [tilespmem:$0x4010];
	[tilespmem:$0x4130] =	vst v19;
	v19 =	vadd.s32 $0x4000, v52  }
0xb3: {  	[tilespmem:$0x4140] =	vst v19;
	v19 =	vadd.s32 $0x4000, v20;
	v20 =	vld [tilespmem:$0x4020]  }
0xb4: {  	v58 =	vld [tilespmem:$0x4030];
	[tilespmem:$0x4150] =	vst v19;
	v19 =	vadd.s32 $0x4000, v53  }
0xb5: {  	v59 =	vld [tilespmem:$0x4040];
	v60 =	vshll.u32 v55, $0x3;
	[tilespmem:$0x4160] =	vst v19;
	v19 =	vadd.s32 $0x4000, v54  }
0xb6: {  	v61 =	vld [tilespmem:$0x4050];
	v25 =	vand.u32 $0x7, v55;
	v26 =	vand.u32 $0xFFFFFFC0, v60;
	[tilespmem:$0x4170] =	vst v19;
	v19 =	vadd.s32 $0x8000, v56  }
0xb7: {  	v62 =	vld [tilespmem:$0x4060];
	v25 =	vor.u32 v25, v26;
	[tilespmem:$0x4180] =	vst v19;
	v19 =	vadd.s32 $0x8000, v57  }
0xb8: {  	v26 =	vperm.xlane v25, v16;
	[tilespmem:$0x4190] =	vst v19;
	v19 =	vadd.s32 $0x8000, v20;
	v20 =	vld [tilespmem:$0x4070]  }
0xb9: {  	[tilespmem:$0x41A0] =	vst v19;
	v19 =	vadd.s32 $0x8000, v58  }
0xba: {  	v63 =	vadd.s32 v17, v26;
	[tilespmem:$0x41B0] =	vst v19;
	v19 =	vadd.s32 $0x8000, v59  }
0xbb: {  	[tilespmem:$0x41C0] =	vst v19;
	v19 =	vadd.s32 $0x8000, v61  }
0xbc: {  	[tilespmem:$0x41D0] =	vst v19;
	v19 =	vadd.s32 $0x8000, v62  }
0xbd: {  	[tilespmem:$0x41E0] =	vst v19;
	v19 =	vadd.s32 $0x8000, v20  }
0xbe: {  	s8 =	simm.s32 $0x4280;
	s14 =	rddreg [dreg:$0x1];
	[tilespmem:$0x41F0] =	vst v19  }
0xbf: {  	[tilespmem:s8], [sflag:$0x1] =	stream.indirect_vreg.gather [hbm4b:s14+s4], $0x80, v63, vm0, $0xb8;
	[tilespmem:$0x14280] =	vst v63  }
0xc0: {  	s12 =	simm.s32 $0x4A80;
	s22 =	rddreg [dreg:$0x18];
	v19 =	vperm.xlane v25, v18  }
0xc1: {  	[tilespmem:s12], [sflag:$0x1] =	stream.indirect_vreg.gather [hbm4b:s22+s4], $0x80, v63, vm0, $0xb8;
	[tilespmem:$0x14280] =	vst v63  }
0xc2: {  	s13 =	simm.s32 $0x5280;
	s8 =	rddreg [dreg:$0x19];
	v19 =	vadd.s32 v17, v19  }
0xc3: {  	[tilespmem:s13], [sflag:$0x1] =	stream.indirect_vreg.gather [hbm4b:s8+s4], $0x80, v63, vm0, $0xb8;
	[tilespmem:$0x14280] =	vst v63  }
0xc4: {  	s15 =	simm.s32 $0x5A80;
	s1 =	rddreg [dreg:$0x1a]  }
0xc5: {  	[tilespmem:s15], [sflag:$0x1] =	stream.indirect_vreg.gather [hbm4b:s1+s4], $0x80, v63, vm0, $0xb8;
	[tilespmem:$0x14280] =	vst v63  }
0xc6: {  	s16 =	simm.s32 $0x6280  }
0xc7: {  	[tilespmem:s16], [sflag:$0x1] =	stream.indirect_vreg.gather [hbm4b:s14+s4], $0x80, v19, vm0, $0xb8;
	[tilespmem:$0x14280] =	vst v63  }
0xc8: {  	s17 =	simm.s32 $0x6A80  }
0xc9: {  	[tilespmem:s17], [sflag:$0x1] =	stream.indirect_vreg.gather [hbm4b:s22+s4], $0x80, v19, vm0, $0xb8;
	[tilespmem:$0x14280] =	vst v63  }
0xca: {  	s18 =	simm.s32 $0x7280  }
0xcb: {  	[tilespmem:s18], [sflag:$0x1] =	stream.indirect_vreg.gather [hbm4b:s8+s4], $0x80, v19, vm0, $0xb8;
	[tilespmem:$0x14280] =	vst v63  }
0xcc: {  	s19 =	simm.s32 $0x7A80  }
0xcd: {  	[tilespmem:s19], [sflag:$0x1] =	stream.indirect_vreg.gather [hbm4b:s1+s4], $0x80, v19, vm0, $0xb8;
	[tilespmem:$0x14280] =	vst v63  }
0xce: {  	v19 =	vld [tilespmem:$0x4010];
	_ =	sdelay $0x4  }
0xcf: {  	v20 =	vshll.u32 v19, $0x3  }
0xd0: {  	v19 =	vand.u32 $0x7, v19;
	v20 =	vand.u32 $0xFFFFFFC0, v20  }
0xd1: {  	v19 =	vor.u32 v19, v20  }
0xd2: {  	v20 =	vperm.xlane v19, v16;
	_ =	sdelay $0x1  }
0xd3: {  	v20 =	vadd.s32 v17, v20;
	_ =	sdelay $0x3  }
0xd4: {  	s20 =	simm.s32 $0x8280  }
0xd5: {  	[tilespmem:s20], [sflag:$0x1] =	stream.indirect_vreg.gather [hbm4b:s14+s4], $0x80, v20, vm0, $0xb8;
	[tilespmem:$0x14280] =	vst v63  }
0xd6: {  	s21 =	simm.s32 $0x8A80;
	v19 =	vperm.xlane v19, v18  }
0xd7: {  	[tilespmem:s21], [sflag:$0x1] =	stream.indirect_vreg.gather [hbm4b:s22+s4], $0x80, v20, vm0, $0xb8;
	[tilespmem:$0x14280] =	vst v63  }
0xd8: {  	s24 =	simm.s32 $0x9280;
	v19 =	vadd.s32 v17, v19  }
0xd9: {  	[tilespmem:s24], [sflag:$0x1] =	stream.indirect_vreg.gather [hbm4b:s8+s4], $0x80, v20, vm0, $0xb8;
	[tilespmem:$0x14280] =	vst v63  }
0xda: {  	s25 =	simm.s32 $0x9A80  }
0xdb: {  	[tilespmem:s25], [sflag:$0x1] =	stream.indirect_vreg.gather [hbm4b:s1+s4], $0x80, v20, vm0, $0xb8;
	[tilespmem:$0x14280] =	vst v63  }
0xdc: {  	s30 =	simm.s32 $0xA280  }
0xdd: {  	[tilespmem:s30], [sflag:$0x1] =	stream.indirect_vreg.gather [hbm4b:s14+s4], $0x80, v19, vm0, $0xb8;
	[tilespmem:$0x14280] =	vst v63  }
0xde: {  	s3 =	simm.s32 $0xAA80  }
0xdf: {  	[tilespmem:s3], [sflag:$0x1] =	stream.indirect_vreg.gather [hbm4b:s22+s4], $0x80, v19, vm0, $0xb8;
	[tilespmem:$0x14280] =	vst v63  }
0xe0: {  	s6 =	simm.s32 $0xB280  }
0xe1: {  	[tilespmem:s6], [sflag:$0x1] =	stream.indirect_vreg.gather [hbm4b:s8+s4], $0x80, v19, vm0, $0xb8;
	[tilespmem:$0x14280] =	vst v63  }
0xe2: {  	s15 =	simm.s32 $0xBA80  }
0xe3: {  	[tilespmem:s15], [sflag:$0x1] =	stream.indirect_vreg.gather [hbm4b:s1+s4], $0x80, v19, vm0, $0xb8;
	[tilespmem:$0x14280] =	vst v63  }
0xe4: {  	v19 =	vld [tilespmem:$0x4020];
	_ =	sdelay $0x4  }
0xe5: {  	v20 =	vshll.u32 v19, $0x3  }
0xe6: {  	v19 =	vand.u32 $0x7, v19;
	v20 =	vand.u32 $0xFFFFFFC0, v20  }
0xe7: {  	v19 =	vor.u32 v19, v20  }
0xe8: {  	v20 =	vperm.xlane v19, v16;
	_ =	sdelay $0x1  }
0xe9: {  	v20 =	vadd.s32 v17, v20;
	_ =	sdelay $0x3  }
0xea: {  	s19 =	simm.s32 $0xC280  }
0xeb: {  	[tilespmem:s19], [sflag:$0x2] =	stream.indirect_vreg.gather [hbm4b:s14+s4], $0x80, v20, vm0, $0xb8;
	[tilespmem:$0x14280] =	vst v63  }
0xec: {  	s20 =	simm.s32 $0xCA80;
	v19 =	vperm.xlane v19, v18  }
0xed: {  	[tilespmem:s20], [sflag:$0x2] =	stream.indirect_vreg.gather [hbm4b:s22+s4], $0x80, v20, vm0, $0xb8;
	[tilespmem:$0x14280] =	vst v63  }
0xee: {  	s21 =	simm.s32 $0xD280;
	v19 =	vadd.s32 v17, v19  }
0xef: {  	[tilespmem:s21], [sflag:$0x2] =	stream.indirect_vreg.gather [hbm4b:s8+s4], $0x80, v20, vm0, $0xb8;
	[tilespmem:$0x14280] =	vst v63  }
0xf0: {  	s24 =	simm.s32 $0xDA80  }
0xf1: {  	[tilespmem:s24], [sflag:$0x2] =	stream.indirect_vreg.gather [hbm4b:s1+s4], $0x80, v20, vm0, $0xb8;
	[tilespmem:$0x14280] =	vst v63  }
0xf2: {  	s25 =	simm.s32 $0xE280  }
0xf3: {  	[tilespmem:s25], [sflag:$0x2] =	stream.indirect_vreg.gather [hbm4b:s14+s4], $0x80, v19, vm0, $0xb8;
	[tilespmem:$0x14280] =	vst v63  }
0xf4: {  	s6 =	simm.s32 $0xEA80  }
0xf5: {  	[tilespmem:s6], [sflag:$0x2] =	stream.indirect_vreg.gather [hbm4b:s22+s4], $0x80, v19, vm0, $0xb8;
	[tilespmem:$0x14280] =	vst v63  }
0xf6: {  	s19 =	simm.s32 $0xF280  }
0xf7: {  	[tilespmem:s19], [sflag:$0x2] =	stream.indirect_vreg.gather [hbm4b:s8+s4], $0x80, v19, vm0, $0xb8;
	[tilespmem:$0x14280] =	vst v63  }
0xf8: {  	s20 =	simm.s32 $0xFA80  }
0xf9: {  	[tilespmem:s20], [sflag:$0x2] =	stream.indirect_vreg.gather [hbm4b:s1+s4], $0x80, v19, vm0, $0xb8;
	[tilespmem:$0x14280] =	vst v63  }
0xfa: {  	v19 =	vld [tilespmem:$0x4030];
	_ =	sdelay $0x4  }
0xfb: {  	v20 =	vshll.u32 v19, $0x3  }
0xfc: {  	v19 =	vand.u32 $0x7, v19;
	v20 =	vand.u32 $0xFFFFFFC0, v20  }
0xfd: {  	v19 =	vor.u32 v19, v20  }
0xfe: {  	v20 =	vperm.xlane v19, v16;
	_ =	sdelay $0x1  }
0xff: {  	v20 =	vadd.s32 v17, v20;
	_ =	sdelay $0x3  }
0x100: {  	s21 =	simm.s32 $0x10280  }
0x101: {  	[tilespmem:s21], [sflag:$0x2] =	stream.indirect_vreg.gather [hbm4b:s14+s4], $0x80, v20, vm0, $0xb8;
	[tilespmem:$0x14280] =	vst v63  }
0x102: {  	s24 =	simm.s32 $0x10A80;
	v19 =	vperm.xlane v19, v18  }
0x103: {  	[tilespmem:s24], [sflag:$0x2] =	stream.indirect_vreg.gather [hbm4b:s22+s4], $0x80, v20, vm0, $0xb8;
	[tilespmem:$0x14280] =	vst v63  }
0x104: {  	s25 =	simm.s32 $0x11280;
	v19 =	vadd.s32 v17, v19  }
0x105: {  	[tilespmem:s25], [sflag:$0x2] =	stream.indirect_vreg.gather [hbm4b:s8+s4], $0x80, v20, vm0, $0xb8;
	[tilespmem:$0x14280] =	vst v63  }
0x106: {  	s6 =	simm.s32 $0x11A80  }
0x107: {  	[tilespmem:s6], [sflag:$0x2] =	stream.indirect_vreg.gather [hbm4b:s1+s4], $0x80, v20, vm0, $0xb8;
	[tilespmem:$0x14280] =	vst v63  }
0x108: {  	s24 =	simm.s32 $0x12280  }
0x109: {  	[tilespmem:s24], [sflag:$0x2] =	stream.indirect_vreg.gather [hbm4b:s14+s4], $0x80, v19, vm0, $0xb8;
	[tilespmem:$0x14280] =	vst v63  }
0x10a: {  	s25 =	simm.s32 $0x12A80  }
0x10b: {  	[tilespmem:s25], [sflag:$0x2] =	stream.indirect_vreg.gather [hbm4b:s22+s4], $0x80, v19, vm0, $0xb8;
	[tilespmem:$0x14280] =	vst v63  }
0x10c: {  	s6 =	simm.s32 $0x13280  }
0x10d: {  	[tilespmem:s6], [sflag:$0x2] =	stream.indirect_vreg.gather [hbm4b:s8+s4], $0x80, v19, vm0, $0xb8;
	[tilespmem:$0x14280] =	vst v63  }
0x10e: {  	s24 =	simm.s32 $0x13A80  }
0x10f: {  	[tilespmem:s24], [sflag:$0x2] =	stream.indirect_vreg.gather [hbm4b:s1+s4], $0x80, v19, vm0, $0xb8;
	[tilespmem:$0x14280] =	vst v63  }
0x110: {  	_ =	swait.ge [sflag:s28], $0x8000  }
0x111: {  	[sflag:s28] =	ssyncset.done $0x0  }
0x112: {  	s6 =	simm.s32 $0x4280;
	s25 =	rddreg [dreg:$0x7];
	[sflag:s28] =	ssyncadd.s32 $0xFFFF8000  }
0x113: {  	[hbm4b:s25+s4] =	stream.linear.scatter [tilespmem:s6], [sflag:$0x3], $0x8000, $0x38;
	[tilespmem:$0x14280] =	vst v63  }
0x114: {  	_ =	swait.ge [sflag:s29], $0x8000  }
0x115: {  	[sflag:s29] =	ssyncset.done $0x0  }
0x116: {  	[sflag:s29] =	ssyncadd.s32 $0xFFFF8000  }
0x117: {  	v19 =	vld [tilespmem:$0x4040];
	_ =	sdelay $0x4  }
0x118: {  	v20 =	vshll.u32 v19, $0x3  }
0x119: {  	v19 =	vand.u32 $0x7, v19;
	v20 =	vand.u32 $0xFFFFFFC0, v20  }
0x11a: {  	v19 =	vor.u32 v19, v20  }
0x11b: {  	v20 =	vperm.xlane v19, v16;
	_ =	sdelay $0x1  }
0x11c: {  	v20 =	vadd.s32 v17, v20;
	_ =	sdelay $0x4  }
0x11d: {  	[tilespmem:s6], [sflag:$0x1] =	stream.indirect_vreg.gather [hbm4b:s14+s4], $0x80, v20, vm0, $0xb8;
	[tilespmem:$0x14280] =	vst v63  }
0x11e: {  	s5 =	simm.s32 $0x4A80;
	v19 =	vperm.xlane v19, v18  }
0x11f: {  	[tilespmem:s5], [sflag:$0x1] =	stream.indirect_vreg.gather [hbm4b:s22+s4], $0x80, v20, vm0, $0xb8;
	[tilespmem:$0x14280] =	vst v63  }
0x120: {  	s23 =	simm.s32 $0x5280;
	v19 =	vadd.s32 v17, v19  }
0x121: {  	[tilespmem:s23], [sflag:$0x1] =	stream.indirect_vreg.gather [hbm4b:s8+s4], $0x80, v20, vm0, $0xb8;
	[tilespmem:$0x14280] =	vst v63  }
0x122: {  	s5 =	simm.s32 $0x5A80  }
0x123: {  	[tilespmem:s5], [sflag:$0x1] =	stream.indirect_vreg.gather [hbm4b:s1+s4], $0x80, v20, vm0, $0xb8;
	[tilespmem:$0x14280] =	vst v63  }
0x124: {  	s24 =	simm.s32 $0x6280  }
0x125: {  	[tilespmem:s24], [sflag:$0x1] =	stream.indirect_vreg.gather [hbm4b:s14+s4], $0x80, v19, vm0, $0xb8;
	[tilespmem:$0x14280] =	vst v63  }
0x126: {  	s25 =	simm.s32 $0x6A80  }
0x127: {  	[tilespmem:s25], [sflag:$0x1] =	stream.indirect_vreg.gather [hbm4b:s22+s4], $0x80, v19, vm0, $0xb8;
	[tilespmem:$0x14280] =	vst v63  }
0x128: {  	s26 =	simm.s32 $0x7280  }
0x129: {  	[tilespmem:s26], [sflag:$0x1] =	stream.indirect_vreg.gather [hbm4b:s8+s4], $0x80, v19, vm0, $0xb8;
	[tilespmem:$0x14280] =	vst v63  }
0x12a: {  	s7 =	simm.s32 $0x7A80  }
0x12b: {  	[tilespmem:s7], [sflag:$0x1] =	stream.indirect_vreg.gather [hbm4b:s1+s4], $0x80, v19, vm0, $0xb8;
	[tilespmem:$0x14280] =	vst v63  }
0x12c: {  	v19 =	vld [tilespmem:$0x4050];
	_ =	sdelay $0x4  }
0x12d: {  	v20 =	vshll.u32 v19, $0x3  }
0x12e: {  	v19 =	vand.u32 $0x7, v19;
	v20 =	vand.u32 $0xFFFFFFC0, v20  }
0x12f: {  	v19 =	vor.u32 v19, v20  }
0x130: {  	v20 =	vperm.xlane v19, v16;
	_ =	sdelay $0x1  }
0x131: {  	v20 =	vadd.s32 v17, v20;
	_ =	sdelay $0x3  }
0x132: {  	s12 =	simm.s32 $0x8280  }
0x133: {  	[tilespmem:s12], [sflag:$0x1] =	stream.indirect_vreg.gather [hbm4b:s14+s4], $0x80, v20, vm0, $0xb8;
	[tilespmem:$0x14280] =	vst v63  }
0x134: {  	s13 =	simm.s32 $0x8A80;
	v19 =	vperm.xlane v19, v18  }
0x135: {  	[tilespmem:s13], [sflag:$0x1] =	stream.indirect_vreg.gather [hbm4b:s22+s4], $0x80, v20, vm0, $0xb8;
	[tilespmem:$0x14280] =	vst v63  }
0x136: {  	s7 =	simm.s32 $0x9280;
	v19 =	vadd.s32 v17, v19  }
0x137: {  	[tilespmem:s7], [sflag:$0x1] =	stream.indirect_vreg.gather [hbm4b:s8+s4], $0x80, v20, vm0, $0xb8;
	[tilespmem:$0x14280] =	vst v63  }
0x138: {  	s31 =	simm.s32 $0x9A80  }
0x139: {  	[tilespmem:s31], [sflag:$0x1] =	stream.indirect_vreg.gather [hbm4b:s1+s4], $0x80, v20, vm0, $0xb8;
	[tilespmem:$0x14280] =	vst v63  }
0x13a: {  	s18 =	simm.s32 $0xA280  }
0x13b: {  	[tilespmem:s18], [sflag:$0x1] =	stream.indirect_vreg.gather [hbm4b:s14+s4], $0x80, v19, vm0, $0xb8;
	[tilespmem:$0x14280] =	vst v63  }
0x13c: {  	s16 =	simm.s32 $0xAA80  }
0x13d: {  	[tilespmem:s16], [sflag:$0x1] =	stream.indirect_vreg.gather [hbm4b:s22+s4], $0x80, v19, vm0, $0xb8;
	[tilespmem:$0x14280] =	vst v63  }
0x13e: {  	s17 =	simm.s32 $0xB280  }
0x13f: {  	[tilespmem:s17], [sflag:$0x1] =	stream.indirect_vreg.gather [hbm4b:s8+s4], $0x80, v19, vm0, $0xb8;
	[tilespmem:$0x14280] =	vst v63  }
0x140: {  	s15 =	simm.s32 $0xBA80;
	s6 =	simm.s32 $0x2  }
0x141: {  	[tilespmem:s15], [sflag:$0x1] =	stream.indirect_vreg.gather [hbm4b:s1+s4], $0x80, v19, vm0, $0xb8;
	[tilespmem:$0x14280] =	vst v63  }
0x142: {  	_ =	swait.ge [sflag:s6], $0x8000  }
0x143: {  	s0 =	simm.s32 $0xC280;
	[sflag:s6] =	ssyncset.done $0x0  }
0x144: {  	s26 =	simm.s32 $0x4;
	s13 =	rddreg [dreg:$0x8];
	[sflag:s6] =	ssyncadd.s32 $0xFFFF8000  }
0x145: {  	[hbm4b:s13+s4] =	stream.linear.scatter [tilespmem:s0], [sflag:$0x4], $0x8000, $0x38;
	[tilespmem:$0x14280] =	vst v63  }
0x146: {  	_ =	swait.ge [sflag:s26], $0x8000  }
0x147: {  	[sflag:s26] =	ssyncset.done $0x0  }
0x148: {  	[sflag:s26] =	ssyncadd.s32 $0xFFFF8000  }
0x149: {  	v19 =	vld [tilespmem:$0x4060];
	_ =	sdelay $0x4  }
0x14a: {  	v20 =	vshll.u32 v19, $0x3  }
0x14b: {  	v19 =	vand.u32 $0x7, v19;
	v20 =	vand.u32 $0xFFFFFFC0, v20  }
0x14c: {  	v19 =	vor.u32 v19, v20  }
0x14d: {  	v20 =	vperm.xlane v19, v16;
	_ =	sdelay $0x1  }
0x14e: {  	v20 =	vadd.s32 v17, v20;
	_ =	sdelay $0x4  }
0x14f: {  	[tilespmem:s0], [sflag:$0x2] =	stream.indirect_vreg.gather [hbm4b:s14+s4], $0x80, v20, vm0, $0xb8;
	[tilespmem:$0x14280] =	vst v63  }
0x150: {  	s30 =	simm.s32 $0xCA80;
	v19 =	vperm.xlane v19, v18  }
0x151: {  	[tilespmem:s30], [sflag:$0x2] =	stream.indirect_vreg.gather [hbm4b:s22+s4], $0x80, v20, vm0, $0xb8;
	[tilespmem:$0x14280] =	vst v63  }
0x152: {  	s15 =	simm.s32 $0xD280;
	v19 =	vadd.s32 v17, v19  }
0x153: {  	[tilespmem:s15], [sflag:$0x2] =	stream.indirect_vreg.gather [hbm4b:s8+s4], $0x80, v20, vm0, $0xb8;
	[tilespmem:$0x14280] =	vst v63  }
0x154: {  	s16 =	simm.s32 $0xDA80  }
0x155: {  	[tilespmem:s16], [sflag:$0x2] =	stream.indirect_vreg.gather [hbm4b:s1+s4], $0x80, v20, vm0, $0xb8;
	[tilespmem:$0x14280] =	vst v63  }
0x156: {  	s17 =	simm.s32 $0xE280  }
0x157: {  	[tilespmem:s17], [sflag:$0x2] =	stream.indirect_vreg.gather [hbm4b:s14+s4], $0x80, v19, vm0, $0xb8;
	[tilespmem:$0x14280] =	vst v63  }
0x158: {  	s18 =	simm.s32 $0xEA80  }
0x159: {  	[tilespmem:s18], [sflag:$0x2] =	stream.indirect_vreg.gather [hbm4b:s22+s4], $0x80, v19, vm0, $0xb8;
	[tilespmem:$0x14280] =	vst v63  }
0x15a: {  	s23 =	simm.s32 $0xF280  }
0x15b: {  	[tilespmem:s23], [sflag:$0x2] =	stream.indirect_vreg.gather [hbm4b:s8+s4], $0x80, v19, vm0, $0xb8;
	[tilespmem:$0x14280] =	vst v63  }
0x15c: {  	s19 =	simm.s32 $0xFA80  }
0x15d: {  	[tilespmem:s19], [sflag:$0x2] =	stream.indirect_vreg.gather [hbm4b:s1+s4], $0x80, v19, vm0, $0xb8;
	[tilespmem:$0x14280] =	vst v63  }
0x15e: {  	v19 =	vld [tilespmem:$0x4070];
	_ =	sdelay $0x4  }
0x15f: {  	v20 =	vshll.u32 v19, $0x3  }
0x160: {  	v19 =	vand.u32 $0x7, v19;
	v20 =	vand.u32 $0xFFFFFFC0, v20  }
0x161: {  	v19 =	vor.u32 v19, v20  }
0x162: {  	v20 =	vperm.xlane v19, v16;
	_ =	sdelay $0x1  }
0x163: {  	v20 =	vadd.s32 v17, v20;
	_ =	sdelay $0x3  }
0x164: {  	s20 =	simm.s32 $0x10280  }
0x165: {  	[tilespmem:s20], [sflag:$0x2] =	stream.indirect_vreg.gather [hbm4b:s14+s4], $0x80, v20, vm0, $0xb8;
	[tilespmem:$0x14280] =	vst v63  }
0x166: {  	s21 =	simm.s32 $0x10A80;
	v19 =	vperm.xlane v19, v18  }
0x167: {  	[tilespmem:s21], [sflag:$0x2] =	stream.indirect_vreg.gather [hbm4b:s22+s4], $0x80, v20, vm0, $0xb8;
	[tilespmem:$0x14280] =	vst v63  }
0x168: {  	s30 =	simm.s32 $0x11280;
	v19 =	vadd.s32 v17, v19  }
0x169: {  	[tilespmem:s30], [sflag:$0x2] =	stream.indirect_vreg.gather [hbm4b:s8+s4], $0x80, v20, vm0, $0xb8;
	[tilespmem:$0x14280] =	vst v63  }
0x16a: {  	s31 =	simm.s32 $0x11A80  }
0x16b: {  	[tilespmem:s31], [sflag:$0x2] =	stream.indirect_vreg.gather [hbm4b:s1+s4], $0x80, v20, vm0, $0xb8;
	[tilespmem:$0x14280] =	vst v63  }
0x16c: {  	s3 =	simm.s32 $0x12280  }
0x16d: {  	[tilespmem:s3], [sflag:$0x2] =	stream.indirect_vreg.gather [hbm4b:s14+s4], $0x80, v19, vm0, $0xb8;
	[tilespmem:$0x14280] =	vst v63  }
0x16e: {  	s13 =	simm.s32 $0x12A80  }
0x16f: {  	[tilespmem:s13], [sflag:$0x2] =	stream.indirect_vreg.gather [hbm4b:s22+s4], $0x80, v19, vm0, $0xb8;
	[tilespmem:$0x14280] =	vst v63  }
0x170: {  	s14 =	simm.s32 $0x13280  }
0x171: {  	[tilespmem:s14], [sflag:$0x2] =	stream.indirect_vreg.gather [hbm4b:s8+s4], $0x80, v19, vm0, $0xb8;
	[tilespmem:$0x14280] =	vst v63  }
0x172: {  	s15 =	simm.s32 $0x13A80  }
0x173: {  	[tilespmem:s15], [sflag:$0x2] =	stream.indirect_vreg.gather [hbm4b:s1+s4], $0x80, v19, vm0, $0xb8;
	[tilespmem:$0x14280] =	vst v63  }
0x174: {  	_ =	swait.ge [sflag:s28], $0x8000  }
0x175: {  	[sflag:s28] =	ssyncset.done $0x0  }
0x176: {  	s17 =	simm.s32 $0x4280;
	s16 =	rddreg [dreg:$0x9];
	[sflag:s28] =	ssyncadd.s32 $0xFFFF8000  }
0x177: {  	[hbm4b:s16+s4] =	stream.linear.scatter [tilespmem:s17], [sflag:$0x3], $0x8000, $0x38;
	[tilespmem:$0x14280] =	vst v63  }
0x178: {  	_ =	swait.ge [sflag:s29], $0x8000  }
0x179: {  	[sflag:s29] =	ssyncset.done $0x0  }
0x17a: {  	[sflag:s29] =	ssyncadd.s32 $0xFFFF8000  }
0x17b: {  	v19 =	vld [tilespmem:$0x4080];
	_ =	sdelay $0x4  }
0x17c: {  	v20 =	vshll.u32 v19, $0x3  }
0x17d: {  	v19 =	vand.u32 $0x7, v19;
	v20 =	vand.u32 $0xFFFFFFC0, v20  }
0x17e: {  	v19 =	vor.u32 v19, v20  }
0x17f: {  	v20 =	vperm.xlane v19, v16;
	_ =	sdelay $0x1  }
0x180: {  	v20 =	vadd.s32 v17, v20;
	_ =	sdelay $0x4  }
0x181: {  	[tilespmem:s17], [sflag:$0x1] =	stream.indirect_vreg.gather [hbm4b:s2+s4], $0x80, v20, vm0, $0xb8;
	[tilespmem:$0x14280] =	vst v63  }
0x182: {  	s18 =	simm.s32 $0x4A80;
	v19 =	vperm.xlane v19, v18  }
0x183: {  	[tilespmem:s18], [sflag:$0x1] =	stream.indirect_vreg.gather [hbm4b:s9+s4], $0x80, v20, vm0, $0xb8;
	[tilespmem:$0x14280] =	vst v63  }
0x184: {  	s23 =	simm.s32 $0x5280;
	v19 =	vadd.s32 v17, v19  }
0x185: {  	[tilespmem:s23], [sflag:$0x1] =	stream.indirect_vreg.gather [hbm4b:s10+s4], $0x80, v20, vm0, $0xb8;
	[tilespmem:$0x14280] =	vst v63  }
0x186: {  	_ = 	snop  }
0x187: {  	[tilespmem:s5], [sflag:$0x1] =	stream.indirect_vreg.gather [hbm4b:s11+s4], $0x80, v20, vm0, $0xb8;
	[tilespmem:$0x14280] =	vst v63  }
0x188: {  	_ = 	snop  }
0x189: {  	[tilespmem:s24], [sflag:$0x1] =	stream.indirect_vreg.gather [hbm4b:s2+s4], $0x80, v19, vm0, $0xb8;
	[tilespmem:$0x14280] =	vst v63  }
0x18a: {  	_ = 	snop  }
0x18b: {  	[tilespmem:s25], [sflag:$0x1] =	stream.indirect_vreg.gather [hbm4b:s9+s4], $0x80, v19, vm0, $0xb8;
	[tilespmem:$0x14280] =	vst v63  }
0x18c: {  	s1 =	simm.s32 $0x7280  }
0x18d: {  	[tilespmem:s1], [sflag:$0x1] =	stream.indirect_vreg.gather [hbm4b:s10+s4], $0x80, v19, vm0, $0xb8;
	[tilespmem:$0x14280] =	vst v63  }
0x18e: {  	s24 =	simm.s32 $0x7A80  }
0x18f: {  	[tilespmem:s24], [sflag:$0x1] =	stream.indirect_vreg.gather [hbm4b:s11+s4], $0x80, v19, vm0, $0xb8;
	[tilespmem:$0x14280] =	vst v63  }
0x190: {  	v19 =	vld [tilespmem:$0x4090];
	_ =	sdelay $0x4  }
0x191: {  	v20 =	vshll.u32 v19, $0x3  }
0x192: {  	v19 =	vand.u32 $0x7, v19;
	v20 =	vand.u32 $0xFFFFFFC0, v20  }
0x193: {  	v19 =	vor.u32 v19, v20  }
0x194: {  	v20 =	vperm.xlane v19, v16;
	_ =	sdelay $0x1  }
0x195: {  	v20 =	vadd.s32 v17, v20;
	_ =	sdelay $0x3  }
0x196: {  	s25 =	simm.s32 $0x8280  }
0x197: {  	[tilespmem:s25], [sflag:$0x1] =	stream.indirect_vreg.gather [hbm4b:s2+s4], $0x80, v20, vm0, $0xb8;
	[tilespmem:$0x14280] =	vst v63  }
0x198: {  	s14 =	simm.s32 $0x8A80;
	v19 =	vperm.xlane v19, v18  }
0x199: {  	[tilespmem:s14], [sflag:$0x1] =	stream.indirect_vreg.gather [hbm4b:s9+s4], $0x80, v20, vm0, $0xb8;
	[tilespmem:$0x14280] =	vst v63  }
0x19a: {  	v19 =	vadd.s32 v17, v19  }
0x19b: {  	[tilespmem:s7], [sflag:$0x1] =	stream.indirect_vreg.gather [hbm4b:s10+s4], $0x80, v20, vm0, $0xb8;
	[tilespmem:$0x14280] =	vst v63  }
0x19c: {  	s31 =	simm.s32 $0x9A80  }
0x19d: {  	[tilespmem:s31], [sflag:$0x1] =	stream.indirect_vreg.gather [hbm4b:s11+s4], $0x80, v20, vm0, $0xb8;
	[tilespmem:$0x14280] =	vst v63  }
0x19e: {  	s7 =	simm.s32 $0xA280  }
0x19f: {  	[tilespmem:s7], [sflag:$0x1] =	stream.indirect_vreg.gather [hbm4b:s2+s4], $0x80, v19, vm0, $0xb8;
	[tilespmem:$0x14280] =	vst v63  }
0x1a0: {  	s8 =	simm.s32 $0xAA80  }
0x1a1: {  	[tilespmem:s8], [sflag:$0x1] =	stream.indirect_vreg.gather [hbm4b:s9+s4], $0x80, v19, vm0, $0xb8;
	[tilespmem:$0x14280] =	vst v63  }
0x1a2: {  	s30 =	simm.s32 $0xB280  }
0x1a3: {  	[tilespmem:s30], [sflag:$0x1] =	stream.indirect_vreg.gather [hbm4b:s10+s4], $0x80, v19, vm0, $0xb8;
	[tilespmem:$0x14280] =	vst v63  }
0x1a4: {  	s22 =	simm.s32 $0xBA80  }
0x1a5: {  	[tilespmem:s22], [sflag:$0x1] =	stream.indirect_vreg.gather [hbm4b:s11+s4], $0x80, v19, vm0, $0xb8;
	[tilespmem:$0x14280] =	vst v63  }
0x1a6: {  	_ =	swait.ge [sflag:s6], $0x8000  }
0x1a7: {  	[sflag:s6] =	ssyncset.done $0x0  }
0x1a8: {  	s20 =	simm.s32 $0xC280;
	s19 =	rddreg [dreg:$0xa];
	[sflag:s6] =	ssyncadd.s32 $0xFFFF8000  }
0x1a9: {  	[hbm4b:s19+s4] =	stream.linear.scatter [tilespmem:s20], [sflag:$0x4], $0x8000, $0x38;
	[tilespmem:$0x14280] =	vst v63  }
0x1aa: {  	_ =	swait.ge [sflag:s26], $0x8000  }
0x1ab: {  	[sflag:s26] =	ssyncset.done $0x0  }
0x1ac: {  	[sflag:s26] =	ssyncadd.s32 $0xFFFF8000  }
0x1ad: {  	v19 =	vld [tilespmem:$0x40A0];
	_ =	sdelay $0x4  }
0x1ae: {  	v20 =	vshll.u32 v19, $0x3  }
0x1af: {  	v19 =	vand.u32 $0x7, v19;
	v20 =	vand.u32 $0xFFFFFFC0, v20  }
0x1b0: {  	v19 =	vor.u32 v19, v20  }
0x1b1: {  	v20 =	vperm.xlane v19, v16;
	_ =	sdelay $0x1  }
0x1b2: {  	v20 =	vadd.s32 v17, v20;
	_ =	sdelay $0x4  }
0x1b3: {  	[tilespmem:s20], [sflag:$0x2] =	stream.indirect_vreg.gather [hbm4b:s2+s4], $0x80, v20, vm0, $0xb8;
	[tilespmem:$0x14280] =	vst v63  }
0x1b4: {  	s12 =	simm.s32 $0xCA80;
	v19 =	vperm.xlane v19, v18  }
0x1b5: {  	[tilespmem:s12], [sflag:$0x2] =	stream.indirect_vreg.gather [hbm4b:s9+s4], $0x80, v20, vm0, $0xb8;
	[tilespmem:$0x14280] =	vst v63  }
0x1b6: {  	s21 =	simm.s32 $0xD280;
	v19 =	vadd.s32 v17, v19  }
0x1b7: {  	[tilespmem:s21], [sflag:$0x2] =	stream.indirect_vreg.gather [hbm4b:s10+s4], $0x80, v20, vm0, $0xb8;
	[tilespmem:$0x14280] =	vst v63  }
0x1b8: {  	s5 =	simm.s32 $0xDA80  }
0x1b9: {  	[tilespmem:s5], [sflag:$0x2] =	stream.indirect_vreg.gather [hbm4b:s11+s4], $0x80, v20, vm0, $0xb8;
	[tilespmem:$0x14280] =	vst v63  }
0x1ba: {  	s12 =	simm.s32 $0xE280  }
0x1bb: {  	[tilespmem:s12], [sflag:$0x2] =	stream.indirect_vreg.gather [hbm4b:s2+s4], $0x80, v19, vm0, $0xb8;
	[tilespmem:$0x14280] =	vst v63  }
0x1bc: {  	s13 =	simm.s32 $0xEA80  }
0x1bd: {  	[tilespmem:s13], [sflag:$0x2] =	stream.indirect_vreg.gather [hbm4b:s9+s4], $0x80, v19, vm0, $0xb8;
	[tilespmem:$0x14280] =	vst v63  }
0x1be: {  	s15 =	simm.s32 $0xF280  }
0x1bf: {  	[tilespmem:s15], [sflag:$0x2] =	stream.indirect_vreg.gather [hbm4b:s10+s4], $0x80, v19, vm0, $0xb8;
	[tilespmem:$0x14280] =	vst v63  }
0x1c0: {  	s19 =	simm.s32 $0xFA80  }
0x1c1: {  	[tilespmem:s19], [sflag:$0x2] =	stream.indirect_vreg.gather [hbm4b:s11+s4], $0x80, v19, vm0, $0xb8;
	[tilespmem:$0x14280] =	vst v63  }
0x1c2: {  	v19 =	vld [tilespmem:$0x40B0];
	_ =	sdelay $0x4  }
0x1c3: {  	v20 =	vshll.u32 v19, $0x3  }
0x1c4: {  	v19 =	vand.u32 $0x7, v19;
	v20 =	vand.u32 $0xFFFFFFC0, v20  }
0x1c5: {  	v19 =	vor.u32 v19, v20  }
0x1c6: {  	v20 =	vperm.xlane v19, v16;
	_ =	sdelay $0x1  }
0x1c7: {  	v20 =	vadd.s32 v17, v20;
	_ =	sdelay $0x3  }
0x1c8: {  	s20 =	simm.s32 $0x10280  }
0x1c9: {  	[tilespmem:s20], [sflag:$0x2] =	stream.indirect_vreg.gather [hbm4b:s2+s4], $0x80, v20, vm0, $0xb8;
	[tilespmem:$0x14280] =	vst v63  }
0x1ca: {  	s21 =	simm.s32 $0x10A80;
	v19 =	vperm.xlane v19, v18  }
0x1cb: {  	[tilespmem:s21], [sflag:$0x2] =	stream.indirect_vreg.gather [hbm4b:s9+s4], $0x80, v20, vm0, $0xb8;
	[tilespmem:$0x14280] =	vst v63  }
0x1cc: {  	s16 =	simm.s32 $0x11280;
	v19 =	vadd.s32 v17, v19  }
0x1cd: {  	[tilespmem:s16], [sflag:$0x2] =	stream.indirect_vreg.gather [hbm4b:s10+s4], $0x80, v20, vm0, $0xb8;
	[tilespmem:$0x14280] =	vst v63  }
0x1ce: {  	s17 =	simm.s32 $0x11A80  }
0x1cf: {  	[tilespmem:s17], [sflag:$0x2] =	stream.indirect_vreg.gather [hbm4b:s11+s4], $0x80, v20, vm0, $0xb8;
	[tilespmem:$0x14280] =	vst v63  }
0x1d0: {  	s18 =	simm.s32 $0x12280  }
0x1d1: {  	[tilespmem:s18], [sflag:$0x2] =	stream.indirect_vreg.gather [hbm4b:s2+s4], $0x80, v19, vm0, $0xb8;
	[tilespmem:$0x14280] =	vst v63  }
0x1d2: {  	s3 =	simm.s32 $0x12A80  }
0x1d3: {  	[tilespmem:s3], [sflag:$0x2] =	stream.indirect_vreg.gather [hbm4b:s9+s4], $0x80, v19, vm0, $0xb8;
	[tilespmem:$0x14280] =	vst v63  }
0x1d4: {  	s3 =	simm.s32 $0x13280  }
0x1d5: {  	[tilespmem:s3], [sflag:$0x2] =	stream.indirect_vreg.gather [hbm4b:s10+s4], $0x80, v19, vm0, $0xb8;
	[tilespmem:$0x14280] =	vst v63  }
0x1d6: {  	s3 =	simm.s32 $0x13A80  }
0x1d7: {  	[tilespmem:s3], [sflag:$0x2] =	stream.indirect_vreg.gather [hbm4b:s11+s4], $0x80, v19, vm0, $0xb8;
	[tilespmem:$0x14280] =	vst v63  }
0x1d8: {  	_ =	swait.ge [sflag:s28], $0x8000  }
0x1d9: {  	[sflag:s28] =	ssyncset.done $0x0  }
0x1da: {  	s0 =	simm.s32 $0x4280;
	s3 =	rddreg [dreg:$0x16];
	[sflag:s28] =	ssyncadd.s32 $0xFFFF8000  }
0x1db: {  	[hbm4b:s3+s4] =	stream.linear.scatter [tilespmem:s0], [sflag:$0x3], $0x8000, $0x38;
	[tilespmem:$0x14280] =	vst v63  }
0x1dc: {  	_ =	swait.ge [sflag:s29], $0x8000  }
0x1dd: {  	[sflag:s29] =	ssyncset.done $0x0  }
0x1de: {  	[sflag:s29] =	ssyncadd.s32 $0xFFFF8000  }
0x1df: {  	v19 =	vld [tilespmem:$0x40C0];
	_ =	sdelay $0x4  }
0x1e0: {  	v20 =	vshll.u32 v19, $0x3  }
0x1e1: {  	v19 =	vand.u32 $0x7, v19;
	v20 =	vand.u32 $0xFFFFFFC0, v20  }
0x1e2: {  	v19 =	vor.u32 v19, v20  }
0x1e3: {  	v20 =	vperm.xlane v19, v16;
	_ =	sdelay $0x1  }
0x1e4: {  	v20 =	vadd.s32 v17, v20;
	_ =	sdelay $0x4  }
0x1e5: {  	[tilespmem:s0], [sflag:$0x1] =	stream.indirect_vreg.gather [hbm4b:s2+s4], $0x80, v20, vm0, $0xb8;
	[tilespmem:$0x14280] =	vst v63  }
0x1e6: {  	s3 =	simm.s32 $0x4A80;
	v19 =	vperm.xlane v19, v18  }
0x1e7: {  	[tilespmem:s3], [sflag:$0x1] =	stream.indirect_vreg.gather [hbm4b:s9+s4], $0x80, v20, vm0, $0xb8;
	[tilespmem:$0x14280] =	vst v63  }
0x1e8: {  	v19 =	vadd.s32 v17, v19  }
0x1e9: {  	[tilespmem:s23], [sflag:$0x1] =	stream.indirect_vreg.gather [hbm4b:s10+s4], $0x80, v20, vm0, $0xb8;
	[tilespmem:$0x14280] =	vst v63  }
0x1ea: {  	s3 =	simm.s32 $0x5A80  }
0x1eb: {  	[tilespmem:s3], [sflag:$0x1] =	stream.indirect_vreg.gather [hbm4b:s11+s4], $0x80, v20, vm0, $0xb8;
	[tilespmem:$0x14280] =	vst v63  }
0x1ec: {  	s3 =	simm.s32 $0x6280  }
0x1ed: {  	[tilespmem:s3], [sflag:$0x1] =	stream.indirect_vreg.gather [hbm4b:s2+s4], $0x80, v19, vm0, $0xb8;
	[tilespmem:$0x14280] =	vst v63  }
0x1ee: {  	s3 =	simm.s32 $0x6A80  }
0x1ef: {  	[tilespmem:s3], [sflag:$0x1] =	stream.indirect_vreg.gather [hbm4b:s9+s4], $0x80, v19, vm0, $0xb8;
	[tilespmem:$0x14280] =	vst v63  }
0x1f0: {  	_ = 	snop  }
0x1f1: {  	[tilespmem:s1], [sflag:$0x1] =	stream.indirect_vreg.gather [hbm4b:s10+s4], $0x80, v19, vm0, $0xb8;
	[tilespmem:$0x14280] =	vst v63  }
0x1f2: {  	_ = 	snop  }
0x1f3: {  	[tilespmem:s24], [sflag:$0x1] =	stream.indirect_vreg.gather [hbm4b:s11+s4], $0x80, v19, vm0, $0xb8;
	[tilespmem:$0x14280] =	vst v63  }
0x1f4: {  	v19 =	vld [tilespmem:$0x40D0];
	_ =	sdelay $0x4  }
0x1f5: {  	v20 =	vshll.u32 v19, $0x3  }
0x1f6: {  	v19 =	vand.u32 $0x7, v19;
	v20 =	vand.u32 $0xFFFFFFC0, v20  }
0x1f7: {  	v19 =	vor.u32 v19, v20  }
0x1f8: {  	v20 =	vperm.xlane v19, v16;
	_ =	sdelay $0x1  }
0x1f9: {  	v20 =	vadd.s32 v17, v20;
	_ =	sdelay $0x4  }
0x1fa: {  	[tilespmem:s25], [sflag:$0x1] =	stream.indirect_vreg.gather [hbm4b:s2+s4], $0x80, v20, vm0, $0xb8;
	[tilespmem:$0x14280] =	vst v63  }
0x1fb: {  	v19 =	vperm.xlane v19, v18  }
0x1fc: {  	[tilespmem:s14], [sflag:$0x1] =	stream.indirect_vreg.gather [hbm4b:s9+s4], $0x80, v20, vm0, $0xb8;
	[tilespmem:$0x14280] =	vst v63  }
0x1fd: {  	v19 =	vadd.s32 v17, v19;
	s25 =	simm.s32 $0x9280  }
0x1fe: {  	[tilespmem:s25], [sflag:$0x1] =	stream.indirect_vreg.gather [hbm4b:s10+s4], $0x80, v20, vm0, $0xb8;
	[tilespmem:$0x14280] =	vst v63  }
0x1ff: {  	_ = 	snop  }
0x200: {  	[tilespmem:s31], [sflag:$0x1] =	stream.indirect_vreg.gather [hbm4b:s11+s4], $0x80, v20, vm0, $0xb8;
	[tilespmem:$0x14280] =	vst v63  }
0x201: {  	_ = 	snop  }
0x202: {  	[tilespmem:s7], [sflag:$0x1] =	stream.indirect_vreg.gather [hbm4b:s2+s4], $0x80, v19, vm0, $0xb8;
	[tilespmem:$0x14280] =	vst v63  }
0x203: {  	_ = 	snop  }
0x204: {  	[tilespmem:s8], [sflag:$0x1] =	stream.indirect_vreg.gather [hbm4b:s9+s4], $0x80, v19, vm0, $0xb8;
	[tilespmem:$0x14280] =	vst v63  }
0x205: {  	_ = 	snop  }
0x206: {  	[tilespmem:s30], [sflag:$0x1] =	stream.indirect_vreg.gather [hbm4b:s10+s4], $0x80, v19, vm0, $0xb8;
	[tilespmem:$0x14280] =	vst v63  }
0x207: {  	_ = 	snop  }
0x208: {  	[tilespmem:s22], [sflag:$0x1] =	stream.indirect_vreg.gather [hbm4b:s11+s4], $0x80, v19, vm0, $0xb8;
	[tilespmem:$0x14280] =	vst v63  }
0x209: {  	_ =	swait.ge [sflag:s6], $0x8000  }
0x20a: {  	[sflag:s6] =	ssyncset.done $0x0  }
0x20b: {  	s7 =	simm.s32 $0xC280;
	s1 =	rddreg [dreg:$0xb];
	[sflag:s6] =	ssyncadd.s32 $0xFFFF8000  }
0x20c: {  	[hbm4b:s1+s4] =	stream.linear.scatter [tilespmem:s7], [sflag:$0x4], $0x8000, $0x38;
	[tilespmem:$0x14280] =	vst v63  }
0x20d: {  	_ =	swait.ge [sflag:s26], $0x8000  }
0x20e: {  	[sflag:s26] =	ssyncset.done $0x0  }
0x20f: {  	[sflag:s26] =	ssyncadd.s32 $0xFFFF8000  }
0x210: {  	v19 =	vld [tilespmem:$0x40E0];
	_ =	sdelay $0x4  }
0x211: {  	v20 =	vshll.u32 v19, $0x3  }
0x212: {  	v19 =	vand.u32 $0x7, v19;
	v20 =	vand.u32 $0xFFFFFFC0, v20  }
0x213: {  	v19 =	vor.u32 v19, v20  }
0x214: {  	v20 =	vperm.xlane v19, v16;
	_ =	sdelay $0x1  }
0x215: {  	v20 =	vadd.s32 v17, v20;
	_ =	sdelay $0x4  }
0x216: {  	[tilespmem:s7], [sflag:$0x2] =	stream.indirect_vreg.gather [hbm4b:s2+s4], $0x80, v20, vm0, $0xb8;
	[tilespmem:$0x14280] =	vst v63  }
0x217: {  	s14 =	simm.s32 $0xCA80;
	v19 =	vperm.xlane v19, v18  }
0x218: {  	[tilespmem:s14], [sflag:$0x2] =	stream.indirect_vreg.gather [hbm4b:s9+s4], $0x80, v20, vm0, $0xb8;
	[tilespmem:$0x14280] =	vst v63  }
0x219: {  	s8 =	simm.s32 $0xD280;
	v19 =	vadd.s32 v17, v19  }
0x21a: {  	[tilespmem:s8], [sflag:$0x2] =	stream.indirect_vreg.gather [hbm4b:s10+s4], $0x80, v20, vm0, $0xb8;
	[tilespmem:$0x14280] =	vst v63  }
0x21b: {  	_ = 	snop  }
0x21c: {  	[tilespmem:s5], [sflag:$0x2] =	stream.indirect_vreg.gather [hbm4b:s11+s4], $0x80, v20, vm0, $0xb8;
	[tilespmem:$0x14280] =	vst v63  }
0x21d: {  	_ = 	snop  }
0x21e: {  	[tilespmem:s12], [sflag:$0x2] =	stream.indirect_vreg.gather [hbm4b:s2+s4], $0x80, v19, vm0, $0xb8;
	[tilespmem:$0x14280] =	vst v63  }
0x21f: {  	_ = 	snop  }
0x220: {  	[tilespmem:s13], [sflag:$0x2] =	stream.indirect_vreg.gather [hbm4b:s9+s4], $0x80, v19, vm0, $0xb8;
	[tilespmem:$0x14280] =	vst v63  }
0x221: {  	_ = 	snop  }
0x222: {  	[tilespmem:s15], [sflag:$0x2] =	stream.indirect_vreg.gather [hbm4b:s10+s4], $0x80, v19, vm0, $0xb8;
	[tilespmem:$0x14280] =	vst v63  }
0x223: {  	_ = 	snop  }
0x224: {  	[tilespmem:s19], [sflag:$0x2] =	stream.indirect_vreg.gather [hbm4b:s11+s4], $0x80, v19, vm0, $0xb8;
	[tilespmem:$0x14280] =	vst v63  }
0x225: {  	v19 =	vld [tilespmem:$0x40F0];
	_ =	sdelay $0x4  }
0x226: {  	v20 =	vshll.u32 v19, $0x3  }
0x227: {  	v19 =	vand.u32 $0x7, v19;
	v20 =	vand.u32 $0xFFFFFFC0, v20  }
0x228: {  	v19 =	vor.u32 v19, v20  }
0x229: {  	v20 =	vperm.xlane v19, v16;
	_ =	sdelay $0x1  }
0x22a: {  	v20 =	vadd.s32 v17, v20;
	_ =	sdelay $0x4  }
0x22b: {  	[tilespmem:s20], [sflag:$0x2] =	stream.indirect_vreg.gather [hbm4b:s2+s4], $0x80, v20, vm0, $0xb8;
	[tilespmem:$0x14280] =	vst v63  }
0x22c: {  	v19 =	vperm.xlane v19, v18  }
0x22d: {  	[tilespmem:s21], [sflag:$0x2] =	stream.indirect_vreg.gather [hbm4b:s9+s4], $0x80, v20, vm0, $0xb8;
	[tilespmem:$0x14280] =	vst v63  }
0x22e: {  	v19 =	vadd.s32 v17, v19  }
0x22f: {  	[tilespmem:s16], [sflag:$0x2] =	stream.indirect_vreg.gather [hbm4b:s10+s4], $0x80, v20, vm0, $0xb8;
	[tilespmem:$0x14280] =	vst v63  }
0x230: {  	_ = 	snop  }
0x231: {  	[tilespmem:s17], [sflag:$0x2] =	stream.indirect_vreg.gather [hbm4b:s11+s4], $0x80, v20, vm0, $0xb8;
	[tilespmem:$0x14280] =	vst v63  }
0x232: {  	_ = 	snop  }
0x233: {  	[tilespmem:s18], [sflag:$0x2] =	stream.indirect_vreg.gather [hbm4b:s2+s4], $0x80, v19, vm0, $0xb8;
	[tilespmem:$0x14280] =	vst v63  }
0x234: {  	s0 =	simm.s32 $0x12A80  }
0x235: {  	[tilespmem:s0], [sflag:$0x2] =	stream.indirect_vreg.gather [hbm4b:s9+s4], $0x80, v19, vm0, $0xb8;
	[tilespmem:$0x14280] =	vst v63  }
0x236: {  	s21 =	simm.s32 $0x13280  }
0x237: {  	[tilespmem:s21], [sflag:$0x2] =	stream.indirect_vreg.gather [hbm4b:s10+s4], $0x80, v19, vm0, $0xb8;
	[tilespmem:$0x14280] =	vst v63  }
0x238: {  	s30 =	simm.s32 $0x13A80  }
0x239: {  	[tilespmem:s30], [sflag:$0x2] =	stream.indirect_vreg.gather [hbm4b:s11+s4], $0x80, v19, vm0, $0xb8;
	[tilespmem:$0x14280] =	vst v63  }
0x23a: {  	_ =	swait.ge [sflag:s28], $0x8000  }
0x23b: {  	[sflag:s28] =	ssyncset.done $0x0  }
0x23c: {  	s13 =	simm.s32 $0x4280;
	s12 =	rddreg [dreg:$0xc];
	[sflag:s28] =	ssyncadd.s32 $0xFFFF8000  }
0x23d: {  	[hbm4b:s12+s4] =	stream.linear.scatter [tilespmem:s13], [sflag:$0x3], $0x8000, $0x38;
	[tilespmem:$0x14280] =	vst v63  }
0x23e: {  	_ =	swait.ge [sflag:s29], $0x8000  }
0x23f: {  	[sflag:s29] =	ssyncset.done $0x0  }
0x240: {  	[sflag:s29] =	ssyncadd.s32 $0xFFFF8000  }
0x241: {  	v19 =	vld [tilespmem:$0x4100];
	_ =	sdelay $0x4  }
0x242: {  	v20 =	vshll.u32 v19, $0x3  }
0x243: {  	v19 =	vand.u32 $0x7, v19;
	v20 =	vand.u32 $0xFFFFFFC0, v20  }
0x244: {  	v19 =	vor.u32 v19, v20  }
0x245: {  	v20 =	vperm.xlane v19, v16;
	_ =	sdelay $0x1  }
0x246: {  	v20 =	vadd.s32 v17, v20;
	_ =	sdelay $0x4  }
0x247: {  	[tilespmem:s13], [sflag:$0x1] =	stream.indirect_vreg.gather [hbm4b:s2+s4], $0x80, v20, vm0, $0xb8;
	[tilespmem:$0x14280] =	vst v63  }
0x248: {  	s15 =	simm.s32 $0x4A80;
	v19 =	vperm.xlane v19, v18  }
0x249: {  	[tilespmem:s15], [sflag:$0x1] =	stream.indirect_vreg.gather [hbm4b:s9+s4], $0x80, v20, vm0, $0xb8;
	[tilespmem:$0x14280] =	vst v63  }
0x24a: {  	s23 =	simm.s32 $0x5280;
	v19 =	vadd.s32 v17, v19  }
0x24b: {  	[tilespmem:s23], [sflag:$0x1] =	stream.indirect_vreg.gather [hbm4b:s10+s4], $0x80, v20, vm0, $0xb8;
	[tilespmem:$0x14280] =	vst v63  }
0x24c: {  	s5 =	simm.s32 $0x5A80  }
0x24d: {  	[tilespmem:s5], [sflag:$0x1] =	stream.indirect_vreg.gather [hbm4b:s11+s4], $0x80, v20, vm0, $0xb8;
	[tilespmem:$0x14280] =	vst v63  }
0x24e: {  	s7 =	simm.s32 $0x6280  }
0x24f: {  	[tilespmem:s7], [sflag:$0x1] =	stream.indirect_vreg.gather [hbm4b:s2+s4], $0x80, v19, vm0, $0xb8;
	[tilespmem:$0x14280] =	vst v63  }
0x250: {  	s8 =	simm.s32 $0x6A80  }
0x251: {  	[tilespmem:s8], [sflag:$0x1] =	stream.indirect_vreg.gather [hbm4b:s9+s4], $0x80, v19, vm0, $0xb8;
	[tilespmem:$0x14280] =	vst v63  }
0x252: {  	s31 =	simm.s32 $0x7280  }
0x253: {  	[tilespmem:s31], [sflag:$0x1] =	stream.indirect_vreg.gather [hbm4b:s10+s4], $0x80, v19, vm0, $0xb8;
	[tilespmem:$0x14280] =	vst v63  }
0x254: {  	s22 =	simm.s32 $0x7A80  }
0x255: {  	[tilespmem:s22], [sflag:$0x1] =	stream.indirect_vreg.gather [hbm4b:s11+s4], $0x80, v19, vm0, $0xb8;
	[tilespmem:$0x14280] =	vst v63  }
0x256: {  	v19 =	vld [tilespmem:$0x4110];
	_ =	sdelay $0x4  }
0x257: {  	v20 =	vshll.u32 v19, $0x3  }
0x258: {  	v19 =	vand.u32 $0x7, v19;
	v20 =	vand.u32 $0xFFFFFFC0, v20  }
0x259: {  	v19 =	vor.u32 v19, v20  }
0x25a: {  	v20 =	vperm.xlane v19, v16;
	_ =	sdelay $0x1  }
0x25b: {  	v20 =	vadd.s32 v17, v20;
	_ =	sdelay $0x3  }
0x25c: {  	s23 =	simm.s32 $0x8280  }
0x25d: {  	[tilespmem:s23], [sflag:$0x1] =	stream.indirect_vreg.gather [hbm4b:s2+s4], $0x80, v20, vm0, $0xb8;
	[tilespmem:$0x14280] =	vst v63  }
0x25e: {  	s24 =	simm.s32 $0x8A80;
	v19 =	vperm.xlane v19, v18  }
0x25f: {  	[tilespmem:s24], [sflag:$0x1] =	stream.indirect_vreg.gather [hbm4b:s9+s4], $0x80, v20, vm0, $0xb8;
	[tilespmem:$0x14280] =	vst v63  }
0x260: {  	s12 =	simm.s32 $0x9280;
	v19 =	vadd.s32 v17, v19  }
0x261: {  	[tilespmem:s12], [sflag:$0x1] =	stream.indirect_vreg.gather [hbm4b:s10+s4], $0x80, v20, vm0, $0xb8;
	[tilespmem:$0x14280] =	vst v63  }
0x262: {  	s25 =	simm.s32 $0x9A80  }
0x263: {  	[tilespmem:s25], [sflag:$0x1] =	stream.indirect_vreg.gather [hbm4b:s11+s4], $0x80, v20, vm0, $0xb8;
	[tilespmem:$0x14280] =	vst v63  }
0x264: {  	s20 =	simm.s32 $0xA280  }
0x265: {  	[tilespmem:s20], [sflag:$0x1] =	stream.indirect_vreg.gather [hbm4b:s2+s4], $0x80, v19, vm0, $0xb8;
	[tilespmem:$0x14280] =	vst v63  }
0x266: {  	s18 =	simm.s32 $0xAA80  }
0x267: {  	[tilespmem:s18], [sflag:$0x1] =	stream.indirect_vreg.gather [hbm4b:s9+s4], $0x80, v19, vm0, $0xb8;
	[tilespmem:$0x14280] =	vst v63  }
0x268: {  	s19 =	simm.s32 $0xB280  }
0x269: {  	[tilespmem:s19], [sflag:$0x1] =	stream.indirect_vreg.gather [hbm4b:s10+s4], $0x80, v19, vm0, $0xb8;
	[tilespmem:$0x14280] =	vst v63  }
0x26a: {  	s25 =	simm.s32 $0xBA80  }
0x26b: {  	[tilespmem:s25], [sflag:$0x1] =	stream.indirect_vreg.gather [hbm4b:s11+s4], $0x80, v19, vm0, $0xb8;
	[tilespmem:$0x14280] =	vst v63  }
0x26c: {  	_ =	swait.ge [sflag:s6], $0x8000  }
0x26d: {  	[sflag:s6] =	ssyncset.done $0x0  }
0x26e: {  	s17 =	simm.s32 $0xC280;
	s16 =	rddreg [dreg:$0xd];
	[sflag:s6] =	ssyncadd.s32 $0xFFFF8000  }
0x26f: {  	[hbm4b:s16+s4] =	stream.linear.scatter [tilespmem:s17], [sflag:$0x4], $0x8000, $0x38;
	[tilespmem:$0x14280] =	vst v63  }
0x270: {  	_ =	swait.ge [sflag:s26], $0x8000  }
0x271: {  	[sflag:s26] =	ssyncset.done $0x0  }
0x272: {  	[sflag:s26] =	ssyncadd.s32 $0xFFFF8000  }
0x273: {  	v19 =	vld [tilespmem:$0x4120];
	_ =	sdelay $0x4  }
0x274: {  	v20 =	vshll.u32 v19, $0x3  }
0x275: {  	v19 =	vand.u32 $0x7, v19;
	v20 =	vand.u32 $0xFFFFFFC0, v20  }
0x276: {  	v19 =	vor.u32 v19, v20  }
0x277: {  	v20 =	vperm.xlane v19, v16;
	_ =	sdelay $0x1  }
0x278: {  	v20 =	vadd.s32 v17, v20;
	_ =	sdelay $0x4  }
0x279: {  	[tilespmem:s17], [sflag:$0x2] =	stream.indirect_vreg.gather [hbm4b:s2+s4], $0x80, v20, vm0, $0xb8;
	[tilespmem:$0x14280] =	vst v63  }
0x27a: {  	v19 =	vperm.xlane v19, v18  }
0x27b: {  	[tilespmem:s14], [sflag:$0x2] =	stream.indirect_vreg.gather [hbm4b:s9+s4], $0x80, v20, vm0, $0xb8;
	[tilespmem:$0x14280] =	vst v63  }
0x27c: {  	s13 =	simm.s32 $0xD280;
	v19 =	vadd.s32 v17, v19  }
0x27d: {  	[tilespmem:s13], [sflag:$0x2] =	stream.indirect_vreg.gather [hbm4b:s10+s4], $0x80, v20, vm0, $0xb8;
	[tilespmem:$0x14280] =	vst v63  }
0x27e: {  	s14 =	simm.s32 $0xDA80  }
0x27f: {  	[tilespmem:s14], [sflag:$0x2] =	stream.indirect_vreg.gather [hbm4b:s11+s4], $0x80, v20, vm0, $0xb8;
	[tilespmem:$0x14280] =	vst v63  }
0x280: {  	s15 =	simm.s32 $0xE280  }
0x281: {  	[tilespmem:s15], [sflag:$0x2] =	stream.indirect_vreg.gather [hbm4b:s2+s4], $0x80, v19, vm0, $0xb8;
	[tilespmem:$0x14280] =	vst v63  }
0x282: {  	s16 =	simm.s32 $0xEA80  }
0x283: {  	[tilespmem:s16], [sflag:$0x2] =	stream.indirect_vreg.gather [hbm4b:s9+s4], $0x80, v19, vm0, $0xb8;
	[tilespmem:$0x14280] =	vst v63  }
0x284: {  	s17 =	simm.s32 $0xF280  }
0x285: {  	[tilespmem:s17], [sflag:$0x2] =	stream.indirect_vreg.gather [hbm4b:s10+s4], $0x80, v19, vm0, $0xb8;
	[tilespmem:$0x14280] =	vst v63  }
0x286: {  	s1 =	simm.s32 $0xFA80  }
0x287: {  	[tilespmem:s1], [sflag:$0x2] =	stream.indirect_vreg.gather [hbm4b:s11+s4], $0x80, v19, vm0, $0xb8;
	[tilespmem:$0x14280] =	vst v63  }
0x288: {  	v19 =	vld [tilespmem:$0x4130];
	_ =	sdelay $0x4  }
0x289: {  	v20 =	vshll.u32 v19, $0x3  }
0x28a: {  	v19 =	vand.u32 $0x7, v19;
	v20 =	vand.u32 $0xFFFFFFC0, v20  }
0x28b: {  	v19 =	vor.u32 v19, v20  }
0x28c: {  	v20 =	vperm.xlane v19, v16;
	_ =	sdelay $0x1  }
0x28d: {  	v20 =	vadd.s32 v17, v20;
	_ =	sdelay $0x3  }
0x28e: {  	s3 =	simm.s32 $0x10280  }
0x28f: {  	[tilespmem:s3], [sflag:$0x2] =	stream.indirect_vreg.gather [hbm4b:s2+s4], $0x80, v20, vm0, $0xb8;
	[tilespmem:$0x14280] =	vst v63  }
0x290: {  	v19 =	vperm.xlane v19, v18;
	s3 =	simm.s32 $0x10A80  }
0x291: {  	[tilespmem:s3], [sflag:$0x2] =	stream.indirect_vreg.gather [hbm4b:s9+s4], $0x80, v20, vm0, $0xb8;
	[tilespmem:$0x14280] =	vst v63  }
0x292: {  	v19 =	vadd.s32 v17, v19;
	s3 =	simm.s32 $0x11280  }
0x293: {  	[tilespmem:s3], [sflag:$0x2] =	stream.indirect_vreg.gather [hbm4b:s10+s4], $0x80, v20, vm0, $0xb8;
	[tilespmem:$0x14280] =	vst v63  }
0x294: {  	s3 =	simm.s32 $0x11A80  }
0x295: {  	[tilespmem:s3], [sflag:$0x2] =	stream.indirect_vreg.gather [hbm4b:s11+s4], $0x80, v20, vm0, $0xb8;
	[tilespmem:$0x14280] =	vst v63  }
0x296: {  	s1 =	simm.s32 $0x12280  }
0x297: {  	[tilespmem:s1], [sflag:$0x2] =	stream.indirect_vreg.gather [hbm4b:s2+s4], $0x80, v19, vm0, $0xb8;
	[tilespmem:$0x14280] =	vst v63  }
0x298: {  	_ = 	snop  }
0x299: {  	[tilespmem:s0], [sflag:$0x2] =	stream.indirect_vreg.gather [hbm4b:s9+s4], $0x80, v19, vm0, $0xb8;
	[tilespmem:$0x14280] =	vst v63  }
0x29a: {  	_ = 	snop  }
0x29b: {  	[tilespmem:s21], [sflag:$0x2] =	stream.indirect_vreg.gather [hbm4b:s10+s4], $0x80, v19, vm0, $0xb8;
	[tilespmem:$0x14280] =	vst v63  }
0x29c: {  	_ = 	snop  }
0x29d: {  	[tilespmem:s30], [sflag:$0x2] =	stream.indirect_vreg.gather [hbm4b:s11+s4], $0x80, v19, vm0, $0xb8;
	[tilespmem:$0x14280] =	vst v63  }
0x29e: {  	_ =	swait.ge [sflag:s28], $0x8000  }
0x29f: {  	[sflag:s28] =	ssyncset.done $0x0  }
0x2a0: {  	s30 =	simm.s32 $0x4280;
	s21 =	rddreg [dreg:$0xe];
	[sflag:s28] =	ssyncadd.s32 $0xFFFF8000  }
0x2a1: {  	[hbm4b:s21+s4] =	stream.linear.scatter [tilespmem:s30], [sflag:$0x3], $0x8000, $0x38;
	[tilespmem:$0x14280] =	vst v63  }
0x2a2: {  	_ =	swait.ge [sflag:s29], $0x8000  }
0x2a3: {  	[sflag:s29] =	ssyncset.done $0x0  }
0x2a4: {  	[sflag:s29] =	ssyncadd.s32 $0xFFFF8000  }
0x2a5: {  	v19 =	vld [tilespmem:$0x4140];
	_ =	sdelay $0x4  }
0x2a6: {  	v20 =	vshll.u32 v19, $0x3  }
0x2a7: {  	v19 =	vand.u32 $0x7, v19;
	v20 =	vand.u32 $0xFFFFFFC0, v20  }
0x2a8: {  	v19 =	vor.u32 v19, v20  }
0x2a9: {  	v20 =	vperm.xlane v19, v16;
	_ =	sdelay $0x1  }
0x2aa: {  	v20 =	vadd.s32 v17, v20;
	_ =	sdelay $0x4  }
0x2ab: {  	[tilespmem:s30], [sflag:$0x1] =	stream.indirect_vreg.gather [hbm4b:s2+s4], $0x80, v20, vm0, $0xb8;
	[tilespmem:$0x14280] =	vst v63  }
0x2ac: {  	v19 =	vperm.xlane v19, v18;
	s30 =	simm.s32 $0x4A80  }
0x2ad: {  	[tilespmem:s30], [sflag:$0x1] =	stream.indirect_vreg.gather [hbm4b:s9+s4], $0x80, v20, vm0, $0xb8;
	[tilespmem:$0x14280] =	vst v63  }
0x2ae: {  	s21 =	simm.s32 $0x5280;
	v19 =	vadd.s32 v17, v19  }
0x2af: {  	[tilespmem:s21], [sflag:$0x1] =	stream.indirect_vreg.gather [hbm4b:s10+s4], $0x80, v20, vm0, $0xb8;
	[tilespmem:$0x14280] =	vst v63  }
0x2b0: {  	_ = 	snop  }
0x2b1: {  	[tilespmem:s5], [sflag:$0x1] =	stream.indirect_vreg.gather [hbm4b:s11+s4], $0x80, v20, vm0, $0xb8;
	[tilespmem:$0x14280] =	vst v63  }
0x2b2: {  	_ = 	snop  }
0x2b3: {  	[tilespmem:s7], [sflag:$0x1] =	stream.indirect_vreg.gather [hbm4b:s2+s4], $0x80, v19, vm0, $0xb8;
	[tilespmem:$0x14280] =	vst v63  }
0x2b4: {  	_ = 	snop  }
0x2b5: {  	[tilespmem:s8], [sflag:$0x1] =	stream.indirect_vreg.gather [hbm4b:s9+s4], $0x80, v19, vm0, $0xb8;
	[tilespmem:$0x14280] =	vst v63  }
0x2b6: {  	_ = 	snop  }
0x2b7: {  	[tilespmem:s31], [sflag:$0x1] =	stream.indirect_vreg.gather [hbm4b:s10+s4], $0x80, v19, vm0, $0xb8;
	[tilespmem:$0x14280] =	vst v63  }
0x2b8: {  	_ = 	snop  }
0x2b9: {  	[tilespmem:s22], [sflag:$0x1] =	stream.indirect_vreg.gather [hbm4b:s11+s4], $0x80, v19, vm0, $0xb8;
	[tilespmem:$0x14280] =	vst v63  }
0x2ba: {  	v19 =	vld [tilespmem:$0x4150];
	_ =	sdelay $0x4  }
0x2bb: {  	v20 =	vshll.u32 v19, $0x3  }
0x2bc: {  	v19 =	vand.u32 $0x7, v19;
	v20 =	vand.u32 $0xFFFFFFC0, v20  }
0x2bd: {  	v19 =	vor.u32 v19, v20  }
0x2be: {  	v20 =	vperm.xlane v19, v16;
	_ =	sdelay $0x1  }
0x2bf: {  	v20 =	vadd.s32 v17, v20;
	_ =	sdelay $0x4  }
0x2c0: {  	[tilespmem:s23], [sflag:$0x1] =	stream.indirect_vreg.gather [hbm4b:s2+s4], $0x80, v20, vm0, $0xb8;
	[tilespmem:$0x14280] =	vst v63  }
0x2c1: {  	v19 =	vperm.xlane v19, v18  }
0x2c2: {  	[tilespmem:s24], [sflag:$0x1] =	stream.indirect_vreg.gather [hbm4b:s9+s4], $0x80, v20, vm0, $0xb8;
	[tilespmem:$0x14280] =	vst v63  }
0x2c3: {  	v19 =	vadd.s32 v17, v19  }
0x2c4: {  	[tilespmem:s12], [sflag:$0x1] =	stream.indirect_vreg.gather [hbm4b:s10+s4], $0x80, v20, vm0, $0xb8;
	[tilespmem:$0x14280] =	vst v63  }
0x2c5: {  	s5 =	simm.s32 $0x9A80  }
0x2c6: {  	[tilespmem:s5], [sflag:$0x1] =	stream.indirect_vreg.gather [hbm4b:s11+s4], $0x80, v20, vm0, $0xb8;
	[tilespmem:$0x14280] =	vst v63  }
0x2c7: {  	_ = 	snop  }
0x2c8: {  	[tilespmem:s20], [sflag:$0x1] =	stream.indirect_vreg.gather [hbm4b:s2+s4], $0x80, v19, vm0, $0xb8;
	[tilespmem:$0x14280] =	vst v63  }
0x2c9: {  	_ = 	snop  }
0x2ca: {  	[tilespmem:s18], [sflag:$0x1] =	stream.indirect_vreg.gather [hbm4b:s9+s4], $0x80, v19, vm0, $0xb8;
	[tilespmem:$0x14280] =	vst v63  }
0x2cb: {  	_ = 	snop  }
0x2cc: {  	[tilespmem:s19], [sflag:$0x1] =	stream.indirect_vreg.gather [hbm4b:s10+s4], $0x80, v19, vm0, $0xb8;
	[tilespmem:$0x14280] =	vst v63  }
0x2cd: {  	_ = 	snop  }
0x2ce: {  	[tilespmem:s25], [sflag:$0x1] =	stream.indirect_vreg.gather [hbm4b:s11+s4], $0x80, v19, vm0, $0xb8;
	[tilespmem:$0x14280] =	vst v63  }
0x2cf: {  	_ =	swait.ge [sflag:s6], $0x8000  }
0x2d0: {  	[sflag:s6] =	ssyncset.done $0x0  }
0x2d1: {  	s8 =	simm.s32 $0xC280;
	s7 =	rddreg [dreg:$0xf];
	[sflag:s6] =	ssyncadd.s32 $0xFFFF8000  }
0x2d2: {  	[hbm4b:s7+s4] =	stream.linear.scatter [tilespmem:s8], [sflag:$0x4], $0x8000, $0x38;
	[tilespmem:$0x14280] =	vst v63  }
0x2d3: {  	_ =	swait.ge [sflag:s26], $0x8000  }
0x2d4: {  	[sflag:s26] =	ssyncset.done $0x0  }
0x2d5: {  	[sflag:s26] =	ssyncadd.s32 $0xFFFF8000  }
0x2d6: {  	v19 =	vld [tilespmem:$0x4160];
	_ =	sdelay $0x4  }
0x2d7: {  	v20 =	vshll.u32 v19, $0x3  }
0x2d8: {  	v19 =	vand.u32 $0x7, v19;
	v20 =	vand.u32 $0xFFFFFFC0, v20  }
0x2d9: {  	v19 =	vor.u32 v19, v20  }
0x2da: {  	v20 =	vperm.xlane v19, v16;
	_ =	sdelay $0x1  }
0x2db: {  	v20 =	vadd.s32 v17, v20;
	_ =	sdelay $0x4  }
0x2dc: {  	[tilespmem:s8], [sflag:$0x2] =	stream.indirect_vreg.gather [hbm4b:s2+s4], $0x80, v20, vm0, $0xb8;
	[tilespmem:$0x14280] =	vst v63  }
0x2dd: {  	s7 =	simm.s32 $0xCA80;
	v19 =	vperm.xlane v19, v18  }
0x2de: {  	[tilespmem:s7], [sflag:$0x2] =	stream.indirect_vreg.gather [hbm4b:s9+s4], $0x80, v20, vm0, $0xb8;
	[tilespmem:$0x14280] =	vst v63  }
0x2df: {  	v19 =	vadd.s32 v17, v19  }
0x2e0: {  	[tilespmem:s13], [sflag:$0x2] =	stream.indirect_vreg.gather [hbm4b:s10+s4], $0x80, v20, vm0, $0xb8;
	[tilespmem:$0x14280] =	vst v63  }
0x2e1: {  	_ = 	snop  }
0x2e2: {  	[tilespmem:s14], [sflag:$0x2] =	stream.indirect_vreg.gather [hbm4b:s11+s4], $0x80, v20, vm0, $0xb8;
	[tilespmem:$0x14280] =	vst v63  }
0x2e3: {  	_ = 	snop  }
0x2e4: {  	[tilespmem:s15], [sflag:$0x2] =	stream.indirect_vreg.gather [hbm4b:s2+s4], $0x80, v19, vm0, $0xb8;
	[tilespmem:$0x14280] =	vst v63  }
0x2e5: {  	_ = 	snop  }
0x2e6: {  	[tilespmem:s16], [sflag:$0x2] =	stream.indirect_vreg.gather [hbm4b:s9+s4], $0x80, v19, vm0, $0xb8;
	[tilespmem:$0x14280] =	vst v63  }
0x2e7: {  	_ = 	snop  }
0x2e8: {  	[tilespmem:s17], [sflag:$0x2] =	stream.indirect_vreg.gather [hbm4b:s10+s4], $0x80, v19, vm0, $0xb8;
	[tilespmem:$0x14280] =	vst v63  }
0x2e9: {  	s0 =	simm.s32 $0xFA80  }
0x2ea: {  	[tilespmem:s0], [sflag:$0x2] =	stream.indirect_vreg.gather [hbm4b:s11+s4], $0x80, v19, vm0, $0xb8;
	[tilespmem:$0x14280] =	vst v63  }
0x2eb: {  	v19 =	vld [tilespmem:$0x4170];
	_ =	sdelay $0x4  }
0x2ec: {  	v20 =	vshll.u32 v19, $0x3  }
0x2ed: {  	v19 =	vand.u32 $0x7, v19;
	v20 =	vand.u32 $0xFFFFFFC0, v20  }
0x2ee: {  	v19 =	vor.u32 v19, v20  }
0x2ef: {  	v20 =	vperm.xlane v19, v16;
	_ =	sdelay $0x1  }
0x2f0: {  	v20 =	vadd.s32 v17, v20;
	_ =	sdelay $0x3  }
0x2f1: {  	s13 =	simm.s32 $0x10280  }
0x2f2: {  	[tilespmem:s13], [sflag:$0x2] =	stream.indirect_vreg.gather [hbm4b:s2+s4], $0x80, v20, vm0, $0xb8;
	[tilespmem:$0x14280] =	vst v63  }
0x2f3: {  	s14 =	simm.s32 $0x10A80;
	v19 =	vperm.xlane v19, v18  }
0x2f4: {  	[tilespmem:s14], [sflag:$0x2] =	stream.indirect_vreg.gather [hbm4b:s9+s4], $0x80, v20, vm0, $0xb8;
	[tilespmem:$0x14280] =	vst v63  }
0x2f5: {  	s8 =	simm.s32 $0x11280;
	v19 =	vadd.s32 v17, v19  }
0x2f6: {  	[tilespmem:s8], [sflag:$0x2] =	stream.indirect_vreg.gather [hbm4b:s10+s4], $0x80, v20, vm0, $0xb8;
	[tilespmem:$0x14280] =	vst v63  }
0x2f7: {  	s12 =	simm.s32 $0x11A80  }
0x2f8: {  	[tilespmem:s12], [sflag:$0x2] =	stream.indirect_vreg.gather [hbm4b:s11+s4], $0x80, v20, vm0, $0xb8;
	[tilespmem:$0x14280] =	vst v63  }
0x2f9: {  	_ = 	snop  }
0x2fa: {  	[tilespmem:s1], [sflag:$0x2] =	stream.indirect_vreg.gather [hbm4b:s2+s4], $0x80, v19, vm0, $0xb8;
	[tilespmem:$0x14280] =	vst v63  }
0x2fb: {  	s31 =	simm.s32 $0x12A80  }
0x2fc: {  	[tilespmem:s31], [sflag:$0x2] =	stream.indirect_vreg.gather [hbm4b:s9+s4], $0x80, v19, vm0, $0xb8;
	[tilespmem:$0x14280] =	vst v63  }
0x2fd: {  	s1 =	simm.s32 $0x13280  }
0x2fe: {  	[tilespmem:s1], [sflag:$0x2] =	stream.indirect_vreg.gather [hbm4b:s10+s4], $0x80, v19, vm0, $0xb8;
	[tilespmem:$0x14280] =	vst v63  }
0x2ff: {  	s15 =	simm.s32 $0x13A80  }
0x300: {  	[tilespmem:s15], [sflag:$0x2] =	stream.indirect_vreg.gather [hbm4b:s11+s4], $0x80, v19, vm0, $0xb8;
	[tilespmem:$0x14280] =	vst v63  }
0x301: {  	_ =	swait.ge [sflag:s28], $0x8000  }
0x302: {  	[sflag:s28] =	ssyncset.done $0x0  }
0x303: {  	s20 =	simm.s32 $0x4280;
	s18 =	rddreg [dreg:$0x10];
	[sflag:s28] =	ssyncadd.s32 $0xFFFF8000  }
0x304: {  	[hbm4b:s18+s4] =	stream.linear.scatter [tilespmem:s20], [sflag:$0x3], $0x8000, $0x38;
	[tilespmem:$0x14280] =	vst v63  }
0x305: {  	_ =	swait.ge [sflag:s29], $0x8000  }
0x306: {  	[sflag:s29] =	ssyncset.done $0x0  }
0x307: {  	[sflag:s29] =	ssyncadd.s32 $0xFFFF8000  }
0x308: {  	v19 =	vld [tilespmem:$0x4180];
	_ =	sdelay $0x4  }
0x309: {  	v20 =	vshll.u32 v19, $0x3  }
0x30a: {  	v19 =	vand.u32 $0x7, v19;
	v20 =	vand.u32 $0xFFFFFFC0, v20  }
0x30b: {  	v19 =	vor.u32 v19, v20  }
0x30c: {  	v20 =	vperm.xlane v19, v16;
	_ =	sdelay $0x1  }
0x30d: {  	v20 =	vadd.s32 v17, v20;
	_ =	sdelay $0x4  }
0x30e: {  	[tilespmem:s20], [sflag:$0x1] =	stream.indirect_vreg.gather [hbm4b:s2+s4], $0x80, v20, vm0, $0xb8;
	[tilespmem:$0x14280] =	vst v63  }
0x30f: {  	v19 =	vperm.xlane v19, v18  }
0x310: {  	[tilespmem:s30], [sflag:$0x1] =	stream.indirect_vreg.gather [hbm4b:s9+s4], $0x80, v20, vm0, $0xb8;
	[tilespmem:$0x14280] =	vst v63  }
0x311: {  	v19 =	vadd.s32 v17, v19  }
0x312: {  	[tilespmem:s21], [sflag:$0x1] =	stream.indirect_vreg.gather [hbm4b:s10+s4], $0x80, v20, vm0, $0xb8;
	[tilespmem:$0x14280] =	vst v63  }
0x313: {  	s21 =	simm.s32 $0x5A80  }
0x314: {  	[tilespmem:s21], [sflag:$0x1] =	stream.indirect_vreg.gather [hbm4b:s11+s4], $0x80, v20, vm0, $0xb8;
	[tilespmem:$0x14280] =	vst v63  }
0x315: {  	s16 =	simm.s32 $0x6280  }
0x316: {  	[tilespmem:s16], [sflag:$0x1] =	stream.indirect_vreg.gather [hbm4b:s2+s4], $0x80, v19, vm0, $0xb8;
	[tilespmem:$0x14280] =	vst v63  }
0x317: {  	s22 =	simm.s32 $0x6A80  }
0x318: {  	[tilespmem:s22], [sflag:$0x1] =	stream.indirect_vreg.gather [hbm4b:s9+s4], $0x80, v19, vm0, $0xb8;
	[tilespmem:$0x14280] =	vst v63  }
0x319: {  	s18 =	simm.s32 $0x7280  }
0x31a: {  	[tilespmem:s18], [sflag:$0x1] =	stream.indirect_vreg.gather [hbm4b:s10+s4], $0x80, v19, vm0, $0xb8;
	[tilespmem:$0x14280] =	vst v63  }
0x31b: {  	s18 =	simm.s32 $0x7A80  }
0x31c: {  	[tilespmem:s18], [sflag:$0x1] =	stream.indirect_vreg.gather [hbm4b:s11+s4], $0x80, v19, vm0, $0xb8;
	[tilespmem:$0x14280] =	vst v63  }
0x31d: {  	v19 =	vld [tilespmem:$0x4190];
	_ =	sdelay $0x4  }
0x31e: {  	v20 =	vshll.u32 v19, $0x3  }
0x31f: {  	v19 =	vand.u32 $0x7, v19;
	v20 =	vand.u32 $0xFFFFFFC0, v20  }
0x320: {  	v19 =	vor.u32 v19, v20  }
0x321: {  	v20 =	vperm.xlane v19, v16;
	_ =	sdelay $0x1  }
0x322: {  	v20 =	vadd.s32 v17, v20;
	_ =	sdelay $0x3  }
0x323: {  	s18 =	simm.s32 $0x8280  }
0x324: {  	[tilespmem:s18], [sflag:$0x1] =	stream.indirect_vreg.gather [hbm4b:s2+s4], $0x80, v20, vm0, $0xb8;
	[tilespmem:$0x14280] =	vst v63  }
0x325: {  	v19 =	vperm.xlane v19, v18;
	s18 =	simm.s32 $0x8A80  }
0x326: {  	[tilespmem:s18], [sflag:$0x1] =	stream.indirect_vreg.gather [hbm4b:s9+s4], $0x80, v20, vm0, $0xb8;
	[tilespmem:$0x14280] =	vst v63  }
0x327: {  	s23 =	simm.s32 $0x9280;
	v19 =	vadd.s32 v17, v19  }
0x328: {  	[tilespmem:s23], [sflag:$0x1] =	stream.indirect_vreg.gather [hbm4b:s10+s4], $0x80, v20, vm0, $0xb8;
	[tilespmem:$0x14280] =	vst v63  }
0x329: {  	_ = 	snop  }
0x32a: {  	[tilespmem:s5], [sflag:$0x1] =	stream.indirect_vreg.gather [hbm4b:s11+s4], $0x80, v20, vm0, $0xb8;
	[tilespmem:$0x14280] =	vst v63  }
0x32b: {  	s24 =	simm.s32 $0xA280  }
0x32c: {  	[tilespmem:s24], [sflag:$0x1] =	stream.indirect_vreg.gather [hbm4b:s2+s4], $0x80, v19, vm0, $0xb8;
	[tilespmem:$0x14280] =	vst v63  }
0x32d: {  	s5 =	simm.s32 $0xAA80  }
0x32e: {  	[tilespmem:s5], [sflag:$0x1] =	stream.indirect_vreg.gather [hbm4b:s9+s4], $0x80, v19, vm0, $0xb8;
	[tilespmem:$0x14280] =	vst v63  }
0x32f: {  	s24 =	simm.s32 $0xB280  }
0x330: {  	[tilespmem:s24], [sflag:$0x1] =	stream.indirect_vreg.gather [hbm4b:s10+s4], $0x80, v19, vm0, $0xb8;
	[tilespmem:$0x14280] =	vst v63  }
0x331: {  	s5 =	simm.s32 $0xBA80  }
0x332: {  	[tilespmem:s5], [sflag:$0x1] =	stream.indirect_vreg.gather [hbm4b:s11+s4], $0x80, v19, vm0, $0xb8;
	[tilespmem:$0x14280] =	vst v63  }
0x333: {  	_ =	swait.ge [sflag:s6], $0x8000  }
0x334: {  	[sflag:s6] =	ssyncset.done $0x0  }
0x335: {  	s25 =	simm.s32 $0xC280;
	s24 =	rddreg [dreg:$0x11];
	[sflag:s6] =	ssyncadd.s32 $0xFFFF8000  }
0x336: {  	[hbm4b:s24+s4] =	stream.linear.scatter [tilespmem:s25], [sflag:$0x4], $0x8000, $0x38;
	[tilespmem:$0x14280] =	vst v63  }
0x337: {  	_ =	swait.ge [sflag:s26], $0x8000  }
0x338: {  	[sflag:s26] =	ssyncset.done $0x0  }
0x339: {  	[sflag:s26] =	ssyncadd.s32 $0xFFFF8000  }
0x33a: {  	v19 =	vld [tilespmem:$0x41A0];
	_ =	sdelay $0x4  }
0x33b: {  	v20 =	vshll.u32 v19, $0x3  }
0x33c: {  	v19 =	vand.u32 $0x7, v19;
	v20 =	vand.u32 $0xFFFFFFC0, v20  }
0x33d: {  	v19 =	vor.u32 v19, v20  }
0x33e: {  	v20 =	vperm.xlane v19, v16;
	_ =	sdelay $0x1  }
0x33f: {  	v20 =	vadd.s32 v17, v20;
	_ =	sdelay $0x4  }
0x340: {  	[tilespmem:s25], [sflag:$0x2] =	stream.indirect_vreg.gather [hbm4b:s2+s4], $0x80, v20, vm0, $0xb8;
	[tilespmem:$0x14280] =	vst v63  }
0x341: {  	v19 =	vperm.xlane v19, v18  }
0x342: {  	[tilespmem:s7], [sflag:$0x2] =	stream.indirect_vreg.gather [hbm4b:s9+s4], $0x80, v20, vm0, $0xb8;
	[tilespmem:$0x14280] =	vst v63  }
0x343: {  	s19 =	simm.s32 $0xD280;
	v19 =	vadd.s32 v17, v19  }
0x344: {  	[tilespmem:s19], [sflag:$0x2] =	stream.indirect_vreg.gather [hbm4b:s10+s4], $0x80, v20, vm0, $0xb8;
	[tilespmem:$0x14280] =	vst v63  }
0x345: {  	s5 =	simm.s32 $0xDA80  }
0x346: {  	[tilespmem:s5], [sflag:$0x2] =	stream.indirect_vreg.gather [hbm4b:s11+s4], $0x80, v20, vm0, $0xb8;
	[tilespmem:$0x14280] =	vst v63  }
0x347: {  	s19 =	simm.s32 $0xE280  }
0x348: {  	[tilespmem:s19], [sflag:$0x2] =	stream.indirect_vreg.gather [hbm4b:s2+s4], $0x80, v19, vm0, $0xb8;
	[tilespmem:$0x14280] =	vst v63  }
0x349: {  	s5 =	simm.s32 $0xEA80  }
0x34a: {  	[tilespmem:s5], [sflag:$0x2] =	stream.indirect_vreg.gather [hbm4b:s9+s4], $0x80, v19, vm0, $0xb8;
	[tilespmem:$0x14280] =	vst v63  }
0x34b: {  	s19 =	simm.s32 $0xF280  }
0x34c: {  	[tilespmem:s19], [sflag:$0x2] =	stream.indirect_vreg.gather [hbm4b:s10+s4], $0x80, v19, vm0, $0xb8;
	[tilespmem:$0x14280] =	vst v63  }
0x34d: {  	_ = 	snop  }
0x34e: {  	[tilespmem:s0], [sflag:$0x2] =	stream.indirect_vreg.gather [hbm4b:s11+s4], $0x80, v19, vm0, $0xb8;
	[tilespmem:$0x14280] =	vst v63  }
0x34f: {  	v19 =	vld [tilespmem:$0x41B0];
	_ =	sdelay $0x4  }
0x350: {  	v20 =	vshll.u32 v19, $0x3  }
0x351: {  	v19 =	vand.u32 $0x7, v19;
	v20 =	vand.u32 $0xFFFFFFC0, v20  }
0x352: {  	v19 =	vor.u32 v19, v20  }
0x353: {  	v20 =	vperm.xlane v19, v16;
	_ =	sdelay $0x1  }
0x354: {  	v20 =	vadd.s32 v17, v20;
	_ =	sdelay $0x4  }
0x355: {  	[tilespmem:s13], [sflag:$0x2] =	stream.indirect_vreg.gather [hbm4b:s2+s4], $0x80, v20, vm0, $0xb8;
	[tilespmem:$0x14280] =	vst v63  }
0x356: {  	v19 =	vperm.xlane v19, v18  }
0x357: {  	[tilespmem:s14], [sflag:$0x2] =	stream.indirect_vreg.gather [hbm4b:s9+s4], $0x80, v20, vm0, $0xb8;
	[tilespmem:$0x14280] =	vst v63  }
0x358: {  	v19 =	vadd.s32 v17, v19  }
0x359: {  	[tilespmem:s8], [sflag:$0x2] =	stream.indirect_vreg.gather [hbm4b:s10+s4], $0x80, v20, vm0, $0xb8;
	[tilespmem:$0x14280] =	vst v63  }
0x35a: {  	_ = 	snop  }
0x35b: {  	[tilespmem:s12], [sflag:$0x2] =	stream.indirect_vreg.gather [hbm4b:s11+s4], $0x80, v20, vm0, $0xb8;
	[tilespmem:$0x14280] =	vst v63  }
0x35c: {  	s5 =	simm.s32 $0x12280  }
0x35d: {  	[tilespmem:s5], [sflag:$0x2] =	stream.indirect_vreg.gather [hbm4b:s2+s4], $0x80, v19, vm0, $0xb8;
	[tilespmem:$0x14280] =	vst v63  }
0x35e: {  	_ = 	snop  }
0x35f: {  	[tilespmem:s31], [sflag:$0x2] =	stream.indirect_vreg.gather [hbm4b:s9+s4], $0x80, v19, vm0, $0xb8;
	[tilespmem:$0x14280] =	vst v63  }
0x360: {  	_ = 	snop  }
0x361: {  	[tilespmem:s1], [sflag:$0x2] =	stream.indirect_vreg.gather [hbm4b:s10+s4], $0x80, v19, vm0, $0xb8;
	[tilespmem:$0x14280] =	vst v63  }
0x362: {  	_ = 	snop  }
0x363: {  	[tilespmem:s15], [sflag:$0x2] =	stream.indirect_vreg.gather [hbm4b:s11+s4], $0x80, v19, vm0, $0xb8;
	[tilespmem:$0x14280] =	vst v63  }
0x364: {  	_ =	swait.ge [sflag:s28], $0x8000  }
0x365: {  	[sflag:s28] =	ssyncset.done $0x0  }
0x366: {  	s17 =	simm.s32 $0x4280;
	s15 =	rddreg [dreg:$0x12];
	[sflag:s28] =	ssyncadd.s32 $0xFFFF8000  }
0x367: {  	[hbm4b:s15+s4] =	stream.linear.scatter [tilespmem:s17], [sflag:$0x3], $0x8000, $0x38;
	[tilespmem:$0x14280] =	vst v63  }
0x368: {  	_ =	swait.ge [sflag:s29], $0x8000  }
0x369: {  	[sflag:s29] =	ssyncset.done $0x0  }
0x36a: {  	[sflag:s29] =	ssyncadd.s32 $0xFFFF8000  }
0x36b: {  	v19 =	vld [tilespmem:$0x41C0];
	_ =	sdelay $0x4  }
0x36c: {  	v20 =	vshll.u32 v19, $0x3  }
0x36d: {  	v19 =	vand.u32 $0x7, v19;
	v20 =	vand.u32 $0xFFFFFFC0, v20  }
0x36e: {  	v19 =	vor.u32 v19, v20  }
0x36f: {  	v20 =	vperm.xlane v19, v16;
	_ =	sdelay $0x1  }
0x370: {  	v20 =	vadd.s32 v17, v20;
	_ =	sdelay $0x4  }
0x371: {  	[tilespmem:s17], [sflag:$0x1] =	stream.indirect_vreg.gather [hbm4b:s2+s4], $0x80, v20, vm0, $0xb8;
	[tilespmem:$0x14280] =	vst v63  }
0x372: {  	s30 =	simm.s32 $0x4A80;
	v19 =	vperm.xlane v19, v18  }
0x373: {  	[tilespmem:s30], [sflag:$0x1] =	stream.indirect_vreg.gather [hbm4b:s9+s4], $0x80, v20, vm0, $0xb8;
	[tilespmem:$0x14280] =	vst v63  }
0x374: {  	s20 =	simm.s32 $0x5280;
	v19 =	vadd.s32 v17, v19  }
0x375: {  	[tilespmem:s20], [sflag:$0x1] =	stream.indirect_vreg.gather [hbm4b:s10+s4], $0x80, v20, vm0, $0xb8;
	[tilespmem:$0x14280] =	vst v63  }
0x376: {  	_ = 	snop  }
0x377: {  	[tilespmem:s21], [sflag:$0x1] =	stream.indirect_vreg.gather [hbm4b:s11+s4], $0x80, v20, vm0, $0xb8;
	[tilespmem:$0x14280] =	vst v63  }
0x378: {  	_ = 	snop  }
0x379: {  	[tilespmem:s16], [sflag:$0x1] =	stream.indirect_vreg.gather [hbm4b:s2+s4], $0x80, v19, vm0, $0xb8;
	[tilespmem:$0x14280] =	vst v63  }
0x37a: {  	s22 =	simm.s32 $0x6A80  }
0x37b: {  	[tilespmem:s22], [sflag:$0x1] =	stream.indirect_vreg.gather [hbm4b:s9+s4], $0x80, v19, vm0, $0xb8;
	[tilespmem:$0x14280] =	vst v63  }
0x37c: {  	s16 =	simm.s32 $0x7280  }
0x37d: {  	[tilespmem:s16], [sflag:$0x1] =	stream.indirect_vreg.gather [hbm4b:s10+s4], $0x80, v19, vm0, $0xb8;
	[tilespmem:$0x14280] =	vst v63  }
0x37e: {  	s20 =	simm.s32 $0x7A80  }
0x37f: {  	[tilespmem:s20], [sflag:$0x1] =	stream.indirect_vreg.gather [hbm4b:s11+s4], $0x80, v19, vm0, $0xb8;
	[tilespmem:$0x14280] =	vst v63  }
0x380: {  	v19 =	vld [tilespmem:$0x41D0];
	_ =	sdelay $0x4  }
0x381: {  	v20 =	vshll.u32 v19, $0x3  }
0x382: {  	v19 =	vand.u32 $0x7, v19;
	v20 =	vand.u32 $0xFFFFFFC0, v20  }
0x383: {  	v19 =	vor.u32 v19, v20  }
0x384: {  	v20 =	vperm.xlane v19, v16;
	_ =	sdelay $0x1  }
0x385: {  	v20 =	vadd.s32 v17, v20;
	_ =	sdelay $0x3  }
0x386: {  	s21 =	simm.s32 $0x8280  }
0x387: {  	[tilespmem:s21], [sflag:$0x1] =	stream.indirect_vreg.gather [hbm4b:s2+s4], $0x80, v20, vm0, $0xb8;
	[tilespmem:$0x14280] =	vst v63  }
0x388: {  	s22 =	simm.s32 $0x8A80;
	v19 =	vperm.xlane v19, v18  }
0x389: {  	[tilespmem:s22], [sflag:$0x1] =	stream.indirect_vreg.gather [hbm4b:s9+s4], $0x80, v20, vm0, $0xb8;
	[tilespmem:$0x14280] =	vst v63  }
0x38a: {  	s23 =	simm.s32 $0x9280;
	v19 =	vadd.s32 v17, v19  }
0x38b: {  	[tilespmem:s23], [sflag:$0x1] =	stream.indirect_vreg.gather [hbm4b:s10+s4], $0x80, v20, vm0, $0xb8;
	[tilespmem:$0x14280] =	vst v63  }
0x38c: {  	s18 =	simm.s32 $0x9A80  }
0x38d: {  	[tilespmem:s18], [sflag:$0x1] =	stream.indirect_vreg.gather [hbm4b:s11+s4], $0x80, v20, vm0, $0xb8;
	[tilespmem:$0x14280] =	vst v63  }
0x38e: {  	s23 =	simm.s32 $0xA280  }
0x38f: {  	[tilespmem:s23], [sflag:$0x1] =	stream.indirect_vreg.gather [hbm4b:s2+s4], $0x80, v19, vm0, $0xb8;
	[tilespmem:$0x14280] =	vst v63  }
0x390: {  	s30 =	simm.s32 $0xAA80  }
0x391: {  	[tilespmem:s30], [sflag:$0x1] =	stream.indirect_vreg.gather [hbm4b:s9+s4], $0x80, v19, vm0, $0xb8;
	[tilespmem:$0x14280] =	vst v63  }
0x392: {  	s15 =	simm.s32 $0xB280  }
0x393: {  	[tilespmem:s15], [sflag:$0x1] =	stream.indirect_vreg.gather [hbm4b:s10+s4], $0x80, v19, vm0, $0xb8;
	[tilespmem:$0x14280] =	vst v63  }
0x394: {  	s16 =	simm.s32 $0xBA80  }
0x395: {  	[tilespmem:s16], [sflag:$0x1] =	stream.indirect_vreg.gather [hbm4b:s11+s4], $0x80, v19, vm0, $0xb8;
	[tilespmem:$0x14280] =	vst v63  }
0x396: {  	s0 =	rddreg [dreg:$0x17];
	_ =	swait.ge [sflag:s6], $0x8000  }
0x397: {  	[sflag:s6] =	ssyncset.done $0x0  }
0x398: {  	s18 =	rddreg [dreg:$0x13];
	[sflag:s6] =	ssyncadd.s32 $0xFFFF8000  }
0x399: {  	[hbm4b:s18+s4] =	stream.linear.scatter [tilespmem:s25], [sflag:$0x4], $0x8000, $0x38;
	[tilespmem:$0x14280] =	vst v63  }
0x39a: {  	_ =	swait.ge [sflag:s26], $0x8000  }
0x39b: {  	[sflag:s26] =	ssyncset.done $0x0  }
0x39c: {  	[sflag:s26] =	ssyncadd.s32 $0xFFFF8000  }
0x39d: {  	v19 =	vld [tilespmem:$0x41E0];
	_ =	sdelay $0x4  }
0x39e: {  	v20 =	vshll.u32 v19, $0x3  }
0x39f: {  	v19 =	vand.u32 $0x7, v19;
	v20 =	vand.u32 $0xFFFFFFC0, v20  }
0x3a0: {  	v19 =	vor.u32 v19, v20  }
0x3a1: {  	v20 =	vperm.xlane v19, v16;
	_ =	sdelay $0x1  }
0x3a2: {  	v20 =	vadd.s32 v17, v20;
	_ =	sdelay $0x4  }
0x3a3: {  	[tilespmem:s25], [sflag:$0x2] =	stream.indirect_vreg.gather [hbm4b:s2+s4], $0x80, v20, vm0, $0xb8;
	[tilespmem:$0x14280] =	vst v63  }
0x3a4: {  	s7 =	simm.s32 $0xCA80;
	v19 =	vperm.xlane v19, v18  }
0x3a5: {  	[tilespmem:s7], [sflag:$0x2] =	stream.indirect_vreg.gather [hbm4b:s9+s4], $0x80, v20, vm0, $0xb8;
	[tilespmem:$0x14280] =	vst v63  }
0x3a6: {  	s24 =	simm.s32 $0xD280;
	v19 =	vadd.s32 v17, v19  }
0x3a7: {  	[tilespmem:s24], [sflag:$0x2] =	stream.indirect_vreg.gather [hbm4b:s10+s4], $0x80, v20, vm0, $0xb8;
	[tilespmem:$0x14280] =	vst v63  }
0x3a8: {  	s20 =	simm.s32 $0xDA80  }
0x3a9: {  	[tilespmem:s20], [sflag:$0x2] =	stream.indirect_vreg.gather [hbm4b:s11+s4], $0x80, v20, vm0, $0xb8;
	[tilespmem:$0x14280] =	vst v63  }
0x3aa: {  	s21 =	simm.s32 $0xE280  }
0x3ab: {  	[tilespmem:s21], [sflag:$0x2] =	stream.indirect_vreg.gather [hbm4b:s2+s4], $0x80, v19, vm0, $0xb8;
	[tilespmem:$0x14280] =	vst v63  }
0x3ac: {  	s22 =	simm.s32 $0xEA80  }
0x3ad: {  	[tilespmem:s22], [sflag:$0x2] =	stream.indirect_vreg.gather [hbm4b:s9+s4], $0x80, v19, vm0, $0xb8;
	[tilespmem:$0x14280] =	vst v63  }
0x3ae: {  	s23 =	simm.s32 $0xF280  }
0x3af: {  	[tilespmem:s23], [sflag:$0x2] =	stream.indirect_vreg.gather [hbm4b:s10+s4], $0x80, v19, vm0, $0xb8;
	[tilespmem:$0x14280] =	vst v63  }
0x3b0: {  	s19 =	simm.s32 $0xFA80  }
0x3b1: {  	[tilespmem:s19], [sflag:$0x2] =	stream.indirect_vreg.gather [hbm4b:s11+s4], $0x80, v19, vm0, $0xb8;
	[tilespmem:$0x14280] =	vst v63  }
0x3b2: {  	v19 =	vld [tilespmem:$0x41F0];
	_ =	sdelay $0x4  }
0x3b3: {  	v20 =	vshll.u32 v19, $0x3  }
0x3b4: {  	v19 =	vand.u32 $0x7, v19;
	v20 =	vand.u32 $0xFFFFFFC0, v20  }
0x3b5: {  	v19 =	vor.u32 v19, v20  }
0x3b6: {  	v20 =	vperm.xlane v19, v16;
	_ =	sdelay $0x1  }
0x3b7: {  	v20 =	vadd.s32 v17, v20;
	_ =	sdelay $0x3  }
0x3b8: {  	s13 =	simm.s32 $0x10280  }
0x3b9: {  	[tilespmem:s13], [sflag:$0x2] =	stream.indirect_vreg.gather [hbm4b:s2+s4], $0x80, v20, vm0, $0xb8;
	[tilespmem:$0x14280] =	vst v63  }
0x3ba: {  	s14 =	simm.s32 $0x10A80;
	v19 =	vperm.xlane v19, v18  }
0x3bb: {  	[tilespmem:s14], [sflag:$0x2] =	stream.indirect_vreg.gather [hbm4b:s9+s4], $0x80, v20, vm0, $0xb8;
	[tilespmem:$0x14280] =	vst v63  }
0x3bc: {  	s8 =	simm.s32 $0x11280;
	v19 =	vadd.s32 v17, v19  }
0x3bd: {  	[tilespmem:s8], [sflag:$0x2] =	stream.indirect_vreg.gather [hbm4b:s10+s4], $0x80, v20, vm0, $0xb8;
	[tilespmem:$0x14280] =	vst v63  }
0x3be: {  	s12 =	simm.s32 $0x11A80  }
0x3bf: {  	[tilespmem:s12], [sflag:$0x2] =	stream.indirect_vreg.gather [hbm4b:s11+s4], $0x80, v20, vm0, $0xb8;
	[tilespmem:$0x14280] =	vst v63  }
0x3c0: {  	s24 =	simm.s32 $0x12280  }
0x3c1: {  	[tilespmem:s24], [sflag:$0x2] =	stream.indirect_vreg.gather [hbm4b:s2+s4], $0x80, v19, vm0, $0xb8;
	[tilespmem:$0x14280] =	vst v63  }
0x3c2: {  	s31 =	simm.s32 $0x12A80  }
0x3c3: {  	[tilespmem:s31], [sflag:$0x2] =	stream.indirect_vreg.gather [hbm4b:s9+s4], $0x80, v19, vm0, $0xb8;
	[tilespmem:$0x14280] =	vst v63  }
0x3c4: {  	s1 =	simm.s32 $0x13280  }
0x3c5: {  	[tilespmem:s1], [sflag:$0x2] =	stream.indirect_vreg.gather [hbm4b:s10+s4], $0x80, v19, vm0, $0xb8;
	[tilespmem:$0x14280] =	vst v63  }
0x3c6: {  	s5 =	simm.s32 $0x13A80  }
0x3c7: {  	[tilespmem:s5], [sflag:$0x2] =	stream.indirect_vreg.gather [hbm4b:s11+s4], $0x80, v19, vm0, $0xb8;
	[tilespmem:$0x14280] =	vst v63  }
0x3c8: {  	_ =	swait.ge [sflag:s28], $0x8000  }
0x3c9: {  	[sflag:s28] =	ssyncset.done $0x0  }
0x3ca: {  	s26 =	rddreg [dreg:$0x14];
	[sflag:s28] =	ssyncadd.s32 $0xFFFF8000  }
0x3cb: {  	[hbm4b:s26+s4] =	stream.linear.scatter [tilespmem:s17], [sflag:$0x3], $0x8000, $0x38;
	[tilespmem:$0x14280] =	vst v63  }
0x3cc: {  	_ =	swait.ge [sflag:s6], $0x8000  }
0x3cd: {  	[sflag:s6] =	ssyncset.done $0x0  }
0x3ce: {  	s31 =	simm.s32 $0x5;
	s30 =	rddreg [dreg:$0x15];
	[sflag:s6] =	ssyncadd.s32 $0xFFFF8000  }
0x3cf: {  	[hbm4b:s30+s4] =	stream.linear.scatter [tilespmem:s25], [sflag:$0x5], $0x8000, $0x38;
	[tilespmem:$0x14280] =	vst v63  }
0x3d0: {  	p0 =	sne.s32 s0, $0x1;
	_ =	swait.ge [sflag:s31], $0x8000  }
.Ltmp0:
0x3d1: {  	[sflag:s31] =	ssyncset.done $0x0;
	(pc) =	sbr.rel @p0 .LBB2_1-.Ltmp0, $4  }
0x3d2: {  	[sflag:s31] =	ssyncadd.s32 $0xFFFF8000  }
0x3d3: {  	_ =	swait.ge [sflag:s29], $0x8000  }
0x3d4: {  	[sflag:s29] =	ssyncset.done $0x0  }
0x3d5: {  	s0 =	sadd.s32 $0xFFFFFFFF, s0;
	[sflag:s29] =	ssyncadd.s32 $0xFFFF8000  }
0x3d6: {  	_ =	sfence.sel $0x180000  }
0x3d7: {  	[bflag:$0x0] =	sbarrier.arrive $0xFFFF  }
0x3d8: {  	_ =	strace $0x9000004A  }
0x3d9: {  	s0 =	stileid.u32;
	[bflag:$0x2] =	sbarrier.arrive $0xFFFF  }
0x3da: {  	p0 =	sne.s32 s0, $0x0;
	s0 =	rddreg [dreg:$0x5]  }
0x3db: {  	s0 =	sadd.s32 @!p0 $0x100000, s0  }
0x3dc: {  	[sflag:s0] =	ssyncadd.tile.s32 @!p0 $0x1;
	_ =	shalt  }
.Lfunc_end2:
_tile_overlayer_lowered:
.L_overlay_start_2:
0x3dd: {  	(tag) =	ssettag $0x2  }
0x3de: {  	s0 =	rddreg [dreg:$0x0];
	s2 =	stileid.u32  }
0x3df: {  	s1 =	rddreg [dreg:$0x1];
	p0 =	sne.s32 s2, $0x0  }
0x3e0: {  	s3 =	rddreg [dreg:$0x2];
	[bflag:$0x3] =	sbarrier.arrive $0xFFFF;
	s2 =	simm.s32 @!p0 $0x1C05  }
0x3e1: {  	[timem:s3], [sflag:s2] =	dma.local @!p0 [hbm:s0], s1  }
0x3e2: {  	s0 =	simm.s32 @!p0 $0x5  }
0x3e3: {  	_ =	swait.ge @!p0 [sflag:s0], s1  }
0x3e4: {  	s1 =	ssub.s32 @!p0 $0x0, s1;
	[sflag:s0] =	ssyncset.done @!p0 $0x0  }
0x3e5: {  	[sflag:s0] =	ssyncadd.s32 @!p0 s1  }
0x3e6: {  	[bflag:$0x3] =	sbarrier.arrive $0xFFFF  }
0x3e7: {  	_ =	shalt  }

</sc_bundles>
